<compile_context>
chip_gen: v7x
topology: tpu7x:2x2x1
jax: 0.10.2.dev20260603
libtpu: 0.0.44.dev20260713+nightly
codegen_flags: <defaults>
</compile_context>

<pallas_src>
import functools

import jax
import jax.numpy as jnp
from jax import lax
from jax.experimental import pallas as pl
from jax.experimental.pallas import tpu as pltpu
from jax.experimental.pallas import tpu_sc as plsc

N = 10000
E = 320000
D = 128
H = 128
G = 16

NC = 2
NS = 16
NW = NC * NS
K0 = 144
K1 = 16
PARTS = NC
C = 128
IB = 16
NB = 2
SF = 1
GF = 1
EP = NS * (K0 + K1) * C
NP = 10240
BR = 2000


def _sc_agg(h, src2, dst2):
  mesh = plsc.VectorSubcoreMesh(core_axis_name="c", subcore_axis_name="s",
                                num_cores=NC)

  @functools.partial(
      pl.kernel,
      out_type=jax.ShapeDtypeStruct((PARTS, NP, D), jnp.float32),
      mesh=mesh,
      scratch_types=[
          pltpu.VMEM((IB, C), jnp.int32),
          pltpu.VMEM((IB, C), jnp.int32),
          pltpu.VMEM((NB, C, D), jnp.float32),
          pltpu.VMEM_SHARED((NP, D), jnp.float32),
          pltpu.SemaphoreType.DMA((NB,)),
          pltpu.SemaphoreType.DMA((NB,)),
          pltpu.SemaphoreType.DMA,
      ],
  )
  def k(h_hbm, src_hbm, dst_hbm, out_hbm, src_v, dst_v, rows_v, agg,
        gsem, ssem, xsem):
    c = lax.axis_index("c")
    s = lax.axis_index("s")
    myk = jnp.where(c == 0, K0, K1)
    chunk0 = jnp.where(c == 0, s * K0, NS * K0 + s * K1)

    @pl.when(c < PARTS)
    def _():
      def zrow(i, carry):
        def zlane(j, carry2):
          rows_v[0, i, pl.ds(j * 16, 16)] = jnp.zeros((16,), jnp.float32)
          return carry2
        return lax.fori_loop(0, D // 16, zlane, carry)
      lax.fori_loop(0, C, zrow, 0)
      nz = NP // NS // C
      for t in range(nz):
        pltpu.async_copy(rows_v.at[0],
                         agg.at[pl.ds(s * (NP // NS) + t * C, C)], xsem)
      for t in range(nz):
        pltpu.make_async_copy(rows_v.at[0], agg.at[pl.ds(t * C, C)],
                              xsem).wait()
    plsc.subcore_barrier()

    def g_start(j, b):
      pltpu.async_copy(h_hbm.at[src_v.at[j]], rows_v.at[b], gsem.at[b])

    def g_wait(j, b):
      pltpu.make_async_copy(h_hbm.at[src_v.at[j]], rows_v.at[b],
                            gsem.at[b]).wait()

    def s_wait(j, b):
      pltpu.make_async_copy(rows_v.at[b], agg.at[dst_v.at[j]],
                            ssem.at[b]).wait()

    def block(bi, carry):
      base = chunk0 + bi * IB
      pltpu.async_copy(src_hbm.at[pl.ds(base, IB)], src_v, xsem)
      pltpu.async_copy(dst_hbm.at[pl.ds(base, IB)], dst_v, xsem)
      pltpu.make_async_copy(src_hbm.at[pl.ds(0, IB)], src_v, xsem).wait()
      pltpu.make_async_copy(dst_hbm.at[pl.ds(0, IB)], dst_v, xsem).wait()
      for b in range(GF):
        g_start(b, b)

      def step(i, carry2):
        for b in range(NB):
          jl = i * NB + b
          g_wait(jl, b)
          pltpu.async_copy(rows_v.at[b], agg.at[dst_v.at[jl]], ssem.at[b],
                           add=True)

          @pl.when(jl >= SF)
          def _():
            s_wait(jl - SF, (b - SF) % NB)

          @pl.when(jl + GF < IB)
          def _():
            g_start(jl + GF, (b + GF) % NB)
        return carry2
      lax.fori_loop(0, IB // NB, step, 0)
      for jl in range(IB - SF, IB):
        s_wait(jl, jl % NB)
      return carry
    lax.fori_loop(0, myk // IB, block, 0)
    plsc.subcore_barrier()

    @pl.when(c < PARTS)
    def _():
      pltpu.sync_copy(agg.at[pl.ds(s * (NP // NS), NP // NS)],
                      out_hbm.at[c, pl.ds(s * (NP // NS), NP // NS)])

  return k(h, src2, dst2)


def _mlp_compute(h_ref, p_ref, w1_ref, b1_ref, w2_ref, b2_ref):
  m = h_ref[...] + p_ref[0]
  for q in range(1, PARTS):
    m = m + p_ref[q]
  m = jnp.dot(m, w1_ref[...], preferred_element_type=jnp.float32) + b1_ref[...]
  m = jnp.maximum(m, 0.0)
  m = jnp.dot(m, w2_ref[...], preferred_element_type=jnp.float32) + b2_ref[...]
  return m


def _mlp(h, p, w1, b1, w2, b2, relu_out):
  def body(h_ref, p_ref, w1_ref, b1_ref, w2_ref, b2_ref, o_ref):
    m = _mlp_compute(h_ref, p_ref, w1_ref, b1_ref, w2_ref, b2_ref)
    if relu_out:
      m = jnp.maximum(m, 0.0)
    o_ref[...] = m

  return pl.pallas_call(
      body,
      grid=(N // BR,),
      in_specs=[
          pl.BlockSpec((BR, D), lambda i: (i, 0)),
          pl.BlockSpec((PARTS, BR, D), lambda i: (0, i, 0)),
          pl.BlockSpec((D, H), lambda i: (0, 0)),
          pl.BlockSpec((1, H), lambda i: (0, 0)),
          pl.BlockSpec((H, H), lambda i: (0, 0)),
          pl.BlockSpec((1, H), lambda i: (0, 0)),
      ],
      out_specs=pl.BlockSpec((BR, H), lambda i: (i, 0)),
      out_shape=jax.ShapeDtypeStruct((N, H), jnp.float32),
  )(h, p, w1, b1.reshape(1, H), w2, b2.reshape(1, H))


def _mlp_pool(h, p, w1, b1, w2, b2, onehot):
  def body(h_ref, p_ref, w1_ref, b1_ref, w2_ref, b2_ref, oh_ref, o_ref):
    i = pl.program_id(0)
    m = _mlp_compute(h_ref, p_ref, w1_ref, b1_ref, w2_ref, b2_ref)
    rows = []
    for g in range(G):
      col = oh_ref[:, pl.ds(g, 1)]
      masked = jnp.where(col > 0.5, m, -jnp.inf)
      rows.append(jnp.max(masked, axis=0, keepdims=True))
    cur = jnp.concatenate(rows, axis=0)

    @pl.when(i == 0)
    def _():
      o_ref[...] = jnp.full((G, H), -jnp.inf, jnp.float32)
    o_ref[...] = jnp.maximum(o_ref[...], cur)

  return pl.pallas_call(
      body,
      grid=(N // BR,),
      in_specs=[
          pl.BlockSpec((BR, D), lambda i: (i, 0)),
          pl.BlockSpec((PARTS, BR, D), lambda i: (0, i, 0)),
          pl.BlockSpec((D, H), lambda i: (0, 0)),
          pl.BlockSpec((1, H), lambda i: (0, 0)),
          pl.BlockSpec((H, H), lambda i: (0, 0)),
          pl.BlockSpec((1, H), lambda i: (0, 0)),
          pl.BlockSpec((BR, G), lambda i: (i, 0)),
      ],
      out_specs=pl.BlockSpec((G, H), lambda i: (0, 0)),
      out_shape=jax.ShapeDtypeStruct((G, H), jnp.float32),
  )(h, p, w1, b1.reshape(1, H), w2, b2.reshape(1, H), onehot)


def kernel(x, edge_index, batch, W1_0, b1_0, W2_0, b2_0, W1_1, b1_1, W2_1,
           b2_1, W1_2, b1_2, W2_2, b2_2):
  params = [(W1_0, b1_0, W2_0, b2_0), (W1_1, b1_1, W2_1, b2_1),
            (W1_2, b1_2, W2_2, b2_2)]
  src = edge_index[0]
  dst = edge_index[1]
  srcp = jnp.concatenate([src, jnp.zeros((EP - E,), jnp.int32)])
  dstp = jnp.concatenate([dst, jnp.full((EP - E,), N, jnp.int32)])
  src2 = srcp.reshape(EP // C, C)
  dst2 = dstp.reshape(EP // C, C)
  onehot = (batch[:, None] == jnp.arange(G, dtype=jnp.int32)[None, :]
            ).astype(jnp.float32)

  h = x
  out = None
  for i, (w1, b1, w2, b2) in enumerate(params):
    p = _sc_agg(h, src2, dst2)
    if i < 2:
      h = _mlp(h, p, w1, b1, w2, b2, relu_out=True)
    else:
      out = _mlp_pool(h, p, w1, b1, w2, b2, onehot)
  return out

# --- scband reference (transcript-rebuilt; emitter-appended) ---
"""Pipeline reference for scband-pretraining-gin-12000138625368 (READ-ONLY COPY).

The authoritative reference and input builder live on the scoring server;
editing this copy changes nothing except your own understanding.
"""

import jax, jax.numpy as jnp
import numpy as np

N = 10000
E = 320000
D = 128
H = 128
G = 16


def setup_inputs(seed: int = 0) -> dict:
    key = jax.random.key(seed)
    ks = jax.random.split(key, 16)
    x = jax.random.normal(ks[0], (N, D), dtype=jnp.float32)
    edge_index = jax.random.randint(ks[1], (2, E), 0, N, dtype=jnp.int32)
    batch = jnp.sort(jax.random.randint(ks[2], (N,), 0, G, dtype=jnp.int32))
    inp = {"x": x, "edge_index": edge_index, "batch": batch}
    dims = [(D, H), (H, H), (H, H)]
    kidx = 3
    for i, (din, dh) in enumerate(dims):
        s1 = 1.0 / np.sqrt(din)
        s2 = 1.0 / np.sqrt(dh)
        inp[f"W1_{i}"] = jax.random.uniform(ks[kidx], (din, dh), jnp.float32, -s1, s1); kidx += 1
        inp[f"b1_{i}"] = jnp.zeros((dh,), jnp.float32)
        inp[f"W2_{i}"] = jax.random.uniform(ks[kidx], (dh, dh), jnp.float32, -s2, s2); kidx += 1
        inp[f"b2_{i}"] = jnp.zeros((dh,), jnp.float32)
    return inp


def reference(x, edge_index, batch, W1_0, b1_0, W2_0, b2_0, W1_1, b1_1, W2_1, b2_1, W1_2, b1_2, W2_2, b2_2):
    params = [(W1_0, b1_0, W2_0, b2_0), (W1_1, b1_1, W2_1, b2_1), (W1_2, b1_2, W2_2, b2_2)]
    src = edge_index[0]
    dst = edge_index[1]
    h = x
    n_layers = len(params)
    for i, (W1, b1, W2, b2) in enumerate(params):
        # GINConv: mlp((1+eps)*x + sum_{j in N(i)} x_j), eps=0
        agg = jnp.zeros_like(h).at[dst].add(h[src])
        m = h + agg
        m = m @ W1 + b1
        m = jax.nn.relu(m)
        m = m @ W2 + b2
        h = m
        if i < n_layers - 1:
            h = jax.nn.relu(h)  # inter-layer activation (dropout=0)
    # global_max_pool over batch assignment
    out = jax.ops.segment_max(h, batch, num_segments=G)
    return out

if __name__ == "__main__":
    import jax
    _d = setup_inputs()
    print(jax.jit(kernel)(*tuple(_d.values())))

</pallas_src>

<mosaic_0001>
#map = affine_map<(d0, d1) -> (0, 0)>
#map1 = affine_map<(d0, d1) -> (0, 0, 0)>
module attributes {stable_mosaic.version = 14 : i64} {
  func.func @k(%arg0: i32, %arg1: i32, %arg2: memref<10000x128xf32, #tpu.memory_space<hbm>>, %arg3: memref<2560x128xi32, #tpu.memory_space<hbm>>, %arg4: memref<2560x128xi32, #tpu.memory_space<hbm>>, %arg5: memref<2x10240x128xf32, #tpu.memory_space<hbm>>, %arg6: memref<16x128xi32, #tpu.memory_space<vmem>>, %arg7: memref<16x128xi32, #tpu.memory_space<vmem>>, %arg8: memref<2x128x128xf32, #tpu.memory_space<vmem>>, %arg9: memref<10240x128xf32, #tpu.memory_space<vmem_shared>>, %arg10: memref<2x!tpu.dma_semaphore, #tpu.memory_space<semaphore_mem>>, %arg11: memref<2x!tpu.dma_semaphore, #tpu.memory_space<semaphore_mem>>, %arg12: memref<!tpu.dma_semaphore, #tpu.memory_space<semaphore_mem>>) attributes {dimension_semantics = [#tpu.dimension_semantics<core_parallel>, #tpu.dimension_semantics<subcore_parallel>], iteration_bounds = array<i64: 2, 16>, scalar_prefetch = 0 : i64, scratch_operands = 7 : i64, tpu.core_type = #tpu.core_type<sc_vector_subcore>, window_params = [{transform_indices = #map}, {transform_indices = #map}, {transform_indices = #map}, {transform_indices = #map1}]} {
    %eq3A = arith.constant 0 : i32
    %eq3A_0 = arith.cmpi eq, %arg0, %eq3A : i32
    %jit3A = arith.constant 144 : i32
    %jit3A_1 = arith.constant 16 : i32
    %select_n3A = arith.select %eq3A_0, %jit3A, %jit3A_1 : i32
    %eq3A_2 = arith.constant 0 : i32
    %eq3A_3 = arith.cmpi eq, %arg0, %eq3A_2 : i32
    %mul3A = arith.constant 144 : i32
    %mul3A_4 = arith.muli %arg1, %mul3A : i32
    %mul3A_5 = arith.constant 16 : i32
    %mul3A_6 = arith.muli %arg1, %mul3A_5 : i32
    %add3A = arith.constant 2304 : i32
    %add3A_7 = arith.addi %add3A, %mul3A_6 : i32
    %select_n3A_8 = arith.select %eq3A_3, %mul3A_4, %add3A_7 : i32
    %lt3A = arith.constant 2 : i32
    %lt3A_9 = arith.cmpi slt, %arg0, %lt3A : i32
    %convert_element_type3A = arith.extui %lt3A_9 : i1 to i32
    %cond3A = arith.constant 0 : i32
    %cond3A_10 = arith.cmpi ne, %convert_element_type3A, %cond3A : i32
    scf.if %cond3A_10 {
      %scan3A = arith.constant 0 : i32
      %scan3A_44 = arith.constant 0 : i32
      %scan3A_45 = arith.constant 128 : i32
      %scan3A_46 = arith.addi %scan3A_44, %scan3A_45 : i32
      %scan3A_47 = arith.constant 1 : i32
      scf.for %scan3A_207 = %scan3A_44 to %scan3A_46 step %scan3A_47  : i32 {
        %scan3A_208 = arith.constant 0 : i32
        %scan3A_209 = arith.constant 8 : i32
        %scan3A_210 = arith.addi %scan3A_208, %scan3A_209 : i32
        %scan3A_211 = arith.constant 1 : i32
        scf.for %scan3A_213 = %scan3A_208 to %scan3A_210 step %scan3A_211  : i32 {
          %broadcast_in_dim3A = arith.constant 0.000000e+00 : f32
          %broadcast_in_dim3A_214 = vector.broadcast %broadcast_in_dim3A : f32 to vector<16xf32>
          %mul3A_215 = arith.constant 16 : i32
          %mul3A_216 = arith.muli %scan3A_213, %mul3A_215 : i32
          %swap3A = arith.constant 0 : i32
          %swap3A_217 = arith.index_cast %swap3A : i32 to index
          %swap3A_218 = arith.index_cast %scan3A_207 : i32 to index
          %swap3A_219 = arith.index_cast %mul3A_216 : i32 to index
          %swap3A_220 = tpu.vector_load %arg8[%swap3A_217, %swap3A_218, %swap3A_219] {strides = array<i32>} : memref<2x128x128xf32, #tpu.memory_space<vmem>>, vector<1x1x16xf32>,
          %swap3A_221 = vector.shape_cast %swap3A_220 : vector<1x1x16xf32> to vector<16xf32>
          %swap3A_222 = vector.shape_cast %broadcast_in_dim3A_214 : vector<16xf32> to vector<1x1x16xf32>
          tpu.vector_store %arg8[%swap3A_217, %swap3A_218, %swap3A_219], %swap3A_222 {strides = array<i32>} : memref<2x128x128xf32, #tpu.memory_space<vmem>>, vector<1x1x16xf32>,
        }
        %scan3A_212 = arith.constant 8 : i32
      }
      %scan3A_48 = arith.constant 128 : i32
      %mul3A_49 = arith.constant 640 : i32
      %mul3A_50 = arith.muli %arg1, %mul3A_49 : i32
      %add3A_51 = arith.constant 0 : i32
      %add3A_52 = arith.addi %mul3A_50, %add3A_51 : i32
      %dma_start3A = arith.constant 0 : i32
      %dma_start3A_53 = arith.constant 0 : i32
      %dma_start3A_54 = arith.constant 0 : i32
      %dma_start3A_55 = tpu.memref_slice %arg8[%dma_start3A, %dma_start3A_53, %dma_start3A_54] : memref<2x128x128xf32, #tpu.memory_space<vmem>> -> memref<1x128x128xf32, #tpu.memory_space<vmem>>
      %dma_start3A_56 = tpu.memref_squeeze %dma_start3A_55 : memref<1x128x128xf32, #tpu.memory_space<vmem>> -> memref<128x128xf32, #tpu.memory_space<vmem>>
      %dma_start3A_57 = arith.constant 0 : i32
      %dma_start3A_58 = tpu.memref_slice %arg9[%add3A_52, %dma_start3A_57] : memref<10240x128xf32, #tpu.memory_space<vmem_shared>> -> memref<128x128xf32, #tpu.memory_space<vmem_shared>>
      %dma_start3A_59 = arith.constant 0 : i32
      %dma_start3A_60 = tpu.memref_slice %arg9[%add3A_52, %dma_start3A_59] : memref<10240x128xf32, #tpu.memory_space<vmem_shared>> -> memref<128x128xf32, #tpu.memory_space<vmem_shared>>
      %dma_start3A_61 = arith.constant 0 : i32
      %dma_start3A_62 = arith.constant 0 : i32
      %dma_start3A_63 = tpu.memref_slice %arg8[%dma_start3A, %dma_start3A_61, %dma_start3A_62] : memref<2x128x128xf32, #tpu.memory_space<vmem>> -> memref<1x128x128xf32, #tpu.memory_space<vmem>>
      %dma_start3A_64 = tpu.memref_squeeze %dma_start3A_63 : memref<1x128x128xf32, #tpu.memory_space<vmem>> -> memref<128x128xf32, #tpu.memory_space<vmem>>
      tpu.enqueue_dma source(%dma_start3A_64 : memref<128x128xf32, #tpu.memory_space<vmem>>) target(%dma_start3A_60 : memref<128x128xf32, #tpu.memory_space<vmem_shared>>) target_semaphore(%arg12 : memref<!tpu.dma_semaphore, #tpu.memory_space<semaphore_mem>>)
      %mul3A_65 = arith.constant 640 : i32
      %mul3A_66 = arith.muli %arg1, %mul3A_65 : i32
      %add3A_67 = arith.constant 128 : i32
      %add3A_68 = arith.addi %mul3A_66, %add3A_67 : i32
      %dma_start3A_69 = arith.constant 0 : i32
      %dma_start3A_70 = arith.constant 0 : i32
      %dma_start3A_71 = arith.constant 0 : i32
      %dma_start3A_72 = tpu.memref_slice %arg8[%dma_start3A_69, %dma_start3A_70, %dma_start3A_71] : memref<2x128x128xf32, #tpu.memory_space<vmem>> -> memref<1x128x128xf32, #tpu.memory_space<vmem>>
      %dma_start3A_73 = tpu.memref_squeeze %dma_start3A_72 : memref<1x128x128xf32, #tpu.memory_space<vmem>> -> memref<128x128xf32, #tpu.memory_space<vmem>>
      %dma_start3A_74 = arith.constant 0 : i32
      %dma_start3A_75 = tpu.memref_slice %arg9[%add3A_68, %dma_start3A_74] : memref<10240x128xf32, #tpu.memory_space<vmem_shared>> -> memref<128x128xf32, #tpu.memory_space<vmem_shared>>
      %dma_start3A_76 = arith.constant 0 : i32
      %dma_start3A_77 = tpu.memref_slice %arg9[%add3A_68, %dma_start3A_76] : memref<10240x128xf32, #tpu.memory_space<vmem_shared>> -> memref<128x128xf32, #tpu.memory_space<vmem_shared>>
      %dma_start3A_78 = arith.constant 0 : i32
      %dma_start3A_79 = arith.constant 0 : i32
      %dma_start3A_80 = tpu.memref_slice %arg8[%dma_start3A_69, %dma_start3A_78, %dma_start3A_79] : memref<2x128x128xf32, #tpu.memory_space<vmem>> -> memref<1x128x128xf32, #tpu.memory_space<vmem>>
      %dma_start3A_81 = tpu.memref_squeeze %dma_start3A_80 : memref<1x128x128xf32, #tpu.memory_space<vmem>> -> memref<128x128xf32, #tpu.memory_space<vmem>>
      tpu.enqueue_dma source(%dma_start3A_81 : memref<128x128xf32, #tpu.memory_space<vmem>>) target(%dma_start3A_77 : memref<128x128xf32, #tpu.memory_space<vmem_shared>>) target_semaphore(%arg12 : memref<!tpu.dma_semaphore, #tpu.memory_space<semaphore_mem>>)
      %mul3A_82 = arith.constant 640 : i32
      %mul3A_83 = arith.muli %arg1, %mul3A_82 : i32
      %add3A_84 = arith.constant 256 : i32
      %add3A_85 = arith.addi %mul3A_83, %add3A_84 : i32
      %dma_start3A_86 = arith.constant 0 : i32
      %dma_start3A_87 = arith.constant 0 : i32
      %dma_start3A_88 = arith.constant 0 : i32
      %dma_start3A_89 = tpu.memref_slice %arg8[%dma_start3A_86, %dma_start3A_87, %dma_start3A_88] : memref<2x128x128xf32, #tpu.memory_space<vmem>> -> memref<1x128x128xf32, #tpu.memory_space<vmem>>
      %dma_start3A_90 = tpu.memref_squeeze %dma_start3A_89 : memref<1x128x128xf32, #tpu.memory_space<vmem>> -> memref<128x128xf32, #tpu.memory_space<vmem>>
      %dma_start3A_91 = arith.constant 0 : i32
      %dma_start3A_92 = tpu.memref_slice %arg9[%add3A_85, %dma_start3A_91] : memref<10240x128xf32, #tpu.memory_space<vmem_shared>> -> memref<128x128xf32, #tpu.memory_space<vmem_shared>>
      %dma_start3A_93 = arith.constant 0 : i32
      %dma_start3A_94 = tpu.memref_slice %arg9[%add3A_85, %dma_start3A_93] : memref<10240x128xf32, #tpu.memory_space<vmem_shared>> -> memref<128x128xf32, #tpu.memory_space<vmem_shared>>
      %dma_start3A_95 = arith.constant 0 : i32
      %dma_start3A_96 = arith.constant 0 : i32
      %dma_start3A_97 = tpu.memref_slice %arg8[%dma_start3A_86, %dma_start3A_95, %dma_start3A_96] : memref<2x128x128xf32, #tpu.memory_space<vmem>> -> memref<1x128x128xf32, #tpu.memory_space<vmem>>
      %dma_start3A_98 = tpu.memref_squeeze %dma_start3A_97 : memref<1x128x128xf32, #tpu.memory_space<vmem>> -> memref<128x128xf32, #tpu.memory_space<vmem>>
      tpu.enqueue_dma source(%dma_start3A_98 : memref<128x128xf32, #tpu.memory_space<vmem>>) target(%dma_start3A_94 : memref<128x128xf32, #tpu.memory_space<vmem_shared>>) target_semaphore(%arg12 : memref<!tpu.dma_semaphore, #tpu.memory_space<semaphore_mem>>)
      %mul3A_99 = arith.constant 640 : i32
      %mul3A_100 = arith.muli %arg1, %mul3A_99 : i32
      %add3A_101 = arith.constant 384 : i32
      %add3A_102 = arith.addi %mul3A_100, %add3A_101 : i32
      %dma_start3A_103 = arith.constant 0 : i32
      %dma_start3A_104 = arith.constant 0 : i32
      %dma_start3A_105 = arith.constant 0 : i32
      %dma_start3A_106 = tpu.memref_slice %arg8[%dma_start3A_103, %dma_start3A_104, %dma_start3A_105] : memref<2x128x128xf32, #tpu.memory_space<vmem>> -> memref<1x128x128xf32, #tpu.memory_space<vmem>>
      %dma_start3A_107 = tpu.memref_squeeze %dma_start3A_106 : memref<1x128x128xf32, #tpu.memory_space<vmem>> -> memref<128x128xf32, #tpu.memory_space<vmem>>
      %dma_start3A_108 = arith.constant 0 : i32
      %dma_start3A_109 = tpu.memref_slice %arg9[%add3A_102, %dma_start3A_108] : memref<10240x128xf32, #tpu.memory_space<vmem_shared>> -> memref<128x128xf32, #tpu.memory_space<vmem_shared>>
      %dma_start3A_110 = arith.constant 0 : i32
      %dma_start3A_111 = tpu.memref_slice %arg9[%add3A_102, %dma_start3A_110] : memref<10240x128xf32, #tpu.memory_space<vmem_shared>> -> memref<128x128xf32, #tpu.memory_space<vmem_shared>>
      %dma_start3A_112 = arith.constant 0 : i32
      %dma_start3A_113 = arith.constant 0 : i32
      %dma_start3A_114 = tpu.memref_slice %arg8[%dma_start3A_103, %dma_start3A_112, %dma_start3A_113] : memref<2x128x128xf32, #tpu.memory_space<vmem>> -> memref<1x128x128xf32, #tpu.memory_space<vmem>>
      %dma_start3A_115 = tpu.memref_squeeze %dma_start3A_114 : memref<1x128x128xf32, #tpu.memory_space<vmem>> -> memref<128x128xf32, #tpu.memory_space<vmem>>
      tpu.enqueue_dma source(%dma_start3A_115 : memref<128x128xf32, #tpu.memory_space<vmem>>) target(%dma_start3A_111 : memref<128x128xf32, #tpu.memory_space<vmem_shared>>) target_semaphore(%arg12 : memref<!tpu.dma_semaphore, #tpu.memory_space<semaphore_mem>>)
      %mul3A_116 = arith.constant 640 : i32
      %mul3A_117 = arith.muli %arg1, %mul3A_116 : i32
      %add3A_118 = arith.constant 512 : i32
      %add3A_119 = arith.addi %mul3A_117, %add3A_118 : i32
      %dma_start3A_120 = arith.constant 0 : i32
      %dma_start3A_121 = arith.constant 0 : i32
      %dma_start3A_122 = arith.constant 0 : i32
      %dma_start3A_123 = tpu.memref_slice %arg8[%dma_start3A_120, %dma_start3A_121, %dma_start3A_122] : memref<2x128x128xf32, #tpu.memory_space<vmem>> -> memref<1x128x128xf32, #tpu.memory_space<vmem>>
      %dma_start3A_124 = tpu.memref_squeeze %dma_start3A_123 : memref<1x128x128xf32, #tpu.memory_space<vmem>> -> memref<128x128xf32, #tpu.memory_space<vmem>>
      %dma_start3A_125 = arith.constant 0 : i32
      %dma_start3A_126 = tpu.memref_slice %arg9[%add3A_119, %dma_start3A_125] : memref<10240x128xf32, #tpu.memory_space<vmem_shared>> -> memref<128x128xf32, #tpu.memory_space<vmem_shared>>
      %dma_start3A_127 = arith.constant 0 : i32
      %dma_start3A_128 = tpu.memref_slice %arg9[%add3A_119, %dma_start3A_127] : memref<10240x128xf32, #tpu.memory_space<vmem_shared>> -> memref<128x128xf32, #tpu.memory_space<vmem_shared>>
      %dma_start3A_129 = arith.constant 0 : i32
      %dma_start3A_130 = arith.constant 0 : i32
      %dma_start3A_131 = tpu.memref_slice %arg8[%dma_start3A_120, %dma_start3A_129, %dma_start3A_130] : memref<2x128x128xf32, #tpu.memory_space<vmem>> -> memref<1x128x128xf32, #tpu.memory_space<vmem>>
      %dma_start3A_132 = tpu.memref_squeeze %dma_start3A_131 : memref<1x128x128xf32, #tpu.memory_space<vmem>> -> memref<128x128xf32, #tpu.memory_space<vmem>>
      tpu.enqueue_dma source(%dma_start3A_132 : memref<128x128xf32, #tpu.memory_space<vmem>>) target(%dma_start3A_128 : memref<128x128xf32, #tpu.memory_space<vmem_shared>>) target_semaphore(%arg12 : memref<!tpu.dma_semaphore, #tpu.memory_space<semaphore_mem>>)
      %dma_wait3A = arith.constant 0 : i32
      %dma_wait3A_133 = arith.constant 0 : i32
      %dma_wait3A_134 = arith.constant 0 : i32
      %dma_wait3A_135 = tpu.memref_slice %arg8[%dma_wait3A, %dma_wait3A_133, %dma_wait3A_134] : memref<2x128x128xf32, #tpu.memory_space<vmem>> -> memref<1x128x128xf32, #tpu.memory_space<vmem>>
      %dma_wait3A_136 = tpu.memref_squeeze %dma_wait3A_135 : memref<1x128x128xf32, #tpu.memory_space<vmem>> -> memref<128x128xf32, #tpu.memory_space<vmem>>
      %dma_wait3A_137 = arith.constant 0 : i32
      %dma_wait3A_138 = arith.constant 0 : i32
      %dma_wait3A_139 = tpu.memref_slice %arg9[%dma_wait3A_137, %dma_wait3A_138] : memref<10240x128xf32, #tpu.memory_space<vmem_shared>> -> memref<128x128xf32, #tpu.memory_space<vmem_shared>>
      %dma_wait3A_140 = arith.constant 0 : i32
      %dma_wait3A_141 = arith.constant 0 : i32
      %dma_wait3A_142 = tpu.memref_slice %arg9[%dma_wait3A_140, %dma_wait3A_141] : memref<10240x128xf32, #tpu.memory_space<vmem_shared>> -> memref<128x128xf32, #tpu.memory_space<vmem_shared>>
      %dma_wait3A_143 = arith.constant 0 : i32
      %dma_wait3A_144 = arith.constant 0 : i32
      %dma_wait3A_145 = tpu.memref_slice %arg8[%dma_wait3A, %dma_wait3A_143, %dma_wait3A_144] : memref<2x128x128xf32, #tpu.memory_space<vmem>> -> memref<1x128x128xf32, #tpu.memory_space<vmem>>
      %dma_wait3A_146 = tpu.memref_squeeze %dma_wait3A_145 : memref<1x128x128xf32, #tpu.memory_space<vmem>> -> memref<128x128xf32, #tpu.memory_space<vmem>>
      tpu.wait_dma2 semaphore(%arg12 : memref<!tpu.dma_semaphore, #tpu.memory_space<semaphore_mem>>) src(%dma_wait3A_146 : memref<128x128xf32, #tpu.memory_space<vmem>>) dst(%dma_wait3A_142 : memref<128x128xf32, #tpu.memory_space<vmem_shared>>)
      %dma_wait3A_147 = arith.constant 0 : i32
      %dma_wait3A_148 = arith.constant 0 : i32
      %dma_wait3A_149 = arith.constant 0 : i32
      %dma_wait3A_150 = tpu.memref_slice %arg8[%dma_wait3A_147, %dma_wait3A_148, %dma_wait3A_149] : memref<2x128x128xf32, #tpu.memory_space<vmem>> -> memref<1x128x128xf32, #tpu.memory_space<vmem>>
      %dma_wait3A_151 = tpu.memref_squeeze %dma_wait3A_150 : memref<1x128x128xf32, #tpu.memory_space<vmem>> -> memref<128x128xf32, #tpu.memory_space<vmem>>
      %dma_wait3A_152 = arith.constant 128 : i32
      %dma_wait3A_153 = arith.constant 0 : i32
      %dma_wait3A_154 = tpu.memref_slice %arg9[%dma_wait3A_152, %dma_wait3A_153] : memref<10240x128xf32, #tpu.memory_space<vmem_shared>> -> memref<128x128xf32, #tpu.memory_space<vmem_shared>>
      %dma_wait3A_155 = arith.constant 128 : i32
      %dma_wait3A_156 = arith.constant 0 : i32
      %dma_wait3A_157 = tpu.memref_slice %arg9[%dma_wait3A_155, %dma_wait3A_156] : memref<10240x128xf32, #tpu.memory_space<vmem_shared>> -> memref<128x128xf32, #tpu.memory_space<vmem_shared>>
      %dma_wait3A_158 = arith.constant 0 : i32
      %dma_wait3A_159 = arith.constant 0 : i32
      %dma_wait3A_160 = tpu.memref_slice %arg8[%dma_wait3A_147, %dma_wait3A_158, %dma_wait3A_159] : memref<2x128x128xf32, #tpu.memory_space<vmem>> -> memref<1x128x128xf32, #tpu.memory_space<vmem>>
      %dma_wait3A_161 = tpu.memref_squeeze %dma_wait3A_160 : memref<1x128x128xf32, #tpu.memory_space<vmem>> -> memref<128x128xf32, #tpu.memory_space<vmem>>
      tpu.wait_dma2 semaphore(%arg12 : memref<!tpu.dma_semaphore, #tpu.memory_space<semaphore_mem>>) src(%dma_wait3A_161 : memref<128x128xf32, #tpu.memory_space<vmem>>) dst(%dma_wait3A_157 : memref<128x128xf32, #tpu.memory_space<vmem_shared>>)
      %dma_wait3A_162 = arith.constant 0 : i32
      %dma_wait3A_163 = arith.constant 0 : i32
      %dma_wait3A_164 = arith.constant 0 : i32
      %dma_wait3A_165 = tpu.memref_slice %arg8[%dma_wait3A_162, %dma_wait3A_163, %dma_wait3A_164] : memref<2x128x128xf32, #tpu.memory_space<vmem>> -> memref<1x128x128xf32, #tpu.memory_space<vmem>>
      %dma_wait3A_166 = tpu.memref_squeeze %dma_wait3A_165 : memref<1x128x128xf32, #tpu.memory_space<vmem>> -> memref<128x128xf32, #tpu.memory_space<vmem>>
      %dma_wait3A_167 = arith.constant 256 : i32
      %dma_wait3A_168 = arith.constant 0 : i32
      %dma_wait3A_169 = tpu.memref_slice %arg9[%dma_wait3A_167, %dma_wait3A_168] : memref<10240x128xf32, #tpu.memory_space<vmem_shared>> -> memref<128x128xf32, #tpu.memory_space<vmem_shared>>
      %dma_wait3A_170 = arith.constant 256 : i32
      %dma_wait3A_171 = arith.constant 0 : i32
      %dma_wait3A_172 = tpu.memref_slice %arg9[%dma_wait3A_170, %dma_wait3A_171] : memref<10240x128xf32, #tpu.memory_space<vmem_shared>> -> memref<128x128xf32, #tpu.memory_space<vmem_shared>>
      %dma_wait3A_173 = arith.constant 0 : i32
      %dma_wait3A_174 = arith.constant 0 : i32
      %dma_wait3A_175 = tpu.memref_slice %arg8[%dma_wait3A_162, %dma_wait3A_173, %dma_wait3A_174] : memref<2x128x128xf32, #tpu.memory_space<vmem>> -> memref<1x128x128xf32, #tpu.memory_space<vmem>>
      %dma_wait3A_176 = tpu.memref_squeeze %dma_wait3A_175 : memref<1x128x128xf32, #tpu.memory_space<vmem>> -> memref<128x128xf32, #tpu.memory_space<vmem>>
      tpu.wait_dma2 semaphore(%arg12 : memref<!tpu.dma_semaphore, #tpu.memory_space<semaphore_mem>>) src(%dma_wait3A_176 : memref<128x128xf32, #tpu.memory_space<vmem>>) dst(%dma_wait3A_172 : memref<128x128xf32, #tpu.memory_space<vmem_shared>>)
      %dma_wait3A_177 = arith.constant 0 : i32
      %dma_wait3A_178 = arith.constant 0 : i32
      %dma_wait3A_179 = arith.constant 0 : i32
      %dma_wait3A_180 = tpu.memref_slice %arg8[%dma_wait3A_177, %dma_wait3A_178, %dma_wait3A_179] : memref<2x128x128xf32, #tpu.memory_space<vmem>> -> memref<1x128x128xf32, #tpu.memory_space<vmem>>
      %dma_wait3A_181 = tpu.memref_squeeze %dma_wait3A_180 : memref<1x128x128xf32, #tpu.memory_space<vmem>> -> memref<128x128xf32, #tpu.memory_space<vmem>>
      %dma_wait3A_182 = arith.constant 384 : i32
      %dma_wait3A_183 = arith.constant 0 : i32
      %dma_wait3A_184 = tpu.memref_slice %arg9[%dma_wait3A_182, %dma_wait3A_183] : memref<10240x128xf32, #tpu.memory_space<vmem_shared>> -> memref<128x128xf32, #tpu.memory_space<vmem_shared>>
      %dma_wait3A_185 = arith.constant 384 : i32
      %dma_wait3A_186 = arith.constant 0 : i32
      %dma_wait3A_187 = tpu.memref_slice %arg9[%dma_wait3A_185, %dma_wait3A_186] : memref<10240x128xf32, #tpu.memory_space<vmem_shared>> -> memref<128x128xf32, #tpu.memory_space<vmem_shared>>
      %dma_wait3A_188 = arith.constant 0 : i32
      %dma_wait3A_189 = arith.constant 0 : i32
      %dma_wait3A_190 = tpu.memref_slice %arg8[%dma_wait3A_177, %dma_wait3A_188, %dma_wait3A_189] : memref<2x128x128xf32, #tpu.memory_space<vmem>> -> memref<1x128x128xf32, #tpu.memory_space<vmem>>
      %dma_wait3A_191 = tpu.memref_squeeze %dma_wait3A_190 : memref<1x128x128xf32, #tpu.memory_space<vmem>> -> memref<128x128xf32, #tpu.memory_space<vmem>>
      tpu.wait_dma2 semaphore(%arg12 : memref<!tpu.dma_semaphore, #tpu.memory_space<semaphore_mem>>) src(%dma_wait3A_191 : memref<128x128xf32, #tpu.memory_space<vmem>>) dst(%dma_wait3A_187 : memref<128x128xf32, #tpu.memory_space<vmem_shared>>)
      %dma_wait3A_192 = arith.constant 0 : i32
      %dma_wait3A_193 = arith.constant 0 : i32
      %dma_wait3A_194 = arith.constant 0 : i32
      %dma_wait3A_195 = tpu.memref_slice %arg8[%dma_wait3A_192, %dma_wait3A_193, %dma_wait3A_194] : memref<2x128x128xf32, #tpu.memory_space<vmem>> -> memref<1x128x128xf32, #tpu.memory_space<vmem>>
      %dma_wait3A_196 = tpu.memref_squeeze %dma_wait3A_195 : memref<1x128x128xf32, #tpu.memory_space<vmem>> -> memref<128x128xf32, #tpu.memory_space<vmem>>
      %dma_wait3A_197 = arith.constant 512 : i32
      %dma_wait3A_198 = arith.constant 0 : i32
      %dma_wait3A_199 = tpu.memref_slice %arg9[%dma_wait3A_197, %dma_wait3A_198] : memref<10240x128xf32, #tpu.memory_space<vmem_shared>> -> memref<128x128xf32, #tpu.memory_space<vmem_shared>>
      %dma_wait3A_200 = arith.constant 512 : i32
      %dma_wait3A_201 = arith.constant 0 : i32
      %dma_wait3A_202 = tpu.memref_slice %arg9[%dma_wait3A_200, %dma_wait3A_201] : memref<10240x128xf32, #tpu.memory_space<vmem_shared>> -> memref<128x128xf32, #tpu.memory_space<vmem_shared>>
      %dma_wait3A_203 = arith.constant 0 : i32
      %dma_wait3A_204 = arith.constant 0 : i32
      %dma_wait3A_205 = tpu.memref_slice %arg8[%dma_wait3A_192, %dma_wait3A_203, %dma_wait3A_204] : memref<2x128x128xf32, #tpu.memory_space<vmem>> -> memref<1x128x128xf32, #tpu.memory_space<vmem>>
      %dma_wait3A_206 = tpu.memref_squeeze %dma_wait3A_205 : memref<1x128x128xf32, #tpu.memory_space<vmem>> -> memref<128x128xf32, #tpu.memory_space<vmem>>
      tpu.wait_dma2 semaphore(%arg12 : memref<!tpu.dma_semaphore, #tpu.memory_space<semaphore_mem>>) src(%dma_wait3A_206 : memref<128x128xf32, #tpu.memory_space<vmem>>) dst(%dma_wait3A_202 : memref<128x128xf32, #tpu.memory_space<vmem_shared>>)
    } else {
    }
    %barrier3A = arith.constant 0 : index
    tpu.barrier barrier_id(%barrier3A)
    %jit3A_11 = arith.constant 16 : i32
    %div3A = arith.divsi %select_n3A, %jit3A_11 : i32
    %sign3A = arith.constant 0 : i32
    %sign3A_12 = arith.cmpi sgt, %select_n3A, %sign3A : i32
    %sign3A_13 = arith.extui %sign3A_12 : i1 to i32
    %sign3A_14 = arith.constant 0 : i32
    %sign3A_15 = arith.cmpi slt, %select_n3A, %sign3A_14 : i32
    %sign3A_16 = arith.extui %sign3A_15 : i1 to i32
    %sign3A_17 = arith.subi %sign3A_13, %sign3A_16 : i32
    %sign3A_18 = arith.constant 0 : i32
    %sign3A_19 = arith.cmpi sgt, %jit3A_11, %sign3A_18 : i32
    %sign3A_20 = arith.extui %sign3A_19 : i1 to i32
    %sign3A_21 = arith.constant 0 : i32
    %sign3A_22 = arith.cmpi slt, %jit3A_11, %sign3A_21 : i32
    %sign3A_23 = arith.extui %sign3A_22 : i1 to i32
    %sign3A_24 = arith.subi %sign3A_20, %sign3A_23 : i32
    %ne3A = arith.cmpi ne, %sign3A_17, %sign3A_24 : i32
    %rem3A = arith.remsi %select_n3A, %jit3A_11 : i32
    %ne3A_25 = arith.constant 0 : i32
    %ne3A_26 = arith.cmpi ne, %rem3A, %ne3A_25 : i32
    %and3A = arith.andi %ne3A, %ne3A_26 : i1
    %sub3A = arith.constant 1 : i32
    %sub3A_27 = arith.subi %div3A, %sub3A : i32
    %select_n3A_28 = arith.select %and3A, %sub3A_27, %div3A : i32
    %while3A = arith.constant 0 : i32
    %while3A_29 = arith.constant 0 : i32
    %while3A_30 = arith.subi %select_n3A_28, %while3A_29 : i32
    %while3A_31 = arith.addi %while3A_29, %while3A_30 : i32
    %while3A_32 = arith.constant 1 : i32
    %while3A_33 = arith.divsi %while3A_30, %while3A_32 : i32
    %while3A_34 = arith.muli %while3A_33, %while3A_32 : i32
    %while3A_35 = arith.addi %while3A_29, %while3A_34 : i32
    %while3A_36 = arith.constant 1 : i32
    scf.for %while3A_44 = %while3A_29 to %while3A_35 step %while3A_36  : i32 {
      %mul3A_45 = arith.constant 16 : i32
      %mul3A_46 = arith.muli %while3A_44, %mul3A_45 : i32
      %add3A_47 = arith.addi %select_n3A_8, %mul3A_46 : i32
      %dma_start3A = arith.constant 0 : i32
      %dma_start3A_48 = tpu.memref_slice %arg3[%add3A_47, %dma_start3A] : memref<2560x128xi32, #tpu.memory_space<hbm>> -> memref<16x128xi32, #tpu.memory_space<hbm>>
      %dma_start3A_49 = arith.constant 0 : i32
      %dma_start3A_50 = tpu.memref_slice %arg3[%add3A_47, %dma_start3A_49] : memref<2560x128xi32, #tpu.memory_space<hbm>> -> memref<16x128xi32, #tpu.memory_space<hbm>>
      tpu.enqueue_dma source(%dma_start3A_50 : memref<16x128xi32, #tpu.memory_space<hbm>>) target(%arg6 : memref<16x128xi32, #tpu.memory_space<vmem>>) target_semaphore(%arg12 : memref<!tpu.dma_semaphore, #tpu.memory_space<semaphore_mem>>)
      %dma_start3A_51 = arith.constant 0 : i32
      %dma_start3A_52 = tpu.memref_slice %arg4[%add3A_47, %dma_start3A_51] : memref<2560x128xi32, #tpu.memory_space<hbm>> -> memref<16x128xi32, #tpu.memory_space<hbm>>
      %dma_start3A_53 = arith.constant 0 : i32
      %dma_start3A_54 = tpu.memref_slice %arg4[%add3A_47, %dma_start3A_53] : memref<2560x128xi32, #tpu.memory_space<hbm>> -> memref<16x128xi32, #tpu.memory_space<hbm>>
      tpu.enqueue_dma source(%dma_start3A_54 : memref<16x128xi32, #tpu.memory_space<hbm>>) target(%arg7 : memref<16x128xi32, #tpu.memory_space<vmem>>) target_semaphore(%arg12 : memref<!tpu.dma_semaphore, #tpu.memory_space<semaphore_mem>>)
      %dma_wait3A = arith.constant 0 : i32
      %dma_wait3A_55 = arith.constant 0 : i32
      %dma_wait3A_56 = tpu.memref_slice %arg3[%dma_wait3A, %dma_wait3A_55] : memref<2560x128xi32, #tpu.memory_space<hbm>> -> memref<16x128xi32, #tpu.memory_space<hbm>>
      %dma_wait3A_57 = arith.constant 0 : i32
      %dma_wait3A_58 = arith.constant 0 : i32
      %dma_wait3A_59 = tpu.memref_slice %arg3[%dma_wait3A_57, %dma_wait3A_58] : memref<2560x128xi32, #tpu.memory_space<hbm>> -> memref<16x128xi32, #tpu.memory_space<hbm>>
      tpu.wait_dma2 semaphore(%arg12 : memref<!tpu.dma_semaphore, #tpu.memory_space<semaphore_mem>>) src(%dma_wait3A_59 : memref<16x128xi32, #tpu.memory_space<hbm>>) dst(%arg6 : memref<16x128xi32, #tpu.memory_space<vmem>>)
      %dma_wait3A_60 = arith.constant 0 : i32
      %dma_wait3A_61 = arith.constant 0 : i32
      %dma_wait3A_62 = tpu.memref_slice %arg4[%dma_wait3A_60, %dma_wait3A_61] : memref<2560x128xi32, #tpu.memory_space<hbm>> -> memref<16x128xi32, #tpu.memory_space<hbm>>
      %dma_wait3A_63 = arith.constant 0 : i32
      %dma_wait3A_64 = arith.constant 0 : i32
      %dma_wait3A_65 = tpu.memref_slice %arg4[%dma_wait3A_63, %dma_wait3A_64] : memref<2560x128xi32, #tpu.memory_space<hbm>> -> memref<16x128xi32, #tpu.memory_space<hbm>>
      tpu.wait_dma2 semaphore(%arg12 : memref<!tpu.dma_semaphore, #tpu.memory_space<semaphore_mem>>) src(%dma_wait3A_65 : memref<16x128xi32, #tpu.memory_space<hbm>>) dst(%arg7 : memref<16x128xi32, #tpu.memory_space<vmem>>)
      %dma_start3A_66 = arith.constant 0 : i32
      %dma_start3A_67 = arith.constant 0 : i32
      %dma_start3A_68 = arith.constant 0 : i32
      %dma_start3A_69 = arith.constant 0 : i32
      %dma_start3A_70 = arith.constant 0 : i32
      %dma_start3A_71 = tpu.memref_slice %arg8[%dma_start3A_67, %dma_start3A_69, %dma_start3A_70] : memref<2x128x128xf32, #tpu.memory_space<vmem>> -> memref<1x128x128xf32, #tpu.memory_space<vmem>>
      %dma_start3A_72 = tpu.memref_squeeze %dma_start3A_71 : memref<1x128x128xf32, #tpu.memory_space<vmem>> -> memref<128x128xf32, #tpu.memory_space<vmem>>
      %dma_start3A_73 = arith.constant 0 : i32
      %dma_start3A_74 = tpu.memref_slice %arg6[%dma_start3A_66, %dma_start3A_73] : memref<16x128xi32, #tpu.memory_space<vmem>> -> memref<1x128xi32, #tpu.memory_space<vmem>>
      %dma_start3A_75 = tpu.memref_squeeze %dma_start3A_74 : memref<1x128xi32, #tpu.memory_space<vmem>> -> memref<128xi32, #tpu.memory_space<vmem>>
      %dma_start3A_76 = arith.constant 0 : i32
      %dma_start3A_77 = arith.constant 0 : i32
      %dma_start3A_78 = tpu.memref_slice %arg2[%dma_start3A_76, %dma_start3A_77] : memref<10000x128xf32, #tpu.memory_space<hbm>> -> memref<10000x128xf32, #tpu.memory_space<hbm>>
      %dma_start3A_79 = tpu.memref_slice %arg10[%dma_start3A_68] : memref<2x!tpu.dma_semaphore, #tpu.memory_space<semaphore_mem>> -> memref<1x!tpu.dma_semaphore, #tpu.memory_space<semaphore_mem>>
      %dma_start3A_80 = tpu.memref_squeeze %dma_start3A_79 : memref<1x!tpu.dma_semaphore, #tpu.memory_space<semaphore_mem>> -> memref<!tpu.dma_semaphore, #tpu.memory_space<semaphore_mem>>
      tpu.enqueue_indirect_dma source(%dma_start3A_78 : memref<10000x128xf32, #tpu.memory_space<hbm>>) target(%dma_start3A_72 : memref<128x128xf32, #tpu.memory_space<vmem>>) offsets(%dma_start3A_75 : memref<128xi32, #tpu.memory_space<vmem>>) semaphore(%dma_start3A_80 : memref<!tpu.dma_semaphore, #tpu.memory_space<semaphore_mem>>)
      %scan3A = arith.constant 0 : i32
      %scan3A_81 = arith.constant 0 : i32
      %scan3A_82 = arith.constant 8 : i32
      %scan3A_83 = arith.addi %scan3A_81, %scan3A_82 : i32
      %scan3A_84 = arith.constant 1 : i32
      scf.for %scan3A_101 = %scan3A_81 to %scan3A_83 step %scan3A_84  : i32 {
        %mul3A_102 = arith.constant 2 : i32
        %mul3A_103 = arith.muli %scan3A_101, %mul3A_102 : i32
        %add3A_104 = arith.constant 0 : i32
        %add3A_105 = arith.addi %mul3A_103, %add3A_104 : i32
        %dma_wait3A_106 = arith.constant 0 : i32
        %dma_wait3A_107 = arith.constant 0 : i32
        %dma_wait3A_108 = arith.constant 0 : i32
        %dma_wait3A_109 = arith.constant 0 : i32
        %dma_wait3A_110 = tpu.memref_slice %arg8[%dma_wait3A_106, %dma_wait3A_108, %dma_wait3A_109] : memref<2x128x128xf32, #tpu.memory_space<vmem>> -> memref<1x128x128xf32, #tpu.memory_space<vmem>>
        %dma_wait3A_111 = tpu.memref_squeeze %dma_wait3A_110 : memref<1x128x128xf32, #tpu.memory_space<vmem>> -> memref<128x128xf32, #tpu.memory_space<vmem>>
        %dma_wait3A_112 = arith.constant 0 : i32
        %dma_wait3A_113 = tpu.memref_slice %arg6[%add3A_105, %dma_wait3A_112] : memref<16x128xi32, #tpu.memory_space<vmem>> -> memref<1x128xi32, #tpu.memory_space<vmem>>
        %dma_wait3A_114 = tpu.memref_squeeze %dma_wait3A_113 : memref<1x128xi32, #tpu.memory_space<vmem>> -> memref<128xi32, #tpu.memory_space<vmem>>
        %dma_wait3A_115 = arith.constant 0 : i32
        %dma_wait3A_116 = arith.constant 0 : i32
        %dma_wait3A_117 = tpu.memref_slice %arg2[%dma_wait3A_115, %dma_wait3A_116] : memref<10000x128xf32, #tpu.memory_space<hbm>> -> memref<10000x128xf32, #tpu.memory_space<hbm>>
        %dma_wait3A_118 = tpu.memref_slice %arg10[%dma_wait3A_107] : memref<2x!tpu.dma_semaphore, #tpu.memory_space<semaphore_mem>> -> memref<1x!tpu.dma_semaphore, #tpu.memory_space<semaphore_mem>>
        %dma_wait3A_119 = tpu.memref_squeeze %dma_wait3A_118 : memref<1x!tpu.dma_semaphore, #tpu.memory_space<semaphore_mem>> -> memref<!tpu.dma_semaphore, #tpu.memory_space<semaphore_mem>>
        tpu.wait_indirect_dma semaphore(%dma_wait3A_119 : memref<!tpu.dma_semaphore, #tpu.memory_space<semaphore_mem>>) src(%dma_wait3A_117 : memref<10000x128xf32, #tpu.memory_space<hbm>>) dst(%dma_wait3A_111 : memref<128x128xf32, #tpu.memory_space<vmem>>)
        %dma_start3A_120 = arith.constant 0 : i32
        %dma_start3A_121 = arith.constant 0 : i32
        %dma_start3A_122 = arith.constant 0 : i32
        %dma_start3A_123 = arith.constant 0 : i32
        %dma_start3A_124 = tpu.memref_slice %arg8[%dma_start3A_120, %dma_start3A_122, %dma_start3A_123] : memref<2x128x128xf32, #tpu.memory_space<vmem>> -> memref<1x128x128xf32, #tpu.memory_space<vmem>>
        %dma_start3A_125 = tpu.memref_squeeze %dma_start3A_124 : memref<1x128x128xf32, #tpu.memory_space<vmem>> -> memref<128x128xf32, #tpu.memory_space<vmem>>
        %dma_start3A_126 = arith.constant 0 : i32
        %dma_start3A_127 = tpu.memref_slice %arg7[%add3A_105, %dma_start3A_126] : memref<16x128xi32, #tpu.memory_space<vmem>> -> memref<1x128xi32, #tpu.memory_space<vmem>>
        %dma_start3A_128 = tpu.memref_squeeze %dma_start3A_127 : memref<1x128xi32, #tpu.memory_space<vmem>> -> memref<128xi32, #tpu.memory_space<vmem>>
        %dma_start3A_129 = arith.constant 0 : i32
        %dma_start3A_130 = arith.constant 0 : i32
        %dma_start3A_131 = tpu.memref_slice %arg9[%dma_start3A_129, %dma_start3A_130] : memref<10240x128xf32, #tpu.memory_space<vmem_shared>> -> memref<10240x128xf32, #tpu.memory_space<vmem_shared>>
        %dma_start3A_132 = tpu.memref_slice %arg11[%dma_start3A_121] : memref<2x!tpu.dma_semaphore, #tpu.memory_space<semaphore_mem>> -> memref<1x!tpu.dma_semaphore, #tpu.memory_space<semaphore_mem>>
        %dma_start3A_133 = tpu.memref_squeeze %dma_start3A_132 : memref<1x!tpu.dma_semaphore, #tpu.memory_space<semaphore_mem>> -> memref<!tpu.dma_semaphore, #tpu.memory_space<semaphore_mem>>
        tpu.enqueue_indirect_dma source(%dma_start3A_125 : memref<128x128xf32, #tpu.memory_space<vmem>>) target(%dma_start3A_131 : memref<10240x128xf32, #tpu.memory_space<vmem_shared>>) offsets(%dma_start3A_128 : memref<128xi32, #tpu.memory_space<vmem>>) semaphore(%dma_start3A_133 : memref<!tpu.dma_semaphore, #tpu.memory_space<semaphore_mem>>) {add = true}
        %ge3A = arith.constant 1 : i32
        %ge3A_134 = arith.cmpi sge, %add3A_105, %ge3A : i32
        %convert_element_type3A_135 = arith.extui %ge3A_134 : i1 to i32
        %cond3A_136 = arith.constant 0 : i32
        %cond3A_137 = arith.cmpi ne, %convert_element_type3A_135, %cond3A_136 : i32
        scf.if %cond3A_137 {
          %sub3A_189 = arith.constant 1 : i32
          %sub3A_190 = arith.subi %add3A_105, %sub3A_189 : i32
          %dma_wait3A_191 = arith.constant 1 : i32
          %dma_wait3A_192 = arith.constant 1 : i32
          %dma_wait3A_193 = arith.constant 0 : i32
          %dma_wait3A_194 = arith.constant 0 : i32
          %dma_wait3A_195 = tpu.memref_slice %arg8[%dma_wait3A_191, %dma_wait3A_193, %dma_wait3A_194] : memref<2x128x128xf32, #tpu.memory_space<vmem>> -> memref<1x128x128xf32, #tpu.memory_space<vmem>>
          %dma_wait3A_196 = tpu.memref_squeeze %dma_wait3A_195 : memref<1x128x128xf32, #tpu.memory_space<vmem>> -> memref<128x128xf32, #tpu.memory_space<vmem>>
          %dma_wait3A_197 = arith.constant 0 : i32
          %dma_wait3A_198 = tpu.memref_slice %arg7[%sub3A_190, %dma_wait3A_197] : memref<16x128xi32, #tpu.memory_space<vmem>> -> memref<1x128xi32, #tpu.memory_space<vmem>>
          %dma_wait3A_199 = tpu.memref_squeeze %dma_wait3A_198 : memref<1x128xi32, #tpu.memory_space<vmem>> -> memref<128xi32, #tpu.memory_space<vmem>>
          %dma_wait3A_200 = arith.constant 0 : i32
          %dma_wait3A_201 = arith.constant 0 : i32
          %dma_wait3A_202 = tpu.memref_slice %arg9[%dma_wait3A_200, %dma_wait3A_201] : memref<10240x128xf32, #tpu.memory_space<vmem_shared>> -> memref<10240x128xf32, #tpu.memory_space<vmem_shared>>
          %dma_wait3A_203 = tpu.memref_slice %arg11[%dma_wait3A_192] : memref<2x!tpu.dma_semaphore, #tpu.memory_space<semaphore_mem>> -> memref<1x!tpu.dma_semaphore, #tpu.memory_space<semaphore_mem>>
          %dma_wait3A_204 = tpu.memref_squeeze %dma_wait3A_203 : memref<1x!tpu.dma_semaphore, #tpu.memory_space<semaphore_mem>> -> memref<!tpu.dma_semaphore, #tpu.memory_space<semaphore_mem>>
          tpu.wait_indirect_dma semaphore(%dma_wait3A_204 : memref<!tpu.dma_semaphore, #tpu.memory_space<semaphore_mem>>) src(%dma_wait3A_196 : memref<128x128xf32, #tpu.memory_space<vmem>>) dst(%dma_wait3A_202 : memref<10240x128xf32, #tpu.memory_space<vmem_shared>>)
        } else {
        }
        %add3A_138 = arith.constant 1 : i32
        %add3A_139 = arith.addi %add3A_105, %add3A_138 : i32
        %lt3A_140 = arith.constant 16 : i32
        %lt3A_141 = arith.cmpi slt, %add3A_139, %lt3A_140 : i32
        %convert_element_type3A_142 = arith.extui %lt3A_141 : i1 to i32
        %cond3A_143 = arith.constant 0 : i32
        %cond3A_144 = arith.cmpi ne, %convert_element_type3A_142, %cond3A_143 : i32
        scf.if %cond3A_144 {
          %add3A_189 = arith.constant 1 : i32
          %add3A_190 = arith.addi %add3A_105, %add3A_189 : i32
          %dma_start3A_191 = arith.constant 1 : i32
          %dma_start3A_192 = arith.constant 1 : i32
          %dma_start3A_193 = arith.constant 0 : i32
          %dma_start3A_194 = arith.constant 0 : i32
          %dma_start3A_195 = tpu.memref_slice %arg8[%dma_start3A_191, %dma_start3A_193, %dma_start3A_194] : memref<2x128x128xf32, #tpu.memory_space<vmem>> -> memref<1x128x128xf32, #tpu.memory_space<vmem>>
          %dma_start3A_196 = tpu.memref_squeeze %dma_start3A_195 : memref<1x128x128xf32, #tpu.memory_space<vmem>> -> memref<128x128xf32, #tpu.memory_space<vmem>>
          %dma_start3A_197 = arith.constant 0 : i32
          %dma_start3A_198 = tpu.memref_slice %arg6[%add3A_190, %dma_start3A_197] : memref<16x128xi32, #tpu.memory_space<vmem>> -> memref<1x128xi32, #tpu.memory_space<vmem>>
          %dma_start3A_199 = tpu.memref_squeeze %dma_start3A_198 : memref<1x128xi32, #tpu.memory_space<vmem>> -> memref<128xi32, #tpu.memory_space<vmem>>
          %dma_start3A_200 = arith.constant 0 : i32
          %dma_start3A_201 = arith.constant 0 : i32
          %dma_start3A_202 = tpu.memref_slice %arg2[%dma_start3A_200, %dma_start3A_201] : memref<10000x128xf32, #tpu.memory_space<hbm>> -> memref<10000x128xf32, #tpu.memory_space<hbm>>
          %dma_start3A_203 = tpu.memref_slice %arg10[%dma_start3A_192] : memref<2x!tpu.dma_semaphore, #tpu.memory_space<semaphore_mem>> -> memref<1x!tpu.dma_semaphore, #tpu.memory_space<semaphore_mem>>
          %dma_start3A_204 = tpu.memref_squeeze %dma_start3A_203 : memref<1x!tpu.dma_semaphore, #tpu.memory_space<semaphore_mem>> -> memref<!tpu.dma_semaphore, #tpu.memory_space<semaphore_mem>>
          tpu.enqueue_indirect_dma source(%dma_start3A_202 : memref<10000x128xf32, #tpu.memory_space<hbm>>) target(%dma_start3A_196 : memref<128x128xf32, #tpu.memory_space<vmem>>) offsets(%dma_start3A_199 : memref<128xi32, #tpu.memory_space<vmem>>) semaphore(%dma_start3A_204 : memref<!tpu.dma_semaphore, #tpu.memory_space<semaphore_mem>>)
        } else {
        }
        %mul3A_145 = arith.constant 2 : i32
        %mul3A_146 = arith.muli %scan3A_101, %mul3A_145 : i32
        %add3A_147 = arith.constant 1 : i32
        %add3A_148 = arith.addi %mul3A_146, %add3A_147 : i32
        %dma_wait3A_149 = arith.constant 1 : i32
        %dma_wait3A_150 = arith.constant 1 : i32
        %dma_wait3A_151 = arith.constant 0 : i32
        %dma_wait3A_152 = arith.constant 0 : i32
        %dma_wait3A_153 = tpu.memref_slice %arg8[%dma_wait3A_149, %dma_wait3A_151, %dma_wait3A_152] : memref<2x128x128xf32, #tpu.memory_space<vmem>> -> memref<1x128x128xf32, #tpu.memory_space<vmem>>
        %dma_wait3A_154 = tpu.memref_squeeze %dma_wait3A_153 : memref<1x128x128xf32, #tpu.memory_space<vmem>> -> memref<128x128xf32, #tpu.memory_space<vmem>>
        %dma_wait3A_155 = arith.constant 0 : i32
        %dma_wait3A_156 = tpu.memref_slice %arg6[%add3A_148, %dma_wait3A_155] : memref<16x128xi32, #tpu.memory_space<vmem>> -> memref<1x128xi32, #tpu.memory_space<vmem>>
        %dma_wait3A_157 = tpu.memref_squeeze %dma_wait3A_156 : memref<1x128xi32, #tpu.memory_space<vmem>> -> memref<128xi32, #tpu.memory_space<vmem>>
        %dma_wait3A_158 = arith.constant 0 : i32
        %dma_wait3A_159 = arith.constant 0 : i32
        %dma_wait3A_160 = tpu.memref_slice %arg2[%dma_wait3A_158, %dma_wait3A_159] : memref<10000x128xf32, #tpu.memory_space<hbm>> -> memref<10000x128xf32, #tpu.memory_space<hbm>>
        %dma_wait3A_161 = tpu.memref_slice %arg10[%dma_wait3A_150] : memref<2x!tpu.dma_semaphore, #tpu.memory_space<semaphore_mem>> -> memref<1x!tpu.dma_semaphore, #tpu.memory_space<semaphore_mem>>
        %dma_wait3A_162 = tpu.memref_squeeze %dma_wait3A_161 : memref<1x!tpu.dma_semaphore, #tpu.memory_space<semaphore_mem>> -> memref<!tpu.dma_semaphore, #tpu.memory_space<semaphore_mem>>
        tpu.wait_indirect_dma semaphore(%dma_wait3A_162 : memref<!tpu.dma_semaphore, #tpu.memory_space<semaphore_mem>>) src(%dma_wait3A_160 : memref<10000x128xf32, #tpu.memory_space<hbm>>) dst(%dma_wait3A_154 : memref<128x128xf32, #tpu.memory_space<vmem>>)
        %dma_start3A_163 = arith.constant 1 : i32
        %dma_start3A_164 = arith.constant 1 : i32
        %dma_start3A_165 = arith.constant 0 : i32
        %dma_start3A_166 = arith.constant 0 : i32
        %dma_start3A_167 = tpu.memref_slice %arg8[%dma_start3A_163, %dma_start3A_165, %dma_start3A_166] : memref<2x128x128xf32, #tpu.memory_space<vmem>> -> memref<1x128x128xf32, #tpu.memory_space<vmem>>
        %dma_start3A_168 = tpu.memref_squeeze %dma_start3A_167 : memref<1x128x128xf32, #tpu.memory_space<vmem>> -> memref<128x128xf32, #tpu.memory_space<vmem>>
        %dma_start3A_169 = arith.constant 0 : i32
        %dma_start3A_170 = tpu.memref_slice %arg7[%add3A_148, %dma_start3A_169] : memref<16x128xi32, #tpu.memory_space<vmem>> -> memref<1x128xi32, #tpu.memory_space<vmem>>
        %dma_start3A_171 = tpu.memref_squeeze %dma_start3A_170 : memref<1x128xi32, #tpu.memory_space<vmem>> -> memref<128xi32, #tpu.memory_space<vmem>>
        %dma_start3A_172 = arith.constant 0 : i32
        %dma_start3A_173 = arith.constant 0 : i32
        %dma_start3A_174 = tpu.memref_slice %arg9[%dma_start3A_172, %dma_start3A_173] : memref<10240x128xf32, #tpu.memory_space<vmem_shared>> -> memref<10240x128xf32, #tpu.memory_space<vmem_shared>>
        %dma_start3A_175 = tpu.memref_slice %arg11[%dma_start3A_164] : memref<2x!tpu.dma_semaphore, #tpu.memory_space<semaphore_mem>> -> memref<1x!tpu.dma_semaphore, #tpu.memory_space<semaphore_mem>>
        %dma_start3A_176 = tpu.memref_squeeze %dma_start3A_175 : memref<1x!tpu.dma_semaphore, #tpu.memory_space<semaphore_mem>> -> memref<!tpu.dma_semaphore, #tpu.memory_space<semaphore_mem>>
        tpu.enqueue_indirect_dma source(%dma_start3A_168 : memref<128x128xf32, #tpu.memory_space<vmem>>) target(%dma_start3A_174 : memref<10240x128xf32, #tpu.memory_space<vmem_shared>>) offsets(%dma_start3A_171 : memref<128xi32, #tpu.memory_space<vmem>>) semaphore(%dma_start3A_176 : memref<!tpu.dma_semaphore, #tpu.memory_space<semaphore_mem>>) {add = true}
        %ge3A_177 = arith.constant 1 : i32
        %ge3A_178 = arith.cmpi sge, %add3A_148, %ge3A_177 : i32
        %convert_element_type3A_179 = arith.extui %ge3A_178 : i1 to i32
        %cond3A_180 = arith.constant 0 : i32
        %cond3A_181 = arith.cmpi ne, %convert_element_type3A_179, %cond3A_180 : i32
        scf.if %cond3A_181 {
          %sub3A_189 = arith.constant 1 : i32
          %sub3A_190 = arith.subi %add3A_148, %sub3A_189 : i32
          %dma_wait3A_191 = arith.constant 0 : i32
          %dma_wait3A_192 = arith.constant 0 : i32
          %dma_wait3A_193 = arith.constant 0 : i32
          %dma_wait3A_194 = arith.constant 0 : i32
          %dma_wait3A_195 = tpu.memref_slice %arg8[%dma_wait3A_191, %dma_wait3A_193, %dma_wait3A_194] : memref<2x128x128xf32, #tpu.memory_space<vmem>> -> memref<1x128x128xf32, #tpu.memory_space<vmem>>
          %dma_wait3A_196 = tpu.memref_squeeze %dma_wait3A_195 : memref<1x128x128xf32, #tpu.memory_space<vmem>> -> memref<128x128xf32, #tpu.memory_space<vmem>>
          %dma_wait3A_197 = arith.constant 0 : i32
          %dma_wait3A_198 = tpu.memref_slice %arg7[%sub3A_190, %dma_wait3A_197] : memref<16x128xi32, #tpu.memory_space<vmem>> -> memref<1x128xi32, #tpu.memory_space<vmem>>
          %dma_wait3A_199 = tpu.memref_squeeze %dma_wait3A_198 : memref<1x128xi32, #tpu.memory_space<vmem>> -> memref<128xi32, #tpu.memory_space<vmem>>
          %dma_wait3A_200 = arith.constant 0 : i32
          %dma_wait3A_201 = arith.constant 0 : i32
          %dma_wait3A_202 = tpu.memref_slice %arg9[%dma_wait3A_200, %dma_wait3A_201] : memref<10240x128xf32, #tpu.memory_space<vmem_shared>> -> memref<10240x128xf32, #tpu.memory_space<vmem_shared>>
          %dma_wait3A_203 = tpu.memref_slice %arg11[%dma_wait3A_192] : memref<2x!tpu.dma_semaphore, #tpu.memory_space<semaphore_mem>> -> memref<1x!tpu.dma_semaphore, #tpu.memory_space<semaphore_mem>>
          %dma_wait3A_204 = tpu.memref_squeeze %dma_wait3A_203 : memref<1x!tpu.dma_semaphore, #tpu.memory_space<semaphore_mem>> -> memref<!tpu.dma_semaphore, #tpu.memory_space<semaphore_mem>>
          tpu.wait_indirect_dma semaphore(%dma_wait3A_204 : memref<!tpu.dma_semaphore, #tpu.memory_space<semaphore_mem>>) src(%dma_wait3A_196 : memref<128x128xf32, #tpu.memory_space<vmem>>) dst(%dma_wait3A_202 : memref<10240x128xf32, #tpu.memory_space<vmem_shared>>)
        } else {
        }
        %add3A_182 = arith.constant 1 : i32
        %add3A_183 = arith.addi %add3A_148, %add3A_182 : i32
        %lt3A_184 = arith.constant 16 : i32
        %lt3A_185 = arith.cmpi slt, %add3A_183, %lt3A_184 : i32
        %convert_element_type3A_186 = arith.extui %lt3A_185 : i1 to i32
        %cond3A_187 = arith.constant 0 : i32
        %cond3A_188 = arith.cmpi ne, %convert_element_type3A_186, %cond3A_187 : i32
        scf.if %cond3A_188 {
          %add3A_189 = arith.constant 1 : i32
          %add3A_190 = arith.addi %add3A_148, %add3A_189 : i32
          %dma_start3A_191 = arith.constant 0 : i32
          %dma_start3A_192 = arith.constant 0 : i32
          %dma_start3A_193 = arith.constant 0 : i32
          %dma_start3A_194 = arith.constant 0 : i32
          %dma_start3A_195 = tpu.memref_slice %arg8[%dma_start3A_191, %dma_start3A_193, %dma_start3A_194] : memref<2x128x128xf32, #tpu.memory_space<vmem>> -> memref<1x128x128xf32, #tpu.memory_space<vmem>>
          %dma_start3A_196 = tpu.memref_squeeze %dma_start3A_195 : memref<1x128x128xf32, #tpu.memory_space<vmem>> -> memref<128x128xf32, #tpu.memory_space<vmem>>
          %dma_start3A_197 = arith.constant 0 : i32
          %dma_start3A_198 = tpu.memref_slice %arg6[%add3A_190, %dma_start3A_197] : memref<16x128xi32, #tpu.memory_space<vmem>> -> memref<1x128xi32, #tpu.memory_space<vmem>>
          %dma_start3A_199 = tpu.memref_squeeze %dma_start3A_198 : memref<1x128xi32, #tpu.memory_space<vmem>> -> memref<128xi32, #tpu.memory_space<vmem>>
          %dma_start3A_200 = arith.constant 0 : i32
          %dma_start3A_201 = arith.constant 0 : i32
          %dma_start3A_202 = tpu.memref_slice %arg2[%dma_start3A_200, %dma_start3A_201] : memref<10000x128xf32, #tpu.memory_space<hbm>> -> memref<10000x128xf32, #tpu.memory_space<hbm>>
          %dma_start3A_203 = tpu.memref_slice %arg10[%dma_start3A_192] : memref<2x!tpu.dma_semaphore, #tpu.memory_space<semaphore_mem>> -> memref<1x!tpu.dma_semaphore, #tpu.memory_space<semaphore_mem>>
          %dma_start3A_204 = tpu.memref_squeeze %dma_start3A_203 : memref<1x!tpu.dma_semaphore, #tpu.memory_space<semaphore_mem>> -> memref<!tpu.dma_semaphore, #tpu.memory_space<semaphore_mem>>
          tpu.enqueue_indirect_dma source(%dma_start3A_202 : memref<10000x128xf32, #tpu.memory_space<hbm>>) target(%dma_start3A_196 : memref<128x128xf32, #tpu.memory_space<vmem>>) offsets(%dma_start3A_199 : memref<128xi32, #tpu.memory_space<vmem>>) semaphore(%dma_start3A_204 : memref<!tpu.dma_semaphore, #tpu.memory_space<semaphore_mem>>)
        } else {
        }
      }
      %scan3A_85 = arith.constant 8 : i32
      %dma_wait3A_86 = arith.constant 1 : i32
      %dma_wait3A_87 = arith.constant 15 : i32
      %dma_wait3A_88 = arith.constant 1 : i32
      %dma_wait3A_89 = arith.constant 0 : i32
      %dma_wait3A_90 = arith.constant 0 : i32
      %dma_wait3A_91 = tpu.memref_slice %arg8[%dma_wait3A_86, %dma_wait3A_89, %dma_wait3A_90] : memref<2x128x128xf32, #tpu.memory_space<vmem>> -> memref<1x128x128xf32, #tpu.memory_space<vmem>>
      %dma_wait3A_92 = tpu.memref_squeeze %dma_wait3A_91 : memref<1x128x128xf32, #tpu.memory_space<vmem>> -> memref<128x128xf32, #tpu.memory_space<vmem>>
      %dma_wait3A_93 = arith.constant 0 : i32
      %dma_wait3A_94 = tpu.memref_slice %arg7[%dma_wait3A_87, %dma_wait3A_93] : memref<16x128xi32, #tpu.memory_space<vmem>> -> memref<1x128xi32, #tpu.memory_space<vmem>>
      %dma_wait3A_95 = tpu.memref_squeeze %dma_wait3A_94 : memref<1x128xi32, #tpu.memory_space<vmem>> -> memref<128xi32, #tpu.memory_space<vmem>>
      %dma_wait3A_96 = arith.constant 0 : i32
      %dma_wait3A_97 = arith.constant 0 : i32
      %dma_wait3A_98 = tpu.memref_slice %arg9[%dma_wait3A_96, %dma_wait3A_97] : memref<10240x128xf32, #tpu.memory_space<vmem_shared>> -> memref<10240x128xf32, #tpu.memory_space<vmem_shared>>
      %dma_wait3A_99 = tpu.memref_slice %arg11[%dma_wait3A_88] : memref<2x!tpu.dma_semaphore, #tpu.memory_space<semaphore_mem>> -> memref<1x!tpu.dma_semaphore, #tpu.memory_space<semaphore_mem>>
      %dma_wait3A_100 = tpu.memref_squeeze %dma_wait3A_99 : memref<1x!tpu.dma_semaphore, #tpu.memory_space<semaphore_mem>> -> memref<!tpu.dma_semaphore, #tpu.memory_space<semaphore_mem>>
      tpu.wait_indirect_dma semaphore(%dma_wait3A_100 : memref<!tpu.dma_semaphore, #tpu.memory_space<semaphore_mem>>) src(%dma_wait3A_92 : memref<128x128xf32, #tpu.memory_space<vmem>>) dst(%dma_wait3A_98 : memref<10240x128xf32, #tpu.memory_space<vmem_shared>>)
    }
    %while3A_37 = arith.constant 1 : i32
    scf.for %while3A_44 = %while3A_35 to %while3A_31 step %while3A_37  : i32 {
      %mul3A_45 = arith.constant 16 : i32
      %mul3A_46 = arith.muli %while3A_44, %mul3A_45 : i32
      %add3A_47 = arith.addi %select_n3A_8, %mul3A_46 : i32
      %dma_start3A = arith.constant 0 : i32
      %dma_start3A_48 = tpu.memref_slice %arg3[%add3A_47, %dma_start3A] : memref<2560x128xi32, #tpu.memory_space<hbm>> -> memref<16x128xi32, #tpu.memory_space<hbm>>
      %dma_start3A_49 = arith.constant 0 : i32
      %dma_start3A_50 = tpu.memref_slice %arg3[%add3A_47, %dma_start3A_49] : memref<2560x128xi32, #tpu.memory_space<hbm>> -> memref<16x128xi32, #tpu.memory_space<hbm>>
      tpu.enqueue_dma source(%dma_start3A_50 : memref<16x128xi32, #tpu.memory_space<hbm>>) target(%arg6 : memref<16x128xi32, #tpu.memory_space<vmem>>) target_semaphore(%arg12 : memref<!tpu.dma_semaphore, #tpu.memory_space<semaphore_mem>>)
      %dma_start3A_51 = arith.constant 0 : i32
      %dma_start3A_52 = tpu.memref_slice %arg4[%add3A_47, %dma_start3A_51] : memref<2560x128xi32, #tpu.memory_space<hbm>> -> memref<16x128xi32, #tpu.memory_space<hbm>>
      %dma_start3A_53 = arith.constant 0 : i32
      %dma_start3A_54 = tpu.memref_slice %arg4[%add3A_47, %dma_start3A_53] : memref<2560x128xi32, #tpu.memory_space<hbm>> -> memref<16x128xi32, #tpu.memory_space<hbm>>
      tpu.enqueue_dma source(%dma_start3A_54 : memref<16x128xi32, #tpu.memory_space<hbm>>) target(%arg7 : memref<16x128xi32, #tpu.memory_space<vmem>>) target_semaphore(%arg12 : memref<!tpu.dma_semaphore, #tpu.memory_space<semaphore_mem>>)
      %dma_wait3A = arith.constant 0 : i32
      %dma_wait3A_55 = arith.constant 0 : i32
      %dma_wait3A_56 = tpu.memref_slice %arg3[%dma_wait3A, %dma_wait3A_55] : memref<2560x128xi32, #tpu.memory_space<hbm>> -> memref<16x128xi32, #tpu.memory_space<hbm>>
      %dma_wait3A_57 = arith.constant 0 : i32
      %dma_wait3A_58 = arith.constant 0 : i32
      %dma_wait3A_59 = tpu.memref_slice %arg3[%dma_wait3A_57, %dma_wait3A_58] : memref<2560x128xi32, #tpu.memory_space<hbm>> -> memref<16x128xi32, #tpu.memory_space<hbm>>
      tpu.wait_dma2 semaphore(%arg12 : memref<!tpu.dma_semaphore, #tpu.memory_space<semaphore_mem>>) src(%dma_wait3A_59 : memref<16x128xi32, #tpu.memory_space<hbm>>) dst(%arg6 : memref<16x128xi32, #tpu.memory_space<vmem>>)
      %dma_wait3A_60 = arith.constant 0 : i32
      %dma_wait3A_61 = arith.constant 0 : i32
      %dma_wait3A_62 = tpu.memref_slice %arg4[%dma_wait3A_60, %dma_wait3A_61] : memref<2560x128xi32, #tpu.memory_space<hbm>> -> memref<16x128xi32, #tpu.memory_space<hbm>>
      %dma_wait3A_63 = arith.constant 0 : i32
      %dma_wait3A_64 = arith.constant 0 : i32
      %dma_wait3A_65 = tpu.memref_slice %arg4[%dma_wait3A_63, %dma_wait3A_64] : memref<2560x128xi32, #tpu.memory_space<hbm>> -> memref<16x128xi32, #tpu.memory_space<hbm>>
      tpu.wait_dma2 semaphore(%arg12 : memref<!tpu.dma_semaphore, #tpu.memory_space<semaphore_mem>>) src(%dma_wait3A_65 : memref<16x128xi32, #tpu.memory_space<hbm>>) dst(%arg7 : memref<16x128xi32, #tpu.memory_space<vmem>>)
      %dma_start3A_66 = arith.constant 0 : i32
      %dma_start3A_67 = arith.constant 0 : i32
      %dma_start3A_68 = arith.constant 0 : i32
      %dma_start3A_69 = arith.constant 0 : i32
      %dma_start3A_70 = arith.constant 0 : i32
      %dma_start3A_71 = tpu.memref_slice %arg8[%dma_start3A_67, %dma_start3A_69, %dma_start3A_70] : memref<2x128x128xf32, #tpu.memory_space<vmem>> -> memref<1x128x128xf32, #tpu.memory_space<vmem>>
      %dma_start3A_72 = tpu.memref_squeeze %dma_start3A_71 : memref<1x128x128xf32, #tpu.memory_space<vmem>> -> memref<128x128xf32, #tpu.memory_space<vmem>>
      %dma_start3A_73 = arith.constant 0 : i32
      %dma_start3A_74 = tpu.memref_slice %arg6[%dma_start3A_66, %dma_start3A_73] : memref<16x128xi32, #tpu.memory_space<vmem>> -> memref<1x128xi32, #tpu.memory_space<vmem>>
      %dma_start3A_75 = tpu.memref_squeeze %dma_start3A_74 : memref<1x128xi32, #tpu.memory_space<vmem>> -> memref<128xi32, #tpu.memory_space<vmem>>
      %dma_start3A_76 = arith.constant 0 : i32
      %dma_start3A_77 = arith.constant 0 : i32
      %dma_start3A_78 = tpu.memref_slice %arg2[%dma_start3A_76, %dma_start3A_77] : memref<10000x128xf32, #tpu.memory_space<hbm>> -> memref<10000x128xf32, #tpu.memory_space<hbm>>
      %dma_start3A_79 = tpu.memref_slice %arg10[%dma_start3A_68] : memref<2x!tpu.dma_semaphore, #tpu.memory_space<semaphore_mem>> -> memref<1x!tpu.dma_semaphore, #tpu.memory_space<semaphore_mem>>
      %dma_start3A_80 = tpu.memref_squeeze %dma_start3A_79 : memref<1x!tpu.dma_semaphore, #tpu.memory_space<semaphore_mem>> -> memref<!tpu.dma_semaphore, #tpu.memory_space<semaphore_mem>>
      tpu.enqueue_indirect_dma source(%dma_start3A_78 : memref<10000x128xf32, #tpu.memory_space<hbm>>) target(%dma_start3A_72 : memref<128x128xf32, #tpu.memory_space<vmem>>) offsets(%dma_start3A_75 : memref<128xi32, #tpu.memory_space<vmem>>) semaphore(%dma_start3A_80 : memref<!tpu.dma_semaphore, #tpu.memory_space<semaphore_mem>>)
      %scan3A = arith.constant 0 : i32
      %scan3A_81 = arith.constant 0 : i32
      %scan3A_82 = arith.constant 8 : i32
      %scan3A_83 = arith.addi %scan3A_81, %scan3A_82 : i32
      %scan3A_84 = arith.constant 1 : i32
      scf.for %scan3A_101 = %scan3A_81 to %scan3A_83 step %scan3A_84  : i32 {
        %mul3A_102 = arith.constant 2 : i32
        %mul3A_103 = arith.muli %scan3A_101, %mul3A_102 : i32
        %add3A_104 = arith.constant 0 : i32
        %add3A_105 = arith.addi %mul3A_103, %add3A_104 : i32
        %dma_wait3A_106 = arith.constant 0 : i32
        %dma_wait3A_107 = arith.constant 0 : i32
        %dma_wait3A_108 = arith.constant 0 : i32
        %dma_wait3A_109 = arith.constant 0 : i32
        %dma_wait3A_110 = tpu.memref_slice %arg8[%dma_wait3A_106, %dma_wait3A_108, %dma_wait3A_109] : memref<2x128x128xf32, #tpu.memory_space<vmem>> -> memref<1x128x128xf32, #tpu.memory_space<vmem>>
        %dma_wait3A_111 = tpu.memref_squeeze %dma_wait3A_110 : memref<1x128x128xf32, #tpu.memory_space<vmem>> -> memref<128x128xf32, #tpu.memory_space<vmem>>
        %dma_wait3A_112 = arith.constant 0 : i32
        %dma_wait3A_113 = tpu.memref_slice %arg6[%add3A_105, %dma_wait3A_112] : memref<16x128xi32, #tpu.memory_space<vmem>> -> memref<1x128xi32, #tpu.memory_space<vmem>>
        %dma_wait3A_114 = tpu.memref_squeeze %dma_wait3A_113 : memref<1x128xi32, #tpu.memory_space<vmem>> -> memref<128xi32, #tpu.memory_space<vmem>>
        %dma_wait3A_115 = arith.constant 0 : i32
        %dma_wait3A_116 = arith.constant 0 : i32
        %dma_wait3A_117 = tpu.memref_slice %arg2[%dma_wait3A_115, %dma_wait3A_116] : memref<10000x128xf32, #tpu.memory_space<hbm>> -> memref<10000x128xf32, #tpu.memory_space<hbm>>
        %dma_wait3A_118 = tpu.memref_slice %arg10[%dma_wait3A_107] : memref<2x!tpu.dma_semaphore, #tpu.memory_space<semaphore_mem>> -> memref<1x!tpu.dma_semaphore, #tpu.memory_space<semaphore_mem>>
        %dma_wait3A_119 = tpu.memref_squeeze %dma_wait3A_118 : memref<1x!tpu.dma_semaphore, #tpu.memory_space<semaphore_mem>> -> memref<!tpu.dma_semaphore, #tpu.memory_space<semaphore_mem>>
        tpu.wait_indirect_dma semaphore(%dma_wait3A_119 : memref<!tpu.dma_semaphore, #tpu.memory_space<semaphore_mem>>) src(%dma_wait3A_117 : memref<10000x128xf32, #tpu.memory_space<hbm>>) dst(%dma_wait3A_111 : memref<128x128xf32, #tpu.memory_space<vmem>>)
        %dma_start3A_120 = arith.constant 0 : i32
        %dma_start3A_121 = arith.constant 0 : i32
        %dma_start3A_122 = arith.constant 0 : i32
        %dma_start3A_123 = arith.constant 0 : i32
        %dma_start3A_124 = tpu.memref_slice %arg8[%dma_start3A_120, %dma_start3A_122, %dma_start3A_123] : memref<2x128x128xf32, #tpu.memory_space<vmem>> -> memref<1x128x128xf32, #tpu.memory_space<vmem>>
        %dma_start3A_125 = tpu.memref_squeeze %dma_start3A_124 : memref<1x128x128xf32, #tpu.memory_space<vmem>> -> memref<128x128xf32, #tpu.memory_space<vmem>>
        %dma_start3A_126 = arith.constant 0 : i32
        %dma_start3A_127 = tpu.memref_slice %arg7[%add3A_105, %dma_start3A_126] : memref<16x128xi32, #tpu.memory_space<vmem>> -> memref<1x128xi32, #tpu.memory_space<vmem>>
        %dma_start3A_128 = tpu.memref_squeeze %dma_start3A_127 : memref<1x128xi32, #tpu.memory_space<vmem>> -> memref<128xi32, #tpu.memory_space<vmem>>
        %dma_start3A_129 = arith.constant 0 : i32
        %dma_start3A_130 = arith.constant 0 : i32
        %dma_start3A_131 = tpu.memref_slice %arg9[%dma_start3A_129, %dma_start3A_130] : memref<10240x128xf32, #tpu.memory_space<vmem_shared>> -> memref<10240x128xf32, #tpu.memory_space<vmem_shared>>
        %dma_start3A_132 = tpu.memref_slice %arg11[%dma_start3A_121] : memref<2x!tpu.dma_semaphore, #tpu.memory_space<semaphore_mem>> -> memref<1x!tpu.dma_semaphore, #tpu.memory_space<semaphore_mem>>
        %dma_start3A_133 = tpu.memref_squeeze %dma_start3A_132 : memref<1x!tpu.dma_semaphore, #tpu.memory_space<semaphore_mem>> -> memref<!tpu.dma_semaphore, #tpu.memory_space<semaphore_mem>>
        tpu.enqueue_indirect_dma source(%dma_start3A_125 : memref<128x128xf32, #tpu.memory_space<vmem>>) target(%dma_start3A_131 : memref<10240x128xf32, #tpu.memory_space<vmem_shared>>) offsets(%dma_start3A_128 : memref<128xi32, #tpu.memory_space<vmem>>) semaphore(%dma_start3A_133 : memref<!tpu.dma_semaphore, #tpu.memory_space<semaphore_mem>>) {add = true}
        %ge3A = arith.constant 1 : i32
        %ge3A_134 = arith.cmpi sge, %add3A_105, %ge3A : i32
        %convert_element_type3A_135 = arith.extui %ge3A_134 : i1 to i32
        %cond3A_136 = arith.constant 0 : i32
        %cond3A_137 = arith.cmpi ne, %convert_element_type3A_135, %cond3A_136 : i32
        scf.if %cond3A_137 {
          %sub3A_189 = arith.constant 1 : i32
          %sub3A_190 = arith.subi %add3A_105, %sub3A_189 : i32
          %dma_wait3A_191 = arith.constant 1 : i32
          %dma_wait3A_192 = arith.constant 1 : i32
          %dma_wait3A_193 = arith.constant 0 : i32
          %dma_wait3A_194 = arith.constant 0 : i32
          %dma_wait3A_195 = tpu.memref_slice %arg8[%dma_wait3A_191, %dma_wait3A_193, %dma_wait3A_194] : memref<2x128x128xf32, #tpu.memory_space<vmem>> -> memref<1x128x128xf32, #tpu.memory_space<vmem>>
          %dma_wait3A_196 = tpu.memref_squeeze %dma_wait3A_195 : memref<1x128x128xf32, #tpu.memory_space<vmem>> -> memref<128x128xf32, #tpu.memory_space<vmem>>
          %dma_wait3A_197 = arith.constant 0 : i32
          %dma_wait3A_198 = tpu.memref_slice %arg7[%sub3A_190, %dma_wait3A_197] : memref<16x128xi32, #tpu.memory_space<vmem>> -> memref<1x128xi32, #tpu.memory_space<vmem>>
          %dma_wait3A_199 = tpu.memref_squeeze %dma_wait3A_198 : memref<1x128xi32, #tpu.memory_space<vmem>> -> memref<128xi32, #tpu.memory_space<vmem>>
          %dma_wait3A_200 = arith.constant 0 : i32
          %dma_wait3A_201 = arith.constant 0 : i32
          %dma_wait3A_202 = tpu.memref_slice %arg9[%dma_wait3A_200, %dma_wait3A_201] : memref<10240x128xf32, #tpu.memory_space<vmem_shared>> -> memref<10240x128xf32, #tpu.memory_space<vmem_shared>>
          %dma_wait3A_203 = tpu.memref_slice %arg11[%dma_wait3A_192] : memref<2x!tpu.dma_semaphore, #tpu.memory_space<semaphore_mem>> -> memref<1x!tpu.dma_semaphore, #tpu.memory_space<semaphore_mem>>
          %dma_wait3A_204 = tpu.memref_squeeze %dma_wait3A_203 : memref<1x!tpu.dma_semaphore, #tpu.memory_space<semaphore_mem>> -> memref<!tpu.dma_semaphore, #tpu.memory_space<semaphore_mem>>
          tpu.wait_indirect_dma semaphore(%dma_wait3A_204 : memref<!tpu.dma_semaphore, #tpu.memory_space<semaphore_mem>>) src(%dma_wait3A_196 : memref<128x128xf32, #tpu.memory_space<vmem>>) dst(%dma_wait3A_202 : memref<10240x128xf32, #tpu.memory_space<vmem_shared>>)
        } else {
        }
        %add3A_138 = arith.constant 1 : i32
        %add3A_139 = arith.addi %add3A_105, %add3A_138 : i32
        %lt3A_140 = arith.constant 16 : i32
        %lt3A_141 = arith.cmpi slt, %add3A_139, %lt3A_140 : i32
        %convert_element_type3A_142 = arith.extui %lt3A_141 : i1 to i32
        %cond3A_143 = arith.constant 0 : i32
        %cond3A_144 = arith.cmpi ne, %convert_element_type3A_142, %cond3A_143 : i32
        scf.if %cond3A_144 {
          %add3A_189 = arith.constant 1 : i32
          %add3A_190 = arith.addi %add3A_105, %add3A_189 : i32
          %dma_start3A_191 = arith.constant 1 : i32
          %dma_start3A_192 = arith.constant 1 : i32
          %dma_start3A_193 = arith.constant 0 : i32
          %dma_start3A_194 = arith.constant 0 : i32
          %dma_start3A_195 = tpu.memref_slice %arg8[%dma_start3A_191, %dma_start3A_193, %dma_start3A_194] : memref<2x128x128xf32, #tpu.memory_space<vmem>> -> memref<1x128x128xf32, #tpu.memory_space<vmem>>
          %dma_start3A_196 = tpu.memref_squeeze %dma_start3A_195 : memref<1x128x128xf32, #tpu.memory_space<vmem>> -> memref<128x128xf32, #tpu.memory_space<vmem>>
          %dma_start3A_197 = arith.constant 0 : i32
          %dma_start3A_198 = tpu.memref_slice %arg6[%add3A_190, %dma_start3A_197] : memref<16x128xi32, #tpu.memory_space<vmem>> -> memref<1x128xi32, #tpu.memory_space<vmem>>
          %dma_start3A_199 = tpu.memref_squeeze %dma_start3A_198 : memref<1x128xi32, #tpu.memory_space<vmem>> -> memref<128xi32, #tpu.memory_space<vmem>>
          %dma_start3A_200 = arith.constant 0 : i32
          %dma_start3A_201 = arith.constant 0 : i32
          %dma_start3A_202 = tpu.memref_slice %arg2[%dma_start3A_200, %dma_start3A_201] : memref<10000x128xf32, #tpu.memory_space<hbm>> -> memref<10000x128xf32, #tpu.memory_space<hbm>>
          %dma_start3A_203 = tpu.memref_slice %arg10[%dma_start3A_192] : memref<2x!tpu.dma_semaphore, #tpu.memory_space<semaphore_mem>> -> memref<1x!tpu.dma_semaphore, #tpu.memory_space<semaphore_mem>>
          %dma_start3A_204 = tpu.memref_squeeze %dma_start3A_203 : memref<1x!tpu.dma_semaphore, #tpu.memory_space<semaphore_mem>> -> memref<!tpu.dma_semaphore, #tpu.memory_space<semaphore_mem>>
          tpu.enqueue_indirect_dma source(%dma_start3A_202 : memref<10000x128xf32, #tpu.memory_space<hbm>>) target(%dma_start3A_196 : memref<128x128xf32, #tpu.memory_space<vmem>>) offsets(%dma_start3A_199 : memref<128xi32, #tpu.memory_space<vmem>>) semaphore(%dma_start3A_204 : memref<!tpu.dma_semaphore, #tpu.memory_space<semaphore_mem>>)
        } else {
        }
        %mul3A_145 = arith.constant 2 : i32
        %mul3A_146 = arith.muli %scan3A_101, %mul3A_145 : i32
        %add3A_147 = arith.constant 1 : i32
        %add3A_148 = arith.addi %mul3A_146, %add3A_147 : i32
        %dma_wait3A_149 = arith.constant 1 : i32
        %dma_wait3A_150 = arith.constant 1 : i32
        %dma_wait3A_151 = arith.constant 0 : i32
        %dma_wait3A_152 = arith.constant 0 : i32
        %dma_wait3A_153 = tpu.memref_slice %arg8[%dma_wait3A_149, %dma_wait3A_151, %dma_wait3A_152] : memref<2x128x128xf32, #tpu.memory_space<vmem>> -> memref<1x128x128xf32, #tpu.memory_space<vmem>>
        %dma_wait3A_154 = tpu.memref_squeeze %dma_wait3A_153 : memref<1x128x128xf32, #tpu.memory_space<vmem>> -> memref<128x128xf32, #tpu.memory_space<vmem>>
        %dma_wait3A_155 = arith.constant 0 : i32
        %dma_wait3A_156 = tpu.memref_slice %arg6[%add3A_148, %dma_wait3A_155] : memref<16x128xi32, #tpu.memory_space<vmem>> -> memref<1x128xi32, #tpu.memory_space<vmem>>
        %dma_wait3A_157 = tpu.memref_squeeze %dma_wait3A_156 : memref<1x128xi32, #tpu.memory_space<vmem>> -> memref<128xi32, #tpu.memory_space<vmem>>
        %dma_wait3A_158 = arith.constant 0 : i32
        %dma_wait3A_159 = arith.constant 0 : i32
        %dma_wait3A_160 = tpu.memref_slice %arg2[%dma_wait3A_158, %dma_wait3A_159] : memref<10000x128xf32, #tpu.memory_space<hbm>> -> memref<10000x128xf32, #tpu.memory_space<hbm>>
        %dma_wait3A_161 = tpu.memref_slice %arg10[%dma_wait3A_150] : memref<2x!tpu.dma_semaphore, #tpu.memory_space<semaphore_mem>> -> memref<1x!tpu.dma_semaphore, #tpu.memory_space<semaphore_mem>>
        %dma_wait3A_162 = tpu.memref_squeeze %dma_wait3A_161 : memref<1x!tpu.dma_semaphore, #tpu.memory_space<semaphore_mem>> -> memref<!tpu.dma_semaphore, #tpu.memory_space<semaphore_mem>>
        tpu.wait_indirect_dma semaphore(%dma_wait3A_162 : memref<!tpu.dma_semaphore, #tpu.memory_space<semaphore_mem>>) src(%dma_wait3A_160 : memref<10000x128xf32, #tpu.memory_space<hbm>>) dst(%dma_wait3A_154 : memref<128x128xf32, #tpu.memory_space<vmem>>)
        %dma_start3A_163 = arith.constant 1 : i32
        %dma_start3A_164 = arith.constant 1 : i32
        %dma_start3A_165 = arith.constant 0 : i32
        %dma_start3A_166 = arith.constant 0 : i32
        %dma_start3A_167 = tpu.memref_slice %arg8[%dma_start3A_163, %dma_start3A_165, %dma_start3A_166] : memref<2x128x128xf32, #tpu.memory_space<vmem>> -> memref<1x128x128xf32, #tpu.memory_space<vmem>>
        %dma_start3A_168 = tpu.memref_squeeze %dma_start3A_167 : memref<1x128x128xf32, #tpu.memory_space<vmem>> -> memref<128x128xf32, #tpu.memory_space<vmem>>
        %dma_start3A_169 = arith.constant 0 : i32
        %dma_start3A_170 = tpu.memref_slice %arg7[%add3A_148, %dma_start3A_169] : memref<16x128xi32, #tpu.memory_space<vmem>> -> memref<1x128xi32, #tpu.memory_space<vmem>>
        %dma_start3A_171 = tpu.memref_squeeze %dma_start3A_170 : memref<1x128xi32, #tpu.memory_space<vmem>> -> memref<128xi32, #tpu.memory_space<vmem>>
        %dma_start3A_172 = arith.constant 0 : i32
        %dma_start3A_173 = arith.constant 0 : i32
        %dma_start3A_174 = tpu.memref_slice %arg9[%dma_start3A_172, %dma_start3A_173] : memref<10240x128xf32, #tpu.memory_space<vmem_shared>> -> memref<10240x128xf32, #tpu.memory_space<vmem_shared>>
        %dma_start3A_175 = tpu.memref_slice %arg11[%dma_start3A_164] : memref<2x!tpu.dma_semaphore, #tpu.memory_space<semaphore_mem>> -> memref<1x!tpu.dma_semaphore, #tpu.memory_space<semaphore_mem>>
        %dma_start3A_176 = tpu.memref_squeeze %dma_start3A_175 : memref<1x!tpu.dma_semaphore, #tpu.memory_space<semaphore_mem>> -> memref<!tpu.dma_semaphore, #tpu.memory_space<semaphore_mem>>
        tpu.enqueue_indirect_dma source(%dma_start3A_168 : memref<128x128xf32, #tpu.memory_space<vmem>>) target(%dma_start3A_174 : memref<10240x128xf32, #tpu.memory_space<vmem_shared>>) offsets(%dma_start3A_171 : memref<128xi32, #tpu.memory_space<vmem>>) semaphore(%dma_start3A_176 : memref<!tpu.dma_semaphore, #tpu.memory_space<semaphore_mem>>) {add = true}
        %ge3A_177 = arith.constant 1 : i32
        %ge3A_178 = arith.cmpi sge, %add3A_148, %ge3A_177 : i32
        %convert_element_type3A_179 = arith.extui %ge3A_178 : i1 to i32
        %cond3A_180 = arith.constant 0 : i32
        %cond3A_181 = arith.cmpi ne, %convert_element_type3A_179, %cond3A_180 : i32
        scf.if %cond3A_181 {
          %sub3A_189 = arith.constant 1 : i32
          %sub3A_190 = arith.subi %add3A_148, %sub3A_189 : i32
          %dma_wait3A_191 = arith.constant 0 : i32
          %dma_wait3A_192 = arith.constant 0 : i32
          %dma_wait3A_193 = arith.constant 0 : i32
          %dma_wait3A_194 = arith.constant 0 : i32
          %dma_wait3A_195 = tpu.memref_slice %arg8[%dma_wait3A_191, %dma_wait3A_193, %dma_wait3A_194] : memref<2x128x128xf32, #tpu.memory_space<vmem>> -> memref<1x128x128xf32, #tpu.memory_space<vmem>>
          %dma_wait3A_196 = tpu.memref_squeeze %dma_wait3A_195 : memref<1x128x128xf32, #tpu.memory_space<vmem>> -> memref<128x128xf32, #tpu.memory_space<vmem>>
          %dma_wait3A_197 = arith.constant 0 : i32
          %dma_wait3A_198 = tpu.memref_slice %arg7[%sub3A_190, %dma_wait3A_197] : memref<16x128xi32, #tpu.memory_space<vmem>> -> memref<1x128xi32, #tpu.memory_space<vmem>>
          %dma_wait3A_199 = tpu.memref_squeeze %dma_wait3A_198 : memref<1x128xi32, #tpu.memory_space<vmem>> -> memref<128xi32, #tpu.memory_space<vmem>>
          %dma_wait3A_200 = arith.constant 0 : i32
          %dma_wait3A_201 = arith.constant 0 : i32
          %dma_wait3A_202 = tpu.memref_slice %arg9[%dma_wait3A_200, %dma_wait3A_201] : memref<10240x128xf32, #tpu.memory_space<vmem_shared>> -> memref<10240x128xf32, #tpu.memory_space<vmem_shared>>
          %dma_wait3A_203 = tpu.memref_slice %arg11[%dma_wait3A_192] : memref<2x!tpu.dma_semaphore, #tpu.memory_space<semaphore_mem>> -> memref<1x!tpu.dma_semaphore, #tpu.memory_space<semaphore_mem>>
          %dma_wait3A_204 = tpu.memref_squeeze %dma_wait3A_203 : memref<1x!tpu.dma_semaphore, #tpu.memory_space<semaphore_mem>> -> memref<!tpu.dma_semaphore, #tpu.memory_space<semaphore_mem>>
          tpu.wait_indirect_dma semaphore(%dma_wait3A_204 : memref<!tpu.dma_semaphore, #tpu.memory_space<semaphore_mem>>) src(%dma_wait3A_196 : memref<128x128xf32, #tpu.memory_space<vmem>>) dst(%dma_wait3A_202 : memref<10240x128xf32, #tpu.memory_space<vmem_shared>>)
        } else {
        }
        %add3A_182 = arith.constant 1 : i32
        %add3A_183 = arith.addi %add3A_148, %add3A_182 : i32
        %lt3A_184 = arith.constant 16 : i32
        %lt3A_185 = arith.cmpi slt, %add3A_183, %lt3A_184 : i32
        %convert_element_type3A_186 = arith.extui %lt3A_185 : i1 to i32
        %cond3A_187 = arith.constant 0 : i32
        %cond3A_188 = arith.cmpi ne, %convert_element_type3A_186, %cond3A_187 : i32
        scf.if %cond3A_188 {
          %add3A_189 = arith.constant 1 : i32
          %add3A_190 = arith.addi %add3A_148, %add3A_189 : i32
          %dma_start3A_191 = arith.constant 0 : i32
          %dma_start3A_192 = arith.constant 0 : i32
          %dma_start3A_193 = arith.constant 0 : i32
          %dma_start3A_194 = arith.constant 0 : i32
          %dma_start3A_195 = tpu.memref_slice %arg8[%dma_start3A_191, %dma_start3A_193, %dma_start3A_194] : memref<2x128x128xf32, #tpu.memory_space<vmem>> -> memref<1x128x128xf32, #tpu.memory_space<vmem>>
          %dma_start3A_196 = tpu.memref_squeeze %dma_start3A_195 : memref<1x128x128xf32, #tpu.memory_space<vmem>> -> memref<128x128xf32, #tpu.memory_space<vmem>>
          %dma_start3A_197 = arith.constant 0 : i32
          %dma_start3A_198 = tpu.memref_slice %arg6[%add3A_190, %dma_start3A_197] : memref<16x128xi32, #tpu.memory_space<vmem>> -> memref<1x128xi32, #tpu.memory_space<vmem>>
          %dma_start3A_199 = tpu.memref_squeeze %dma_start3A_198 : memref<1x128xi32, #tpu.memory_space<vmem>> -> memref<128xi32, #tpu.memory_space<vmem>>
          %dma_start3A_200 = arith.constant 0 : i32
          %dma_start3A_201 = arith.constant 0 : i32
          %dma_start3A_202 = tpu.memref_slice %arg2[%dma_start3A_200, %dma_start3A_201] : memref<10000x128xf32, #tpu.memory_space<hbm>> -> memref<10000x128xf32, #tpu.memory_space<hbm>>
          %dma_start3A_203 = tpu.memref_slice %arg10[%dma_start3A_192] : memref<2x!tpu.dma_semaphore, #tpu.memory_space<semaphore_mem>> -> memref<1x!tpu.dma_semaphore, #tpu.memory_space<semaphore_mem>>
          %dma_start3A_204 = tpu.memref_squeeze %dma_start3A_203 : memref<1x!tpu.dma_semaphore, #tpu.memory_space<semaphore_mem>> -> memref<!tpu.dma_semaphore, #tpu.memory_space<semaphore_mem>>
          tpu.enqueue_indirect_dma source(%dma_start3A_202 : memref<10000x128xf32, #tpu.memory_space<hbm>>) target(%dma_start3A_196 : memref<128x128xf32, #tpu.memory_space<vmem>>) offsets(%dma_start3A_199 : memref<128xi32, #tpu.memory_space<vmem>>) semaphore(%dma_start3A_204 : memref<!tpu.dma_semaphore, #tpu.memory_space<semaphore_mem>>)
        } else {
        }
      }
      %scan3A_85 = arith.constant 8 : i32
      %dma_wait3A_86 = arith.constant 1 : i32
      %dma_wait3A_87 = arith.constant 15 : i32
      %dma_wait3A_88 = arith.constant 1 : i32
      %dma_wait3A_89 = arith.constant 0 : i32
      %dma_wait3A_90 = arith.constant 0 : i32
      %dma_wait3A_91 = tpu.memref_slice %arg8[%dma_wait3A_86, %dma_wait3A_89, %dma_wait3A_90] : memref<2x128x128xf32, #tpu.memory_space<vmem>> -> memref<1x128x128xf32, #tpu.memory_space<vmem>>
      %dma_wait3A_92 = tpu.memref_squeeze %dma_wait3A_91 : memref<1x128x128xf32, #tpu.memory_space<vmem>> -> memref<128x128xf32, #tpu.memory_space<vmem>>
      %dma_wait3A_93 = arith.constant 0 : i32
      %dma_wait3A_94 = tpu.memref_slice %arg7[%dma_wait3A_87, %dma_wait3A_93] : memref<16x128xi32, #tpu.memory_space<vmem>> -> memref<1x128xi32, #tpu.memory_space<vmem>>
      %dma_wait3A_95 = tpu.memref_squeeze %dma_wait3A_94 : memref<1x128xi32, #tpu.memory_space<vmem>> -> memref<128xi32, #tpu.memory_space<vmem>>
      %dma_wait3A_96 = arith.constant 0 : i32
      %dma_wait3A_97 = arith.constant 0 : i32
      %dma_wait3A_98 = tpu.memref_slice %arg9[%dma_wait3A_96, %dma_wait3A_97] : memref<10240x128xf32, #tpu.memory_space<vmem_shared>> -> memref<10240x128xf32, #tpu.memory_space<vmem_shared>>
      %dma_wait3A_99 = tpu.memref_slice %arg11[%dma_wait3A_88] : memref<2x!tpu.dma_semaphore, #tpu.memory_space<semaphore_mem>> -> memref<1x!tpu.dma_semaphore, #tpu.memory_space<semaphore_mem>>
      %dma_wait3A_100 = tpu.memref_squeeze %dma_wait3A_99 : memref<1x!tpu.dma_semaphore, #tpu.memory_space<semaphore_mem>> -> memref<!tpu.dma_semaphore, #tpu.memory_space<semaphore_mem>>
      tpu.wait_indirect_dma semaphore(%dma_wait3A_100 : memref<!tpu.dma_semaphore, #tpu.memory_space<semaphore_mem>>) src(%dma_wait3A_92 : memref<128x128xf32, #tpu.memory_space<vmem>>) dst(%dma_wait3A_98 : memref<10240x128xf32, #tpu.memory_space<vmem_shared>>)
    }
    %barrier3A_38 = arith.constant 0 : index
    tpu.barrier barrier_id(%barrier3A_38)
    %lt3A_39 = arith.constant 2 : i32
    %lt3A_40 = arith.cmpi slt, %arg0, %lt3A_39 : i32
    %convert_element_type3A_41 = arith.extui %lt3A_40 : i1 to i32
    %cond3A_42 = arith.constant 0 : i32
    %cond3A_43 = arith.cmpi ne, %convert_element_type3A_41, %cond3A_42 : i32
    scf.if %cond3A_43 {
      %mul3A_44 = arith.constant 640 : i32
      %mul3A_45 = arith.muli %arg1, %mul3A_44 : i32
      %mul3A_46 = arith.constant 640 : i32
      %mul3A_47 = arith.muli %arg1, %mul3A_46 : i32
      "tpu.region"() ({
        %run_scoped3A = tpu.sem_alloc : memref<!tpu.dma_semaphore, #tpu.memory_space<semaphore_mem>>
        %dma_start3A = arith.constant 0 : i32
        %dma_start3A_48 = tpu.memref_slice %arg5[%arg0, %mul3A_47, %dma_start3A] : memref<2x10240x128xf32, #tpu.memory_space<hbm>> -> memref<1x640x128xf32, #tpu.memory_space<hbm>>
        %dma_start3A_49 = tpu.memref_squeeze %dma_start3A_48 : memref<1x640x128xf32, #tpu.memory_space<hbm>> -> memref<640x128xf32, #tpu.memory_space<hbm>>
        %dma_start3A_50 = arith.constant 0 : i32
        %dma_start3A_51 = tpu.memref_slice %arg9[%mul3A_45, %dma_start3A_50] : memref<10240x128xf32, #tpu.memory_space<vmem_shared>> -> memref<640x128xf32, #tpu.memory_space<vmem_shared>>
        tpu.enqueue_dma source(%dma_start3A_51 : memref<640x128xf32, #tpu.memory_space<vmem_shared>>) target(%dma_start3A_49 : memref<640x128xf32, #tpu.memory_space<hbm>>) target_semaphore(%run_scoped3A : memref<!tpu.dma_semaphore, #tpu.memory_space<semaphore_mem>>)
        %dma_wait3A = arith.constant 0 : i32
        %dma_wait3A_52 = tpu.memref_slice %arg5[%arg0, %mul3A_47, %dma_wait3A] : memref<2x10240x128xf32, #tpu.memory_space<hbm>> -> memref<1x640x128xf32, #tpu.memory_space<hbm>>
        %dma_wait3A_53 = tpu.memref_squeeze %dma_wait3A_52 : memref<1x640x128xf32, #tpu.memory_space<hbm>> -> memref<640x128xf32, #tpu.memory_space<hbm>>
        %dma_wait3A_54 = arith.constant 0 : i32
        %dma_wait3A_55 = tpu.memref_slice %arg9[%mul3A_45, %dma_wait3A_54] : memref<10240x128xf32, #tpu.memory_space<vmem_shared>> -> memref<640x128xf32, #tpu.memory_space<vmem_shared>>
        tpu.wait_dma2 semaphore(%run_scoped3A : memref<!tpu.dma_semaphore, #tpu.memory_space<semaphore_mem>>) src(%dma_wait3A_55 : memref<640x128xf32, #tpu.memory_space<vmem_shared>>) dst(%dma_wait3A_53 : memref<640x128xf32, #tpu.memory_space<hbm>>)
        tpu.yield
      }) : () -> ()
    } else {
    }
    return
  }
}

#map = affine_map<(d0, d1) -> (0, 0)>
#map1 = affine_map<(d0, d1) -> (0, 0, 0)>
module attributes {stable_mosaic.version = 14 : i64} {
  func.func @k(%arg0: i32, %arg1: i32, %arg2: memref<10000x128xf32, #tpu.memory_space<hbm>>, %arg3: memref<2560x128xi32, #tpu.memory_space<hbm>>, %arg4: memref<2560x128xi32, #tpu.memory_space<hbm>>, %arg5: memref<2x10240x128xf32, #tpu.memory_space<hbm>>, %arg6: memref<16x128xi32, #tpu.memory_space<vmem>>, %arg7: memref<16x128xi32, #tpu.memory_space<vmem>>, %arg8: memref<2x128x128xf32, #tpu.memory_space<vmem>>, %arg9: memref<10240x128xf32, #tpu.memory_space<vmem_shared>>, %arg10: memref<2x!tpu.dma_semaphore, #tpu.memory_space<semaphore_mem>>, %arg11: memref<2x!tpu.dma_semaphore, #tpu.memory_space<semaphore_mem>>, %arg12: memref<!tpu.dma_semaphore, #tpu.memory_space<semaphore_mem>>) attributes {dimension_semantics = [#tpu.dimension_semantics<core_parallel>, #tpu.dimension_semantics<subcore_parallel>], iteration_bounds = array<i64: 2, 16>, scalar_prefetch = 0 : i64, scratch_operands = 7 : i64, tpu.core_type = #tpu.core_type<sc_vector_subcore>, window_params = [{transform_indices = #map}, {transform_indices = #map}, {transform_indices = #map}, {transform_indices = #map1}]} {
    %eq3A = arith.constant 0 : i32
    %eq3A_0 = arith.cmpi eq, %arg0, %eq3A : i32
    %jit3A = arith.constant 144 : i32
    %jit3A_1 = arith.constant 16 : i32
    %select_n3A = arith.select %eq3A_0, %jit3A, %jit3A_1 : i32
    %eq3A_2 = arith.constant 0 : i32
    %eq3A_3 = arith.cmpi eq, %arg0, %eq3A_2 : i32
    %mul3A = arith.constant 144 : i32
    %mul3A_4 = arith.muli %arg1, %mul3A : i32
    %mul3A_5 = arith.constant 16 : i32
    %mul3A_6 = arith.muli %arg1, %mul3A_5 : i32
    %add3A = arith.constant 2304 : i32
    %add3A_7 = arith.addi %add3A, %mul3A_6 : i32
    %select_n3A_8 = arith.select %eq3A_3, %mul3A_4, %add3A_7 : i32
    %lt3A = arith.constant 2 : i32
    %lt3A_9 = arith.cmpi slt, %arg0, %lt3A : i32
    %convert_element_type3A = arith.extui %lt3A_9 : i1 to i32
    %cond3A = arith.constant 0 : i32
    %cond3A_10 = arith.cmpi ne, %convert_element_type3A, %cond3A : i32
    scf.if %cond3A_10 {
      %scan3A = arith.constant 0 : i32
      %scan3A_44 = arith.constant 0 : i32
      %scan3A_45 = arith.constant 128 : i32
      %scan3A_46 = arith.addi %scan3A_44, %scan3A_45 : i32
      %scan3A_47 = arith.constant 1 : i32
      scf.for %scan3A_207 = %scan3A_44 to %scan3A_46 step %scan3A_47  : i32 {
        %scan3A_208 = arith.constant 0 : i32
        %scan3A_209 = arith.constant 8 : i32
        %scan3A_210 = arith.addi %scan3A_208, %scan3A_209 : i32
        %scan3A_211 = arith.constant 1 : i32
        scf.for %scan3A_213 = %scan3A_208 to %scan3A_210 step %scan3A_211  : i32 {
          %broadcast_in_dim3A = arith.constant 0.000000e+00 : f32
          %broadcast_in_dim3A_214 = vector.broadcast %broadcast_in_dim3A : f32 to vector<16xf32>
          %mul3A_215 = arith.constant 16 : i32
          %mul3A_216 = arith.muli %scan3A_213, %mul3A_215 : i32
          %swap3A = arith.constant 0 : i32
          %swap3A_217 = arith.index_cast %swap3A : i32 to index
          %swap3A_218 = arith.index_cast %scan3A_207 : i32 to index
          %swap3A_219 = arith.index_cast %mul3A_216 : i32 to index
          %swap3A_220 = tpu.vector_load %arg8[%swap3A_217, %swap3A_218, %swap3A_219] {strides = array<i32>} : memref<2x128x128xf32, #tpu.memory_space<vmem>>, vector<1x1x16xf32>,
          %swap3A_221 = vector.shape_cast %swap3A_220 : vector<1x1x16xf32> to vector<16xf32>
          %swap3A_222 = vector.shape_cast %broadcast_in_dim3A_214 : vector<16xf32> to vector<1x1x16xf32>
          tpu.vector_store %arg8[%swap3A_217, %swap3A_218, %swap3A_219], %swap3A_222 {strides = array<i32>} : memref<2x128x128xf32, #tpu.memory_space<vmem>>, vector<1x1x16xf32>,
        }
        %scan3A_212 = arith.constant 8 : i32
      }
      %scan3A_48 = arith.constant 128 : i32
      %mul3A_49 = arith.constant 640 : i32
      %mul3A_50 = arith.muli %arg1, %mul3A_49 : i32
      %add3A_51 = arith.constant 0 : i32
      %add3A_52 = arith.addi %mul3A_50, %add3A_51 : i32
      %dma_start3A = arith.constant 0 : i32
      %dma_start3A_53 = arith.constant 0 : i32
      %dma_start3A_54 = arith.constant 0 : i32
      %dma_start3A_55 = tpu.memref_slice %arg8[%dma_start3A, %dma_start3A_53, %dma_start3A_54] : memref<2x128x128xf32, #tpu.memory_space<vmem>> -> memref<1x128x128xf32, #tpu.memory_space<vmem>>
      %dma_start3A_56 = tpu.memref_squeeze %dma_start3A_55 : memref<1x128x128xf32, #tpu.memory_space<vmem>> -> memref<128x128xf32, #tpu.memory_space<vmem>>
      %dma_start3A_57 = arith.constant 0 : i32
      %dma_start3A_58 = tpu.memref_slice %arg9[%add3A_52, %dma_start3A_57] : memref<10240x128xf32, #tpu.memory_space<vmem_shared>> -> memref<128x128xf32, #tpu.memory_space<vmem_shared>>
      %dma_start3A_59 = arith.constant 0 : i32
      %dma_start3A_60 = tpu.memref_slice %arg9[%add3A_52, %dma_start3A_59] : memref<10240x128xf32, #tpu.memory_space<vmem_shared>> -> memref<128x128xf32, #tpu.memory_space<vmem_shared>>
      %dma_start3A_61 = arith.constant 0 : i32
      %dma_start3A_62 = arith.constant 0 : i32
      %dma_start3A_63 = tpu.memref_slice %arg8[%dma_start3A, %dma_start3A_61, %dma_start3A_62] : memref<2x128x128xf32, #tpu.memory_space<vmem>> -> memref<1x128x128xf32, #tpu.memory_space<vmem>>
      %dma_start3A_64 = tpu.memref_squeeze %dma_start3A_63 : memref<1x128x128xf32, #tpu.memory_space<vmem>> -> memref<128x128xf32, #tpu.memory_space<vmem>>
      tpu.enqueue_dma source(%dma_start3A_64 : memref<128x128xf32, #tpu.memory_space<vmem>>) target(%dma_start3A_60 : memref<128x128xf32, #tpu.memory_space<vmem_shared>>) target_semaphore(%arg12 : memref<!tpu.dma_semaphore, #tpu.memory_space<semaphore_mem>>)
      %mul3A_65 = arith.constant 640 : i32
      %mul3A_66 = arith.muli %arg1, %mul3A_65 : i32
      %add3A_67 = arith.constant 128 : i32
      %add3A_68 = arith.addi %mul3A_66, %add3A_67 : i32
      %dma_start3A_69 = arith.constant 0 : i32
      %dma_start3A_70 = arith.constant 0 : i32
      %dma_start3A_71 = arith.constant 0 : i32
      %dma_start3A_72 = tpu.memref_slice %arg8[%dma_start3A_69, %dma_start3A_70, %dma_start3A_71] : memref<2x128x128xf32, #tpu.memory_space<vmem>> -> memref<1x128x128xf32, #tpu.memory_space<vmem>>
      %dma_start3A_73 = tpu.memref_squeeze %dma_start3A_72 : memref<1x128x128xf32, #tpu.memory_space<vmem>> -> memref<128x128xf32, #tpu.memory_space<vmem>>
      %dma_start3A_74 = arith.constant 0 : i32
      %dma_start3A_75 = tpu.memref_slice %arg9[%add3A_68, %dma_start3A_74] : memref<10240x128xf32, #tpu.memory_space<vmem_shared>> -> memref<128x128xf32, #tpu.memory_space<vmem_shared>>
      %dma_start3A_76 = arith.constant 0 : i32
      %dma_start3A_77 = tpu.memref_slice %arg9[%add3A_68, %dma_start3A_76] : memref<10240x128xf32, #tpu.memory_space<vmem_shared>> -> memref<128x128xf32, #tpu.memory_space<vmem_shared>>
      %dma_start3A_78 = arith.constant 0 : i32
      %dma_start3A_79 = arith.constant 0 : i32
      %dma_start3A_80 = tpu.memref_slice %arg8[%dma_start3A_69, %dma_start3A_78, %dma_start3A_79] : memref<2x128x128xf32, #tpu.memory_space<vmem>> -> memref<1x128x128xf32, #tpu.memory_space<vmem>>
      %dma_start3A_81 = tpu.memref_squeeze %dma_start3A_80 : memref<1x128x128xf32, #tpu.memory_space<vmem>> -> memref<128x128xf32, #tpu.memory_space<vmem>>
      tpu.enqueue_dma source(%dma_start3A_81 : memref<128x128xf32, #tpu.memory_space<vmem>>) target(%dma_start3A_77 : memref<128x128xf32, #tpu.memory_space<vmem_shared>>) target_semaphore(%arg12 : memref<!tpu.dma_semaphore, #tpu.memory_space<semaphore_mem>>)
      %mul3A_82 = arith.constant 640 : i32
      %mul3A_83 = arith.muli %arg1, %mul3A_82 : i32
      %add3A_84 = arith.constant 256 : i32
      %add3A_85 = arith.addi %mul3A_83, %add3A_84 : i32
      %dma_start3A_86 = arith.constant 0 : i32
      %dma_start3A_87 = arith.constant 0 : i32
      %dma_start3A_88 = arith.constant 0 : i32
      %dma_start3A_89 = tpu.memref_slice %arg8[%dma_start3A_86, %dma_start3A_87, %dma_start3A_88] : memref<2x128x128xf32, #tpu.memory_space<vmem>> -> memref<1x128x128xf32, #tpu.memory_space<vmem>>
      %dma_start3A_90 = tpu.memref_squeeze %dma_start3A_89 : memref<1x128x128xf32, #tpu.memory_space<vmem>> -> memref<128x128xf32, #tpu.memory_space<vmem>>
      %dma_start3A_91 = arith.constant 0 : i32
      %dma_start3A_92 = tpu.memref_slice %arg9[%add3A_85, %dma_start3A_91] : memref<10240x128xf32, #tpu.memory_space<vmem_shared>> -> memref<128x128xf32, #tpu.memory_space<vmem_shared>>
      %dma_start3A_93 = arith.constant 0 : i32
      %dma_start3A_94 = tpu.memref_slice %arg9[%add3A_85, %dma_start3A_93] : memref<10240x128xf32, #tpu.memory_space<vmem_shared>> -> memref<128x128xf32, #tpu.memory_space<vmem_shared>>
      %dma_start3A_95 = arith.constant 0 : i32
      %dma_start3A_96 = arith.constant 0 : i32
      %dma_start3A_97 = tpu.memref_slice %arg8[%dma_start3A_86, %dma_start3A_95, %dma_start3A_96] : memref<2x128x128xf32, #tpu.memory_space<vmem>> -> memref<1x128x128xf32, #tpu.memory_space<vmem>>
      %dma_start3A_98 = tpu.memref_squeeze %dma_start3A_97 : memref<1x128x128xf32, #tpu.memory_space<vmem>> -> memref<128x128xf32, #tpu.memory_space<vmem>>
      tpu.enqueue_dma source(%dma_start3A_98 : memref<128x128xf32, #tpu.memory_space<vmem>>) target(%dma_start3A_94 : memref<128x128xf32, #tpu.memory_space<vmem_shared>>) target_semaphore(%arg12 : memref<!tpu.dma_semaphore, #tpu.memory_space<semaphore_mem>>)
      %mul3A_99 = arith.constant 640 : i32
      %mul3A_100 = arith.muli %arg1, %mul3A_99 : i32
      %add3A_101 = arith.constant 384 : i32
      %add3A_102 = arith.addi %mul3A_100, %add3A_101 : i32
      %dma_start3A_103 = arith.constant 0 : i32
      %dma_start3A_104 = arith.constant 0 : i32
      %dma_start3A_105 = arith.constant 0 : i32
      %dma_start3A_106 = tpu.memref_slice %arg8[%dma_start3A_103, %dma_start3A_104, %dma_start3A_105] : memref<2x128x128xf32, #tpu.memory_space<vmem>> -> memref<1x128x128xf32, #tpu.memory_space<vmem>>
      %dma_start3A_107 = tpu.memref_squeeze %dma_start3A_106 : memref<1x128x128xf32, #tpu.memory_space<vmem>> -> memref<128x128xf32, #tpu.memory_space<vmem>>
      %dma_start3A_108 = arith.constant 0 : i32
      %dma_start3A_109 = tpu.memref_slice %arg9[%add3A_102, %dma_start3A_108] : memref<10240x128xf32, #tpu.memory_space<vmem_shared>> -> memref<128x128xf32, #tpu.memory_space<vmem_shared>>
      %dma_start3A_110 = arith.constant 0 : i32
      %dma_start3A_111 = tpu.memref_slice %arg9[%add3A_102, %dma_start3A_110] : memref<10240x128xf32, #tpu.memory_space<vmem_shared>> -> memref<128x128xf32, #tpu.memory_space<vmem_shared>>
      %dma_start3A_112 = arith.constant 0 : i32
      %dma_start3A_113 = arith.constant 0 : i32
      %dma_start3A_114 = tpu.memref_slice %arg8[%dma_start3A_103, %dma_start3A_112, %dma_start3A_113] : memref<2x128x128xf32, #tpu.memory_space<vmem>> -> memref<1x128x128xf32, #tpu.memory_space<vmem>>
      %dma_start3A_115 = tpu.memref_squeeze %dma_start3A_114 : memref<1x128x128xf32, #tpu.memory_space<vmem>> -> memref<128x128xf32, #tpu.memory_space<vmem>>
      tpu.enqueue_dma source(%dma_start3A_115 : memref<128x128xf32, #tpu.memory_space<vmem>>) target(%dma_start3A_111 : memref<128x128xf32, #tpu.memory_space<vmem_shared>>) target_semaphore(%arg12 : memref<!tpu.dma_semaphore, #tpu.memory_space<semaphore_mem>>)
      %mul3A_116 = arith.constant 640 : i32
      %mul3A_117 = arith.muli %arg1, %mul3A_116 : i32
      %add3A_118 = arith.constant 512 : i32
      %add3A_119 = arith.addi %mul3A_117, %add3A_118 : i32
      %dma_start3A_120 = arith.constant 0 : i32
      %dma_start3A_121 = arith.constant 0 : i32
      %dma_start3A_122 = arith.constant 0 : i32
      %dma_start3A_123 = tpu.memref_slice %arg8[%dma_start3A_120, %dma_start3A_121, %dma_start3A_122] : memref<2x128x128xf32, #tpu.memory_space<vmem>> -> memref<1x128x128xf32, #tpu.memory_space<vmem>>
      %dma_start3A_124 = tpu.memref_squeeze %dma_start3A_123 : memref<1x128x128xf32, #tpu.memory_space<vmem>> -> memref<128x128xf32, #tpu.memory_space<vmem>>
      %dma_start3A_125 = arith.constant 0 : i32
      %dma_start3A_126 = tpu.memref_slice %arg9[%add3A_119, %dma_start3A_125] : memref<10240x128xf32, #tpu.memory_space<vmem_shared>> -> memref<128x128xf32, #tpu.memory_space<vmem_shared>>
      %dma_start3A_127 = arith.constant 0 : i32
      %dma_start3A_128 = tpu.memref_slice %arg9[%add3A_119, %dma_start3A_127] : memref<10240x128xf32, #tpu.memory_space<vmem_shared>> -> memref<128x128xf32, #tpu.memory_space<vmem_shared>>
      %dma_start3A_129 = arith.constant 0 : i32
      %dma_start3A_130 = arith.constant 0 : i32
      %dma_start3A_131 = tpu.memref_slice %arg8[%dma_start3A_120, %dma_start3A_129, %dma_start3A_130] : memref<2x128x128xf32, #tpu.memory_space<vmem>> -> memref<1x128x128xf32, #tpu.memory_space<vmem>>
      %dma_start3A_132 = tpu.memref_squeeze %dma_start3A_131 : memref<1x128x128xf32, #tpu.memory_space<vmem>> -> memref<128x128xf32, #tpu.memory_space<vmem>>
      tpu.enqueue_dma source(%dma_start3A_132 : memref<128x128xf32, #tpu.memory_space<vmem>>) target(%dma_start3A_128 : memref<128x128xf32, #tpu.memory_space<vmem_shared>>) target_semaphore(%arg12 : memref<!tpu.dma_semaphore, #tpu.memory_space<semaphore_mem>>)
      %dma_wait3A = arith.constant 0 : i32
      %dma_wait3A_133 = arith.constant 0 : i32
      %dma_wait3A_134 = arith.constant 0 : i32
      %dma_wait3A_135 = tpu.memref_slice %arg8[%dma_wait3A, %dma_wait3A_133, %dma_wait3A_134] : memref<2x128x128xf32, #tpu.memory_space<vmem>> -> memref<1x128x128xf32, #tpu.memory_space<vmem>>
      %dma_wait3A_136 = tpu.memref_squeeze %dma_wait3A_135 : memref<1x128x128xf32, #tpu.memory_space<vmem>> -> memref<128x128xf32, #tpu.memory_space<vmem>>
      %dma_wait3A_137 = arith.constant 0 : i32
      %dma_wait3A_138 = arith.constant 0 : i32
      %dma_wait3A_139 = tpu.memref_slice %arg9[%dma_wait3A_137, %dma_wait3A_138] : memref<10240x128xf32, #tpu.memory_space<vmem_shared>> -> memref<128x128xf32, #tpu.memory_space<vmem_shared>>
      %dma_wait3A_140 = arith.constant 0 : i32
      %dma_wait3A_141 = arith.constant 0 : i32
      %dma_wait3A_142 = tpu.memref_slice %arg9[%dma_wait3A_140, %dma_wait3A_141] : memref<10240x128xf32, #tpu.memory_space<vmem_shared>> -> memref<128x128xf32, #tpu.memory_space<vmem_shared>>
      %dma_wait3A_143 = arith.constant 0 : i32
      %dma_wait3A_144 = arith.constant 0 : i32
      %dma_wait3A_145 = tpu.memref_slice %arg8[%dma_wait3A, %dma_wait3A_143, %dma_wait3A_144] : memref<2x128x128xf32, #tpu.memory_space<vmem>> -> memref<1x128x128xf32, #tpu.memory_space<vmem>>
      %dma_wait3A_146 = tpu.memref_squeeze %dma_wait3A_145 : memref<1x128x128xf32, #tpu.memory_space<vmem>> -> memref<128x128xf32, #tpu.memory_space<vmem>>
      tpu.wait_dma2 semaphore(%arg12 : memref<!tpu.dma_semaphore, #tpu.memory_space<semaphore_mem>>) src(%dma_wait3A_146 : memref<128x128xf32, #tpu.memory_space<vmem>>) dst(%dma_wait3A_142 : memref<128x128xf32, #tpu.memory_space<vmem_shared>>)
      %dma_wait3A_147 = arith.constant 0 : i32
      %dma_wait3A_148 = arith.constant 0 : i32
      %dma_wait3A_149 = arith.constant 0 : i32
      %dma_wait3A_150 = tpu.memref_slice %arg8[%dma_wait3A_147, %dma_wait3A_148, %dma_wait3A_149] : memref<2x128x128xf32, #tpu.memory_space<vmem>> -> memref<1x128x128xf32, #tpu.memory_space<vmem>>
      %dma_wait3A_151 = tpu.memref_squeeze %dma_wait3A_150 : memref<1x128x128xf32, #tpu.memory_space<vmem>> -> memref<128x128xf32, #tpu.memory_space<vmem>>
      %dma_wait3A_152 = arith.constant 128 : i32
      %dma_wait3A_153 = arith.constant 0 : i32
      %dma_wait3A_154 = tpu.memref_slice %arg9[%dma_wait3A_152, %dma_wait3A_153] : memref<10240x128xf32, #tpu.memory_space<vmem_shared>> -> memref<128x128xf32, #tpu.memory_space<vmem_shared>>
      %dma_wait3A_155 = arith.constant 128 : i32
      %dma_wait3A_156 = arith.constant 0 : i32
      %dma_wait3A_157 = tpu.memref_slice %arg9[%dma_wait3A_155, %dma_wait3A_156] : memref<10240x128xf32, #tpu.memory_space<vmem_shared>> -> memref<128x128xf32, #tpu.memory_space<vmem_shared>>
      %dma_wait3A_158 = arith.constant 0 : i32
      %dma_wait3A_159 = arith.constant 0 : i32
      %dma_wait3A_160 = tpu.memref_slice %arg8[%dma_wait3A_147, %dma_wait3A_158, %dma_wait3A_159] : memref<2x128x128xf32, #tpu.memory_space<vmem>> -> memref<1x128x128xf32, #tpu.memory_space<vmem>>
      %dma_wait3A_161 = tpu.memref_squeeze %dma_wait3A_160 : memref<1x128x128xf32, #tpu.memory_space<vmem>> -> memref<128x128xf32, #tpu.memory_space<vmem>>
      tpu.wait_dma2 semaphore(%arg12 : memref<!tpu.dma_semaphore, #tpu.memory_space<semaphore_mem>>) src(%dma_wait3A_161 : memref<128x128xf32, #tpu.memory_space<vmem>>) dst(%dma_wait3A_157 : memref<128x128xf32, #tpu.memory_space<vmem_shared>>)
      %dma_wait3A_162 = arith.constant 0 : i32
      %dma_wait3A_163 = arith.constant 0 : i32
      %dma_wait3A_164 = arith.constant 0 : i32
      %dma_wait3A_165 = tpu.memref_slice %arg8[%dma_wait3A_162, %dma_wait3A_163, %dma_wait3A_164] : memref<2x128x128xf32, #tpu.memory_space<vmem>> -> memref<1x128x128xf32, #tpu.memory_space<vmem>>
      %dma_wait3A_166 = tpu.memref_squeeze %dma_wait3A_165 : memref<1x128x128xf32, #tpu.memory_space<vmem>> -> memref<128x128xf32, #tpu.memory_space<vmem>>
      %dma_wait3A_167 = arith.constant 256 : i32
      %dma_wait3A_168 = arith.constant 0 : i32
      %dma_wait3A_169 = tpu.memref_slice %arg9[%dma_wait3A_167, %dma_wait3A_168] : memref<10240x128xf32, #tpu.memory_space<vmem_shared>> -> memref<128x128xf32, #tpu.memory_space<vmem_shared>>
      %dma_wait3A_170 = arith.constant 256 : i32
      %dma_wait3A_171 = arith.constant 0 : i32
      %dma_wait3A_172 = tpu.memref_slice %arg9[%dma_wait3A_170, %dma_wait3A_171] : memref<10240x128xf32, #tpu.memory_space<vmem_shared>> -> memref<128x128xf32, #tpu.memory_space<vmem_shared>>
      %dma_wait3A_173 = arith.constant 0 : i32
      %dma_wait3A_174 = arith.constant 0 : i32
      %dma_wait3A_175 = tpu.memref_slice %arg8[%dma_wait3A_162, %dma_wait3A_173, %dma_wait3A_174] : memref<2x128x128xf32, #tpu.memory_space<vmem>> -> memref<1x128x128xf32, #tpu.memory_space<vmem>>
      %dma_wait3A_176 = tpu.memref_squeeze %dma_wait3A_175 : memref<1x128x128xf32, #tpu.memory_space<vmem>> -> memref<128x128xf32, #tpu.memory_space<vmem>>
      tpu.wait_dma2 semaphore(%arg12 : memref<!tpu.dma_semaphore, #tpu.memory_space<semaphore_mem>>) src(%dma_wait3A_176 : memref<128x128xf32, #tpu.memory_space<vmem>>) dst(%dma_wait3A_172 : memref<128x128xf32, #tpu.memory_space<vmem_shared>>)
      %dma_wait3A_177 = arith.constant 0 : i32
      %dma_wait3A_178 = arith.constant 0 : i32
      %dma_wait3A_179 = arith.constant 0 : i32
      %dma_wait3A_180 = tpu.memref_slice %arg8[%dma_wait3A_177, %dma_wait3A_178, %dma_wait3A_179] : memref<2x128x128xf32, #tpu.memory_space<vmem>> -> memref<1x128x128xf32, #tpu.memory_space<vmem>>
      %dma_wait3A_181 = tpu.memref_squeeze %dma_wait3A_180 : memref<1x128x128xf32, #tpu.memory_space<vmem>> -> memref<128x128xf32, #tpu.memory_space<vmem>>
      %dma_wait3A_182 = arith.constant 384 : i32
      %dma_wait3A_183 = arith.constant 0 : i32
      %dma_wait3A_184 = tpu.memref_slice %arg9[%dma_wait3A_182, %dma_wait3A_183] : memref<10240x128xf32, #tpu.memory_space<vmem_shared>> -> memref<128x128xf32, #tpu.memory_space<vmem_shared>>
      %dma_wait3A_185 = arith.constant 384 : i32
      %dma_wait3A_186 = arith.constant 0 : i32
      %dma_wait3A_187 = tpu.memref_slice %arg9[%dma_wait3A_185, %dma_wait3A_186] : memref<10240x128xf32, #tpu.memory_space<vmem_shared>> -> memref<128x128xf32, #tpu.memory_space<vmem_shared>>
      %dma_wait3A_188 = arith.constant 0 : i32
      %dma_wait3A_189 = arith.constant 0 : i32
      %dma_wait3A_190 = tpu.memref_slice %arg8[%dma_wait3A_177, %dma_wait3A_188, %dma_wait3A_189] : memref<2x128x128xf32, #tpu.memory_space<vmem>> -> memref<1x128x128xf32, #tpu.memory_space<vmem>>
      %dma_wait3A_191 = tpu.memref_squeeze %dma_wait3A_190 : memref<1x128x128xf32, #tpu.memory_space<vmem>> -> memref<128x128xf32, #tpu.memory_space<vmem>>
      tpu.wait_dma2 semaphore(%arg12 : memref<!tpu.dma_semaphore, #tpu.memory_space<semaphore_mem>>) src(%dma_wait3A_191 : memref<128x128xf32, #tpu.memory_space<vmem>>) dst(%dma_wait3A_187 : memref<128x128xf32, #tpu.memory_space<vmem_shared>>)
      %dma_wait3A_192 = arith.constant 0 : i32
      %dma_wait3A_193 = arith.constant 0 : i32
      %dma_wait3A_194 = arith.constant 0 : i32
      %dma_wait3A_195 = tpu.memref_slice %arg8[%dma_wait3A_192, %dma_wait3A_193, %dma_wait3A_194] : memref<2x128x128xf32, #tpu.memory_space<vmem>> -> memref<1x128x128xf32, #tpu.memory_space<vmem>>
      %dma_wait3A_196 = tpu.memref_squeeze %dma_wait3A_195 : memref<1x128x128xf32, #tpu.memory_space<vmem>> -> memref<128x128xf32, #tpu.memory_space<vmem>>
      %dma_wait3A_197 = arith.constant 512 : i32
      %dma_wait3A_198 = arith.constant 0 : i32
      %dma_wait3A_199 = tpu.memref_slice %arg9[%dma_wait3A_197, %dma_wait3A_198] : memref<10240x128xf32, #tpu.memory_space<vmem_shared>> -> memref<128x128xf32, #tpu.memory_space<vmem_shared>>
      %dma_wait3A_200 = arith.constant 512 : i32
      %dma_wait3A_201 = arith.constant 0 : i32
      %dma_wait3A_202 = tpu.memref_slice %arg9[%dma_wait3A_200, %dma_wait3A_201] : memref<10240x128xf32, #tpu.memory_space<vmem_shared>> -> memref<128x128xf32, #tpu.memory_space<vmem_shared>>
      %dma_wait3A_203 = arith.constant 0 : i32
      %dma_wait3A_204 = arith.constant 0 : i32
      %dma_wait3A_205 = tpu.memref_slice %arg8[%dma_wait3A_192, %dma_wait3A_203, %dma_wait3A_204] : memref<2x128x128xf32, #tpu.memory_space<vmem>> -> memref<1x128x128xf32, #tpu.memory_space<vmem>>
      %dma_wait3A_206 = tpu.memref_squeeze %dma_wait3A_205 : memref<1x128x128xf32, #tpu.memory_space<vmem>> -> memref<128x128xf32, #tpu.memory_space<vmem>>
      tpu.wait_dma2 semaphore(%arg12 : memref<!tpu.dma_semaphore, #tpu.memory_space<semaphore_mem>>) src(%dma_wait3A_206 : memref<128x128xf32, #tpu.memory_space<vmem>>) dst(%dma_wait3A_202 : memref<128x128xf32, #tpu.memory_space<vmem_shared>>)
    } else {
    }
    %barrier3A = arith.constant 0 : index
    tpu.barrier barrier_id(%barrier3A)
    %jit3A_11 = arith.constant 16 : i32
    %div3A = arith.divsi %select_n3A, %jit3A_11 : i32
    %sign3A = arith.constant 0 : i32
    %sign3A_12 = arith.cmpi sgt, %select_n3A, %sign3A : i32
    %sign3A_13 = arith.extui %sign3A_12 : i1 to i32
    %sign3A_14 = arith.constant 0 : i32
    %sign3A_15 = arith.cmpi slt, %select_n3A, %sign3A_14 : i32
    %sign3A_16 = arith.extui %sign3A_15 : i1 to i32
    %sign3A_17 = arith.subi %sign3A_13, %sign3A_16 : i32
    %sign3A_18 = arith.constant 0 : i32
    %sign3A_19 = arith.cmpi sgt, %jit3A_11, %sign3A_18 : i32
    %sign3A_20 = arith.extui %sign3A_19 : i1 to i32
    %sign3A_21 = arith.constant 0 : i32
    %sign3A_22 = arith.cmpi slt, %jit3A_11, %sign3A_21 : i32
    %sign3A_23 = arith.extui %sign3A_22 : i1 to i32
    %sign3A_24 = arith.subi %sign3A_20, %sign3A_23 : i32
    %ne3A = arith.cmpi ne, %sign3A_17, %sign3A_24 : i32
    %rem3A = arith.remsi %select_n3A, %jit3A_11 : i32
    %ne3A_25 = arith.constant 0 : i32
    %ne3A_26 = arith.cmpi ne, %rem3A, %ne3A_25 : i32
    %and3A = arith.andi %ne3A, %ne3A_26 : i1
    %sub3A = arith.constant 1 : i32
    %sub3A_27 = arith.subi %div3A, %sub3A : i32
    %select_n3A_28 = arith.select %and3A, %sub3A_27, %div3A : i32
    %while3A = arith.constant 0 : i32
    %while3A_29 = arith.constant 0 : i32
    %while3A_30 = arith.subi %select_n3A_28, %while3A_29 : i32
    %while3A_31 = arith.addi %while3A_29, %while3A_30 : i32
    %while3A_32 = arith.constant 1 : i32
    %while3A_33 = arith.divsi %while3A_30, %while3A_32 : i32
    %while3A_34 = arith.muli %while3A_33, %while3A_32 : i32
    %while3A_35 = arith.addi %while3A_29, %while3A_34 : i32
    %while3A_36 = arith.constant 1 : i32
    scf.for %while3A_44 = %while3A_29 to %while3A_35 step %while3A_36  : i32 {
      %mul3A_45 = arith.constant 16 : i32
      %mul3A_46 = arith.muli %while3A_44, %mul3A_45 : i32
      %add3A_47 = arith.addi %select_n3A_8, %mul3A_46 : i32
      %dma_start3A = arith.constant 0 : i32
      %dma_start3A_48 = tpu.memref_slice %arg3[%add3A_47, %dma_start3A] : memref<2560x128xi32, #tpu.memory_space<hbm>> -> memref<16x128xi32, #tpu.memory_space<hbm>>
      %dma_start3A_49 = arith.constant 0 : i32
      %dma_start3A_50 = tpu.memref_slice %arg3[%add3A_47, %dma_start3A_49] : memref<2560x128xi32, #tpu.memory_space<hbm>> -> memref<16x128xi32, #tpu.memory_space<hbm>>
      tpu.enqueue_dma source(%dma_start3A_50 : memref<16x128xi32, #tpu.memory_space<hbm>>) target(%arg6 : memref<16x128xi32, #tpu.memory_space<vmem>>) target_semaphore(%arg12 : memref<!tpu.dma_semaphore, #tpu.memory_space<semaphore_mem>>)
      %dma_start3A_51 = arith.constant 0 : i32
      %dma_start3A_52 = tpu.memref_slice %arg4[%add3A_47, %dma_start3A_51] : memref<2560x128xi32, #tpu.memory_space<hbm>> -> memref<16x128xi32, #tpu.memory_space<hbm>>
      %dma_start3A_53 = arith.constant 0 : i32
      %dma_start3A_54 = tpu.memref_slice %arg4[%add3A_47, %dma_start3A_53] : memref<2560x128xi32, #tpu.memory_space<hbm>> -> memref<16x128xi32, #tpu.memory_space<hbm>>
      tpu.enqueue_dma source(%dma_start3A_54 : memref<16x128xi32, #tpu.memory_space<hbm>>) target(%arg7 : memref<16x128xi32, #tpu.memory_space<vmem>>) target_semaphore(%arg12 : memref<!tpu.dma_semaphore, #tpu.memory_space<semaphore_mem>>)
      %dma_wait3A = arith.constant 0 : i32
      %dma_wait3A_55 = arith.constant 0 : i32
      %dma_wait3A_56 = tpu.memref_slice %arg3[%dma_wait3A, %dma_wait3A_55] : memref<2560x128xi32, #tpu.memory_space<hbm>> -> memref<16x128xi32, #tpu.memory_space<hbm>>
      %dma_wait3A_57 = arith.constant 0 : i32
      %dma_wait3A_58 = arith.constant 0 : i32
      %dma_wait3A_59 = tpu.memref_slice %arg3[%dma_wait3A_57, %dma_wait3A_58] : memref<2560x128xi32, #tpu.memory_space<hbm>> -> memref<16x128xi32, #tpu.memory_space<hbm>>
      tpu.wait_dma2 semaphore(%arg12 : memref<!tpu.dma_semaphore, #tpu.memory_space<semaphore_mem>>) src(%dma_wait3A_59 : memref<16x128xi32, #tpu.memory_space<hbm>>) dst(%arg6 : memref<16x128xi32, #tpu.memory_space<vmem>>)
      %dma_wait3A_60 = arith.constant 0 : i32
      %dma_wait3A_61 = arith.constant 0 : i32
      %dma_wait3A_62 = tpu.memref_slice %arg4[%dma_wait3A_60, %dma_wait3A_61] : memref<2560x128xi32, #tpu.memory_space<hbm>> -> memref<16x128xi32, #tpu.memory_space<hbm>>
      %dma_wait3A_63 = arith.constant 0 : i32
      %dma_wait3A_64 = arith.constant 0 : i32
      %dma_wait3A_65 = tpu.memref_slice %arg4[%dma_wait3A_63, %dma_wait3A_64] : memref<2560x128xi32, #tpu.memory_space<hbm>> -> memref<16x128xi32, #tpu.memory_space<hbm>>
      tpu.wait_dma2 semaphore(%arg12 : memref<!tpu.dma_semaphore, #tpu.memory_space<semaphore_mem>>) src(%dma_wait3A_65 : memref<16x128xi32, #tpu.memory_space<hbm>>) dst(%arg7 : memref<16x128xi32, #tpu.memory_space<vmem>>)
      %dma_start3A_66 = arith.constant 0 : i32
      %dma_start3A_67 = arith.constant 0 : i32
      %dma_start3A_68 = arith.constant 0 : i32
      %dma_start3A_69 = arith.constant 0 : i32
      %dma_start3A_70 = arith.constant 0 : i32
      %dma_start3A_71 = tpu.memref_slice %arg8[%dma_start3A_67, %dma_start3A_69, %dma_start3A_70] : memref<2x128x128xf32, #tpu.memory_space<vmem>> -> memref<1x128x128xf32, #tpu.memory_space<vmem>>
      %dma_start3A_72 = tpu.memref_squeeze %dma_start3A_71 : memref<1x128x128xf32, #tpu.memory_space<vmem>> -> memref<128x128xf32, #tpu.memory_space<vmem>>
      %dma_start3A_73 = arith.constant 0 : i32
      %dma_start3A_74 = tpu.memref_slice %arg6[%dma_start3A_66, %dma_start3A_73] : memref<16x128xi32, #tpu.memory_space<vmem>> -> memref<1x128xi32, #tpu.memory_space<vmem>>
      %dma_start3A_75 = tpu.memref_squeeze %dma_start3A_74 : memref<1x128xi32, #tpu.memory_space<vmem>> -> memref<128xi32, #tpu.memory_space<vmem>>
      %dma_start3A_76 = arith.constant 0 : i32
      %dma_start3A_77 = arith.constant 0 : i32
      %dma_start3A_78 = tpu.memref_slice %arg2[%dma_start3A_76, %dma_start3A_77] : memref<10000x128xf32, #tpu.memory_space<hbm>> -> memref<10000x128xf32, #tpu.memory_space<hbm>>
      %dma_start3A_79 = tpu.memref_slice %arg10[%dma_start3A_68] : memref<2x!tpu.dma_semaphore, #tpu.memory_space<semaphore_mem>> -> memref<1x!tpu.dma_semaphore, #tpu.memory_space<semaphore_mem>>
      %dma_start3A_80 = tpu.memref_squeeze %dma_start3A_79 : memref<1x!tpu.dma_semaphore, #tpu.memory_space<semaphore_mem>> -> memref<!tpu.dma_semaphore, #tpu.memory_space<semaphore_mem>>
      tpu.enqueue_indirect_dma source(%dma_start3A_78 : memref<10000x128xf32, #tpu.memory_space<hbm>>) target(%dma_start3A_72 : memref<128x128xf32, #tpu.memory_space<vmem>>) offsets(%dma_start3A_75 : memref<128xi32, #tpu.memory_space<vmem>>) semaphore(%dma_start3A_80 : memref<!tpu.dma_semaphore, #tpu.memory_space<semaphore_mem>>)
      %scan3A = arith.constant 0 : i32
      %scan3A_81 = arith.constant 0 : i32
      %scan3A_82 = arith.constant 8 : i32
      %scan3A_83 = arith.addi %scan3A_81, %scan3A_82 : i32
      %scan3A_84 = arith.constant 1 : i32
      scf.for %scan3A_101 = %scan3A_81 to %scan3A_83 step %scan3A_84  : i32 {
        %mul3A_102 = arith.constant 2 : i32
        %mul3A_103 = arith.muli %scan3A_101, %mul3A_102 : i32
        %add3A_104 = arith.constant 0 : i32
        %add3A_105 = arith.addi %mul3A_103, %add3A_104 : i32
        %dma_wait3A_106 = arith.constant 0 : i32
        %dma_wait3A_107 = arith.constant 0 : i32
        %dma_wait3A_108 = arith.constant 0 : i32
        %dma_wait3A_109 = arith.constant 0 : i32
        %dma_wait3A_110 = tpu.memref_slice %arg8[%dma_wait3A_106, %dma_wait3A_108, %dma_wait3A_109] : memref<2x128x128xf32, #tpu.memory_space<vmem>> -> memref<1x128x128xf32, #tpu.memory_space<vmem>>
        %dma_wait3A_111 = tpu.memref_squeeze %dma_wait3A_110 : memref<1x128x128xf32, #tpu.memory_space<vmem>> -> memref<128x128xf32, #tpu.memory_space<vmem>>
        %dma_wait3A_112 = arith.constant 0 : i32
        %dma_wait3A_113 = tpu.memref_slice %arg6[%add3A_105, %dma_wait3A_112] : memref<16x128xi32, #tpu.memory_space<vmem>> -> memref<1x128xi32, #tpu.memory_space<vmem>>
        %dma_wait3A_114 = tpu.memref_squeeze %dma_wait3A_113 : memref<1x128xi32, #tpu.memory_space<vmem>> -> memref<128xi32, #tpu.memory_space<vmem>>
        %dma_wait3A_115 = arith.constant 0 : i32
        %dma_wait3A_116 = arith.constant 0 : i32
        %dma_wait3A_117 = tpu.memref_slice %arg2[%dma_wait3A_115, %dma_wait3A_116] : memref<10000x128xf32, #tpu.memory_space<hbm>> -> memref<10000x128xf32, #tpu.memory_space<hbm>>
        %dma_wait3A_118 = tpu.memref_slice %arg10[%dma_wait3A_107] : memref<2x!tpu.dma_semaphore, #tpu.memory_space<semaphore_mem>> -> memref<1x!tpu.dma_semaphore, #tpu.memory_space<semaphore_mem>>
        %dma_wait3A_119 = tpu.memref_squeeze %dma_wait3A_118 : memref<1x!tpu.dma_semaphore, #tpu.memory_space<semaphore_mem>> -> memref<!tpu.dma_semaphore, #tpu.memory_space<semaphore_mem>>
        tpu.wait_indirect_dma semaphore(%dma_wait3A_119 : memref<!tpu.dma_semaphore, #tpu.memory_space<semaphore_mem>>) src(%dma_wait3A_117 : memref<10000x128xf32, #tpu.memory_space<hbm>>) dst(%dma_wait3A_111 : memref<128x128xf32, #tpu.memory_space<vmem>>)
        %dma_start3A_120 = arith.constant 0 : i32
        %dma_start3A_121 = arith.constant 0 : i32
        %dma_start3A_122 = arith.constant 0 : i32
        %dma_start3A_123 = arith.constant 0 : i32
        %dma_start3A_124 = tpu.memref_slice %arg8[%dma_start3A_120, %dma_start3A_122, %dma_start3A_123] : memref<2x128x128xf32, #tpu.memory_space<vmem>> -> memref<1x128x128xf32, #tpu.memory_space<vmem>>
        %dma_start3A_125 = tpu.memref_squeeze %dma_start3A_124 : memref<1x128x128xf32, #tpu.memory_space<vmem>> -> memref<128x128xf32, #tpu.memory_space<vmem>>
        %dma_start3A_126 = arith.constant 0 : i32
        %dma_start3A_127 = tpu.memref_slice %arg7[%add3A_105, %dma_start3A_126] : memref<16x128xi32, #tpu.memory_space<vmem>> -> memref<1x128xi32, #tpu.memory_space<vmem>>
        %dma_start3A_128 = tpu.memref_squeeze %dma_start3A_127 : memref<1x128xi32, #tpu.memory_space<vmem>> -> memref<128xi32, #tpu.memory_space<vmem>>
        %dma_start3A_129 = arith.constant 0 : i32
        %dma_start3A_130 = arith.constant 0 : i32
        %dma_start3A_131 = tpu.memref_slice %arg9[%dma_start3A_129, %dma_start3A_130] : memref<10240x128xf32, #tpu.memory_space<vmem_shared>> -> memref<10240x128xf32, #tpu.memory_space<vmem_shared>>
        %dma_start3A_132 = tpu.memref_slice %arg11[%dma_start3A_121] : memref<2x!tpu.dma_semaphore, #tpu.memory_space<semaphore_mem>> -> memref<1x!tpu.dma_semaphore, #tpu.memory_space<semaphore_mem>>
        %dma_start3A_133 = tpu.memref_squeeze %dma_start3A_132 : memref<1x!tpu.dma_semaphore, #tpu.memory_space<semaphore_mem>> -> memref<!tpu.dma_semaphore, #tpu.memory_space<semaphore_mem>>
        tpu.enqueue_indirect_dma source(%dma_start3A_125 : memref<128x128xf32, #tpu.memory_space<vmem>>) target(%dma_start3A_131 : memref<10240x128xf32, #tpu.memory_space<vmem_shared>>) offsets(%dma_start3A_128 : memref<128xi32, #tpu.memory_space<vmem>>) semaphore(%dma_start3A_133 : memref<!tpu.dma_semaphore, #tpu.memory_space<semaphore_mem>>) {add = true}
        %ge3A = arith.constant 1 : i32
        %ge3A_134 = arith.cmpi sge, %add3A_105, %ge3A : i32
        %convert_element_type3A_135 = arith.extui %ge3A_134 : i1 to i32
        %cond3A_136 = arith.constant 0 : i32
        %cond3A_137 = arith.cmpi ne, %convert_element_type3A_135, %cond3A_136 : i32
        scf.if %cond3A_137 {
          %sub3A_189 = arith.constant 1 : i32
          %sub3A_190 = arith.subi %add3A_105, %sub3A_189 : i32
          %dma_wait3A_191 = arith.constant 1 : i32
          %dma_wait3A_192 = arith.constant 1 : i32
          %dma_wait3A_193 = arith.constant 0 : i32
          %dma_wait3A_194 = arith.constant 0 : i32
          %dma_wait3A_195 = tpu.memref_slice %arg8[%dma_wait3A_191, %dma_wait3A_193, %dma_wait3A_194] : memref<2x128x128xf32, #tpu.memory_space<vmem>> -> memref<1x128x128xf32, #tpu.memory_space<vmem>>
          %dma_wait3A_196 = tpu.memref_squeeze %dma_wait3A_195 : memref<1x128x128xf32, #tpu.memory_space<vmem>> -> memref<128x128xf32, #tpu.memory_space<vmem>>
          %dma_wait3A_197 = arith.constant 0 : i32
          %dma_wait3A_198 = tpu.memref_slice %arg7[%sub3A_190, %dma_wait3A_197] : memref<16x128xi32, #tpu.memory_space<vmem>> -> memref<1x128xi32, #tpu.memory_space<vmem>>
          %dma_wait3A_199 = tpu.memref_squeeze %dma_wait3A_198 : memref<1x128xi32, #tpu.memory_space<vmem>> -> memref<128xi32, #tpu.memory_space<vmem>>
          %dma_wait3A_200 = arith.constant 0 : i32
          %dma_wait3A_201 = arith.constant 0 : i32
          %dma_wait3A_202 = tpu.memref_slice %arg9[%dma_wait3A_200, %dma_wait3A_201] : memref<10240x128xf32, #tpu.memory_space<vmem_shared>> -> memref<10240x128xf32, #tpu.memory_space<vmem_shared>>
          %dma_wait3A_203 = tpu.memref_slice %arg11[%dma_wait3A_192] : memref<2x!tpu.dma_semaphore, #tpu.memory_space<semaphore_mem>> -> memref<1x!tpu.dma_semaphore, #tpu.memory_space<semaphore_mem>>
          %dma_wait3A_204 = tpu.memref_squeeze %dma_wait3A_203 : memref<1x!tpu.dma_semaphore, #tpu.memory_space<semaphore_mem>> -> memref<!tpu.dma_semaphore, #tpu.memory_space<semaphore_mem>>
          tpu.wait_indirect_dma semaphore(%dma_wait3A_204 : memref<!tpu.dma_semaphore, #tpu.memory_space<semaphore_mem>>) src(%dma_wait3A_196 : memref<128x128xf32, #tpu.memory_space<vmem>>) dst(%dma_wait3A_202 : memref<10240x128xf32, #tpu.memory_space<vmem_shared>>)
        } else {
        }
        %add3A_138 = arith.constant 1 : i32
        %add3A_139 = arith.addi %add3A_105, %add3A_138 : i32
        %lt3A_140 = arith.constant 16 : i32
        %lt3A_141 = arith.cmpi slt, %add3A_139, %lt3A_140 : i32
        %convert_element_type3A_142 = arith.extui %lt3A_141 : i1 to i32
        %cond3A_143 = arith.constant 0 : i32
        %cond3A_144 = arith.cmpi ne, %convert_element_type3A_142, %cond3A_143 : i32
        scf.if %cond3A_144 {
          %add3A_189 = arith.constant 1 : i32
          %add3A_190 = arith.addi %add3A_105, %add3A_189 : i32
          %dma_start3A_191 = arith.constant 1 : i32
          %dma_start3A_192 = arith.constant 1 : i32
          %dma_start3A_193 = arith.constant 0 : i32
          %dma_start3A_194 = arith.constant 0 : i32
          %dma_start3A_195 = tpu.memref_slice %arg8[%dma_start3A_191, %dma_start3A_193, %dma_start3A_194] : memref<2x128x128xf32, #tpu.memory_space<vmem>> -> memref<1x128x128xf32, #tpu.memory_space<vmem>>
          %dma_start3A_196 = tpu.memref_squeeze %dma_start3A_195 : memref<1x128x128xf32, #tpu.memory_space<vmem>> -> memref<128x128xf32, #tpu.memory_space<vmem>>
          %dma_start3A_197 = arith.constant 0 : i32
          %dma_start3A_198 = tpu.memref_slice %arg6[%add3A_190, %dma_start3A_197] : memref<16x128xi32, #tpu.memory_space<vmem>> -> memref<1x128xi32, #tpu.memory_space<vmem>>
          %dma_start3A_199 = tpu.memref_squeeze %dma_start3A_198 : memref<1x128xi32, #tpu.memory_space<vmem>> -> memref<128xi32, #tpu.memory_space<vmem>>
          %dma_start3A_200 = arith.constant 0 : i32
          %dma_start3A_201 = arith.constant 0 : i32
          %dma_start3A_202 = tpu.memref_slice %arg2[%dma_start3A_200, %dma_start3A_201] : memref<10000x128xf32, #tpu.memory_space<hbm>> -> memref<10000x128xf32, #tpu.memory_space<hbm>>
          %dma_start3A_203 = tpu.memref_slice %arg10[%dma_start3A_192] : memref<2x!tpu.dma_semaphore, #tpu.memory_space<semaphore_mem>> -> memref<1x!tpu.dma_semaphore, #tpu.memory_space<semaphore_mem>>
          %dma_start3A_204 = tpu.memref_squeeze %dma_start3A_203 : memref<1x!tpu.dma_semaphore, #tpu.memory_space<semaphore_mem>> -> memref<!tpu.dma_semaphore, #tpu.memory_space<semaphore_mem>>
          tpu.enqueue_indirect_dma source(%dma_start3A_202 : memref<10000x128xf32, #tpu.memory_space<hbm>>) target(%dma_start3A_196 : memref<128x128xf32, #tpu.memory_space<vmem>>) offsets(%dma_start3A_199 : memref<128xi32, #tpu.memory_space<vmem>>) semaphore(%dma_start3A_204 : memref<!tpu.dma_semaphore, #tpu.memory_space<semaphore_mem>>)
        } else {
        }
        %mul3A_145 = arith.constant 2 : i32
        %mul3A_146 = arith.muli %scan3A_101, %mul3A_145 : i32
        %add3A_147 = arith.constant 1 : i32
        %add3A_148 = arith.addi %mul3A_146, %add3A_147 : i32
        %dma_wait3A_149 = arith.constant 1 : i32
        %dma_wait3A_150 = arith.constant 1 : i32
        %dma_wait3A_151 = arith.constant 0 : i32
        %dma_wait3A_152 = arith.constant 0 : i32
        %dma_wait3A_153 = tpu.memref_slice %arg8[%dma_wait3A_149, %dma_wait3A_151, %dma_wait3A_152] : memref<2x128x128xf32, #tpu.memory_space<vmem>> -> memref<1x128x128xf32, #tpu.memory_space<vmem>>
        %dma_wait3A_154 = tpu.memref_squeeze %dma_wait3A_153 : memref<1x128x128xf32, #tpu.memory_space<vmem>> -> memref<128x128xf32, #tpu.memory_space<vmem>>
        %dma_wait3A_155 = arith.constant 0 : i32
        %dma_wait3A_156 = tpu.memref_slice %arg6[%add3A_148, %dma_wait3A_155] : memref<16x128xi32, #tpu.memory_space<vmem>> -> memref<1x128xi32, #tpu.memory_space<vmem>>
        %dma_wait3A_157 = tpu.memref_squeeze %dma_wait3A_156 : memref<1x128xi32, #tpu.memory_space<vmem>> -> memref<128xi32, #tpu.memory_space<vmem>>
        %dma_wait3A_158 = arith.constant 0 : i32
        %dma_wait3A_159 = arith.constant 0 : i32
        %dma_wait3A_160 = tpu.memref_slice %arg2[%dma_wait3A_158, %dma_wait3A_159] : memref<10000x128xf32, #tpu.memory_space<hbm>> -> memref<10000x128xf32, #tpu.memory_space<hbm>>
        %dma_wait3A_161 = tpu.memref_slice %arg10[%dma_wait3A_150] : memref<2x!tpu.dma_semaphore, #tpu.memory_space<semaphore_mem>> -> memref<1x!tpu.dma_semaphore, #tpu.memory_space<semaphore_mem>>
        %dma_wait3A_162 = tpu.memref_squeeze %dma_wait3A_161 : memref<1x!tpu.dma_semaphore, #tpu.memory_space<semaphore_mem>> -> memref<!tpu.dma_semaphore, #tpu.memory_space<semaphore_mem>>
        tpu.wait_indirect_dma semaphore(%dma_wait3A_162 : memref<!tpu.dma_semaphore, #tpu.memory_space<semaphore_mem>>) src(%dma_wait3A_160 : memref<10000x128xf32, #tpu.memory_space<hbm>>) dst(%dma_wait3A_154 : memref<128x128xf32, #tpu.memory_space<vmem>>)
        %dma_start3A_163 = arith.constant 1 : i32
        %dma_start3A_164 = arith.constant 1 : i32
        %dma_start3A_165 = arith.constant 0 : i32
        %dma_start3A_166 = arith.constant 0 : i32
        %dma_start3A_167 = tpu.memref_slice %arg8[%dma_start3A_163, %dma_start3A_165, %dma_start3A_166] : memref<2x128x128xf32, #tpu.memory_space<vmem>> -> memref<1x128x128xf32, #tpu.memory_space<vmem>>
        %dma_start3A_168 = tpu.memref_squeeze %dma_start3A_167 : memref<1x128x128xf32, #tpu.memory_space<vmem>> -> memref<128x128xf32, #tpu.memory_space<vmem>>
        %dma_start3A_169 = arith.constant 0 : i32
        %dma_start3A_170 = tpu.memref_slice %arg7[%add3A_148, %dma_start3A_169] : memref<16x128xi32, #tpu.memory_space<vmem>> -> memref<1x128xi32, #tpu.memory_space<vmem>>
        %dma_start3A_171 = tpu.memref_squeeze %dma_start3A_170 : memref<1x128xi32, #tpu.memory_space<vmem>> -> memref<128xi32, #tpu.memory_space<vmem>>
        %dma_start3A_172 = arith.constant 0 : i32
        %dma_start3A_173 = arith.constant 0 : i32
        %dma_start3A_174 = tpu.memref_slice %arg9[%dma_start3A_172, %dma_start3A_173] : memref<10240x128xf32, #tpu.memory_space<vmem_shared>> -> memref<10240x128xf32, #tpu.memory_space<vmem_shared>>
        %dma_start3A_175 = tpu.memref_slice %arg11[%dma_start3A_164] : memref<2x!tpu.dma_semaphore, #tpu.memory_space<semaphore_mem>> -> memref<1x!tpu.dma_semaphore, #tpu.memory_space<semaphore_mem>>
        %dma_start3A_176 = tpu.memref_squeeze %dma_start3A_175 : memref<1x!tpu.dma_semaphore, #tpu.memory_space<semaphore_mem>> -> memref<!tpu.dma_semaphore, #tpu.memory_space<semaphore_mem>>
        tpu.enqueue_indirect_dma source(%dma_start3A_168 : memref<128x128xf32, #tpu.memory_space<vmem>>) target(%dma_start3A_174 : memref<10240x128xf32, #tpu.memory_space<vmem_shared>>) offsets(%dma_start3A_171 : memref<128xi32, #tpu.memory_space<vmem>>) semaphore(%dma_start3A_176 : memref<!tpu.dma_semaphore, #tpu.memory_space<semaphore_mem>>) {add = true}
        %ge3A_177 = arith.constant 1 : i32
        %ge3A_178 = arith.cmpi sge, %add3A_148, %ge3A_177 : i32
        %convert_element_type3A_179 = arith.extui %ge3A_178 : i1 to i32
        %cond3A_180 = arith.constant 0 : i32
        %cond3A_181 = arith.cmpi ne, %convert_element_type3A_179, %cond3A_180 : i32
        scf.if %cond3A_181 {
          %sub3A_189 = arith.constant 1 : i32
          %sub3A_190 = arith.subi %add3A_148, %sub3A_189 : i32
          %dma_wait3A_191 = arith.constant 0 : i32
          %dma_wait3A_192 = arith.constant 0 : i32
          %dma_wait3A_193 = arith.constant 0 : i32
          %dma_wait3A_194 = arith.constant 0 : i32
          %dma_wait3A_195 = tpu.memref_slice %arg8[%dma_wait3A_191, %dma_wait3A_193, %dma_wait3A_194] : memref<2x128x128xf32, #tpu.memory_space<vmem>> -> memref<1x128x128xf32, #tpu.memory_space<vmem>>
          %dma_wait3A_196 = tpu.memref_squeeze %dma_wait3A_195 : memref<1x128x128xf32, #tpu.memory_space<vmem>> -> memref<128x128xf32, #tpu.memory_space<vmem>>
          %dma_wait3A_197 = arith.constant 0 : i32
          %dma_wait3A_198 = tpu.memref_slice %arg7[%sub3A_190, %dma_wait3A_197] : memref<16x128xi32, #tpu.memory_space<vmem>> -> memref<1x128xi32, #tpu.memory_space<vmem>>
          %dma_wait3A_199 = tpu.memref_squeeze %dma_wait3A_198 : memref<1x128xi32, #tpu.memory_space<vmem>> -> memref<128xi32, #tpu.memory_space<vmem>>
          %dma_wait3A_200 = arith.constant 0 : i32
          %dma_wait3A_201 = arith.constant 0 : i32
          %dma_wait3A_202 = tpu.memref_slice %arg9[%dma_wait3A_200, %dma_wait3A_201] : memref<10240x128xf32, #tpu.memory_space<vmem_shared>> -> memref<10240x128xf32, #tpu.memory_space<vmem_shared>>
          %dma_wait3A_203 = tpu.memref_slice %arg11[%dma_wait3A_192] : memref<2x!tpu.dma_semaphore, #tpu.memory_space<semaphore_mem>> -> memref<1x!tpu.dma_semaphore, #tpu.memory_space<semaphore_mem>>
          %dma_wait3A_204 = tpu.memref_squeeze %dma_wait3A_203 : memref<1x!tpu.dma_semaphore, #tpu.memory_space<semaphore_mem>> -> memref<!tpu.dma_semaphore, #tpu.memory_space<semaphore_mem>>
          tpu.wait_indirect_dma semaphore(%dma_wait3A_204 : memref<!tpu.dma_semaphore, #tpu.memory_space<semaphore_mem>>) src(%dma_wait3A_196 : memref<128x128xf32, #tpu.memory_space<vmem>>) dst(%dma_wait3A_202 : memref<10240x128xf32, #tpu.memory_space<vmem_shared>>)
        } else {
        }
        %add3A_182 = arith.constant 1 : i32
        %add3A_183 = arith.addi %add3A_148, %add3A_182 : i32
        %lt3A_184 = arith.constant 16 : i32
        %lt3A_185 = arith.cmpi slt, %add3A_183, %lt3A_184 : i32
        %convert_element_type3A_186 = arith.extui %lt3A_185 : i1 to i32
        %cond3A_187 = arith.constant 0 : i32
        %cond3A_188 = arith.cmpi ne, %convert_element_type3A_186, %cond3A_187 : i32
        scf.if %cond3A_188 {
          %add3A_189 = arith.constant 1 : i32
          %add3A_190 = arith.addi %add3A_148, %add3A_189 : i32
          %dma_start3A_191 = arith.constant 0 : i32
          %dma_start3A_192 = arith.constant 0 : i32
          %dma_start3A_193 = arith.constant 0 : i32
          %dma_start3A_194 = arith.constant 0 : i32
          %dma_start3A_195 = tpu.memref_slice %arg8[%dma_start3A_191, %dma_start3A_193, %dma_start3A_194] : memref<2x128x128xf32, #tpu.memory_space<vmem>> -> memref<1x128x128xf32, #tpu.memory_space<vmem>>
          %dma_start3A_196 = tpu.memref_squeeze %dma_start3A_195 : memref<1x128x128xf32, #tpu.memory_space<vmem>> -> memref<128x128xf32, #tpu.memory_space<vmem>>
          %dma_start3A_197 = arith.constant 0 : i32
          %dma_start3A_198 = tpu.memref_slice %arg6[%add3A_190, %dma_start3A_197] : memref<16x128xi32, #tpu.memory_space<vmem>> -> memref<1x128xi32, #tpu.memory_space<vmem>>
          %dma_start3A_199 = tpu.memref_squeeze %dma_start3A_198 : memref<1x128xi32, #tpu.memory_space<vmem>> -> memref<128xi32, #tpu.memory_space<vmem>>
          %dma_start3A_200 = arith.constant 0 : i32
          %dma_start3A_201 = arith.constant 0 : i32
          %dma_start3A_202 = tpu.memref_slice %arg2[%dma_start3A_200, %dma_start3A_201] : memref<10000x128xf32, #tpu.memory_space<hbm>> -> memref<10000x128xf32, #tpu.memory_space<hbm>>
          %dma_start3A_203 = tpu.memref_slice %arg10[%dma_start3A_192] : memref<2x!tpu.dma_semaphore, #tpu.memory_space<semaphore_mem>> -> memref<1x!tpu.dma_semaphore, #tpu.memory_space<semaphore_mem>>
          %dma_start3A_204 = tpu.memref_squeeze %dma_start3A_203 : memref<1x!tpu.dma_semaphore, #tpu.memory_space<semaphore_mem>> -> memref<!tpu.dma_semaphore, #tpu.memory_space<semaphore_mem>>
          tpu.enqueue_indirect_dma source(%dma_start3A_202 : memref<10000x128xf32, #tpu.memory_space<hbm>>) target(%dma_start3A_196 : memref<128x128xf32, #tpu.memory_space<vmem>>) offsets(%dma_start3A_199 : memref<128xi32, #tpu.memory_space<vmem>>) semaphore(%dma_start3A_204 : memref<!tpu.dma_semaphore, #tpu.memory_space<semaphore_mem>>)
        } else {
        }
      }
      %scan3A_85 = arith.constant 8 : i32
      %dma_wait3A_86 = arith.constant 1 : i32
      %dma_wait3A_87 = arith.constant 15 : i32
      %dma_wait3A_88 = arith.constant 1 : i32
      %dma_wait3A_89 = arith.constant 0 : i32
      %dma_wait3A_90 = arith.constant 0 : i32
      %dma_wait3A_91 = tpu.memref_slice %arg8[%dma_wait3A_86, %dma_wait3A_89, %dma_wait3A_90] : memref<2x128x128xf32, #tpu.memory_space<vmem>> -> memref<1x128x128xf32, #tpu.memory_space<vmem>>
      %dma_wait3A_92 = tpu.memref_squeeze %dma_wait3A_91 : memref<1x128x128xf32, #tpu.memory_space<vmem>> -> memref<128x128xf32, #tpu.memory_space<vmem>>
      %dma_wait3A_93 = arith.constant 0 : i32
      %dma_wait3A_94 = tpu.memref_slice %arg7[%dma_wait3A_87, %dma_wait3A_93] : memref<16x128xi32, #tpu.memory_space<vmem>> -> memref<1x128xi32, #tpu.memory_space<vmem>>
      %dma_wait3A_95 = tpu.memref_squeeze %dma_wait3A_94 : memref<1x128xi32, #tpu.memory_space<vmem>> -> memref<128xi32, #tpu.memory_space<vmem>>
      %dma_wait3A_96 = arith.constant 0 : i32
      %dma_wait3A_97 = arith.constant 0 : i32
      %dma_wait3A_98 = tpu.memref_slice %arg9[%dma_wait3A_96, %dma_wait3A_97] : memref<10240x128xf32, #tpu.memory_space<vmem_shared>> -> memref<10240x128xf32, #tpu.memory_space<vmem_shared>>
      %dma_wait3A_99 = tpu.memref_slice %arg11[%dma_wait3A_88] : memref<2x!tpu.dma_semaphore, #tpu.memory_space<semaphore_mem>> -> memref<1x!tpu.dma_semaphore, #tpu.memory_space<semaphore_mem>>
      %dma_wait3A_100 = tpu.memref_squeeze %dma_wait3A_99 : memref<1x!tpu.dma_semaphore, #tpu.memory_space<semaphore_mem>> -> memref<!tpu.dma_semaphore, #tpu.memory_space<semaphore_mem>>
      tpu.wait_indirect_dma semaphore(%dma_wait3A_100 : memref<!tpu.dma_semaphore, #tpu.memory_space<semaphore_mem>>) src(%dma_wait3A_92 : memref<128x128xf32, #tpu.memory_space<vmem>>) dst(%dma_wait3A_98 : memref<10240x128xf32, #tpu.memory_space<vmem_shared>>)
    }
    %while3A_37 = arith.constant 1 : i32
    scf.for %while3A_44 = %while3A_35 to %while3A_31 step %while3A_37  : i32 {
      %mul3A_45 = arith.constant 16 : i32
      %mul3A_46 = arith.muli %while3A_44, %mul3A_45 : i32
      %add3A_47 = arith.addi %select_n3A_8, %mul3A_46 : i32
      %dma_start3A = arith.constant 0 : i32
      %dma_start3A_48 = tpu.memref_slice %arg3[%add3A_47, %dma_start3A] : memref<2560x128xi32, #tpu.memory_space<hbm>> -> memref<16x128xi32, #tpu.memory_space<hbm>>
      %dma_start3A_49 = arith.constant 0 : i32
      %dma_start3A_50 = tpu.memref_slice %arg3[%add3A_47, %dma_start3A_49] : memref<2560x128xi32, #tpu.memory_space<hbm>> -> memref<16x128xi32, #tpu.memory_space<hbm>>
      tpu.enqueue_dma source(%dma_start3A_50 : memref<16x128xi32, #tpu.memory_space<hbm>>) target(%arg6 : memref<16x128xi32, #tpu.memory_space<vmem>>) target_semaphore(%arg12 : memref<!tpu.dma_semaphore, #tpu.memory_space<semaphore_mem>>)
      %dma_start3A_51 = arith.constant 0 : i32
      %dma_start3A_52 = tpu.memref_slice %arg4[%add3A_47, %dma_start3A_51] : memref<2560x128xi32, #tpu.memory_space<hbm>> -> memref<16x128xi32, #tpu.memory_space<hbm>>
      %dma_start3A_53 = arith.constant 0 : i32
      %dma_start3A_54 = tpu.memref_slice %arg4[%add3A_47, %dma_start3A_53] : memref<2560x128xi32, #tpu.memory_space<hbm>> -> memref<16x128xi32, #tpu.memory_space<hbm>>
      tpu.enqueue_dma source(%dma_start3A_54 : memref<16x128xi32, #tpu.memory_space<hbm>>) target(%arg7 : memref<16x128xi32, #tpu.memory_space<vmem>>) target_semaphore(%arg12 : memref<!tpu.dma_semaphore, #tpu.memory_space<semaphore_mem>>)
      %dma_wait3A = arith.constant 0 : i32
      %dma_wait3A_55 = arith.constant 0 : i32
      %dma_wait3A_56 = tpu.memref_slice %arg3[%dma_wait3A, %dma_wait3A_55] : memref<2560x128xi32, #tpu.memory_space<hbm>> -> memref<16x128xi32, #tpu.memory_space<hbm>>
      %dma_wait3A_57 = arith.constant 0 : i32
      %dma_wait3A_58 = arith.constant 0 : i32
      %dma_wait3A_59 = tpu.memref_slice %arg3[%dma_wait3A_57, %dma_wait3A_58] : memref<2560x128xi32, #tpu.memory_space<hbm>> -> memref<16x128xi32, #tpu.memory_space<hbm>>
      tpu.wait_dma2 semaphore(%arg12 : memref<!tpu.dma_semaphore, #tpu.memory_space<semaphore_mem>>) src(%dma_wait3A_59 : memref<16x128xi32, #tpu.memory_space<hbm>>) dst(%arg6 : memref<16x128xi32, #tpu.memory_space<vmem>>)
      %dma_wait3A_60 = arith.constant 0 : i32
      %dma_wait3A_61 = arith.constant 0 : i32
      %dma_wait3A_62 = tpu.memref_slice %arg4[%dma_wait3A_60, %dma_wait3A_61] : memref<2560x128xi32, #tpu.memory_space<hbm>> -> memref<16x128xi32, #tpu.memory_space<hbm>>
      %dma_wait3A_63 = arith.constant 0 : i32
      %dma_wait3A_64 = arith.constant 0 : i32
      %dma_wait3A_65 = tpu.memref_slice %arg4[%dma_wait3A_63, %dma_wait3A_64] : memref<2560x128xi32, #tpu.memory_space<hbm>> -> memref<16x128xi32, #tpu.memory_space<hbm>>
      tpu.wait_dma2 semaphore(%arg12 : memref<!tpu.dma_semaphore, #tpu.memory_space<semaphore_mem>>) src(%dma_wait3A_65 : memref<16x128xi32, #tpu.memory_space<hbm>>) dst(%arg7 : memref<16x128xi32, #tpu.memory_space<vmem>>)
      %dma_start3A_66 = arith.constant 0 : i32
      %dma_start3A_67 = arith.constant 0 : i32
      %dma_start3A_68 = arith.constant 0 : i32
      %dma_start3A_69 = arith.constant 0 : i32
      %dma_start3A_70 = arith.constant 0 : i32
      %dma_start3A_71 = tpu.memref_slice %arg8[%dma_start3A_67, %dma_start3A_69, %dma_start3A_70] : memref<2x128x128xf32, #tpu.memory_space<vmem>> -> memref<1x128x128xf32, #tpu.memory_space<vmem>>
      %dma_start3A_72 = tpu.memref_squeeze %dma_start3A_71 : memref<1x128x128xf32, #tpu.memory_space<vmem>> -> memref<128x128xf32, #tpu.memory_space<vmem>>
      %dma_start3A_73 = arith.constant 0 : i32
      %dma_start3A_74 = tpu.memref_slice %arg6[%dma_start3A_66, %dma_start3A_73] : memref<16x128xi32, #tpu.memory_space<vmem>> -> memref<1x128xi32, #tpu.memory_space<vmem>>
      %dma_start3A_75 = tpu.memref_squeeze %dma_start3A_74 : memref<1x128xi32, #tpu.memory_space<vmem>> -> memref<128xi32, #tpu.memory_space<vmem>>
      %dma_start3A_76 = arith.constant 0 : i32
      %dma_start3A_77 = arith.constant 0 : i32
      %dma_start3A_78 = tpu.memref_slice %arg2[%dma_start3A_76, %dma_start3A_77] : memref<10000x128xf32, #tpu.memory_space<hbm>> -> memref<10000x128xf32, #tpu.memory_space<hbm>>
      %dma_start3A_79 = tpu.memref_slice %arg10[%dma_start3A_68] : memref<2x!tpu.dma_semaphore, #tpu.memory_space<semaphore_mem>> -> memref<1x!tpu.dma_semaphore, #tpu.memory_space<semaphore_mem>>
      %dma_start3A_80 = tpu.memref_squeeze %dma_start3A_79 : memref<1x!tpu.dma_semaphore, #tpu.memory_space<semaphore_mem>> -> memref<!tpu.dma_semaphore, #tpu.memory_space<semaphore_mem>>
      tpu.enqueue_indirect_dma source(%dma_start3A_78 : memref<10000x128xf32, #tpu.memory_space<hbm>>) target(%dma_start3A_72 : memref<128x128xf32, #tpu.memory_space<vmem>>) offsets(%dma_start3A_75 : memref<128xi32, #tpu.memory_space<vmem>>) semaphore(%dma_start3A_80 : memref<!tpu.dma_semaphore, #tpu.memory_space<semaphore_mem>>)
      %scan3A = arith.constant 0 : i32
      %scan3A_81 = arith.constant 0 : i32
      %scan3A_82 = arith.constant 8 : i32
      %scan3A_83 = arith.addi %scan3A_81, %scan3A_82 : i32
      %scan3A_84 = arith.constant 1 : i32
      scf.for %scan3A_101 = %scan3A_81 to %scan3A_83 step %scan3A_84  : i32 {
        %mul3A_102 = arith.constant 2 : i32
        %mul3A_103 = arith.muli %scan3A_101, %mul3A_102 : i32
        %add3A_104 = arith.constant 0 : i32
        %add3A_105 = arith.addi %mul3A_103, %add3A_104 : i32
        %dma_wait3A_106 = arith.constant 0 : i32
        %dma_wait3A_107 = arith.constant 0 : i32
        %dma_wait3A_108 = arith.constant 0 : i32
        %dma_wait3A_109 = arith.constant 0 : i32
        %dma_wait3A_110 = tpu.memref_slice %arg8[%dma_wait3A_106, %dma_wait3A_108, %dma_wait3A_109] : memref<2x128x128xf32, #tpu.memory_space<vmem>> -> memref<1x128x128xf32, #tpu.memory_space<vmem>>
        %dma_wait3A_111 = tpu.memref_squeeze %dma_wait3A_110 : memref<1x128x128xf32, #tpu.memory_space<vmem>> -> memref<128x128xf32, #tpu.memory_space<vmem>>
        %dma_wait3A_112 = arith.constant 0 : i32
        %dma_wait3A_113 = tpu.memref_slice %arg6[%add3A_105, %dma_wait3A_112] : memref<16x128xi32, #tpu.memory_space<vmem>> -> memref<1x128xi32, #tpu.memory_space<vmem>>
        %dma_wait3A_114 = tpu.memref_squeeze %dma_wait3A_113 : memref<1x128xi32, #tpu.memory_space<vmem>> -> memref<128xi32, #tpu.memory_space<vmem>>
        %dma_wait3A_115 = arith.constant 0 : i32
        %dma_wait3A_116 = arith.constant 0 : i32
        %dma_wait3A_117 = tpu.memref_slice %arg2[%dma_wait3A_115, %dma_wait3A_116] : memref<10000x128xf32, #tpu.memory_space<hbm>> -> memref<10000x128xf32, #tpu.memory_space<hbm>>
        %dma_wait3A_118 = tpu.memref_slice %arg10[%dma_wait3A_107] : memref<2x!tpu.dma_semaphore, #tpu.memory_space<semaphore_mem>> -> memref<1x!tpu.dma_semaphore, #tpu.memory_space<semaphore_mem>>
        %dma_wait3A_119 = tpu.memref_squeeze %dma_wait3A_118 : memref<1x!tpu.dma_semaphore, #tpu.memory_space<semaphore_mem>> -> memref<!tpu.dma_semaphore, #tpu.memory_space<semaphore_mem>>
        tpu.wait_indirect_dma semaphore(%dma_wait3A_119 : memref<!tpu.dma_semaphore, #tpu.memory_space<semaphore_mem>>) src(%dma_wait3A_117 : memref<10000x128xf32, #tpu.memory_space<hbm>>) dst(%dma_wait3A_111 : memref<128x128xf32, #tpu.memory_space<vmem>>)
        %dma_start3A_120 = arith.constant 0 : i32
        %dma_start3A_121 = arith.constant 0 : i32
        %dma_start3A_122 = arith.constant 0 : i32
        %dma_start3A_123 = arith.constant 0 : i32
        %dma_start3A_124 = tpu.memref_slice %arg8[%dma_start3A_120, %dma_start3A_122, %dma_start3A_123] : memref<2x128x128xf32, #tpu.memory_space<vmem>> -> memref<1x128x128xf32, #tpu.memory_space<vmem>>
        %dma_start3A_125 = tpu.memref_squeeze %dma_start3A_124 : memref<1x128x128xf32, #tpu.memory_space<vmem>> -> memref<128x128xf32, #tpu.memory_space<vmem>>
        %dma_start3A_126 = arith.constant 0 : i32
        %dma_start3A_127 = tpu.memref_slice %arg7[%add3A_105, %dma_start3A_126] : memref<16x128xi32, #tpu.memory_space<vmem>> -> memref<1x128xi32, #tpu.memory_space<vmem>>
        %dma_start3A_128 = tpu.memref_squeeze %dma_start3A_127 : memref<1x128xi32, #tpu.memory_space<vmem>> -> memref<128xi32, #tpu.memory_space<vmem>>
        %dma_start3A_129 = arith.constant 0 : i32
        %dma_start3A_130 = arith.constant 0 : i32
        %dma_start3A_131 = tpu.memref_slice %arg9[%dma_start3A_129, %dma_start3A_130] : memref<10240x128xf32, #tpu.memory_space<vmem_shared>> -> memref<10240x128xf32, #tpu.memory_space<vmem_shared>>
        %dma_start3A_132 = tpu.memref_slice %arg11[%dma_start3A_121] : memref<2x!tpu.dma_semaphore, #tpu.memory_space<semaphore_mem>> -> memref<1x!tpu.dma_semaphore, #tpu.memory_space<semaphore_mem>>
        %dma_start3A_133 = tpu.memref_squeeze %dma_start3A_132 : memref<1x!tpu.dma_semaphore, #tpu.memory_space<semaphore_mem>> -> memref<!tpu.dma_semaphore, #tpu.memory_space<semaphore_mem>>
        tpu.enqueue_indirect_dma source(%dma_start3A_125 : memref<128x128xf32, #tpu.memory_space<vmem>>) target(%dma_start3A_131 : memref<10240x128xf32, #tpu.memory_space<vmem_shared>>) offsets(%dma_start3A_128 : memref<128xi32, #tpu.memory_space<vmem>>) semaphore(%dma_start3A_133 : memref<!tpu.dma_semaphore, #tpu.memory_space<semaphore_mem>>) {add = true}
        %ge3A = arith.constant 1 : i32
        %ge3A_134 = arith.cmpi sge, %add3A_105, %ge3A : i32
        %convert_element_type3A_135 = arith.extui %ge3A_134 : i1 to i32
        %cond3A_136 = arith.constant 0 : i32
        %cond3A_137 = arith.cmpi ne, %convert_element_type3A_135, %cond3A_136 : i32
        scf.if %cond3A_137 {
          %sub3A_189 = arith.constant 1 : i32
          %sub3A_190 = arith.subi %add3A_105, %sub3A_189 : i32
          %dma_wait3A_191 = arith.constant 1 : i32
          %dma_wait3A_192 = arith.constant 1 : i32
          %dma_wait3A_193 = arith.constant 0 : i32
          %dma_wait3A_194 = arith.constant 0 : i32
          %dma_wait3A_195 = tpu.memref_slice %arg8[%dma_wait3A_191, %dma_wait3A_193, %dma_wait3A_194] : memref<2x128x128xf32, #tpu.memory_space<vmem>> -> memref<1x128x128xf32, #tpu.memory_space<vmem>>
          %dma_wait3A_196 = tpu.memref_squeeze %dma_wait3A_195 : memref<1x128x128xf32, #tpu.memory_space<vmem>> -> memref<128x128xf32, #tpu.memory_space<vmem>>
          %dma_wait3A_197 = arith.constant 0 : i32
          %dma_wait3A_198 = tpu.memref_slice %arg7[%sub3A_190, %dma_wait3A_197] : memref<16x128xi32, #tpu.memory_space<vmem>> -> memref<1x128xi32, #tpu.memory_space<vmem>>
          %dma_wait3A_199 = tpu.memref_squeeze %dma_wait3A_198 : memref<1x128xi32, #tpu.memory_space<vmem>> -> memref<128xi32, #tpu.memory_space<vmem>>
          %dma_wait3A_200 = arith.constant 0 : i32
          %dma_wait3A_201 = arith.constant 0 : i32
          %dma_wait3A_202 = tpu.memref_slice %arg9[%dma_wait3A_200, %dma_wait3A_201] : memref<10240x128xf32, #tpu.memory_space<vmem_shared>> -> memref<10240x128xf32, #tpu.memory_space<vmem_shared>>
          %dma_wait3A_203 = tpu.memref_slice %arg11[%dma_wait3A_192] : memref<2x!tpu.dma_semaphore, #tpu.memory_space<semaphore_mem>> -> memref<1x!tpu.dma_semaphore, #tpu.memory_space<semaphore_mem>>
          %dma_wait3A_204 = tpu.memref_squeeze %dma_wait3A_203 : memref<1x!tpu.dma_semaphore, #tpu.memory_space<semaphore_mem>> -> memref<!tpu.dma_semaphore, #tpu.memory_space<semaphore_mem>>
          tpu.wait_indirect_dma semaphore(%dma_wait3A_204 : memref<!tpu.dma_semaphore, #tpu.memory_space<semaphore_mem>>) src(%dma_wait3A_196 : memref<128x128xf32, #tpu.memory_space<vmem>>) dst(%dma_wait3A_202 : memref<10240x128xf32, #tpu.memory_space<vmem_shared>>)
        } else {
        }
        %add3A_138 = arith.constant 1 : i32
        %add3A_139 = arith.addi %add3A_105, %add3A_138 : i32
        %lt3A_140 = arith.constant 16 : i32
        %lt3A_141 = arith.cmpi slt, %add3A_139, %lt3A_140 : i32
        %convert_element_type3A_142 = arith.extui %lt3A_141 : i1 to i32
        %cond3A_143 = arith.constant 0 : i32
        %cond3A_144 = arith.cmpi ne, %convert_element_type3A_142, %cond3A_143 : i32
        scf.if %cond3A_144 {
          %add3A_189 = arith.constant 1 : i32
          %add3A_190 = arith.addi %add3A_105, %add3A_189 : i32
          %dma_start3A_191 = arith.constant 1 : i32
          %dma_start3A_192 = arith.constant 1 : i32
          %dma_start3A_193 = arith.constant 0 : i32
          %dma_start3A_194 = arith.constant 0 : i32
          %dma_start3A_195 = tpu.memref_slice %arg8[%dma_start3A_191, %dma_start3A_193, %dma_start3A_194] : memref<2x128x128xf32, #tpu.memory_space<vmem>> -> memref<1x128x128xf32, #tpu.memory_space<vmem>>
          %dma_start3A_196 = tpu.memref_squeeze %dma_start3A_195 : memref<1x128x128xf32, #tpu.memory_space<vmem>> -> memref<128x128xf32, #tpu.memory_space<vmem>>
          %dma_start3A_197 = arith.constant 0 : i32
          %dma_start3A_198 = tpu.memref_slice %arg6[%add3A_190, %dma_start3A_197] : memref<16x128xi32, #tpu.memory_space<vmem>> -> memref<1x128xi32, #tpu.memory_space<vmem>>
          %dma_start3A_199 = tpu.memref_squeeze %dma_start3A_198 : memref<1x128xi32, #tpu.memory_space<vmem>> -> memref<128xi32, #tpu.memory_space<vmem>>
          %dma_start3A_200 = arith.constant 0 : i32
          %dma_start3A_201 = arith.constant 0 : i32
          %dma_start3A_202 = tpu.memref_slice %arg2[%dma_start3A_200, %dma_start3A_201] : memref<10000x128xf32, #tpu.memory_space<hbm>> -> memref<10000x128xf32, #tpu.memory_space<hbm>>
          %dma_start3A_203 = tpu.memref_slice %arg10[%dma_start3A_192] : memref<2x!tpu.dma_semaphore, #tpu.memory_space<semaphore_mem>> -> memref<1x!tpu.dma_semaphore, #tpu.memory_space<semaphore_mem>>
          %dma_start3A_204 = tpu.memref_squeeze %dma_start3A_203 : memref<1x!tpu.dma_semaphore, #tpu.memory_space<semaphore_mem>> -> memref<!tpu.dma_semaphore, #tpu.memory_space<semaphore_mem>>
          tpu.enqueue_indirect_dma source(%dma_start3A_202 : memref<10000x128xf32, #tpu.memory_space<hbm>>) target(%dma_start3A_196 : memref<128x128xf32, #tpu.memory_space<vmem>>) offsets(%dma_start3A_199 : memref<128xi32, #tpu.memory_space<vmem>>) semaphore(%dma_start3A_204 : memref<!tpu.dma_semaphore, #tpu.memory_space<semaphore_mem>>)
        } else {
        }
        %mul3A_145 = arith.constant 2 : i32
        %mul3A_146 = arith.muli %scan3A_101, %mul3A_145 : i32
        %add3A_147 = arith.constant 1 : i32
        %add3A_148 = arith.addi %mul3A_146, %add3A_147 : i32
        %dma_wait3A_149 = arith.constant 1 : i32
        %dma_wait3A_150 = arith.constant 1 : i32
        %dma_wait3A_151 = arith.constant 0 : i32
        %dma_wait3A_152 = arith.constant 0 : i32
        %dma_wait3A_153 = tpu.memref_slice %arg8[%dma_wait3A_149, %dma_wait3A_151, %dma_wait3A_152] : memref<2x128x128xf32, #tpu.memory_space<vmem>> -> memref<1x128x128xf32, #tpu.memory_space<vmem>>
        %dma_wait3A_154 = tpu.memref_squeeze %dma_wait3A_153 : memref<1x128x128xf32, #tpu.memory_space<vmem>> -> memref<128x128xf32, #tpu.memory_space<vmem>>
        %dma_wait3A_155 = arith.constant 0 : i32
        %dma_wait3A_156 = tpu.memref_slice %arg6[%add3A_148, %dma_wait3A_155] : memref<16x128xi32, #tpu.memory_space<vmem>> -> memref<1x128xi32, #tpu.memory_space<vmem>>
        %dma_wait3A_157 = tpu.memref_squeeze %dma_wait3A_156 : memref<1x128xi32, #tpu.memory_space<vmem>> -> memref<128xi32, #tpu.memory_space<vmem>>
        %dma_wait3A_158 = arith.constant 0 : i32
        %dma_wait3A_159 = arith.constant 0 : i32
        %dma_wait3A_160 = tpu.memref_slice %arg2[%dma_wait3A_158, %dma_wait3A_159] : memref<10000x128xf32, #tpu.memory_space<hbm>> -> memref<10000x128xf32, #tpu.memory_space<hbm>>
        %dma_wait3A_161 = tpu.memref_slice %arg10[%dma_wait3A_150] : memref<2x!tpu.dma_semaphore, #tpu.memory_space<semaphore_mem>> -> memref<1x!tpu.dma_semaphore, #tpu.memory_space<semaphore_mem>>
        %dma_wait3A_162 = tpu.memref_squeeze %dma_wait3A_161 : memref<1x!tpu.dma_semaphore, #tpu.memory_space<semaphore_mem>> -> memref<!tpu.dma_semaphore, #tpu.memory_space<semaphore_mem>>
        tpu.wait_indirect_dma semaphore(%dma_wait3A_162 : memref<!tpu.dma_semaphore, #tpu.memory_space<semaphore_mem>>) src(%dma_wait3A_160 : memref<10000x128xf32, #tpu.memory_space<hbm>>) dst(%dma_wait3A_154 : memref<128x128xf32, #tpu.memory_space<vmem>>)
        %dma_start3A_163 = arith.constant 1 : i32
        %dma_start3A_164 = arith.constant 1 : i32
        %dma_start3A_165 = arith.constant 0 : i32
        %dma_start3A_166 = arith.constant 0 : i32
        %dma_start3A_167 = tpu.memref_slice %arg8[%dma_start3A_163, %dma_start3A_165, %dma_start3A_166] : memref<2x128x128xf32, #tpu.memory_space<vmem>> -> memref<1x128x128xf32, #tpu.memory_space<vmem>>
        %dma_start3A_168 = tpu.memref_squeeze %dma_start3A_167 : memref<1x128x128xf32, #tpu.memory_space<vmem>> -> memref<128x128xf32, #tpu.memory_space<vmem>>
        %dma_start3A_169 = arith.constant 0 : i32
        %dma_start3A_170 = tpu.memref_slice %arg7[%add3A_148, %dma_start3A_169] : memref<16x128xi32, #tpu.memory_space<vmem>> -> memref<1x128xi32, #tpu.memory_space<vmem>>
        %dma_start3A_171 = tpu.memref_squeeze %dma_start3A_170 : memref<1x128xi32, #tpu.memory_space<vmem>> -> memref<128xi32, #tpu.memory_space<vmem>>
        %dma_start3A_172 = arith.constant 0 : i32
        %dma_start3A_173 = arith.constant 0 : i32
        %dma_start3A_174 = tpu.memref_slice %arg9[%dma_start3A_172, %dma_start3A_173] : memref<10240x128xf32, #tpu.memory_space<vmem_shared>> -> memref<10240x128xf32, #tpu.memory_space<vmem_shared>>
        %dma_start3A_175 = tpu.memref_slice %arg11[%dma_start3A_164] : memref<2x!tpu.dma_semaphore, #tpu.memory_space<semaphore_mem>> -> memref<1x!tpu.dma_semaphore, #tpu.memory_space<semaphore_mem>>
        %dma_start3A_176 = tpu.memref_squeeze %dma_start3A_175 : memref<1x!tpu.dma_semaphore, #tpu.memory_space<semaphore_mem>> -> memref<!tpu.dma_semaphore, #tpu.memory_space<semaphore_mem>>
        tpu.enqueue_indirect_dma source(%dma_start3A_168 : memref<128x128xf32, #tpu.memory_space<vmem>>) target(%dma_start3A_174 : memref<10240x128xf32, #tpu.memory_space<vmem_shared>>) offsets(%dma_start3A_171 : memref<128xi32, #tpu.memory_space<vmem>>) semaphore(%dma_start3A_176 : memref<!tpu.dma_semaphore, #tpu.memory_space<semaphore_mem>>) {add = true}
        %ge3A_177 = arith.constant 1 : i32
        %ge3A_178 = arith.cmpi sge, %add3A_148, %ge3A_177 : i32
        %convert_element_type3A_179 = arith.extui %ge3A_178 : i1 to i32
        %cond3A_180 = arith.constant 0 : i32
        %cond3A_181 = arith.cmpi ne, %convert_element_type3A_179, %cond3A_180 : i32
        scf.if %cond3A_181 {
          %sub3A_189 = arith.constant 1 : i32
          %sub3A_190 = arith.subi %add3A_148, %sub3A_189 : i32
          %dma_wait3A_191 = arith.constant 0 : i32
          %dma_wait3A_192 = arith.constant 0 : i32
          %dma_wait3A_193 = arith.constant 0 : i32
          %dma_wait3A_194 = arith.constant 0 : i32
          %dma_wait3A_195 = tpu.memref_slice %arg8[%dma_wait3A_191, %dma_wait3A_193, %dma_wait3A_194] : memref<2x128x128xf32, #tpu.memory_space<vmem>> -> memref<1x128x128xf32, #tpu.memory_space<vmem>>
          %dma_wait3A_196 = tpu.memref_squeeze %dma_wait3A_195 : memref<1x128x128xf32, #tpu.memory_space<vmem>> -> memref<128x128xf32, #tpu.memory_space<vmem>>
          %dma_wait3A_197 = arith.constant 0 : i32
          %dma_wait3A_198 = tpu.memref_slice %arg7[%sub3A_190, %dma_wait3A_197] : memref<16x128xi32, #tpu.memory_space<vmem>> -> memref<1x128xi32, #tpu.memory_space<vmem>>
          %dma_wait3A_199 = tpu.memref_squeeze %dma_wait3A_198 : memref<1x128xi32, #tpu.memory_space<vmem>> -> memref<128xi32, #tpu.memory_space<vmem>>
          %dma_wait3A_200 = arith.constant 0 : i32
          %dma_wait3A_201 = arith.constant 0 : i32
          %dma_wait3A_202 = tpu.memref_slice %arg9[%dma_wait3A_200, %dma_wait3A_201] : memref<10240x128xf32, #tpu.memory_space<vmem_shared>> -> memref<10240x128xf32, #tpu.memory_space<vmem_shared>>
          %dma_wait3A_203 = tpu.memref_slice %arg11[%dma_wait3A_192] : memref<2x!tpu.dma_semaphore, #tpu.memory_space<semaphore_mem>> -> memref<1x!tpu.dma_semaphore, #tpu.memory_space<semaphore_mem>>
          %dma_wait3A_204 = tpu.memref_squeeze %dma_wait3A_203 : memref<1x!tpu.dma_semaphore, #tpu.memory_space<semaphore_mem>> -> memref<!tpu.dma_semaphore, #tpu.memory_space<semaphore_mem>>
          tpu.wait_indirect_dma semaphore(%dma_wait3A_204 : memref<!tpu.dma_semaphore, #tpu.memory_space<semaphore_mem>>) src(%dma_wait3A_196 : memref<128x128xf32, #tpu.memory_space<vmem>>) dst(%dma_wait3A_202 : memref<10240x128xf32, #tpu.memory_space<vmem_shared>>)
        } else {
        }
        %add3A_182 = arith.constant 1 : i32
        %add3A_183 = arith.addi %add3A_148, %add3A_182 : i32
        %lt3A_184 = arith.constant 16 : i32
        %lt3A_185 = arith.cmpi slt, %add3A_183, %lt3A_184 : i32
        %convert_element_type3A_186 = arith.extui %lt3A_185 : i1 to i32
        %cond3A_187 = arith.constant 0 : i32
        %cond3A_188 = arith.cmpi ne, %convert_element_type3A_186, %cond3A_187 : i32
        scf.if %cond3A_188 {
          %add3A_189 = arith.constant 1 : i32
          %add3A_190 = arith.addi %add3A_148, %add3A_189 : i32
          %dma_start3A_191 = arith.constant 0 : i32
          %dma_start3A_192 = arith.constant 0 : i32
          %dma_start3A_193 = arith.constant 0 : i32
          %dma_start3A_194 = arith.constant 0 : i32
          %dma_start3A_195 = tpu.memref_slice %arg8[%dma_start3A_191, %dma_start3A_193, %dma_start3A_194] : memref<2x128x128xf32, #tpu.memory_space<vmem>> -> memref<1x128x128xf32, #tpu.memory_space<vmem>>
          %dma_start3A_196 = tpu.memref_squeeze %dma_start3A_195 : memref<1x128x128xf32, #tpu.memory_space<vmem>> -> memref<128x128xf32, #tpu.memory_space<vmem>>
          %dma_start3A_197 = arith.constant 0 : i32
          %dma_start3A_198 = tpu.memref_slice %arg6[%add3A_190, %dma_start3A_197] : memref<16x128xi32, #tpu.memory_space<vmem>> -> memref<1x128xi32, #tpu.memory_space<vmem>>
          %dma_start3A_199 = tpu.memref_squeeze %dma_start3A_198 : memref<1x128xi32, #tpu.memory_space<vmem>> -> memref<128xi32, #tpu.memory_space<vmem>>
          %dma_start3A_200 = arith.constant 0 : i32
          %dma_start3A_201 = arith.constant 0 : i32
          %dma_start3A_202 = tpu.memref_slice %arg2[%dma_start3A_200, %dma_start3A_201] : memref<10000x128xf32, #tpu.memory_space<hbm>> -> memref<10000x128xf32, #tpu.memory_space<hbm>>
          %dma_start3A_203 = tpu.memref_slice %arg10[%dma_start3A_192] : memref<2x!tpu.dma_semaphore, #tpu.memory_space<semaphore_mem>> -> memref<1x!tpu.dma_semaphore, #tpu.memory_space<semaphore_mem>>
          %dma_start3A_204 = tpu.memref_squeeze %dma_start3A_203 : memref<1x!tpu.dma_semaphore, #tpu.memory_space<semaphore_mem>> -> memref<!tpu.dma_semaphore, #tpu.memory_space<semaphore_mem>>
          tpu.enqueue_indirect_dma source(%dma_start3A_202 : memref<10000x128xf32, #tpu.memory_space<hbm>>) target(%dma_start3A_196 : memref<128x128xf32, #tpu.memory_space<vmem>>) offsets(%dma_start3A_199 : memref<128xi32, #tpu.memory_space<vmem>>) semaphore(%dma_start3A_204 : memref<!tpu.dma_semaphore, #tpu.memory_space<semaphore_mem>>)
        } else {
        }
      }
      %scan3A_85 = arith.constant 8 : i32
      %dma_wait3A_86 = arith.constant 1 : i32
      %dma_wait3A_87 = arith.constant 15 : i32
      %dma_wait3A_88 = arith.constant 1 : i32
      %dma_wait3A_89 = arith.constant 0 : i32
      %dma_wait3A_90 = arith.constant 0 : i32
      %dma_wait3A_91 = tpu.memref_slice %arg8[%dma_wait3A_86, %dma_wait3A_89, %dma_wait3A_90] : memref<2x128x128xf32, #tpu.memory_space<vmem>> -> memref<1x128x128xf32, #tpu.memory_space<vmem>>
      %dma_wait3A_92 = tpu.memref_squeeze %dma_wait3A_91 : memref<1x128x128xf32, #tpu.memory_space<vmem>> -> memref<128x128xf32, #tpu.memory_space<vmem>>
      %dma_wait3A_93 = arith.constant 0 : i32
      %dma_wait3A_94 = tpu.memref_slice %arg7[%dma_wait3A_87, %dma_wait3A_93] : memref<16x128xi32, #tpu.memory_space<vmem>> -> memref<1x128xi32, #tpu.memory_space<vmem>>
      %dma_wait3A_95 = tpu.memref_squeeze %dma_wait3A_94 : memref<1x128xi32, #tpu.memory_space<vmem>> -> memref<128xi32, #tpu.memory_space<vmem>>
      %dma_wait3A_96 = arith.constant 0 : i32
      %dma_wait3A_97 = arith.constant 0 : i32
      %dma_wait3A_98 = tpu.memref_slice %arg9[%dma_wait3A_96, %dma_wait3A_97] : memref<10240x128xf32, #tpu.memory_space<vmem_shared>> -> memref<10240x128xf32, #tpu.memory_space<vmem_shared>>
      %dma_wait3A_99 = tpu.memref_slice %arg11[%dma_wait3A_88] : memref<2x!tpu.dma_semaphore, #tpu.memory_space<semaphore_mem>> -> memref<1x!tpu.dma_semaphore, #tpu.memory_space<semaphore_mem>>
      %dma_wait3A_100 = tpu.memref_squeeze %dma_wait3A_99 : memref<1x!tpu.dma_semaphore, #tpu.memory_space<semaphore_mem>> -> memref<!tpu.dma_semaphore, #tpu.memory_space<semaphore_mem>>
      tpu.wait_indirect_dma semaphore(%dma_wait3A_100 : memref<!tpu.dma_semaphore, #tpu.memory_space<semaphore_mem>>) src(%dma_wait3A_92 : memref<128x128xf32, #tpu.memory_space<vmem>>) dst(%dma_wait3A_98 : memref<10240x128xf32, #tpu.memory_space<vmem_shared>>)
    }
    %barrier3A_38 = arith.constant 0 : index
    tpu.barrier barrier_id(%barrier3A_38)
    %lt3A_39 = arith.constant 2 : i32
    %lt3A_40 = arith.cmpi slt, %arg0, %lt3A_39 : i32
    %convert_element_type3A_41 = arith.extui %lt3A_40 : i1 to i32
    %cond3A_42 = arith.constant 0 : i32
    %cond3A_43 = arith.cmpi ne, %convert_element_type3A_41, %cond3A_42 : i32
    scf.if %cond3A_43 {
      %mul3A_44 = arith.constant 640 : i32
      %mul3A_45 = arith.muli %arg1, %mul3A_44 : i32
      %mul3A_46 = arith.constant 640 : i32
      %mul3A_47 = arith.muli %arg1, %mul3A_46 : i32
      "tpu.region"() ({
        %run_scoped3A = tpu.sem_alloc : memref<!tpu.dma_semaphore, #tpu.memory_space<semaphore_mem>>
        %dma_start3A = arith.constant 0 : i32
        %dma_start3A_48 = tpu.memref_slice %arg5[%arg0, %mul3A_47, %dma_start3A] : memref<2x10240x128xf32, #tpu.memory_space<hbm>> -> memref<1x640x128xf32, #tpu.memory_space<hbm>>
        %dma_start3A_49 = tpu.memref_squeeze %dma_start3A_48 : memref<1x640x128xf32, #tpu.memory_space<hbm>> -> memref<640x128xf32, #tpu.memory_space<hbm>>
        %dma_start3A_50 = arith.constant 0 : i32
        %dma_start3A_51 = tpu.memref_slice %arg9[%mul3A_45, %dma_start3A_50] : memref<10240x128xf32, #tpu.memory_space<vmem_shared>> -> memref<640x128xf32, #tpu.memory_space<vmem_shared>>
        tpu.enqueue_dma source(%dma_start3A_51 : memref<640x128xf32, #tpu.memory_space<vmem_shared>>) target(%dma_start3A_49 : memref<640x128xf32, #tpu.memory_space<hbm>>) target_semaphore(%run_scoped3A : memref<!tpu.dma_semaphore, #tpu.memory_space<semaphore_mem>>)
        %dma_wait3A = arith.constant 0 : i32
        %dma_wait3A_52 = tpu.memref_slice %arg5[%arg0, %mul3A_47, %dma_wait3A] : memref<2x10240x128xf32, #tpu.memory_space<hbm>> -> memref<1x640x128xf32, #tpu.memory_space<hbm>>
        %dma_wait3A_53 = tpu.memref_squeeze %dma_wait3A_52 : memref<1x640x128xf32, #tpu.memory_space<hbm>> -> memref<640x128xf32, #tpu.memory_space<hbm>>
        %dma_wait3A_54 = arith.constant 0 : i32
        %dma_wait3A_55 = tpu.memref_slice %arg9[%mul3A_45, %dma_wait3A_54] : memref<10240x128xf32, #tpu.memory_space<vmem_shared>> -> memref<640x128xf32, #tpu.memory_space<vmem_shared>>
        tpu.wait_dma2 semaphore(%run_scoped3A : memref<!tpu.dma_semaphore, #tpu.memory_space<semaphore_mem>>) src(%dma_wait3A_55 : memref<640x128xf32, #tpu.memory_space<vmem_shared>>) dst(%dma_wait3A_53 : memref<640x128xf32, #tpu.memory_space<hbm>>)
        tpu.yield
      }) : () -> ()
    } else {
    }
    return
  }
}

#map = affine_map<(d0, d1) -> (0, 0)>
#map1 = affine_map<(d0, d1) -> (0, 0, 0)>
module attributes {stable_mosaic.version = 14 : i64} {
  func.func @k(%arg0: i32, %arg1: i32, %arg2: memref<10000x128xf32, #tpu.memory_space<hbm>>, %arg3: memref<2560x128xi32, #tpu.memory_space<hbm>>, %arg4: memref<2560x128xi32, #tpu.memory_space<hbm>>, %arg5: memref<2x10240x128xf32, #tpu.memory_space<hbm>>, %arg6: memref<16x128xi32, #tpu.memory_space<vmem>>, %arg7: memref<16x128xi32, #tpu.memory_space<vmem>>, %arg8: memref<2x128x128xf32, #tpu.memory_space<vmem>>, %arg9: memref<10240x128xf32, #tpu.memory_space<vmem_shared>>, %arg10: memref<2x!tpu.dma_semaphore, #tpu.memory_space<semaphore_mem>>, %arg11: memref<2x!tpu.dma_semaphore, #tpu.memory_space<semaphore_mem>>, %arg12: memref<!tpu.dma_semaphore, #tpu.memory_space<semaphore_mem>>) attributes {dimension_semantics = [#tpu.dimension_semantics<core_parallel>, #tpu.dimension_semantics<subcore_parallel>], iteration_bounds = array<i64: 2, 16>, scalar_prefetch = 0 : i64, scratch_operands = 7 : i64, tpu.core_type = #tpu.core_type<sc_vector_subcore>, window_params = [{transform_indices = #map}, {transform_indices = #map}, {transform_indices = #map}, {transform_indices = #map1}]} {
    %eq3A = arith.constant 0 : i32
    %eq3A_0 = arith.cmpi eq, %arg0, %eq3A : i32
    %jit3A = arith.constant 144 : i32
    %jit3A_1 = arith.constant 16 : i32
    %select_n3A = arith.select %eq3A_0, %jit3A, %jit3A_1 : i32
    %eq3A_2 = arith.constant 0 : i32
    %eq3A_3 = arith.cmpi eq, %arg0, %eq3A_2 : i32
    %mul3A = arith.constant 144 : i32
    %mul3A_4 = arith.muli %arg1, %mul3A : i32
    %mul3A_5 = arith.constant 16 : i32
    %mul3A_6 = arith.muli %arg1, %mul3A_5 : i32
    %add3A = arith.constant 2304 : i32
    %add3A_7 = arith.addi %add3A, %mul3A_6 : i32
    %select_n3A_8 = arith.select %eq3A_3, %mul3A_4, %add3A_7 : i32
    %lt3A = arith.constant 2 : i32
    %lt3A_9 = arith.cmpi slt, %arg0, %lt3A : i32
    %convert_element_type3A = arith.extui %lt3A_9 : i1 to i32
    %cond3A = arith.constant 0 : i32
    %cond3A_10 = arith.cmpi ne, %convert_element_type3A, %cond3A : i32
    scf.if %cond3A_10 {
      %scan3A = arith.constant 0 : i32
      %scan3A_44 = arith.constant 0 : i32
      %scan3A_45 = arith.constant 128 : i32
      %scan3A_46 = arith.addi %scan3A_44, %scan3A_45 : i32
      %scan3A_47 = arith.constant 1 : i32
      scf.for %scan3A_207 = %scan3A_44 to %scan3A_46 step %scan3A_47  : i32 {
        %scan3A_208 = arith.constant 0 : i32
        %scan3A_209 = arith.constant 8 : i32
        %scan3A_210 = arith.addi %scan3A_208, %scan3A_209 : i32
        %scan3A_211 = arith.constant 1 : i32
        scf.for %scan3A_213 = %scan3A_208 to %scan3A_210 step %scan3A_211  : i32 {
          %broadcast_in_dim3A = arith.constant 0.000000e+00 : f32
          %broadcast_in_dim3A_214 = vector.broadcast %broadcast_in_dim3A : f32 to vector<16xf32>
          %mul3A_215 = arith.constant 16 : i32
          %mul3A_216 = arith.muli %scan3A_213, %mul3A_215 : i32
          %swap3A = arith.constant 0 : i32
          %swap3A_217 = arith.index_cast %swap3A : i32 to index
          %swap3A_218 = arith.index_cast %scan3A_207 : i32 to index
          %swap3A_219 = arith.index_cast %mul3A_216 : i32 to index
          %swap3A_220 = tpu.vector_load %arg8[%swap3A_217, %swap3A_218, %swap3A_219] {strides = array<i32>} : memref<2x128x128xf32, #tpu.memory_space<vmem>>, vector<1x1x16xf32>,
          %swap3A_221 = vector.shape_cast %swap3A_220 : vector<1x1x16xf32> to vector<16xf32>
          %swap3A_222 = vector.shape_cast %broadcast_in_dim3A_214 : vector<16xf32> to vector<1x1x16xf32>
          tpu.vector_store %arg8[%swap3A_217, %swap3A_218, %swap3A_219], %swap3A_222 {strides = array<i32>} : memref<2x128x128xf32, #tpu.memory_space<vmem>>, vector<1x1x16xf32>,
        }
        %scan3A_212 = arith.constant 8 : i32
      }
      %scan3A_48 = arith.constant 128 : i32
      %mul3A_49 = arith.constant 640 : i32
      %mul3A_50 = arith.muli %arg1, %mul3A_49 : i32
      %add3A_51 = arith.constant 0 : i32
      %add3A_52 = arith.addi %mul3A_50, %add3A_51 : i32
      %dma_start3A = arith.constant 0 : i32
      %dma_start3A_53 = arith.constant 0 : i32
      %dma_start3A_54 = arith.constant 0 : i32
      %dma_start3A_55 = tpu.memref_slice %arg8[%dma_start3A, %dma_start3A_53, %dma_start3A_54] : memref<2x128x128xf32, #tpu.memory_space<vmem>> -> memref<1x128x128xf32, #tpu.memory_space<vmem>>
      %dma_start3A_56 = tpu.memref_squeeze %dma_start3A_55 : memref<1x128x128xf32, #tpu.memory_space<vmem>> -> memref<128x128xf32, #tpu.memory_space<vmem>>
      %dma_start3A_57 = arith.constant 0 : i32
      %dma_start3A_58 = tpu.memref_slice %arg9[%add3A_52, %dma_start3A_57] : memref<10240x128xf32, #tpu.memory_space<vmem_shared>> -> memref<128x128xf32, #tpu.memory_space<vmem_shared>>
      %dma_start3A_59 = arith.constant 0 : i32
      %dma_start3A_60 = tpu.memref_slice %arg9[%add3A_52, %dma_start3A_59] : memref<10240x128xf32, #tpu.memory_space<vmem_shared>> -> memref<128x128xf32, #tpu.memory_space<vmem_shared>>
      %dma_start3A_61 = arith.constant 0 : i32
      %dma_start3A_62 = arith.constant 0 : i32
      %dma_start3A_63 = tpu.memref_slice %arg8[%dma_start3A, %dma_start3A_61, %dma_start3A_62] : memref<2x128x128xf32, #tpu.memory_space<vmem>> -> memref<1x128x128xf32, #tpu.memory_space<vmem>>
      %dma_start3A_64 = tpu.memref_squeeze %dma_start3A_63 : memref<1x128x128xf32, #tpu.memory_space<vmem>> -> memref<128x128xf32, #tpu.memory_space<vmem>>
      tpu.enqueue_dma source(%dma_start3A_64 : memref<128x128xf32, #tpu.memory_space<vmem>>) target(%dma_start3A_60 : memref<128x128xf32, #tpu.memory_space<vmem_shared>>) target_semaphore(%arg12 : memref<!tpu.dma_semaphore, #tpu.memory_space<semaphore_mem>>)
      %mul3A_65 = arith.constant 640 : i32
      %mul3A_66 = arith.muli %arg1, %mul3A_65 : i32
      %add3A_67 = arith.constant 128 : i32
      %add3A_68 = arith.addi %mul3A_66, %add3A_67 : i32
      %dma_start3A_69 = arith.constant 0 : i32
      %dma_start3A_70 = arith.constant 0 : i32
      %dma_start3A_71 = arith.constant 0 : i32
      %dma_start3A_72 = tpu.memref_slice %arg8[%dma_start3A_69, %dma_start3A_70, %dma_start3A_71] : memref<2x128x128xf32, #tpu.memory_space<vmem>> -> memref<1x128x128xf32, #tpu.memory_space<vmem>>
      %dma_start3A_73 = tpu.memref_squeeze %dma_start3A_72 : memref<1x128x128xf32, #tpu.memory_space<vmem>> -> memref<128x128xf32, #tpu.memory_space<vmem>>
      %dma_start3A_74 = arith.constant 0 : i32
      %dma_start3A_75 = tpu.memref_slice %arg9[%add3A_68, %dma_start3A_74] : memref<10240x128xf32, #tpu.memory_space<vmem_shared>> -> memref<128x128xf32, #tpu.memory_space<vmem_shared>>
      %dma_start3A_76 = arith.constant 0 : i32
      %dma_start3A_77 = tpu.memref_slice %arg9[%add3A_68, %dma_start3A_76] : memref<10240x128xf32, #tpu.memory_space<vmem_shared>> -> memref<128x128xf32, #tpu.memory_space<vmem_shared>>
      %dma_start3A_78 = arith.constant 0 : i32
      %dma_start3A_79 = arith.constant 0 : i32
      %dma_start3A_80 = tpu.memref_slice %arg8[%dma_start3A_69, %dma_start3A_78, %dma_start3A_79] : memref<2x128x128xf32, #tpu.memory_space<vmem>> -> memref<1x128x128xf32, #tpu.memory_space<vmem>>
      %dma_start3A_81 = tpu.memref_squeeze %dma_start3A_80 : memref<1x128x128xf32, #tpu.memory_space<vmem>> -> memref<128x128xf32, #tpu.memory_space<vmem>>
      tpu.enqueue_dma source(%dma_start3A_81 : memref<128x128xf32, #tpu.memory_space<vmem>>) target(%dma_start3A_77 : memref<128x128xf32, #tpu.memory_space<vmem_shared>>) target_semaphore(%arg12 : memref<!tpu.dma_semaphore, #tpu.memory_space<semaphore_mem>>)
      %mul3A_82 = arith.constant 640 : i32
      %mul3A_83 = arith.muli %arg1, %mul3A_82 : i32
      %add3A_84 = arith.constant 256 : i32
      %add3A_85 = arith.addi %mul3A_83, %add3A_84 : i32
      %dma_start3A_86 = arith.constant 0 : i32
      %dma_start3A_87 = arith.constant 0 : i32
      %dma_start3A_88 = arith.constant 0 : i32
      %dma_start3A_89 = tpu.memref_slice %arg8[%dma_start3A_86, %dma_start3A_87, %dma_start3A_88] : memref<2x128x128xf32, #tpu.memory_space<vmem>> -> memref<1x128x128xf32, #tpu.memory_space<vmem>>
      %dma_start3A_90 = tpu.memref_squeeze %dma_start3A_89 : memref<1x128x128xf32, #tpu.memory_space<vmem>> -> memref<128x128xf32, #tpu.memory_space<vmem>>
      %dma_start3A_91 = arith.constant 0 : i32
      %dma_start3A_92 = tpu.memref_slice %arg9[%add3A_85, %dma_start3A_91] : memref<10240x128xf32, #tpu.memory_space<vmem_shared>> -> memref<128x128xf32, #tpu.memory_space<vmem_shared>>
      %dma_start3A_93 = arith.constant 0 : i32
      %dma_start3A_94 = tpu.memref_slice %arg9[%add3A_85, %dma_start3A_93] : memref<10240x128xf32, #tpu.memory_space<vmem_shared>> -> memref<128x128xf32, #tpu.memory_space<vmem_shared>>
      %dma_start3A_95 = arith.constant 0 : i32
      %dma_start3A_96 = arith.constant 0 : i32
      %dma_start3A_97 = tpu.memref_slice %arg8[%dma_start3A_86, %dma_start3A_95, %dma_start3A_96] : memref<2x128x128xf32, #tpu.memory_space<vmem>> -> memref<1x128x128xf32, #tpu.memory_space<vmem>>
      %dma_start3A_98 = tpu.memref_squeeze %dma_start3A_97 : memref<1x128x128xf32, #tpu.memory_space<vmem>> -> memref<128x128xf32, #tpu.memory_space<vmem>>
      tpu.enqueue_dma source(%dma_start3A_98 : memref<128x128xf32, #tpu.memory_space<vmem>>) target(%dma_start3A_94 : memref<128x128xf32, #tpu.memory_space<vmem_shared>>) target_semaphore(%arg12 : memref<!tpu.dma_semaphore, #tpu.memory_space<semaphore_mem>>)
      %mul3A_99 = arith.constant 640 : i32
      %mul3A_100 = arith.muli %arg1, %mul3A_99 : i32
      %add3A_101 = arith.constant 384 : i32
      %add3A_102 = arith.addi %mul3A_100, %add3A_101 : i32
      %dma_start3A_103 = arith.constant 0 : i32
      %dma_start3A_104 = arith.constant 0 : i32
      %dma_start3A_105 = arith.constant 0 : i32
      %dma_start3A_106 = tpu.memref_slice %arg8[%dma_start3A_103, %dma_start3A_104, %dma_start3A_105] : memref<2x128x128xf32, #tpu.memory_space<vmem>> -> memref<1x128x128xf32, #tpu.memory_space<vmem>>
      %dma_start3A_107 = tpu.memref_squeeze %dma_start3A_106 : memref<1x128x128xf32, #tpu.memory_space<vmem>> -> memref<128x128xf32, #tpu.memory_space<vmem>>
      %dma_start3A_108 = arith.constant 0 : i32
      %dma_start3A_109 = tpu.memref_slice %arg9[%add3A_102, %dma_start3A_108] : memref<10240x128xf32, #tpu.memory_space<vmem_shared>> -> memref<128x128xf32, #tpu.memory_space<vmem_shared>>
      %dma_start3A_110 = arith.constant 0 : i32
      %dma_start3A_111 = tpu.memref_slice %arg9[%add3A_102, %dma_start3A_110] : memref<10240x128xf32, #tpu.memory_space<vmem_shared>> -> memref<128x128xf32, #tpu.memory_space<vmem_shared>>
      %dma_start3A_112 = arith.constant 0 : i32
      %dma_start3A_113 = arith.constant 0 : i32
      %dma_start3A_114 = tpu.memref_slice %arg8[%dma_start3A_103, %dma_start3A_112, %dma_start3A_113] : memref<2x128x128xf32, #tpu.memory_space<vmem>> -> memref<1x128x128xf32, #tpu.memory_space<vmem>>
      %dma_start3A_115 = tpu.memref_squeeze %dma_start3A_114 : memref<1x128x128xf32, #tpu.memory_space<vmem>> -> memref<128x128xf32, #tpu.memory_space<vmem>>
      tpu.enqueue_dma source(%dma_start3A_115 : memref<128x128xf32, #tpu.memory_space<vmem>>) target(%dma_start3A_111 : memref<128x128xf32, #tpu.memory_space<vmem_shared>>) target_semaphore(%arg12 : memref<!tpu.dma_semaphore, #tpu.memory_space<semaphore_mem>>)
      %mul3A_116 = arith.constant 640 : i32
      %mul3A_117 = arith.muli %arg1, %mul3A_116 : i32
      %add3A_118 = arith.constant 512 : i32
      %add3A_119 = arith.addi %mul3A_117, %add3A_118 : i32
      %dma_start3A_120 = arith.constant 0 : i32
      %dma_start3A_121 = arith.constant 0 : i32
      %dma_start3A_122 = arith.constant 0 : i32
      %dma_start3A_123 = tpu.memref_slice %arg8[%dma_start3A_120, %dma_start3A_121, %dma_start3A_122] : memref<2x128x128xf32, #tpu.memory_space<vmem>> -> memref<1x128x128xf32, #tpu.memory_space<vmem>>
      %dma_start3A_124 = tpu.memref_squeeze %dma_start3A_123 : memref<1x128x128xf32, #tpu.memory_space<vmem>> -> memref<128x128xf32, #tpu.memory_space<vmem>>
      %dma_start3A_125 = arith.constant 0 : i32
      %dma_start3A_126 = tpu.memref_slice %arg9[%add3A_119, %dma_start3A_125] : memref<10240x128xf32, #tpu.memory_space<vmem_shared>> -> memref<128x128xf32, #tpu.memory_space<vmem_shared>>
      %dma_start3A_127 = arith.constant 0 : i32
      %dma_start3A_128 = tpu.memref_slice %arg9[%add3A_119, %dma_start3A_127] : memref<10240x128xf32, #tpu.memory_space<vmem_shared>> -> memref<128x128xf32, #tpu.memory_space<vmem_shared>>
      %dma_start3A_129 = arith.constant 0 : i32
      %dma_start3A_130 = arith.constant 0 : i32
      %dma_start3A_131 = tpu.memref_slice %arg8[%dma_start3A_120, %dma_start3A_129, %dma_start3A_130] : memref<2x128x128xf32, #tpu.memory_space<vmem>> -> memref<1x128x128xf32, #tpu.memory_space<vmem>>
      %dma_start3A_132 = tpu.memref_squeeze %dma_start3A_131 : memref<1x128x128xf32, #tpu.memory_space<vmem>> -> memref<128x128xf32, #tpu.memory_space<vmem>>
      tpu.enqueue_dma source(%dma_start3A_132 : memref<128x128xf32, #tpu.memory_space<vmem>>) target(%dma_start3A_128 : memref<128x128xf32, #tpu.memory_space<vmem_shared>>) target_semaphore(%arg12 : memref<!tpu.dma_semaphore, #tpu.memory_space<semaphore_mem>>)
      %dma_wait3A = arith.constant 0 : i32
      %dma_wait3A_133 = arith.constant 0 : i32
      %dma_wait3A_134 = arith.constant 0 : i32
      %dma_wait3A_135 = tpu.memref_slice %arg8[%dma_wait3A, %dma_wait3A_133, %dma_wait3A_134] : memref<2x128x128xf32, #tpu.memory_space<vmem>> -> memref<1x128x128xf32, #tpu.memory_space<vmem>>
      %dma_wait3A_136 = tpu.memref_squeeze %dma_wait3A_135 : memref<1x128x128xf32, #tpu.memory_space<vmem>> -> memref<128x128xf32, #tpu.memory_space<vmem>>
      %dma_wait3A_137 = arith.constant 0 : i32
      %dma_wait3A_138 = arith.constant 0 : i32
      %dma_wait3A_139 = tpu.memref_slice %arg9[%dma_wait3A_137, %dma_wait3A_138] : memref<10240x128xf32, #tpu.memory_space<vmem_shared>> -> memref<128x128xf32, #tpu.memory_space<vmem_shared>>
      %dma_wait3A_140 = arith.constant 0 : i32
      %dma_wait3A_141 = arith.constant 0 : i32
      %dma_wait3A_142 = tpu.memref_slice %arg9[%dma_wait3A_140, %dma_wait3A_141] : memref<10240x128xf32, #tpu.memory_space<vmem_shared>> -> memref<128x128xf32, #tpu.memory_space<vmem_shared>>
      %dma_wait3A_143 = arith.constant 0 : i32
      %dma_wait3A_144 = arith.constant 0 : i32
      %dma_wait3A_145 = tpu.memref_slice %arg8[%dma_wait3A, %dma_wait3A_143, %dma_wait3A_144] : memref<2x128x128xf32, #tpu.memory_space<vmem>> -> memref<1x128x128xf32, #tpu.memory_space<vmem>>
      %dma_wait3A_146 = tpu.memref_squeeze %dma_wait3A_145 : memref<1x128x128xf32, #tpu.memory_space<vmem>> -> memref<128x128xf32, #tpu.memory_space<vmem>>
      tpu.wait_dma2 semaphore(%arg12 : memref<!tpu.dma_semaphore, #tpu.memory_space<semaphore_mem>>) src(%dma_wait3A_146 : memref<128x128xf32, #tpu.memory_space<vmem>>) dst(%dma_wait3A_142 : memref<128x128xf32, #tpu.memory_space<vmem_shared>>)
      %dma_wait3A_147 = arith.constant 0 : i32
      %dma_wait3A_148 = arith.constant 0 : i32
      %dma_wait3A_149 = arith.constant 0 : i32
      %dma_wait3A_150 = tpu.memref_slice %arg8[%dma_wait3A_147, %dma_wait3A_148, %dma_wait3A_149] : memref<2x128x128xf32, #tpu.memory_space<vmem>> -> memref<1x128x128xf32, #tpu.memory_space<vmem>>
      %dma_wait3A_151 = tpu.memref_squeeze %dma_wait3A_150 : memref<1x128x128xf32, #tpu.memory_space<vmem>> -> memref<128x128xf32, #tpu.memory_space<vmem>>
      %dma_wait3A_152 = arith.constant 128 : i32
      %dma_wait3A_153 = arith.constant 0 : i32
      %dma_wait3A_154 = tpu.memref_slice %arg9[%dma_wait3A_152, %dma_wait3A_153] : memref<10240x128xf32, #tpu.memory_space<vmem_shared>> -> memref<128x128xf32, #tpu.memory_space<vmem_shared>>
      %dma_wait3A_155 = arith.constant 128 : i32
      %dma_wait3A_156 = arith.constant 0 : i32
      %dma_wait3A_157 = tpu.memref_slice %arg9[%dma_wait3A_155, %dma_wait3A_156] : memref<10240x128xf32, #tpu.memory_space<vmem_shared>> -> memref<128x128xf32, #tpu.memory_space<vmem_shared>>
      %dma_wait3A_158 = arith.constant 0 : i32
      %dma_wait3A_159 = arith.constant 0 : i32
      %dma_wait3A_160 = tpu.memref_slice %arg8[%dma_wait3A_147, %dma_wait3A_158, %dma_wait3A_159] : memref<2x128x128xf32, #tpu.memory_space<vmem>> -> memref<1x128x128xf32, #tpu.memory_space<vmem>>
      %dma_wait3A_161 = tpu.memref_squeeze %dma_wait3A_160 : memref<1x128x128xf32, #tpu.memory_space<vmem>> -> memref<128x128xf32, #tpu.memory_space<vmem>>
      tpu.wait_dma2 semaphore(%arg12 : memref<!tpu.dma_semaphore, #tpu.memory_space<semaphore_mem>>) src(%dma_wait3A_161 : memref<128x128xf32, #tpu.memory_space<vmem>>) dst(%dma_wait3A_157 : memref<128x128xf32, #tpu.memory_space<vmem_shared>>)
      %dma_wait3A_162 = arith.constant 0 : i32
      %dma_wait3A_163 = arith.constant 0 : i32
      %dma_wait3A_164 = arith.constant 0 : i32
      %dma_wait3A_165 = tpu.memref_slice %arg8[%dma_wait3A_162, %dma_wait3A_163, %dma_wait3A_164] : memref<2x128x128xf32, #tpu.memory_space<vmem>> -> memref<1x128x128xf32, #tpu.memory_space<vmem>>
      %dma_wait3A_166 = tpu.memref_squeeze %dma_wait3A_165 : memref<1x128x128xf32, #tpu.memory_space<vmem>> -> memref<128x128xf32, #tpu.memory_space<vmem>>
      %dma_wait3A_167 = arith.constant 256 : i32
      %dma_wait3A_168 = arith.constant 0 : i32
      %dma_wait3A_169 = tpu.memref_slice %arg9[%dma_wait3A_167, %dma_wait3A_168] : memref<10240x128xf32, #tpu.memory_space<vmem_shared>> -> memref<128x128xf32, #tpu.memory_space<vmem_shared>>
      %dma_wait3A_170 = arith.constant 256 : i32
      %dma_wait3A_171 = arith.constant 0 : i32
      %dma_wait3A_172 = tpu.memref_slice %arg9[%dma_wait3A_170, %dma_wait3A_171] : memref<10240x128xf32, #tpu.memory_space<vmem_shared>> -> memref<128x128xf32, #tpu.memory_space<vmem_shared>>
      %dma_wait3A_173 = arith.constant 0 : i32
      %dma_wait3A_174 = arith.constant 0 : i32
      %dma_wait3A_175 = tpu.memref_slice %arg8[%dma_wait3A_162, %dma_wait3A_173, %dma_wait3A_174] : memref<2x128x128xf32, #tpu.memory_space<vmem>> -> memref<1x128x128xf32, #tpu.memory_space<vmem>>
      %dma_wait3A_176 = tpu.memref_squeeze %dma_wait3A_175 : memref<1x128x128xf32, #tpu.memory_space<vmem>> -> memref<128x128xf32, #tpu.memory_space<vmem>>
      tpu.wait_dma2 semaphore(%arg12 : memref<!tpu.dma_semaphore, #tpu.memory_space<semaphore_mem>>) src(%dma_wait3A_176 : memref<128x128xf32, #tpu.memory_space<vmem>>) dst(%dma_wait3A_172 : memref<128x128xf32, #tpu.memory_space<vmem_shared>>)
      %dma_wait3A_177 = arith.constant 0 : i32
      %dma_wait3A_178 = arith.constant 0 : i32
      %dma_wait3A_179 = arith.constant 0 : i32
      %dma_wait3A_180 = tpu.memref_slice %arg8[%dma_wait3A_177, %dma_wait3A_178, %dma_wait3A_179] : memref<2x128x128xf32, #tpu.memory_space<vmem>> -> memref<1x128x128xf32, #tpu.memory_space<vmem>>
      %dma_wait3A_181 = tpu.memref_squeeze %dma_wait3A_180 : memref<1x128x128xf32, #tpu.memory_space<vmem>> -> memref<128x128xf32, #tpu.memory_space<vmem>>
      %dma_wait3A_182 = arith.constant 384 : i32
      %dma_wait3A_183 = arith.constant 0 : i32
      %dma_wait3A_184 = tpu.memref_slice %arg9[%dma_wait3A_182, %dma_wait3A_183] : memref<10240x128xf32, #tpu.memory_space<vmem_shared>> -> memref<128x128xf32, #tpu.memory_space<vmem_shared>>
      %dma_wait3A_185 = arith.constant 384 : i32
      %dma_wait3A_186 = arith.constant 0 : i32
      %dma_wait3A_187 = tpu.memref_slice %arg9[%dma_wait3A_185, %dma_wait3A_186] : memref<10240x128xf32, #tpu.memory_space<vmem_shared>> -> memref<128x128xf32, #tpu.memory_space<vmem_shared>>
      %dma_wait3A_188 = arith.constant 0 : i32
      %dma_wait3A_189 = arith.constant 0 : i32
      %dma_wait3A_190 = tpu.memref_slice %arg8[%dma_wait3A_177, %dma_wait3A_188, %dma_wait3A_189] : memref<2x128x128xf32, #tpu.memory_space<vmem>> -> memref<1x128x128xf32, #tpu.memory_space<vmem>>
      %dma_wait3A_191 = tpu.memref_squeeze %dma_wait3A_190 : memref<1x128x128xf32, #tpu.memory_space<vmem>> -> memref<128x128xf32, #tpu.memory_space<vmem>>
      tpu.wait_dma2 semaphore(%arg12 : memref<!tpu.dma_semaphore, #tpu.memory_space<semaphore_mem>>) src(%dma_wait3A_191 : memref<128x128xf32, #tpu.memory_space<vmem>>) dst(%dma_wait3A_187 : memref<128x128xf32, #tpu.memory_space<vmem_shared>>)
      %dma_wait3A_192 = arith.constant 0 : i32
      %dma_wait3A_193 = arith.constant 0 : i32
      %dma_wait3A_194 = arith.constant 0 : i32
      %dma_wait3A_195 = tpu.memref_slice %arg8[%dma_wait3A_192, %dma_wait3A_193, %dma_wait3A_194] : memref<2x128x128xf32, #tpu.memory_space<vmem>> -> memref<1x128x128xf32, #tpu.memory_space<vmem>>
      %dma_wait3A_196 = tpu.memref_squeeze %dma_wait3A_195 : memref<1x128x128xf32, #tpu.memory_space<vmem>> -> memref<128x128xf32, #tpu.memory_space<vmem>>
      %dma_wait3A_197 = arith.constant 512 : i32
      %dma_wait3A_198 = arith.constant 0 : i32
      %dma_wait3A_199 = tpu.memref_slice %arg9[%dma_wait3A_197, %dma_wait3A_198] : memref<10240x128xf32, #tpu.memory_space<vmem_shared>> -> memref<128x128xf32, #tpu.memory_space<vmem_shared>>
      %dma_wait3A_200 = arith.constant 512 : i32
      %dma_wait3A_201 = arith.constant 0 : i32
      %dma_wait3A_202 = tpu.memref_slice %arg9[%dma_wait3A_200, %dma_wait3A_201] : memref<10240x128xf32, #tpu.memory_space<vmem_shared>> -> memref<128x128xf32, #tpu.memory_space<vmem_shared>>
      %dma_wait3A_203 = arith.constant 0 : i32
      %dma_wait3A_204 = arith.constant 0 : i32
      %dma_wait3A_205 = tpu.memref_slice %arg8[%dma_wait3A_192, %dma_wait3A_203, %dma_wait3A_204] : memref<2x128x128xf32, #tpu.memory_space<vmem>> -> memref<1x128x128xf32, #tpu.memory_space<vmem>>
      %dma_wait3A_206 = tpu.memref_squeeze %dma_wait3A_205 : memref<1x128x128xf32, #tpu.memory_space<vmem>> -> memref<128x128xf32, #tpu.memory_space<vmem>>
      tpu.wait_dma2 semaphore(%arg12 : memref<!tpu.dma_semaphore, #tpu.memory_space<semaphore_mem>>) src(%dma_wait3A_206 : memref<128x128xf32, #tpu.memory_space<vmem>>) dst(%dma_wait3A_202 : memref<128x128xf32, #tpu.memory_space<vmem_shared>>)
    } else {
    }
    %barrier3A = arith.constant 0 : index
    tpu.barrier barrier_id(%barrier3A)
    %jit3A_11 = arith.constant 16 : i32
    %div3A = arith.divsi %select_n3A, %jit3A_11 : i32
    %sign3A = arith.constant 0 : i32
    %sign3A_12 = arith.cmpi sgt, %select_n3A, %sign3A : i32
    %sign3A_13 = arith.extui %sign3A_12 : i1 to i32
    %sign3A_14 = arith.constant 0 : i32
    %sign3A_15 = arith.cmpi slt, %select_n3A, %sign3A_14 : i32
    %sign3A_16 = arith.extui %sign3A_15 : i1 to i32
    %sign3A_17 = arith.subi %sign3A_13, %sign3A_16 : i32
    %sign3A_18 = arith.constant 0 : i32
    %sign3A_19 = arith.cmpi sgt, %jit3A_11, %sign3A_18 : i32
    %sign3A_20 = arith.extui %sign3A_19 : i1 to i32
    %sign3A_21 = arith.constant 0 : i32
    %sign3A_22 = arith.cmpi slt, %jit3A_11, %sign3A_21 : i32
    %sign3A_23 = arith.extui %sign3A_22 : i1 to i32
    %sign3A_24 = arith.subi %sign3A_20, %sign3A_23 : i32
    %ne3A = arith.cmpi ne, %sign3A_17, %sign3A_24 : i32
    %rem3A = arith.remsi %select_n3A, %jit3A_11 : i32
    %ne3A_25 = arith.constant 0 : i32
    %ne3A_26 = arith.cmpi ne, %rem3A, %ne3A_25 : i32
    %and3A = arith.andi %ne3A, %ne3A_26 : i1
    %sub3A = arith.constant 1 : i32
    %sub3A_27 = arith.subi %div3A, %sub3A : i32
    %select_n3A_28 = arith.select %and3A, %sub3A_27, %div3A : i32
    %while3A = arith.constant 0 : i32
    %while3A_29 = arith.constant 0 : i32
    %while3A_30 = arith.subi %select_n3A_28, %while3A_29 : i32
    %while3A_31 = arith.addi %while3A_29, %while3A_30 : i32
    %while3A_32 = arith.constant 1 : i32
    %while3A_33 = arith.divsi %while3A_30, %while3A_32 : i32
    %while3A_34 = arith.muli %while3A_33, %while3A_32 : i32
    %while3A_35 = arith.addi %while3A_29, %while3A_34 : i32
    %while3A_36 = arith.constant 1 : i32
    scf.for %while3A_44 = %while3A_29 to %while3A_35 step %while3A_36  : i32 {
      %mul3A_45 = arith.constant 16 : i32
      %mul3A_46 = arith.muli %while3A_44, %mul3A_45 : i32
      %add3A_47 = arith.addi %select_n3A_8, %mul3A_46 : i32
      %dma_start3A = arith.constant 0 : i32
      %dma_start3A_48 = tpu.memref_slice %arg3[%add3A_47, %dma_start3A] : memref<2560x128xi32, #tpu.memory_space<hbm>> -> memref<16x128xi32, #tpu.memory_space<hbm>>
      %dma_start3A_49 = arith.constant 0 : i32
      %dma_start3A_50 = tpu.memref_slice %arg3[%add3A_47, %dma_start3A_49] : memref<2560x128xi32, #tpu.memory_space<hbm>> -> memref<16x128xi32, #tpu.memory_space<hbm>>
      tpu.enqueue_dma source(%dma_start3A_50 : memref<16x128xi32, #tpu.memory_space<hbm>>) target(%arg6 : memref<16x128xi32, #tpu.memory_space<vmem>>) target_semaphore(%arg12 : memref<!tpu.dma_semaphore, #tpu.memory_space<semaphore_mem>>)
      %dma_start3A_51 = arith.constant 0 : i32
      %dma_start3A_52 = tpu.memref_slice %arg4[%add3A_47, %dma_start3A_51] : memref<2560x128xi32, #tpu.memory_space<hbm>> -> memref<16x128xi32, #tpu.memory_space<hbm>>
      %dma_start3A_53 = arith.constant 0 : i32
      %dma_start3A_54 = tpu.memref_slice %arg4[%add3A_47, %dma_start3A_53] : memref<2560x128xi32, #tpu.memory_space<hbm>> -> memref<16x128xi32, #tpu.memory_space<hbm>>
      tpu.enqueue_dma source(%dma_start3A_54 : memref<16x128xi32, #tpu.memory_space<hbm>>) target(%arg7 : memref<16x128xi32, #tpu.memory_space<vmem>>) target_semaphore(%arg12 : memref<!tpu.dma_semaphore, #tpu.memory_space<semaphore_mem>>)
      %dma_wait3A = arith.constant 0 : i32
      %dma_wait3A_55 = arith.constant 0 : i32
      %dma_wait3A_56 = tpu.memref_slice %arg3[%dma_wait3A, %dma_wait3A_55] : memref<2560x128xi32, #tpu.memory_space<hbm>> -> memref<16x128xi32, #tpu.memory_space<hbm>>
      %dma_wait3A_57 = arith.constant 0 : i32
      %dma_wait3A_58 = arith.constant 0 : i32
      %dma_wait3A_59 = tpu.memref_slice %arg3[%dma_wait3A_57, %dma_wait3A_58] : memref<2560x128xi32, #tpu.memory_space<hbm>> -> memref<16x128xi32, #tpu.memory_space<hbm>>
      tpu.wait_dma2 semaphore(%arg12 : memref<!tpu.dma_semaphore, #tpu.memory_space<semaphore_mem>>) src(%dma_wait3A_59 : memref<16x128xi32, #tpu.memory_space<hbm>>) dst(%arg6 : memref<16x128xi32, #tpu.memory_space<vmem>>)
      %dma_wait3A_60 = arith.constant 0 : i32
      %dma_wait3A_61 = arith.constant 0 : i32
      %dma_wait3A_62 = tpu.memref_slice %arg4[%dma_wait3A_60, %dma_wait3A_61] : memref<2560x128xi32, #tpu.memory_space<hbm>> -> memref<16x128xi32, #tpu.memory_space<hbm>>
      %dma_wait3A_63 = arith.constant 0 : i32
      %dma_wait3A_64 = arith.constant 0 : i32
      %dma_wait3A_65 = tpu.memref_slice %arg4[%dma_wait3A_63, %dma_wait3A_64] : memref<2560x128xi32, #tpu.memory_space<hbm>> -> memref<16x128xi32, #tpu.memory_space<hbm>>
      tpu.wait_dma2 semaphore(%arg12 : memref<!tpu.dma_semaphore, #tpu.memory_space<semaphore_mem>>) src(%dma_wait3A_65 : memref<16x128xi32, #tpu.memory_space<hbm>>) dst(%arg7 : memref<16x128xi32, #tpu.memory_space<vmem>>)
      %dma_start3A_66 = arith.constant 0 : i32
      %dma_start3A_67 = arith.constant 0 : i32
      %dma_start3A_68 = arith.constant 0 : i32
      %dma_start3A_69 = arith.constant 0 : i32
      %dma_start3A_70 = arith.constant 0 : i32
      %dma_start3A_71 = tpu.memref_slice %arg8[%dma_start3A_67, %dma_start3A_69, %dma_start3A_70] : memref<2x128x128xf32, #tpu.memory_space<vmem>> -> memref<1x128x128xf32, #tpu.memory_space<vmem>>
      %dma_start3A_72 = tpu.memref_squeeze %dma_start3A_71 : memref<1x128x128xf32, #tpu.memory_space<vmem>> -> memref<128x128xf32, #tpu.memory_space<vmem>>
      %dma_start3A_73 = arith.constant 0 : i32
      %dma_start3A_74 = tpu.memref_slice %arg6[%dma_start3A_66, %dma_start3A_73] : memref<16x128xi32, #tpu.memory_space<vmem>> -> memref<1x128xi32, #tpu.memory_space<vmem>>
      %dma_start3A_75 = tpu.memref_squeeze %dma_start3A_74 : memref<1x128xi32, #tpu.memory_space<vmem>> -> memref<128xi32, #tpu.memory_space<vmem>>
      %dma_start3A_76 = arith.constant 0 : i32
      %dma_start3A_77 = arith.constant 0 : i32
      %dma_start3A_78 = tpu.memref_slice %arg2[%dma_start3A_76, %dma_start3A_77] : memref<10000x128xf32, #tpu.memory_space<hbm>> -> memref<10000x128xf32, #tpu.memory_space<hbm>>
      %dma_start3A_79 = tpu.memref_slice %arg10[%dma_start3A_68] : memref<2x!tpu.dma_semaphore, #tpu.memory_space<semaphore_mem>> -> memref<1x!tpu.dma_semaphore, #tpu.memory_space<semaphore_mem>>
      %dma_start3A_80 = tpu.memref_squeeze %dma_start3A_79 : memref<1x!tpu.dma_semaphore, #tpu.memory_space<semaphore_mem>> -> memref<!tpu.dma_semaphore, #tpu.memory_space<semaphore_mem>>
      tpu.enqueue_indirect_dma source(%dma_start3A_78 : memref<10000x128xf32, #tpu.memory_space<hbm>>) target(%dma_start3A_72 : memref<128x128xf32, #tpu.memory_space<vmem>>) offsets(%dma_start3A_75 : memref<128xi32, #tpu.memory_space<vmem>>) semaphore(%dma_start3A_80 : memref<!tpu.dma_semaphore, #tpu.memory_space<semaphore_mem>>)
      %scan3A = arith.constant 0 : i32
      %scan3A_81 = arith.constant 0 : i32
      %scan3A_82 = arith.constant 8 : i32
      %scan3A_83 = arith.addi %scan3A_81, %scan3A_82 : i32
      %scan3A_84 = arith.constant 1 : i32
      scf.for %scan3A_101 = %scan3A_81 to %scan3A_83 step %scan3A_84  : i32 {
        %mul3A_102 = arith.constant 2 : i32
        %mul3A_103 = arith.muli %scan3A_101, %mul3A_102 : i32
        %add3A_104 = arith.constant 0 : i32
        %add3A_105 = arith.addi %mul3A_103, %add3A_104 : i32
        %dma_wait3A_106 = arith.constant 0 : i32
        %dma_wait3A_107 = arith.constant 0 : i32
        %dma_wait3A_108 = arith.constant 0 : i32
        %dma_wait3A_109 = arith.constant 0 : i32
        %dma_wait3A_110 = tpu.memref_slice %arg8[%dma_wait3A_106, %dma_wait3A_108, %dma_wait3A_109] : memref<2x128x128xf32, #tpu.memory_space<vmem>> -> memref<1x128x128xf32, #tpu.memory_space<vmem>>
        %dma_wait3A_111 = tpu.memref_squeeze %dma_wait3A_110 : memref<1x128x128xf32, #tpu.memory_space<vmem>> -> memref<128x128xf32, #tpu.memory_space<vmem>>
        %dma_wait3A_112 = arith.constant 0 : i32
        %dma_wait3A_113 = tpu.memref_slice %arg6[%add3A_105, %dma_wait3A_112] : memref<16x128xi32, #tpu.memory_space<vmem>> -> memref<1x128xi32, #tpu.memory_space<vmem>>
        %dma_wait3A_114 = tpu.memref_squeeze %dma_wait3A_113 : memref<1x128xi32, #tpu.memory_space<vmem>> -> memref<128xi32, #tpu.memory_space<vmem>>
        %dma_wait3A_115 = arith.constant 0 : i32
        %dma_wait3A_116 = arith.constant 0 : i32
        %dma_wait3A_117 = tpu.memref_slice %arg2[%dma_wait3A_115, %dma_wait3A_116] : memref<10000x128xf32, #tpu.memory_space<hbm>> -> memref<10000x128xf32, #tpu.memory_space<hbm>>
        %dma_wait3A_118 = tpu.memref_slice %arg10[%dma_wait3A_107] : memref<2x!tpu.dma_semaphore, #tpu.memory_space<semaphore_mem>> -> memref<1x!tpu.dma_semaphore, #tpu.memory_space<semaphore_mem>>
        %dma_wait3A_119 = tpu.memref_squeeze %dma_wait3A_118 : memref<1x!tpu.dma_semaphore, #tpu.memory_space<semaphore_mem>> -> memref<!tpu.dma_semaphore, #tpu.memory_space<semaphore_mem>>
        tpu.wait_indirect_dma semaphore(%dma_wait3A_119 : memref<!tpu.dma_semaphore, #tpu.memory_space<semaphore_mem>>) src(%dma_wait3A_117 : memref<10000x128xf32, #tpu.memory_space<hbm>>) dst(%dma_wait3A_111 : memref<128x128xf32, #tpu.memory_space<vmem>>)
        %dma_start3A_120 = arith.constant 0 : i32
        %dma_start3A_121 = arith.constant 0 : i32
        %dma_start3A_122 = arith.constant 0 : i32
        %dma_start3A_123 = arith.constant 0 : i32
        %dma_start3A_124 = tpu.memref_slice %arg8[%dma_start3A_120, %dma_start3A_122, %dma_start3A_123] : memref<2x128x128xf32, #tpu.memory_space<vmem>> -> memref<1x128x128xf32, #tpu.memory_space<vmem>>
        %dma_start3A_125 = tpu.memref_squeeze %dma_start3A_124 : memref<1x128x128xf32, #tpu.memory_space<vmem>> -> memref<128x128xf32, #tpu.memory_space<vmem>>
        %dma_start3A_126 = arith.constant 0 : i32
        %dma_start3A_127 = tpu.memref_slice %arg7[%add3A_105, %dma_start3A_126] : memref<16x128xi32, #tpu.memory_space<vmem>> -> memref<1x128xi32, #tpu.memory_space<vmem>>
        %dma_start3A_128 = tpu.memref_squeeze %dma_start3A_127 : memref<1x128xi32, #tpu.memory_space<vmem>> -> memref<128xi32, #tpu.memory_space<vmem>>
        %dma_start3A_129 = arith.constant 0 : i32
        %dma_start3A_130 = arith.constant 0 : i32
        %dma_start3A_131 = tpu.memref_slice %arg9[%dma_start3A_129, %dma_start3A_130] : memref<10240x128xf32, #tpu.memory_space<vmem_shared>> -> memref<10240x128xf32, #tpu.memory_space<vmem_shared>>
        %dma_start3A_132 = tpu.memref_slice %arg11[%dma_start3A_121] : memref<2x!tpu.dma_semaphore, #tpu.memory_space<semaphore_mem>> -> memref<1x!tpu.dma_semaphore, #tpu.memory_space<semaphore_mem>>
        %dma_start3A_133 = tpu.memref_squeeze %dma_start3A_132 : memref<1x!tpu.dma_semaphore, #tpu.memory_space<semaphore_mem>> -> memref<!tpu.dma_semaphore, #tpu.memory_space<semaphore_mem>>
        tpu.enqueue_indirect_dma source(%dma_start3A_125 : memref<128x128xf32, #tpu.memory_space<vmem>>) target(%dma_start3A_131 : memref<10240x128xf32, #tpu.memory_space<vmem_shared>>) offsets(%dma_start3A_128 : memref<128xi32, #tpu.memory_space<vmem>>) semaphore(%dma_start3A_133 : memref<!tpu.dma_semaphore, #tpu.memory_space<semaphore_mem>>) {add = true}
        %ge3A = arith.constant 1 : i32
        %ge3A_134 = arith.cmpi sge, %add3A_105, %ge3A : i32
        %convert_element_type3A_135 = arith.extui %ge3A_134 : i1 to i32
        %cond3A_136 = arith.constant 0 : i32
        %cond3A_137 = arith.cmpi ne, %convert_element_type3A_135, %cond3A_136 : i32
        scf.if %cond3A_137 {
          %sub3A_189 = arith.constant 1 : i32
          %sub3A_190 = arith.subi %add3A_105, %sub3A_189 : i32
          %dma_wait3A_191 = arith.constant 1 : i32
          %dma_wait3A_192 = arith.constant 1 : i32
          %dma_wait3A_193 = arith.constant 0 : i32
          %dma_wait3A_194 = arith.constant 0 : i32
          %dma_wait3A_195 = tpu.memref_slice %arg8[%dma_wait3A_191, %dma_wait3A_193, %dma_wait3A_194] : memref<2x128x128xf32, #tpu.memory_space<vmem>> -> memref<1x128x128xf32, #tpu.memory_space<vmem>>
          %dma_wait3A_196 = tpu.memref_squeeze %dma_wait3A_195 : memref<1x128x128xf32, #tpu.memory_space<vmem>> -> memref<128x128xf32, #tpu.memory_space<vmem>>
          %dma_wait3A_197 = arith.constant 0 : i32
          %dma_wait3A_198 = tpu.memref_slice %arg7[%sub3A_190, %dma_wait3A_197] : memref<16x128xi32, #tpu.memory_space<vmem>> -> memref<1x128xi32, #tpu.memory_space<vmem>>
          %dma_wait3A_199 = tpu.memref_squeeze %dma_wait3A_198 : memref<1x128xi32, #tpu.memory_space<vmem>> -> memref<128xi32, #tpu.memory_space<vmem>>
          %dma_wait3A_200 = arith.constant 0 : i32
          %dma_wait3A_201 = arith.constant 0 : i32
          %dma_wait3A_202 = tpu.memref_slice %arg9[%dma_wait3A_200, %dma_wait3A_201] : memref<10240x128xf32, #tpu.memory_space<vmem_shared>> -> memref<10240x128xf32, #tpu.memory_space<vmem_shared>>
          %dma_wait3A_203 = tpu.memref_slice %arg11[%dma_wait3A_192] : memref<2x!tpu.dma_semaphore, #tpu.memory_space<semaphore_mem>> -> memref<1x!tpu.dma_semaphore, #tpu.memory_space<semaphore_mem>>
          %dma_wait3A_204 = tpu.memref_squeeze %dma_wait3A_203 : memref<1x!tpu.dma_semaphore, #tpu.memory_space<semaphore_mem>> -> memref<!tpu.dma_semaphore, #tpu.memory_space<semaphore_mem>>
          tpu.wait_indirect_dma semaphore(%dma_wait3A_204 : memref<!tpu.dma_semaphore, #tpu.memory_space<semaphore_mem>>) src(%dma_wait3A_196 : memref<128x128xf32, #tpu.memory_space<vmem>>) dst(%dma_wait3A_202 : memref<10240x128xf32, #tpu.memory_space<vmem_shared>>)
        } else {
        }
        %add3A_138 = arith.constant 1 : i32
        %add3A_139 = arith.addi %add3A_105, %add3A_138 : i32
        %lt3A_140 = arith.constant 16 : i32
        %lt3A_141 = arith.cmpi slt, %add3A_139, %lt3A_140 : i32
        %convert_element_type3A_142 = arith.extui %lt3A_141 : i1 to i32
        %cond3A_143 = arith.constant 0 : i32
        %cond3A_144 = arith.cmpi ne, %convert_element_type3A_142, %cond3A_143 : i32
        scf.if %cond3A_144 {
          %add3A_189 = arith.constant 1 : i32
          %add3A_190 = arith.addi %add3A_105, %add3A_189 : i32
          %dma_start3A_191 = arith.constant 1 : i32
          %dma_start3A_192 = arith.constant 1 : i32
          %dma_start3A_193 = arith.constant 0 : i32
          %dma_start3A_194 = arith.constant 0 : i32
          %dma_start3A_195 = tpu.memref_slice %arg8[%dma_start3A_191, %dma_start3A_193, %dma_start3A_194] : memref<2x128x128xf32, #tpu.memory_space<vmem>> -> memref<1x128x128xf32, #tpu.memory_space<vmem>>
          %dma_start3A_196 = tpu.memref_squeeze %dma_start3A_195 : memref<1x128x128xf32, #tpu.memory_space<vmem>> -> memref<128x128xf32, #tpu.memory_space<vmem>>
          %dma_start3A_197 = arith.constant 0 : i32
          %dma_start3A_198 = tpu.memref_slice %arg6[%add3A_190, %dma_start3A_197] : memref<16x128xi32, #tpu.memory_space<vmem>> -> memref<1x128xi32, #tpu.memory_space<vmem>>
          %dma_start3A_199 = tpu.memref_squeeze %dma_start3A_198 : memref<1x128xi32, #tpu.memory_space<vmem>> -> memref<128xi32, #tpu.memory_space<vmem>>
          %dma_start3A_200 = arith.constant 0 : i32
          %dma_start3A_201 = arith.constant 0 : i32
          %dma_start3A_202 = tpu.memref_slice %arg2[%dma_start3A_200, %dma_start3A_201] : memref<10000x128xf32, #tpu.memory_space<hbm>> -> memref<10000x128xf32, #tpu.memory_space<hbm>>
          %dma_start3A_203 = tpu.memref_slice %arg10[%dma_start3A_192] : memref<2x!tpu.dma_semaphore, #tpu.memory_space<semaphore_mem>> -> memref<1x!tpu.dma_semaphore, #tpu.memory_space<semaphore_mem>>
          %dma_start3A_204 = tpu.memref_squeeze %dma_start3A_203 : memref<1x!tpu.dma_semaphore, #tpu.memory_space<semaphore_mem>> -> memref<!tpu.dma_semaphore, #tpu.memory_space<semaphore_mem>>
          tpu.enqueue_indirect_dma source(%dma_start3A_202 : memref<10000x128xf32, #tpu.memory_space<hbm>>) target(%dma_start3A_196 : memref<128x128xf32, #tpu.memory_space<vmem>>) offsets(%dma_start3A_199 : memref<128xi32, #tpu.memory_space<vmem>>) semaphore(%dma_start3A_204 : memref<!tpu.dma_semaphore, #tpu.memory_space<semaphore_mem>>)
        } else {
        }
        %mul3A_145 = arith.constant 2 : i32
        %mul3A_146 = arith.muli %scan3A_101, %mul3A_145 : i32
        %add3A_147 = arith.constant 1 : i32
        %add3A_148 = arith.addi %mul3A_146, %add3A_147 : i32
        %dma_wait3A_149 = arith.constant 1 : i32
        %dma_wait3A_150 = arith.constant 1 : i32
        %dma_wait3A_151 = arith.constant 0 : i32
        %dma_wait3A_152 = arith.constant 0 : i32
        %dma_wait3A_153 = tpu.memref_slice %arg8[%dma_wait3A_149, %dma_wait3A_151, %dma_wait3A_152] : memref<2x128x128xf32, #tpu.memory_space<vmem>> -> memref<1x128x128xf32, #tpu.memory_space<vmem>>
        %dma_wait3A_154 = tpu.memref_squeeze %dma_wait3A_153 : memref<1x128x128xf32, #tpu.memory_space<vmem>> -> memref<128x128xf32, #tpu.memory_space<vmem>>
        %dma_wait3A_155 = arith.constant 0 : i32
        %dma_wait3A_156 = tpu.memref_slice %arg6[%add3A_148, %dma_wait3A_155] : memref<16x128xi32, #tpu.memory_space<vmem>> -> memref<1x128xi32, #tpu.memory_space<vmem>>
        %dma_wait3A_157 = tpu.memref_squeeze %dma_wait3A_156 : memref<1x128xi32, #tpu.memory_space<vmem>> -> memref<128xi32, #tpu.memory_space<vmem>>
        %dma_wait3A_158 = arith.constant 0 : i32
        %dma_wait3A_159 = arith.constant 0 : i32
        %dma_wait3A_160 = tpu.memref_slice %arg2[%dma_wait3A_158, %dma_wait3A_159] : memref<10000x128xf32, #tpu.memory_space<hbm>> -> memref<10000x128xf32, #tpu.memory_space<hbm>>
        %dma_wait3A_161 = tpu.memref_slice %arg10[%dma_wait3A_150] : memref<2x!tpu.dma_semaphore, #tpu.memory_space<semaphore_mem>> -> memref<1x!tpu.dma_semaphore, #tpu.memory_space<semaphore_mem>>
        %dma_wait3A_162 = tpu.memref_squeeze %dma_wait3A_161 : memref<1x!tpu.dma_semaphore, #tpu.memory_space<semaphore_mem>> -> memref<!tpu.dma_semaphore, #tpu.memory_space<semaphore_mem>>
        tpu.wait_indirect_dma semaphore(%dma_wait3A_162 : memref<!tpu.dma_semaphore, #tpu.memory_space<semaphore_mem>>) src(%dma_wait3A_160 : memref<10000x128xf32, #tpu.memory_space<hbm>>) dst(%dma_wait3A_154 : memref<128x128xf32, #tpu.memory_space<vmem>>)
        %dma_start3A_163 = arith.constant 1 : i32
        %dma_start3A_164 = arith.constant 1 : i32
        %dma_start3A_165 = arith.constant 0 : i32
        %dma_start3A_166 = arith.constant 0 : i32
        %dma_start3A_167 = tpu.memref_slice %arg8[%dma_start3A_163, %dma_start3A_165, %dma_start3A_166] : memref<2x128x128xf32, #tpu.memory_space<vmem>> -> memref<1x128x128xf32, #tpu.memory_space<vmem>>
        %dma_start3A_168 = tpu.memref_squeeze %dma_start3A_167 : memref<1x128x128xf32, #tpu.memory_space<vmem>> -> memref<128x128xf32, #tpu.memory_space<vmem>>
        %dma_start3A_169 = arith.constant 0 : i32
        %dma_start3A_170 = tpu.memref_slice %arg7[%add3A_148, %dma_start3A_169] : memref<16x128xi32, #tpu.memory_space<vmem>> -> memref<1x128xi32, #tpu.memory_space<vmem>>
        %dma_start3A_171 = tpu.memref_squeeze %dma_start3A_170 : memref<1x128xi32, #tpu.memory_space<vmem>> -> memref<128xi32, #tpu.memory_space<vmem>>
        %dma_start3A_172 = arith.constant 0 : i32
        %dma_start3A_173 = arith.constant 0 : i32
        %dma_start3A_174 = tpu.memref_slice %arg9[%dma_start3A_172, %dma_start3A_173] : memref<10240x128xf32, #tpu.memory_space<vmem_shared>> -> memref<10240x128xf32, #tpu.memory_space<vmem_shared>>
        %dma_start3A_175 = tpu.memref_slice %arg11[%dma_start3A_164] : memref<2x!tpu.dma_semaphore, #tpu.memory_space<semaphore_mem>> -> memref<1x!tpu.dma_semaphore, #tpu.memory_space<semaphore_mem>>
        %dma_start3A_176 = tpu.memref_squeeze %dma_start3A_175 : memref<1x!tpu.dma_semaphore, #tpu.memory_space<semaphore_mem>> -> memref<!tpu.dma_semaphore, #tpu.memory_space<semaphore_mem>>
        tpu.enqueue_indirect_dma source(%dma_start3A_168 : memref<128x128xf32, #tpu.memory_space<vmem>>) target(%dma_start3A_174 : memref<10240x128xf32, #tpu.memory_space<vmem_shared>>) offsets(%dma_start3A_171 : memref<128xi32, #tpu.memory_space<vmem>>) semaphore(%dma_start3A_176 : memref<!tpu.dma_semaphore, #tpu.memory_space<semaphore_mem>>) {add = true}
        %ge3A_177 = arith.constant 1 : i32
        %ge3A_178 = arith.cmpi sge, %add3A_148, %ge3A_177 : i32
        %convert_element_type3A_179 = arith.extui %ge3A_178 : i1 to i32
        %cond3A_180 = arith.constant 0 : i32
        %cond3A_181 = arith.cmpi ne, %convert_element_type3A_179, %cond3A_180 : i32
        scf.if %cond3A_181 {
          %sub3A_189 = arith.constant 1 : i32
          %sub3A_190 = arith.subi %add3A_148, %sub3A_189 : i32
          %dma_wait3A_191 = arith.constant 0 : i32
          %dma_wait3A_192 = arith.constant 0 : i32
          %dma_wait3A_193 = arith.constant 0 : i32
          %dma_wait3A_194 = arith.constant 0 : i32
          %dma_wait3A_195 = tpu.memref_slice %arg8[%dma_wait3A_191, %dma_wait3A_193, %dma_wait3A_194] : memref<2x128x128xf32, #tpu.memory_space<vmem>> -> memref<1x128x128xf32, #tpu.memory_space<vmem>>
          %dma_wait3A_196 = tpu.memref_squeeze %dma_wait3A_195 : memref<1x128x128xf32, #tpu.memory_space<vmem>> -> memref<128x128xf32, #tpu.memory_space<vmem>>
          %dma_wait3A_197 = arith.constant 0 : i32
          %dma_wait3A_198 = tpu.memref_slice %arg7[%sub3A_190, %dma_wait3A_197] : memref<16x128xi32, #tpu.memory_space<vmem>> -> memref<1x128xi32, #tpu.memory_space<vmem>>
          %dma_wait3A_199 = tpu.memref_squeeze %dma_wait3A_198 : memref<1x128xi32, #tpu.memory_space<vmem>> -> memref<128xi32, #tpu.memory_space<vmem>>
          %dma_wait3A_200 = arith.constant 0 : i32
          %dma_wait3A_201 = arith.constant 0 : i32
          %dma_wait3A_202 = tpu.memref_slice %arg9[%dma_wait3A_200, %dma_wait3A_201] : memref<10240x128xf32, #tpu.memory_space<vmem_shared>> -> memref<10240x128xf32, #tpu.memory_space<vmem_shared>>
          %dma_wait3A_203 = tpu.memref_slice %arg11[%dma_wait3A_192] : memref<2x!tpu.dma_semaphore, #tpu.memory_space<semaphore_mem>> -> memref<1x!tpu.dma_semaphore, #tpu.memory_space<semaphore_mem>>
          %dma_wait3A_204 = tpu.memref_squeeze %dma_wait3A_203 : memref<1x!tpu.dma_semaphore, #tpu.memory_space<semaphore_mem>> -> memref<!tpu.dma_semaphore, #tpu.memory_space<semaphore_mem>>
          tpu.wait_indirect_dma semaphore(%dma_wait3A_204 : memref<!tpu.dma_semaphore, #tpu.memory_space<semaphore_mem>>) src(%dma_wait3A_196 : memref<128x128xf32, #tpu.memory_space<vmem>>) dst(%dma_wait3A_202 : memref<10240x128xf32, #tpu.memory_space<vmem_shared>>)
        } else {
        }
        %add3A_182 = arith.constant 1 : i32
        %add3A_183 = arith.addi %add3A_148, %add3A_182 : i32
        %lt3A_184 = arith.constant 16 : i32
        %lt3A_185 = arith.cmpi slt, %add3A_183, %lt3A_184 : i32
        %convert_element_type3A_186 = arith.extui %lt3A_185 : i1 to i32
        %cond3A_187 = arith.constant 0 : i32
        %cond3A_188 = arith.cmpi ne, %convert_element_type3A_186, %cond3A_187 : i32
        scf.if %cond3A_188 {
          %add3A_189 = arith.constant 1 : i32
          %add3A_190 = arith.addi %add3A_148, %add3A_189 : i32
          %dma_start3A_191 = arith.constant 0 : i32
          %dma_start3A_192 = arith.constant 0 : i32
          %dma_start3A_193 = arith.constant 0 : i32
          %dma_start3A_194 = arith.constant 0 : i32
          %dma_start3A_195 = tpu.memref_slice %arg8[%dma_start3A_191, %dma_start3A_193, %dma_start3A_194] : memref<2x128x128xf32, #tpu.memory_space<vmem>> -> memref<1x128x128xf32, #tpu.memory_space<vmem>>
          %dma_start3A_196 = tpu.memref_squeeze %dma_start3A_195 : memref<1x128x128xf32, #tpu.memory_space<vmem>> -> memref<128x128xf32, #tpu.memory_space<vmem>>
          %dma_start3A_197 = arith.constant 0 : i32
          %dma_start3A_198 = tpu.memref_slice %arg6[%add3A_190, %dma_start3A_197] : memref<16x128xi32, #tpu.memory_space<vmem>> -> memref<1x128xi32, #tpu.memory_space<vmem>>
          %dma_start3A_199 = tpu.memref_squeeze %dma_start3A_198 : memref<1x128xi32, #tpu.memory_space<vmem>> -> memref<128xi32, #tpu.memory_space<vmem>>
          %dma_start3A_200 = arith.constant 0 : i32
          %dma_start3A_201 = arith.constant 0 : i32
          %dma_start3A_202 = tpu.memref_slice %arg2[%dma_start3A_200, %dma_start3A_201] : memref<10000x128xf32, #tpu.memory_space<hbm>> -> memref<10000x128xf32, #tpu.memory_space<hbm>>
          %dma_start3A_203 = tpu.memref_slice %arg10[%dma_start3A_192] : memref<2x!tpu.dma_semaphore, #tpu.memory_space<semaphore_mem>> -> memref<1x!tpu.dma_semaphore, #tpu.memory_space<semaphore_mem>>
          %dma_start3A_204 = tpu.memref_squeeze %dma_start3A_203 : memref<1x!tpu.dma_semaphore, #tpu.memory_space<semaphore_mem>> -> memref<!tpu.dma_semaphore, #tpu.memory_space<semaphore_mem>>
          tpu.enqueue_indirect_dma source(%dma_start3A_202 : memref<10000x128xf32, #tpu.memory_space<hbm>>) target(%dma_start3A_196 : memref<128x128xf32, #tpu.memory_space<vmem>>) offsets(%dma_start3A_199 : memref<128xi32, #tpu.memory_space<vmem>>) semaphore(%dma_start3A_204 : memref<!tpu.dma_semaphore, #tpu.memory_space<semaphore_mem>>)
        } else {
        }
      }
      %scan3A_85 = arith.constant 8 : i32
      %dma_wait3A_86 = arith.constant 1 : i32
      %dma_wait3A_87 = arith.constant 15 : i32
      %dma_wait3A_88 = arith.constant 1 : i32
      %dma_wait3A_89 = arith.constant 0 : i32
      %dma_wait3A_90 = arith.constant 0 : i32
      %dma_wait3A_91 = tpu.memref_slice %arg8[%dma_wait3A_86, %dma_wait3A_89, %dma_wait3A_90] : memref<2x128x128xf32, #tpu.memory_space<vmem>> -> memref<1x128x128xf32, #tpu.memory_space<vmem>>
      %dma_wait3A_92 = tpu.memref_squeeze %dma_wait3A_91 : memref<1x128x128xf32, #tpu.memory_space<vmem>> -> memref<128x128xf32, #tpu.memory_space<vmem>>
      %dma_wait3A_93 = arith.constant 0 : i32
      %dma_wait3A_94 = tpu.memref_slice %arg7[%dma_wait3A_87, %dma_wait3A_93] : memref<16x128xi32, #tpu.memory_space<vmem>> -> memref<1x128xi32, #tpu.memory_space<vmem>>
      %dma_wait3A_95 = tpu.memref_squeeze %dma_wait3A_94 : memref<1x128xi32, #tpu.memory_space<vmem>> -> memref<128xi32, #tpu.memory_space<vmem>>
      %dma_wait3A_96 = arith.constant 0 : i32
      %dma_wait3A_97 = arith.constant 0 : i32
      %dma_wait3A_98 = tpu.memref_slice %arg9[%dma_wait3A_96, %dma_wait3A_97] : memref<10240x128xf32, #tpu.memory_space<vmem_shared>> -> memref<10240x128xf32, #tpu.memory_space<vmem_shared>>
      %dma_wait3A_99 = tpu.memref_slice %arg11[%dma_wait3A_88] : memref<2x!tpu.dma_semaphore, #tpu.memory_space<semaphore_mem>> -> memref<1x!tpu.dma_semaphore, #tpu.memory_space<semaphore_mem>>
      %dma_wait3A_100 = tpu.memref_squeeze %dma_wait3A_99 : memref<1x!tpu.dma_semaphore, #tpu.memory_space<semaphore_mem>> -> memref<!tpu.dma_semaphore, #tpu.memory_space<semaphore_mem>>
      tpu.wait_indirect_dma semaphore(%dma_wait3A_100 : memref<!tpu.dma_semaphore, #tpu.memory_space<semaphore_mem>>) src(%dma_wait3A_92 : memref<128x128xf32, #tpu.memory_space<vmem>>) dst(%dma_wait3A_98 : memref<10240x128xf32, #tpu.memory_space<vmem_shared>>)
    }
    %while3A_37 = arith.constant 1 : i32
    scf.for %while3A_44 = %while3A_35 to %while3A_31 step %while3A_37  : i32 {
      %mul3A_45 = arith.constant 16 : i32
      %mul3A_46 = arith.muli %while3A_44, %mul3A_45 : i32
      %add3A_47 = arith.addi %select_n3A_8, %mul3A_46 : i32
      %dma_start3A = arith.constant 0 : i32
      %dma_start3A_48 = tpu.memref_slice %arg3[%add3A_47, %dma_start3A] : memref<2560x128xi32, #tpu.memory_space<hbm>> -> memref<16x128xi32, #tpu.memory_space<hbm>>
      %dma_start3A_49 = arith.constant 0 : i32
      %dma_start3A_50 = tpu.memref_slice %arg3[%add3A_47, %dma_start3A_49] : memref<2560x128xi32, #tpu.memory_space<hbm>> -> memref<16x128xi32, #tpu.memory_space<hbm>>
      tpu.enqueue_dma source(%dma_start3A_50 : memref<16x128xi32, #tpu.memory_space<hbm>>) target(%arg6 : memref<16x128xi32, #tpu.memory_space<vmem>>) target_semaphore(%arg12 : memref<!tpu.dma_semaphore, #tpu.memory_space<semaphore_mem>>)
      %dma_start3A_51 = arith.constant 0 : i32
      %dma_start3A_52 = tpu.memref_slice %arg4[%add3A_47, %dma_start3A_51] : memref<2560x128xi32, #tpu.memory_space<hbm>> -> memref<16x128xi32, #tpu.memory_space<hbm>>
      %dma_start3A_53 = arith.constant 0 : i32
      %dma_start3A_54 = tpu.memref_slice %arg4[%add3A_47, %dma_start3A_53] : memref<2560x128xi32, #tpu.memory_space<hbm>> -> memref<16x128xi32, #tpu.memory_space<hbm>>
      tpu.enqueue_dma source(%dma_start3A_54 : memref<16x128xi32, #tpu.memory_space<hbm>>) target(%arg7 : memref<16x128xi32, #tpu.memory_space<vmem>>) target_semaphore(%arg12 : memref<!tpu.dma_semaphore, #tpu.memory_space<semaphore_mem>>)
      %dma_wait3A = arith.constant 0 : i32
      %dma_wait3A_55 = arith.constant 0 : i32
      %dma_wait3A_56 = tpu.memref_slice %arg3[%dma_wait3A, %dma_wait3A_55] : memref<2560x128xi32, #tpu.memory_space<hbm>> -> memref<16x128xi32, #tpu.memory_space<hbm>>
      %dma_wait3A_57 = arith.constant 0 : i32
      %dma_wait3A_58 = arith.constant 0 : i32
      %dma_wait3A_59 = tpu.memref_slice %arg3[%dma_wait3A_57, %dma_wait3A_58] : memref<2560x128xi32, #tpu.memory_space<hbm>> -> memref<16x128xi32, #tpu.memory_space<hbm>>
      tpu.wait_dma2 semaphore(%arg12 : memref<!tpu.dma_semaphore, #tpu.memory_space<semaphore_mem>>) src(%dma_wait3A_59 : memref<16x128xi32, #tpu.memory_space<hbm>>) dst(%arg6 : memref<16x128xi32, #tpu.memory_space<vmem>>)
      %dma_wait3A_60 = arith.constant 0 : i32
      %dma_wait3A_61 = arith.constant 0 : i32
      %dma_wait3A_62 = tpu.memref_slice %arg4[%dma_wait3A_60, %dma_wait3A_61] : memref<2560x128xi32, #tpu.memory_space<hbm>> -> memref<16x128xi32, #tpu.memory_space<hbm>>
      %dma_wait3A_63 = arith.constant 0 : i32
      %dma_wait3A_64 = arith.constant 0 : i32
      %dma_wait3A_65 = tpu.memref_slice %arg4[%dma_wait3A_63, %dma_wait3A_64] : memref<2560x128xi32, #tpu.memory_space<hbm>> -> memref<16x128xi32, #tpu.memory_space<hbm>>
      tpu.wait_dma2 semaphore(%arg12 : memref<!tpu.dma_semaphore, #tpu.memory_space<semaphore_mem>>) src(%dma_wait3A_65 : memref<16x128xi32, #tpu.memory_space<hbm>>) dst(%arg7 : memref<16x128xi32, #tpu.memory_space<vmem>>)
      %dma_start3A_66 = arith.constant 0 : i32
      %dma_start3A_67 = arith.constant 0 : i32
      %dma_start3A_68 = arith.constant 0 : i32
      %dma_start3A_69 = arith.constant 0 : i32
      %dma_start3A_70 = arith.constant 0 : i32
      %dma_start3A_71 = tpu.memref_slice %arg8[%dma_start3A_67, %dma_start3A_69, %dma_start3A_70] : memref<2x128x128xf32, #tpu.memory_space<vmem>> -> memref<1x128x128xf32, #tpu.memory_space<vmem>>
      %dma_start3A_72 = tpu.memref_squeeze %dma_start3A_71 : memref<1x128x128xf32, #tpu.memory_space<vmem>> -> memref<128x128xf32, #tpu.memory_space<vmem>>
      %dma_start3A_73 = arith.constant 0 : i32
      %dma_start3A_74 = tpu.memref_slice %arg6[%dma_start3A_66, %dma_start3A_73] : memref<16x128xi32, #tpu.memory_space<vmem>> -> memref<1x128xi32, #tpu.memory_space<vmem>>
      %dma_start3A_75 = tpu.memref_squeeze %dma_start3A_74 : memref<1x128xi32, #tpu.memory_space<vmem>> -> memref<128xi32, #tpu.memory_space<vmem>>
      %dma_start3A_76 = arith.constant 0 : i32
      %dma_start3A_77 = arith.constant 0 : i32
      %dma_start3A_78 = tpu.memref_slice %arg2[%dma_start3A_76, %dma_start3A_77] : memref<10000x128xf32, #tpu.memory_space<hbm>> -> memref<10000x128xf32, #tpu.memory_space<hbm>>
      %dma_start3A_79 = tpu.memref_slice %arg10[%dma_start3A_68] : memref<2x!tpu.dma_semaphore, #tpu.memory_space<semaphore_mem>> -> memref<1x!tpu.dma_semaphore, #tpu.memory_space<semaphore_mem>>
      %dma_start3A_80 = tpu.memref_squeeze %dma_start3A_79 : memref<1x!tpu.dma_semaphore, #tpu.memory_space<semaphore_mem>> -> memref<!tpu.dma_semaphore, #tpu.memory_space<semaphore_mem>>
      tpu.enqueue_indirect_dma source(%dma_start3A_78 : memref<10000x128xf32, #tpu.memory_space<hbm>>) target(%dma_start3A_72 : memref<128x128xf32, #tpu.memory_space<vmem>>) offsets(%dma_start3A_75 : memref<128xi32, #tpu.memory_space<vmem>>) semaphore(%dma_start3A_80 : memref<!tpu.dma_semaphore, #tpu.memory_space<semaphore_mem>>)
      %scan3A = arith.constant 0 : i32
      %scan3A_81 = arith.constant 0 : i32
      %scan3A_82 = arith.constant 8 : i32
      %scan3A_83 = arith.addi %scan3A_81, %scan3A_82 : i32
      %scan3A_84 = arith.constant 1 : i32
      scf.for %scan3A_101 = %scan3A_81 to %scan3A_83 step %scan3A_84  : i32 {
        %mul3A_102 = arith.constant 2 : i32
        %mul3A_103 = arith.muli %scan3A_101, %mul3A_102 : i32
        %add3A_104 = arith.constant 0 : i32
        %add3A_105 = arith.addi %mul3A_103, %add3A_104 : i32
        %dma_wait3A_106 = arith.constant 0 : i32
        %dma_wait3A_107 = arith.constant 0 : i32
        %dma_wait3A_108 = arith.constant 0 : i32
        %dma_wait3A_109 = arith.constant 0 : i32
        %dma_wait3A_110 = tpu.memref_slice %arg8[%dma_wait3A_106, %dma_wait3A_108, %dma_wait3A_109] : memref<2x128x128xf32, #tpu.memory_space<vmem>> -> memref<1x128x128xf32, #tpu.memory_space<vmem>>
        %dma_wait3A_111 = tpu.memref_squeeze %dma_wait3A_110 : memref<1x128x128xf32, #tpu.memory_space<vmem>> -> memref<128x128xf32, #tpu.memory_space<vmem>>
        %dma_wait3A_112 = arith.constant 0 : i32
        %dma_wait3A_113 = tpu.memref_slice %arg6[%add3A_105, %dma_wait3A_112] : memref<16x128xi32, #tpu.memory_space<vmem>> -> memref<1x128xi32, #tpu.memory_space<vmem>>
        %dma_wait3A_114 = tpu.memref_squeeze %dma_wait3A_113 : memref<1x128xi32, #tpu.memory_space<vmem>> -> memref<128xi32, #tpu.memory_space<vmem>>
        %dma_wait3A_115 = arith.constant 0 : i32
        %dma_wait3A_116 = arith.constant 0 : i32
        %dma_wait3A_117 = tpu.memref_slice %arg2[%dma_wait3A_115, %dma_wait3A_116] : memref<10000x128xf32, #tpu.memory_space<hbm>> -> memref<10000x128xf32, #tpu.memory_space<hbm>>
        %dma_wait3A_118 = tpu.memref_slice %arg10[%dma_wait3A_107] : memref<2x!tpu.dma_semaphore, #tpu.memory_space<semaphore_mem>> -> memref<1x!tpu.dma_semaphore, #tpu.memory_space<semaphore_mem>>
        %dma_wait3A_119 = tpu.memref_squeeze %dma_wait3A_118 : memref<1x!tpu.dma_semaphore, #tpu.memory_space<semaphore_mem>> -> memref<!tpu.dma_semaphore, #tpu.memory_space<semaphore_mem>>
        tpu.wait_indirect_dma semaphore(%dma_wait3A_119 : memref<!tpu.dma_semaphore, #tpu.memory_space<semaphore_mem>>) src(%dma_wait3A_117 : memref<10000x128xf32, #tpu.memory_space<hbm>>) dst(%dma_wait3A_111 : memref<128x128xf32, #tpu.memory_space<vmem>>)
        %dma_start3A_120 = arith.constant 0 : i32
        %dma_start3A_121 = arith.constant 0 : i32
        %dma_start3A_122 = arith.constant 0 : i32
        %dma_start3A_123 = arith.constant 0 : i32
        %dma_start3A_124 = tpu.memref_slice %arg8[%dma_start3A_120, %dma_start3A_122, %dma_start3A_123] : memref<2x128x128xf32, #tpu.memory_space<vmem>> -> memref<1x128x128xf32, #tpu.memory_space<vmem>>
        %dma_start3A_125 = tpu.memref_squeeze %dma_start3A_124 : memref<1x128x128xf32, #tpu.memory_space<vmem>> -> memref<128x128xf32, #tpu.memory_space<vmem>>
        %dma_start3A_126 = arith.constant 0 : i32
        %dma_start3A_127 = tpu.memref_slice %arg7[%add3A_105, %dma_start3A_126] : memref<16x128xi32, #tpu.memory_space<vmem>> -> memref<1x128xi32, #tpu.memory_space<vmem>>
        %dma_start3A_128 = tpu.memref_squeeze %dma_start3A_127 : memref<1x128xi32, #tpu.memory_space<vmem>> -> memref<128xi32, #tpu.memory_space<vmem>>
        %dma_start3A_129 = arith.constant 0 : i32
        %dma_start3A_130 = arith.constant 0 : i32
        %dma_start3A_131 = tpu.memref_slice %arg9[%dma_start3A_129, %dma_start3A_130] : memref<10240x128xf32, #tpu.memory_space<vmem_shared>> -> memref<10240x128xf32, #tpu.memory_space<vmem_shared>>
        %dma_start3A_132 = tpu.memref_slice %arg11[%dma_start3A_121] : memref<2x!tpu.dma_semaphore, #tpu.memory_space<semaphore_mem>> -> memref<1x!tpu.dma_semaphore, #tpu.memory_space<semaphore_mem>>
        %dma_start3A_133 = tpu.memref_squeeze %dma_start3A_132 : memref<1x!tpu.dma_semaphore, #tpu.memory_space<semaphore_mem>> -> memref<!tpu.dma_semaphore, #tpu.memory_space<semaphore_mem>>
        tpu.enqueue_indirect_dma source(%dma_start3A_125 : memref<128x128xf32, #tpu.memory_space<vmem>>) target(%dma_start3A_131 : memref<10240x128xf32, #tpu.memory_space<vmem_shared>>) offsets(%dma_start3A_128 : memref<128xi32, #tpu.memory_space<vmem>>) semaphore(%dma_start3A_133 : memref<!tpu.dma_semaphore, #tpu.memory_space<semaphore_mem>>) {add = true}
        %ge3A = arith.constant 1 : i32
        %ge3A_134 = arith.cmpi sge, %add3A_105, %ge3A : i32
        %convert_element_type3A_135 = arith.extui %ge3A_134 : i1 to i32
        %cond3A_136 = arith.constant 0 : i32
        %cond3A_137 = arith.cmpi ne, %convert_element_type3A_135, %cond3A_136 : i32
        scf.if %cond3A_137 {
          %sub3A_189 = arith.constant 1 : i32
          %sub3A_190 = arith.subi %add3A_105, %sub3A_189 : i32
          %dma_wait3A_191 = arith.constant 1 : i32
          %dma_wait3A_192 = arith.constant 1 : i32
          %dma_wait3A_193 = arith.constant 0 : i32
          %dma_wait3A_194 = arith.constant 0 : i32
          %dma_wait3A_195 = tpu.memref_slice %arg8[%dma_wait3A_191, %dma_wait3A_193, %dma_wait3A_194] : memref<2x128x128xf32, #tpu.memory_space<vmem>> -> memref<1x128x128xf32, #tpu.memory_space<vmem>>
          %dma_wait3A_196 = tpu.memref_squeeze %dma_wait3A_195 : memref<1x128x128xf32, #tpu.memory_space<vmem>> -> memref<128x128xf32, #tpu.memory_space<vmem>>
          %dma_wait3A_197 = arith.constant 0 : i32
          %dma_wait3A_198 = tpu.memref_slice %arg7[%sub3A_190, %dma_wait3A_197] : memref<16x128xi32, #tpu.memory_space<vmem>> -> memref<1x128xi32, #tpu.memory_space<vmem>>
          %dma_wait3A_199 = tpu.memref_squeeze %dma_wait3A_198 : memref<1x128xi32, #tpu.memory_space<vmem>> -> memref<128xi32, #tpu.memory_space<vmem>>
          %dma_wait3A_200 = arith.constant 0 : i32
          %dma_wait3A_201 = arith.constant 0 : i32
          %dma_wait3A_202 = tpu.memref_slice %arg9[%dma_wait3A_200, %dma_wait3A_201] : memref<10240x128xf32, #tpu.memory_space<vmem_shared>> -> memref<10240x128xf32, #tpu.memory_space<vmem_shared>>
          %dma_wait3A_203 = tpu.memref_slice %arg11[%dma_wait3A_192] : memref<2x!tpu.dma_semaphore, #tpu.memory_space<semaphore_mem>> -> memref<1x!tpu.dma_semaphore, #tpu.memory_space<semaphore_mem>>
          %dma_wait3A_204 = tpu.memref_squeeze %dma_wait3A_203 : memref<1x!tpu.dma_semaphore, #tpu.memory_space<semaphore_mem>> -> memref<!tpu.dma_semaphore, #tpu.memory_space<semaphore_mem>>
          tpu.wait_indirect_dma semaphore(%dma_wait3A_204 : memref<!tpu.dma_semaphore, #tpu.memory_space<semaphore_mem>>) src(%dma_wait3A_196 : memref<128x128xf32, #tpu.memory_space<vmem>>) dst(%dma_wait3A_202 : memref<10240x128xf32, #tpu.memory_space<vmem_shared>>)
        } else {
        }
        %add3A_138 = arith.constant 1 : i32
        %add3A_139 = arith.addi %add3A_105, %add3A_138 : i32
        %lt3A_140 = arith.constant 16 : i32
        %lt3A_141 = arith.cmpi slt, %add3A_139, %lt3A_140 : i32
        %convert_element_type3A_142 = arith.extui %lt3A_141 : i1 to i32
        %cond3A_143 = arith.constant 0 : i32
        %cond3A_144 = arith.cmpi ne, %convert_element_type3A_142, %cond3A_143 : i32
        scf.if %cond3A_144 {
          %add3A_189 = arith.constant 1 : i32
          %add3A_190 = arith.addi %add3A_105, %add3A_189 : i32
          %dma_start3A_191 = arith.constant 1 : i32
          %dma_start3A_192 = arith.constant 1 : i32
          %dma_start3A_193 = arith.constant 0 : i32
          %dma_start3A_194 = arith.constant 0 : i32
          %dma_start3A_195 = tpu.memref_slice %arg8[%dma_start3A_191, %dma_start3A_193, %dma_start3A_194] : memref<2x128x128xf32, #tpu.memory_space<vmem>> -> memref<1x128x128xf32, #tpu.memory_space<vmem>>
          %dma_start3A_196 = tpu.memref_squeeze %dma_start3A_195 : memref<1x128x128xf32, #tpu.memory_space<vmem>> -> memref<128x128xf32, #tpu.memory_space<vmem>>
          %dma_start3A_197 = arith.constant 0 : i32
          %dma_start3A_198 = tpu.memref_slice %arg6[%add3A_190, %dma_start3A_197] : memref<16x128xi32, #tpu.memory_space<vmem>> -> memref<1x128xi32, #tpu.memory_space<vmem>>
          %dma_start3A_199 = tpu.memref_squeeze %dma_start3A_198 : memref<1x128xi32, #tpu.memory_space<vmem>> -> memref<128xi32, #tpu.memory_space<vmem>>
          %dma_start3A_200 = arith.constant 0 : i32
          %dma_start3A_201 = arith.constant 0 : i32
          %dma_start3A_202 = tpu.memref_slice %arg2[%dma_start3A_200, %dma_start3A_201] : memref<10000x128xf32, #tpu.memory_space<hbm>> -> memref<10000x128xf32, #tpu.memory_space<hbm>>
          %dma_start3A_203 = tpu.memref_slice %arg10[%dma_start3A_192] : memref<2x!tpu.dma_semaphore, #tpu.memory_space<semaphore_mem>> -> memref<1x!tpu.dma_semaphore, #tpu.memory_space<semaphore_mem>>
          %dma_start3A_204 = tpu.memref_squeeze %dma_start3A_203 : memref<1x!tpu.dma_semaphore, #tpu.memory_space<semaphore_mem>> -> memref<!tpu.dma_semaphore, #tpu.memory_space<semaphore_mem>>
          tpu.enqueue_indirect_dma source(%dma_start3A_202 : memref<10000x128xf32, #tpu.memory_space<hbm>>) target(%dma_start3A_196 : memref<128x128xf32, #tpu.memory_space<vmem>>) offsets(%dma_start3A_199 : memref<128xi32, #tpu.memory_space<vmem>>) semaphore(%dma_start3A_204 : memref<!tpu.dma_semaphore, #tpu.memory_space<semaphore_mem>>)
        } else {
        }
        %mul3A_145 = arith.constant 2 : i32
        %mul3A_146 = arith.muli %scan3A_101, %mul3A_145 : i32
        %add3A_147 = arith.constant 1 : i32
        %add3A_148 = arith.addi %mul3A_146, %add3A_147 : i32
        %dma_wait3A_149 = arith.constant 1 : i32
        %dma_wait3A_150 = arith.constant 1 : i32
        %dma_wait3A_151 = arith.constant 0 : i32
        %dma_wait3A_152 = arith.constant 0 : i32
        %dma_wait3A_153 = tpu.memref_slice %arg8[%dma_wait3A_149, %dma_wait3A_151, %dma_wait3A_152] : memref<2x128x128xf32, #tpu.memory_space<vmem>> -> memref<1x128x128xf32, #tpu.memory_space<vmem>>
        %dma_wait3A_154 = tpu.memref_squeeze %dma_wait3A_153 : memref<1x128x128xf32, #tpu.memory_space<vmem>> -> memref<128x128xf32, #tpu.memory_space<vmem>>
        %dma_wait3A_155 = arith.constant 0 : i32
        %dma_wait3A_156 = tpu.memref_slice %arg6[%add3A_148, %dma_wait3A_155] : memref<16x128xi32, #tpu.memory_space<vmem>> -> memref<1x128xi32, #tpu.memory_space<vmem>>
        %dma_wait3A_157 = tpu.memref_squeeze %dma_wait3A_156 : memref<1x128xi32, #tpu.memory_space<vmem>> -> memref<128xi32, #tpu.memory_space<vmem>>
        %dma_wait3A_158 = arith.constant 0 : i32
        %dma_wait3A_159 = arith.constant 0 : i32
        %dma_wait3A_160 = tpu.memref_slice %arg2[%dma_wait3A_158, %dma_wait3A_159] : memref<10000x128xf32, #tpu.memory_space<hbm>> -> memref<10000x128xf32, #tpu.memory_space<hbm>>
        %dma_wait3A_161 = tpu.memref_slice %arg10[%dma_wait3A_150] : memref<2x!tpu.dma_semaphore, #tpu.memory_space<semaphore_mem>> -> memref<1x!tpu.dma_semaphore, #tpu.memory_space<semaphore_mem>>
        %dma_wait3A_162 = tpu.memref_squeeze %dma_wait3A_161 : memref<1x!tpu.dma_semaphore, #tpu.memory_space<semaphore_mem>> -> memref<!tpu.dma_semaphore, #tpu.memory_space<semaphore_mem>>
        tpu.wait_indirect_dma semaphore(%dma_wait3A_162 : memref<!tpu.dma_semaphore, #tpu.memory_space<semaphore_mem>>) src(%dma_wait3A_160 : memref<10000x128xf32, #tpu.memory_space<hbm>>) dst(%dma_wait3A_154 : memref<128x128xf32, #tpu.memory_space<vmem>>)
        %dma_start3A_163 = arith.constant 1 : i32
        %dma_start3A_164 = arith.constant 1 : i32
        %dma_start3A_165 = arith.constant 0 : i32
        %dma_start3A_166 = arith.constant 0 : i32
        %dma_start3A_167 = tpu.memref_slice %arg8[%dma_start3A_163, %dma_start3A_165, %dma_start3A_166] : memref<2x128x128xf32, #tpu.memory_space<vmem>> -> memref<1x128x128xf32, #tpu.memory_space<vmem>>
        %dma_start3A_168 = tpu.memref_squeeze %dma_start3A_167 : memref<1x128x128xf32, #tpu.memory_space<vmem>> -> memref<128x128xf32, #tpu.memory_space<vmem>>
        %dma_start3A_169 = arith.constant 0 : i32
        %dma_start3A_170 = tpu.memref_slice %arg7[%add3A_148, %dma_start3A_169] : memref<16x128xi32, #tpu.memory_space<vmem>> -> memref<1x128xi32, #tpu.memory_space<vmem>>
        %dma_start3A_171 = tpu.memref_squeeze %dma_start3A_170 : memref<1x128xi32, #tpu.memory_space<vmem>> -> memref<128xi32, #tpu.memory_space<vmem>>
        %dma_start3A_172 = arith.constant 0 : i32
        %dma_start3A_173 = arith.constant 0 : i32
        %dma_start3A_174 = tpu.memref_slice %arg9[%dma_start3A_172, %dma_start3A_173] : memref<10240x128xf32, #tpu.memory_space<vmem_shared>> -> memref<10240x128xf32, #tpu.memory_space<vmem_shared>>
        %dma_start3A_175 = tpu.memref_slice %arg11[%dma_start3A_164] : memref<2x!tpu.dma_semaphore, #tpu.memory_space<semaphore_mem>> -> memref<1x!tpu.dma_semaphore, #tpu.memory_space<semaphore_mem>>
        %dma_start3A_176 = tpu.memref_squeeze %dma_start3A_175 : memref<1x!tpu.dma_semaphore, #tpu.memory_space<semaphore_mem>> -> memref<!tpu.dma_semaphore, #tpu.memory_space<semaphore_mem>>
        tpu.enqueue_indirect_dma source(%dma_start3A_168 : memref<128x128xf32, #tpu.memory_space<vmem>>) target(%dma_start3A_174 : memref<10240x128xf32, #tpu.memory_space<vmem_shared>>) offsets(%dma_start3A_171 : memref<128xi32, #tpu.memory_space<vmem>>) semaphore(%dma_start3A_176 : memref<!tpu.dma_semaphore, #tpu.memory_space<semaphore_mem>>) {add = true}
        %ge3A_177 = arith.constant 1 : i32
        %ge3A_178 = arith.cmpi sge, %add3A_148, %ge3A_177 : i32
        %convert_element_type3A_179 = arith.extui %ge3A_178 : i1 to i32
        %cond3A_180 = arith.constant 0 : i32
        %cond3A_181 = arith.cmpi ne, %convert_element_type3A_179, %cond3A_180 : i32
        scf.if %cond3A_181 {
          %sub3A_189 = arith.constant 1 : i32
          %sub3A_190 = arith.subi %add3A_148, %sub3A_189 : i32
          %dma_wait3A_191 = arith.constant 0 : i32
          %dma_wait3A_192 = arith.constant 0 : i32
          %dma_wait3A_193 = arith.constant 0 : i32
          %dma_wait3A_194 = arith.constant 0 : i32
          %dma_wait3A_195 = tpu.memref_slice %arg8[%dma_wait3A_191, %dma_wait3A_193, %dma_wait3A_194] : memref<2x128x128xf32, #tpu.memory_space<vmem>> -> memref<1x128x128xf32, #tpu.memory_space<vmem>>
          %dma_wait3A_196 = tpu.memref_squeeze %dma_wait3A_195 : memref<1x128x128xf32, #tpu.memory_space<vmem>> -> memref<128x128xf32, #tpu.memory_space<vmem>>
          %dma_wait3A_197 = arith.constant 0 : i32
          %dma_wait3A_198 = tpu.memref_slice %arg7[%sub3A_190, %dma_wait3A_197] : memref<16x128xi32, #tpu.memory_space<vmem>> -> memref<1x128xi32, #tpu.memory_space<vmem>>
          %dma_wait3A_199 = tpu.memref_squeeze %dma_wait3A_198 : memref<1x128xi32, #tpu.memory_space<vmem>> -> memref<128xi32, #tpu.memory_space<vmem>>
          %dma_wait3A_200 = arith.constant 0 : i32
          %dma_wait3A_201 = arith.constant 0 : i32
          %dma_wait3A_202 = tpu.memref_slice %arg9[%dma_wait3A_200, %dma_wait3A_201] : memref<10240x128xf32, #tpu.memory_space<vmem_shared>> -> memref<10240x128xf32, #tpu.memory_space<vmem_shared>>
          %dma_wait3A_203 = tpu.memref_slice %arg11[%dma_wait3A_192] : memref<2x!tpu.dma_semaphore, #tpu.memory_space<semaphore_mem>> -> memref<1x!tpu.dma_semaphore, #tpu.memory_space<semaphore_mem>>
          %dma_wait3A_204 = tpu.memref_squeeze %dma_wait3A_203 : memref<1x!tpu.dma_semaphore, #tpu.memory_space<semaphore_mem>> -> memref<!tpu.dma_semaphore, #tpu.memory_space<semaphore_mem>>
          tpu.wait_indirect_dma semaphore(%dma_wait3A_204 : memref<!tpu.dma_semaphore, #tpu.memory_space<semaphore_mem>>) src(%dma_wait3A_196 : memref<128x128xf32, #tpu.memory_space<vmem>>) dst(%dma_wait3A_202 : memref<10240x128xf32, #tpu.memory_space<vmem_shared>>)
        } else {
        }
        %add3A_182 = arith.constant 1 : i32
        %add3A_183 = arith.addi %add3A_148, %add3A_182 : i32
        %lt3A_184 = arith.constant 16 : i32
        %lt3A_185 = arith.cmpi slt, %add3A_183, %lt3A_184 : i32
        %convert_element_type3A_186 = arith.extui %lt3A_185 : i1 to i32
        %cond3A_187 = arith.constant 0 : i32
        %cond3A_188 = arith.cmpi ne, %convert_element_type3A_186, %cond3A_187 : i32
        scf.if %cond3A_188 {
          %add3A_189 = arith.constant 1 : i32
          %add3A_190 = arith.addi %add3A_148, %add3A_189 : i32
          %dma_start3A_191 = arith.constant 0 : i32
          %dma_start3A_192 = arith.constant 0 : i32
          %dma_start3A_193 = arith.constant 0 : i32
          %dma_start3A_194 = arith.constant 0 : i32
          %dma_start3A_195 = tpu.memref_slice %arg8[%dma_start3A_191, %dma_start3A_193, %dma_start3A_194] : memref<2x128x128xf32, #tpu.memory_space<vmem>> -> memref<1x128x128xf32, #tpu.memory_space<vmem>>
          %dma_start3A_196 = tpu.memref_squeeze %dma_start3A_195 : memref<1x128x128xf32, #tpu.memory_space<vmem>> -> memref<128x128xf32, #tpu.memory_space<vmem>>
          %dma_start3A_197 = arith.constant 0 : i32
          %dma_start3A_198 = tpu.memref_slice %arg6[%add3A_190, %dma_start3A_197] : memref<16x128xi32, #tpu.memory_space<vmem>> -> memref<1x128xi32, #tpu.memory_space<vmem>>
          %dma_start3A_199 = tpu.memref_squeeze %dma_start3A_198 : memref<1x128xi32, #tpu.memory_space<vmem>> -> memref<128xi32, #tpu.memory_space<vmem>>
          %dma_start3A_200 = arith.constant 0 : i32
          %dma_start3A_201 = arith.constant 0 : i32
          %dma_start3A_202 = tpu.memref_slice %arg2[%dma_start3A_200, %dma_start3A_201] : memref<10000x128xf32, #tpu.memory_space<hbm>> -> memref<10000x128xf32, #tpu.memory_space<hbm>>
          %dma_start3A_203 = tpu.memref_slice %arg10[%dma_start3A_192] : memref<2x!tpu.dma_semaphore, #tpu.memory_space<semaphore_mem>> -> memref<1x!tpu.dma_semaphore, #tpu.memory_space<semaphore_mem>>
          %dma_start3A_204 = tpu.memref_squeeze %dma_start3A_203 : memref<1x!tpu.dma_semaphore, #tpu.memory_space<semaphore_mem>> -> memref<!tpu.dma_semaphore, #tpu.memory_space<semaphore_mem>>
          tpu.enqueue_indirect_dma source(%dma_start3A_202 : memref<10000x128xf32, #tpu.memory_space<hbm>>) target(%dma_start3A_196 : memref<128x128xf32, #tpu.memory_space<vmem>>) offsets(%dma_start3A_199 : memref<128xi32, #tpu.memory_space<vmem>>) semaphore(%dma_start3A_204 : memref<!tpu.dma_semaphore, #tpu.memory_space<semaphore_mem>>)
        } else {
        }
      }
      %scan3A_85 = arith.constant 8 : i32
      %dma_wait3A_86 = arith.constant 1 : i32
      %dma_wait3A_87 = arith.constant 15 : i32
      %dma_wait3A_88 = arith.constant 1 : i32
      %dma_wait3A_89 = arith.constant 0 : i32
      %dma_wait3A_90 = arith.constant 0 : i32
      %dma_wait3A_91 = tpu.memref_slice %arg8[%dma_wait3A_86, %dma_wait3A_89, %dma_wait3A_90] : memref<2x128x128xf32, #tpu.memory_space<vmem>> -> memref<1x128x128xf32, #tpu.memory_space<vmem>>
      %dma_wait3A_92 = tpu.memref_squeeze %dma_wait3A_91 : memref<1x128x128xf32, #tpu.memory_space<vmem>> -> memref<128x128xf32, #tpu.memory_space<vmem>>
      %dma_wait3A_93 = arith.constant 0 : i32
      %dma_wait3A_94 = tpu.memref_slice %arg7[%dma_wait3A_87, %dma_wait3A_93] : memref<16x128xi32, #tpu.memory_space<vmem>> -> memref<1x128xi32, #tpu.memory_space<vmem>>
      %dma_wait3A_95 = tpu.memref_squeeze %dma_wait3A_94 : memref<1x128xi32, #tpu.memory_space<vmem>> -> memref<128xi32, #tpu.memory_space<vmem>>
      %dma_wait3A_96 = arith.constant 0 : i32
      %dma_wait3A_97 = arith.constant 0 : i32
      %dma_wait3A_98 = tpu.memref_slice %arg9[%dma_wait3A_96, %dma_wait3A_97] : memref<10240x128xf32, #tpu.memory_space<vmem_shared>> -> memref<10240x128xf32, #tpu.memory_space<vmem_shared>>
      %dma_wait3A_99 = tpu.memref_slice %arg11[%dma_wait3A_88] : memref<2x!tpu.dma_semaphore, #tpu.memory_space<semaphore_mem>> -> memref<1x!tpu.dma_semaphore, #tpu.memory_space<semaphore_mem>>
      %dma_wait3A_100 = tpu.memref_squeeze %dma_wait3A_99 : memref<1x!tpu.dma_semaphore, #tpu.memory_space<semaphore_mem>> -> memref<!tpu.dma_semaphore, #tpu.memory_space<semaphore_mem>>
      tpu.wait_indirect_dma semaphore(%dma_wait3A_100 : memref<!tpu.dma_semaphore, #tpu.memory_space<semaphore_mem>>) src(%dma_wait3A_92 : memref<128x128xf32, #tpu.memory_space<vmem>>) dst(%dma_wait3A_98 : memref<10240x128xf32, #tpu.memory_space<vmem_shared>>)
    }
    %barrier3A_38 = arith.constant 0 : index
    tpu.barrier barrier_id(%barrier3A_38)
    %lt3A_39 = arith.constant 2 : i32
    %lt3A_40 = arith.cmpi slt, %arg0, %lt3A_39 : i32
    %convert_element_type3A_41 = arith.extui %lt3A_40 : i1 to i32
    %cond3A_42 = arith.constant 0 : i32
    %cond3A_43 = arith.cmpi ne, %convert_element_type3A_41, %cond3A_42 : i32
    scf.if %cond3A_43 {
      %mul3A_44 = arith.constant 640 : i32
      %mul3A_45 = arith.muli %arg1, %mul3A_44 : i32
      %mul3A_46 = arith.constant 640 : i32
      %mul3A_47 = arith.muli %arg1, %mul3A_46 : i32
      "tpu.region"() ({
        %run_scoped3A = tpu.sem_alloc : memref<!tpu.dma_semaphore, #tpu.memory_space<semaphore_mem>>
        %dma_start3A = arith.constant 0 : i32
        %dma_start3A_48 = tpu.memref_slice %arg5[%arg0, %mul3A_47, %dma_start3A] : memref<2x10240x128xf32, #tpu.memory_space<hbm>> -> memref<1x640x128xf32, #tpu.memory_space<hbm>>
        %dma_start3A_49 = tpu.memref_squeeze %dma_start3A_48 : memref<1x640x128xf32, #tpu.memory_space<hbm>> -> memref<640x128xf32, #tpu.memory_space<hbm>>
        %dma_start3A_50 = arith.constant 0 : i32
        %dma_start3A_51 = tpu.memref_slice %arg9[%mul3A_45, %dma_start3A_50] : memref<10240x128xf32, #tpu.memory_space<vmem_shared>> -> memref<640x128xf32, #tpu.memory_space<vmem_shared>>
        tpu.enqueue_dma source(%dma_start3A_51 : memref<640x128xf32, #tpu.memory_space<vmem_shared>>) target(%dma_start3A_49 : memref<640x128xf32, #tpu.memory_space<hbm>>) target_semaphore(%run_scoped3A : memref<!tpu.dma_semaphore, #tpu.memory_space<semaphore_mem>>)
        %dma_wait3A = arith.constant 0 : i32
        %dma_wait3A_52 = tpu.memref_slice %arg5[%arg0, %mul3A_47, %dma_wait3A] : memref<2x10240x128xf32, #tpu.memory_space<hbm>> -> memref<1x640x128xf32, #tpu.memory_space<hbm>>
        %dma_wait3A_53 = tpu.memref_squeeze %dma_wait3A_52 : memref<1x640x128xf32, #tpu.memory_space<hbm>> -> memref<640x128xf32, #tpu.memory_space<hbm>>
        %dma_wait3A_54 = arith.constant 0 : i32
        %dma_wait3A_55 = tpu.memref_slice %arg9[%mul3A_45, %dma_wait3A_54] : memref<10240x128xf32, #tpu.memory_space<vmem_shared>> -> memref<640x128xf32, #tpu.memory_space<vmem_shared>>
        tpu.wait_dma2 semaphore(%run_scoped3A : memref<!tpu.dma_semaphore, #tpu.memory_space<semaphore_mem>>) src(%dma_wait3A_55 : memref<640x128xf32, #tpu.memory_space<vmem_shared>>) dst(%dma_wait3A_53 : memref<640x128xf32, #tpu.memory_space<hbm>>)
        tpu.yield
      }) : () -> ()
    } else {
    }
    return
  }
}

module attributes {stable_mosaic.version = 14 : i64} {
  func.func @body(%arg0: i32, %arg1: memref<2000x128xf32, #tpu.memory_space<vmem>>, %arg2: memref<2x2000x128xf32, #tpu.memory_space<vmem>>, %arg3: memref<128x128xf32, #tpu.memory_space<vmem>>, %arg4: memref<1x128xf32, #tpu.memory_space<vmem>>, %arg5: memref<128x128xf32, #tpu.memory_space<vmem>>, %arg6: memref<1x128xf32, #tpu.memory_space<vmem>>, %arg7: memref<2000x128xf32, #tpu.memory_space<vmem>>) attributes {dimension_semantics = [#tpu.dimension_semantics<arbitrary>], iteration_bounds = array<i64: 5>, scalar_prefetch = 0 : i64, scratch_operands = 0 : i64, tpu.core_type = #tpu.core_type<tc>, window_params = [{transform_indices = @transform_0, window_bounds = array<i64: 2000, 128>}, {transform_indices = @transform_1, window_bounds = array<i64: 2, 2000, 128>}, {pipeline_mode = #tpu.pipeline_mode<synchronous>, transform_indices = @transform_2, window_bounds = array<i64: 128, 128>}, {pipeline_mode = #tpu.pipeline_mode<synchronous>, transform_indices = @transform_3, window_bounds = array<i64: 1, 128>}, {pipeline_mode = #tpu.pipeline_mode<synchronous>, transform_indices = @transform_4, window_bounds = array<i64: 128, 128>}, {pipeline_mode = #tpu.pipeline_mode<synchronous>, transform_indices = @transform_5, window_bounds = array<i64: 1, 128>}, {transform_indices = @transform_6, window_bounds = array<i64: 2000, 128>}]} {
    %get3A = arith.constant 0 : index
    %get3A_0 = arith.constant 0 : index
    %get3A_1 = vector.load %arg1[%get3A, %get3A_0] : memref<2000x128xf32, #tpu.memory_space<vmem>>, vector<2000x128xf32>
    %get3A_2 = arith.constant 0 : index
    %get3A_3 = arith.constant 0 : index
    %get3A_4 = arith.constant 0 : index
    %get3A_5 = vector.load %arg2[%get3A_2, %get3A_3, %get3A_4] : memref<2x2000x128xf32, #tpu.memory_space<vmem>>, vector<1x2000x128xf32>
    %get3A_6 = vector.shape_cast %get3A_5 : vector<1x2000x128xf32> to vector<2000x128xf32>
    %add3A = arith.addf %get3A_1, %get3A_6 : vector<2000x128xf32>
    %get3A_7 = arith.constant 1 : index
    %get3A_8 = arith.constant 0 : index
    %get3A_9 = arith.constant 0 : index
    %get3A_10 = vector.load %arg2[%get3A_7, %get3A_8, %get3A_9] : memref<2x2000x128xf32, #tpu.memory_space<vmem>>, vector<1x2000x128xf32>
    %get3A_11 = vector.shape_cast %get3A_10 : vector<1x2000x128xf32> to vector<2000x128xf32>
    %add3A_12 = arith.addf %add3A, %get3A_11 : vector<2000x128xf32>
    %get3A_13 = arith.constant 0 : index
    %get3A_14 = arith.constant 0 : index
    %get3A_15 = vector.load %arg3[%get3A_13, %get3A_14] : memref<128x128xf32, #tpu.memory_space<vmem>>, vector<128x128xf32>
    %dot_general3A = arith.constant dense<0.000000e+00> : vector<2000x128xf32>
    %dot_general3A_16 = tpu.matmul %add3A_12, %get3A_15, %dot_general3A {dimension_numbers = #tpu.dot_dimension_numbers<[1], [0], [0], [1], [0, 0, 1, 1], [], []>, transpose_lhs_hint = false} : vector<2000x128xf32>, vector<128x128xf32>, vector<2000x128xf32> -> vector<2000x128xf32>
    %get3A_17 = arith.constant 0 : index
    %get3A_18 = arith.constant 0 : index
    %get3A_19 = vector.load %arg4[%get3A_17, %get3A_18] : memref<1x128xf32, #tpu.memory_space<vmem>>, vector<1x128xf32>
    %add3A_20 = vector.broadcast %get3A_19 : vector<1x128xf32> to vector<2000x128xf32>
    %add3A_21 = arith.addf %dot_general3A_16, %add3A_20 : vector<2000x128xf32>
    %max3A = arith.constant 0.000000e+00 : f32
    %max3A_22 = vector.broadcast %max3A : f32 to vector<2000x128xf32>
    %max3A_23 = arith.maximumf %add3A_21, %max3A_22 : vector<2000x128xf32>
    %get3A_24 = arith.constant 0 : index
    %get3A_25 = arith.constant 0 : index
    %get3A_26 = vector.load %arg5[%get3A_24, %get3A_25] : memref<128x128xf32, #tpu.memory_space<vmem>>, vector<128x128xf32>
    %dot_general3A_27 = arith.constant dense<0.000000e+00> : vector<2000x128xf32>
    %dot_general3A_28 = tpu.matmul %max3A_23, %get3A_26, %dot_general3A_27 {dimension_numbers = #tpu.dot_dimension_numbers<[1], [0], [0], [1], [0, 0, 1, 1], [], []>, transpose_lhs_hint = false} : vector<2000x128xf32>, vector<128x128xf32>, vector<2000x128xf32> -> vector<2000x128xf32>
    %get3A_29 = arith.constant 0 : index
    %get3A_30 = arith.constant 0 : index
    %get3A_31 = vector.load %arg6[%get3A_29, %get3A_30] : memref<1x128xf32, #tpu.memory_space<vmem>>, vector<1x128xf32>
    %add3A_32 = vector.broadcast %get3A_31 : vector<1x128xf32> to vector<2000x128xf32>
    %add3A_33 = arith.addf %dot_general3A_28, %add3A_32 : vector<2000x128xf32>
    %max3A_34 = arith.constant 0.000000e+00 : f32
    %max3A_35 = vector.broadcast %max3A_34 : f32 to vector<2000x128xf32>
    %max3A_36 = arith.maximumf %add3A_33, %max3A_35 : vector<2000x128xf32>
    %swap3A = arith.constant 0 : index
    %swap3A_37 = arith.constant 0 : index
    %swap3A_38 = vector.load %arg7[%swap3A, %swap3A_37] : memref<2000x128xf32, #tpu.memory_space<vmem>>, vector<2000x128xf32>
    tpu.vector_store %arg7[%swap3A, %swap3A_37], %max3A_36 {strides = array<i32>} : memref<2000x128xf32, #tpu.memory_space<vmem>>, vector<2000x128xf32>,
    return
  }
  func.func @transform_0(%arg0: i32) -> (i32, i32) {
    %c0_i32 = arith.constant 0 : i32
    %c0_i32_0 = arith.constant 0 : i32
    return %arg0, %c0_i32 : i32, i32
  }
  func.func @transform_1(%arg0: i32) -> (i32, i32, i32) {
    %c0_i32 = arith.constant 0 : i32
    %c0_i32_0 = arith.constant 0 : i32
    %c0_i32_1 = arith.constant 0 : i32
    return %c0_i32, %arg0, %c0_i32_0 : i32, i32, i32
  }
  func.func @transform_2(%arg0: i32) -> (i32, i32) {
    %c0_i32 = arith.constant 0 : i32
    %c0_i32_0 = arith.constant 0 : i32
    %c0_i32_1 = arith.constant 0 : i32
    return %c0_i32, %c0_i32_0 : i32, i32
  }
  func.func @transform_3(%arg0: i32) -> (i32, i32) {
    %c0_i32 = arith.constant 0 : i32
    %c0_i32_0 = arith.constant 0 : i32
    %c0_i32_1 = arith.constant 0 : i32
    return %c0_i32, %c0_i32_0 : i32, i32
  }
  func.func @transform_4(%arg0: i32) -> (i32, i32) {
    %c0_i32 = arith.constant 0 : i32
    %c0_i32_0 = arith.constant 0 : i32
    %c0_i32_1 = arith.constant 0 : i32
    return %c0_i32, %c0_i32_0 : i32, i32
  }
  func.func @transform_5(%arg0: i32) -> (i32, i32) {
    %c0_i32 = arith.constant 0 : i32
    %c0_i32_0 = arith.constant 0 : i32
    %c0_i32_1 = arith.constant 0 : i32
    return %c0_i32, %c0_i32_0 : i32, i32
  }
  func.func @transform_6(%arg0: i32) -> (i32, i32) {
    %c0_i32 = arith.constant 0 : i32
    %c0_i32_0 = arith.constant 0 : i32
    return %arg0, %c0_i32 : i32, i32
  }
}

module attributes {stable_mosaic.version = 14 : i64} {
  func.func @body(%arg0: i32, %arg1: memref<2000x128xf32, #tpu.memory_space<vmem>>, %arg2: memref<2x2000x128xf32, #tpu.memory_space<vmem>>, %arg3: memref<128x128xf32, #tpu.memory_space<vmem>>, %arg4: memref<1x128xf32, #tpu.memory_space<vmem>>, %arg5: memref<128x128xf32, #tpu.memory_space<vmem>>, %arg6: memref<1x128xf32, #tpu.memory_space<vmem>>, %arg7: memref<2000x16xf32, #tpu.memory_space<vmem>>, %arg8: memref<16x128xf32, #tpu.memory_space<vmem>>) attributes {dimension_semantics = [#tpu.dimension_semantics<arbitrary>], iteration_bounds = array<i64: 5>, scalar_prefetch = 0 : i64, scratch_operands = 0 : i64, tpu.core_type = #tpu.core_type<tc>, window_params = [{transform_indices = @transform_0, window_bounds = array<i64: 2000, 128>}, {transform_indices = @transform_1, window_bounds = array<i64: 2, 2000, 128>}, {pipeline_mode = #tpu.pipeline_mode<synchronous>, transform_indices = @transform_2, window_bounds = array<i64: 128, 128>}, {pipeline_mode = #tpu.pipeline_mode<synchronous>, transform_indices = @transform_3, window_bounds = array<i64: 1, 128>}, {pipeline_mode = #tpu.pipeline_mode<synchronous>, transform_indices = @transform_4, window_bounds = array<i64: 128, 128>}, {pipeline_mode = #tpu.pipeline_mode<synchronous>, transform_indices = @transform_5, window_bounds = array<i64: 1, 128>}, {transform_indices = @transform_6, window_bounds = array<i64: 2000, 16>}, {pipeline_mode = #tpu.pipeline_mode<synchronous>, transform_indices = @transform_7, window_bounds = array<i64: 16, 128>}]} {
    %get3A = arith.constant 0 : index
    %get3A_0 = arith.constant 0 : index
    %get3A_1 = vector.load %arg1[%get3A, %get3A_0] : memref<2000x128xf32, #tpu.memory_space<vmem>>, vector<2000x128xf32>
    %get3A_2 = arith.constant 0 : index
    %get3A_3 = arith.constant 0 : index
    %get3A_4 = arith.constant 0 : index
    %get3A_5 = vector.load %arg2[%get3A_2, %get3A_3, %get3A_4] : memref<2x2000x128xf32, #tpu.memory_space<vmem>>, vector<1x2000x128xf32>
    %get3A_6 = vector.shape_cast %get3A_5 : vector<1x2000x128xf32> to vector<2000x128xf32>
    %add3A = arith.addf %get3A_1, %get3A_6 : vector<2000x128xf32>
    %get3A_7 = arith.constant 1 : index
    %get3A_8 = arith.constant 0 : index
    %get3A_9 = arith.constant 0 : index
    %get3A_10 = vector.load %arg2[%get3A_7, %get3A_8, %get3A_9] : memref<2x2000x128xf32, #tpu.memory_space<vmem>>, vector<1x2000x128xf32>
    %get3A_11 = vector.shape_cast %get3A_10 : vector<1x2000x128xf32> to vector<2000x128xf32>
    %add3A_12 = arith.addf %add3A, %get3A_11 : vector<2000x128xf32>
    %get3A_13 = arith.constant 0 : index
    %get3A_14 = arith.constant 0 : index
    %get3A_15 = vector.load %arg3[%get3A_13, %get3A_14] : memref<128x128xf32, #tpu.memory_space<vmem>>, vector<128x128xf32>
    %dot_general3A = arith.constant dense<0.000000e+00> : vector<2000x128xf32>
    %dot_general3A_16 = tpu.matmul %add3A_12, %get3A_15, %dot_general3A {dimension_numbers = #tpu.dot_dimension_numbers<[1], [0], [0], [1], [0, 0, 1, 1], [], []>, transpose_lhs_hint = false} : vector<2000x128xf32>, vector<128x128xf32>, vector<2000x128xf32> -> vector<2000x128xf32>
    %get3A_17 = arith.constant 0 : index
    %get3A_18 = arith.constant 0 : index
    %get3A_19 = vector.load %arg4[%get3A_17, %get3A_18] : memref<1x128xf32, #tpu.memory_space<vmem>>, vector<1x128xf32>
    %add3A_20 = vector.broadcast %get3A_19 : vector<1x128xf32> to vector<2000x128xf32>
    %add3A_21 = arith.addf %dot_general3A_16, %add3A_20 : vector<2000x128xf32>
    %max3A = arith.constant 0.000000e+00 : f32
    %max3A_22 = vector.broadcast %max3A : f32 to vector<2000x128xf32>
    %max3A_23 = arith.maximumf %add3A_21, %max3A_22 : vector<2000x128xf32>
    %get3A_24 = arith.constant 0 : index
    %get3A_25 = arith.constant 0 : index
    %get3A_26 = vector.load %arg5[%get3A_24, %get3A_25] : memref<128x128xf32, #tpu.memory_space<vmem>>, vector<128x128xf32>
    %dot_general3A_27 = arith.constant dense<0.000000e+00> : vector<2000x128xf32>
    %dot_general3A_28 = tpu.matmul %max3A_23, %get3A_26, %dot_general3A_27 {dimension_numbers = #tpu.dot_dimension_numbers<[1], [0], [0], [1], [0, 0, 1, 1], [], []>, transpose_lhs_hint = false} : vector<2000x128xf32>, vector<128x128xf32>, vector<2000x128xf32> -> vector<2000x128xf32>
    %get3A_29 = arith.constant 0 : index
    %get3A_30 = arith.constant 0 : index
    %get3A_31 = vector.load %arg6[%get3A_29, %get3A_30] : memref<1x128xf32, #tpu.memory_space<vmem>>, vector<1x128xf32>
    %add3A_32 = vector.broadcast %get3A_31 : vector<1x128xf32> to vector<2000x128xf32>
    %add3A_33 = arith.addf %dot_general3A_28, %add3A_32 : vector<2000x128xf32>
    %get3A_34 = arith.constant 0 : index
    %get3A_35 = arith.constant 0 : index
    %get3A_36 = vector.load %arg7[%get3A_34, %get3A_35] : memref<2000x16xf32, #tpu.memory_space<vmem>>, vector<2000x1xf32>
    %gt3A = arith.constant 5.000000e-01 : f32
    %gt3A_37 = vector.broadcast %gt3A : f32 to vector<2000x1xf32>
    %gt3A_38 = arith.cmpf ogt, %get3A_36, %gt3A_37 : vector<2000x1xf32>
    %jit3A = arith.constant 0xFF800000 : f32
    %broadcast_in_dim3A = vector.shape_cast %gt3A_38 : vector<2000x1xi1> to vector<2000x1xi1>
    %broadcast_in_dim3A_39 = vector.broadcast %broadcast_in_dim3A : vector<2000x1xi1> to vector<2000x128xi1>
    %broadcast_in_dim3A_40 = vector.broadcast %jit3A : f32 to vector<2000x128xf32>
    %select_n3A = arith.select %broadcast_in_dim3A_39, %add3A_33, %broadcast_in_dim3A_40 : vector<2000x128xi1>, vector<2000x128xf32>
    %reduce_max3A = arith.constant dense<0xFF800000> : vector<128xf32>
    %reduce_max3A_41 = vector.multi_reduction <maximumf>, %select_n3A, %reduce_max3A [0] : vector<2000x128xf32> to vector<128xf32>
    %broadcast_in_dim3A_42 = vector.shape_cast %reduce_max3A_41 : vector<128xf32> to vector<1x128xf32>
    %get3A_43 = arith.constant 0 : index
    %get3A_44 = arith.constant 1 : index
    %get3A_45 = vector.load %arg7[%get3A_43, %get3A_44] : memref<2000x16xf32, #tpu.memory_space<vmem>>, vector<2000x1xf32>
    %gt3A_46 = arith.constant 5.000000e-01 : f32
    %gt3A_47 = vector.broadcast %gt3A_46 : f32 to vector<2000x1xf32>
    %gt3A_48 = arith.cmpf ogt, %get3A_45, %gt3A_47 : vector<2000x1xf32>
    %jit3A_49 = arith.constant 0xFF800000 : f32
    %broadcast_in_dim3A_50 = vector.shape_cast %gt3A_48 : vector<2000x1xi1> to vector<2000x1xi1>
    %broadcast_in_dim3A_51 = vector.broadcast %broadcast_in_dim3A_50 : vector<2000x1xi1> to vector<2000x128xi1>
    %broadcast_in_dim3A_52 = vector.broadcast %jit3A_49 : f32 to vector<2000x128xf32>
    %select_n3A_53 = arith.select %broadcast_in_dim3A_51, %add3A_33, %broadcast_in_dim3A_52 : vector<2000x128xi1>, vector<2000x128xf32>
    %reduce_max3A_54 = arith.constant dense<0xFF800000> : vector<128xf32>
    %reduce_max3A_55 = vector.multi_reduction <maximumf>, %select_n3A_53, %reduce_max3A_54 [0] : vector<2000x128xf32> to vector<128xf32>
    %broadcast_in_dim3A_56 = vector.shape_cast %reduce_max3A_55 : vector<128xf32> to vector<1x128xf32>
    %get3A_57 = arith.constant 0 : index
    %get3A_58 = arith.constant 2 : index
    %get3A_59 = vector.load %arg7[%get3A_57, %get3A_58] : memref<2000x16xf32, #tpu.memory_space<vmem>>, vector<2000x1xf32>
    %gt3A_60 = arith.constant 5.000000e-01 : f32
    %gt3A_61 = vector.broadcast %gt3A_60 : f32 to vector<2000x1xf32>
    %gt3A_62 = arith.cmpf ogt, %get3A_59, %gt3A_61 : vector<2000x1xf32>
    %jit3A_63 = arith.constant 0xFF800000 : f32
    %broadcast_in_dim3A_64 = vector.shape_cast %gt3A_62 : vector<2000x1xi1> to vector<2000x1xi1>
    %broadcast_in_dim3A_65 = vector.broadcast %broadcast_in_dim3A_64 : vector<2000x1xi1> to vector<2000x128xi1>
    %broadcast_in_dim3A_66 = vector.broadcast %jit3A_63 : f32 to vector<2000x128xf32>
    %select_n3A_67 = arith.select %broadcast_in_dim3A_65, %add3A_33, %broadcast_in_dim3A_66 : vector<2000x128xi1>, vector<2000x128xf32>
    %reduce_max3A_68 = arith.constant dense<0xFF800000> : vector<128xf32>
    %reduce_max3A_69 = vector.multi_reduction <maximumf>, %select_n3A_67, %reduce_max3A_68 [0] : vector<2000x128xf32> to vector<128xf32>
    %broadcast_in_dim3A_70 = vector.shape_cast %reduce_max3A_69 : vector<128xf32> to vector<1x128xf32>
    %get3A_71 = arith.constant 0 : index
    %get3A_72 = arith.constant 3 : index
    %get3A_73 = vector.load %arg7[%get3A_71, %get3A_72] : memref<2000x16xf32, #tpu.memory_space<vmem>>, vector<2000x1xf32>
    %gt3A_74 = arith.constant 5.000000e-01 : f32
    %gt3A_75 = vector.broadcast %gt3A_74 : f32 to vector<2000x1xf32>
    %gt3A_76 = arith.cmpf ogt, %get3A_73, %gt3A_75 : vector<2000x1xf32>
    %jit3A_77 = arith.constant 0xFF800000 : f32
    %broadcast_in_dim3A_78 = vector.shape_cast %gt3A_76 : vector<2000x1xi1> to vector<2000x1xi1>
    %broadcast_in_dim3A_79 = vector.broadcast %broadcast_in_dim3A_78 : vector<2000x1xi1> to vector<2000x128xi1>
    %broadcast_in_dim3A_80 = vector.broadcast %jit3A_77 : f32 to vector<2000x128xf32>
    %select_n3A_81 = arith.select %broadcast_in_dim3A_79, %add3A_33, %broadcast_in_dim3A_80 : vector<2000x128xi1>, vector<2000x128xf32>
    %reduce_max3A_82 = arith.constant dense<0xFF800000> : vector<128xf32>
    %reduce_max3A_83 = vector.multi_reduction <maximumf>, %select_n3A_81, %reduce_max3A_82 [0] : vector<2000x128xf32> to vector<128xf32>
    %broadcast_in_dim3A_84 = vector.shape_cast %reduce_max3A_83 : vector<128xf32> to vector<1x128xf32>
    %get3A_85 = arith.constant 0 : index
    %get3A_86 = arith.constant 4 : index
    %get3A_87 = vector.load %arg7[%get3A_85, %get3A_86] : memref<2000x16xf32, #tpu.memory_space<vmem>>, vector<2000x1xf32>
    %gt3A_88 = arith.constant 5.000000e-01 : f32
    %gt3A_89 = vector.broadcast %gt3A_88 : f32 to vector<2000x1xf32>
    %gt3A_90 = arith.cmpf ogt, %get3A_87, %gt3A_89 : vector<2000x1xf32>
    %jit3A_91 = arith.constant 0xFF800000 : f32
    %broadcast_in_dim3A_92 = vector.shape_cast %gt3A_90 : vector<2000x1xi1> to vector<2000x1xi1>
    %broadcast_in_dim3A_93 = vector.broadcast %broadcast_in_dim3A_92 : vector<2000x1xi1> to vector<2000x128xi1>
    %broadcast_in_dim3A_94 = vector.broadcast %jit3A_91 : f32 to vector<2000x128xf32>
    %select_n3A_95 = arith.select %broadcast_in_dim3A_93, %add3A_33, %broadcast_in_dim3A_94 : vector<2000x128xi1>, vector<2000x128xf32>
    %reduce_max3A_96 = arith.constant dense<0xFF800000> : vector<128xf32>
    %reduce_max3A_97 = vector.multi_reduction <maximumf>, %select_n3A_95, %reduce_max3A_96 [0] : vector<2000x128xf32> to vector<128xf32>
    %broadcast_in_dim3A_98 = vector.shape_cast %reduce_max3A_97 : vector<128xf32> to vector<1x128xf32>
    %get3A_99 = arith.constant 0 : index
    %get3A_100 = arith.constant 5 : index
    %get3A_101 = vector.load %arg7[%get3A_99, %get3A_100] : memref<2000x16xf32, #tpu.memory_space<vmem>>, vector<2000x1xf32>
    %gt3A_102 = arith.constant 5.000000e-01 : f32
    %gt3A_103 = vector.broadcast %gt3A_102 : f32 to vector<2000x1xf32>
    %gt3A_104 = arith.cmpf ogt, %get3A_101, %gt3A_103 : vector<2000x1xf32>
    %jit3A_105 = arith.constant 0xFF800000 : f32
    %broadcast_in_dim3A_106 = vector.shape_cast %gt3A_104 : vector<2000x1xi1> to vector<2000x1xi1>
    %broadcast_in_dim3A_107 = vector.broadcast %broadcast_in_dim3A_106 : vector<2000x1xi1> to vector<2000x128xi1>
    %broadcast_in_dim3A_108 = vector.broadcast %jit3A_105 : f32 to vector<2000x128xf32>
    %select_n3A_109 = arith.select %broadcast_in_dim3A_107, %add3A_33, %broadcast_in_dim3A_108 : vector<2000x128xi1>, vector<2000x128xf32>
    %reduce_max3A_110 = arith.constant dense<0xFF800000> : vector<128xf32>
    %reduce_max3A_111 = vector.multi_reduction <maximumf>, %select_n3A_109, %reduce_max3A_110 [0] : vector<2000x128xf32> to vector<128xf32>
    %broadcast_in_dim3A_112 = vector.shape_cast %reduce_max3A_111 : vector<128xf32> to vector<1x128xf32>
    %get3A_113 = arith.constant 0 : index
    %get3A_114 = arith.constant 6 : index
    %get3A_115 = vector.load %arg7[%get3A_113, %get3A_114] : memref<2000x16xf32, #tpu.memory_space<vmem>>, vector<2000x1xf32>
    %gt3A_116 = arith.constant 5.000000e-01 : f32
    %gt3A_117 = vector.broadcast %gt3A_116 : f32 to vector<2000x1xf32>
    %gt3A_118 = arith.cmpf ogt, %get3A_115, %gt3A_117 : vector<2000x1xf32>
    %jit3A_119 = arith.constant 0xFF800000 : f32
    %broadcast_in_dim3A_120 = vector.shape_cast %gt3A_118 : vector<2000x1xi1> to vector<2000x1xi1>
    %broadcast_in_dim3A_121 = vector.broadcast %broadcast_in_dim3A_120 : vector<2000x1xi1> to vector<2000x128xi1>
    %broadcast_in_dim3A_122 = vector.broadcast %jit3A_119 : f32 to vector<2000x128xf32>
    %select_n3A_123 = arith.select %broadcast_in_dim3A_121, %add3A_33, %broadcast_in_dim3A_122 : vector<2000x128xi1>, vector<2000x128xf32>
    %reduce_max3A_124 = arith.constant dense<0xFF800000> : vector<128xf32>
    %reduce_max3A_125 = vector.multi_reduction <maximumf>, %select_n3A_123, %reduce_max3A_124 [0] : vector<2000x128xf32> to vector<128xf32>
    %broadcast_in_dim3A_126 = vector.shape_cast %reduce_max3A_125 : vector<128xf32> to vector<1x128xf32>
    %get3A_127 = arith.constant 0 : index
    %get3A_128 = arith.constant 7 : index
    %get3A_129 = vector.load %arg7[%get3A_127, %get3A_128] : memref<2000x16xf32, #tpu.memory_space<vmem>>, vector<2000x1xf32>
    %gt3A_130 = arith.constant 5.000000e-01 : f32
    %gt3A_131 = vector.broadcast %gt3A_130 : f32 to vector<2000x1xf32>
    %gt3A_132 = arith.cmpf ogt, %get3A_129, %gt3A_131 : vector<2000x1xf32>
    %jit3A_133 = arith.constant 0xFF800000 : f32
    %broadcast_in_dim3A_134 = vector.shape_cast %gt3A_132 : vector<2000x1xi1> to vector<2000x1xi1>
    %broadcast_in_dim3A_135 = vector.broadcast %broadcast_in_dim3A_134 : vector<2000x1xi1> to vector<2000x128xi1>
    %broadcast_in_dim3A_136 = vector.broadcast %jit3A_133 : f32 to vector<2000x128xf32>
    %select_n3A_137 = arith.select %broadcast_in_dim3A_135, %add3A_33, %broadcast_in_dim3A_136 : vector<2000x128xi1>, vector<2000x128xf32>
    %reduce_max3A_138 = arith.constant dense<0xFF800000> : vector<128xf32>
    %reduce_max3A_139 = vector.multi_reduction <maximumf>, %select_n3A_137, %reduce_max3A_138 [0] : vector<2000x128xf32> to vector<128xf32>
    %broadcast_in_dim3A_140 = vector.shape_cast %reduce_max3A_139 : vector<128xf32> to vector<1x128xf32>
    %get3A_141 = arith.constant 0 : index
    %get3A_142 = arith.constant 8 : index
    %get3A_143 = vector.load %arg7[%get3A_141, %get3A_142] : memref<2000x16xf32, #tpu.memory_space<vmem>>, vector<2000x1xf32>
    %gt3A_144 = arith.constant 5.000000e-01 : f32
    %gt3A_145 = vector.broadcast %gt3A_144 : f32 to vector<2000x1xf32>
    %gt3A_146 = arith.cmpf ogt, %get3A_143, %gt3A_145 : vector<2000x1xf32>
    %jit3A_147 = arith.constant 0xFF800000 : f32
    %broadcast_in_dim3A_148 = vector.shape_cast %gt3A_146 : vector<2000x1xi1> to vector<2000x1xi1>
    %broadcast_in_dim3A_149 = vector.broadcast %broadcast_in_dim3A_148 : vector<2000x1xi1> to vector<2000x128xi1>
    %broadcast_in_dim3A_150 = vector.broadcast %jit3A_147 : f32 to vector<2000x128xf32>
    %select_n3A_151 = arith.select %broadcast_in_dim3A_149, %add3A_33, %broadcast_in_dim3A_150 : vector<2000x128xi1>, vector<2000x128xf32>
    %reduce_max3A_152 = arith.constant dense<0xFF800000> : vector<128xf32>
    %reduce_max3A_153 = vector.multi_reduction <maximumf>, %select_n3A_151, %reduce_max3A_152 [0] : vector<2000x128xf32> to vector<128xf32>
    %broadcast_in_dim3A_154 = vector.shape_cast %reduce_max3A_153 : vector<128xf32> to vector<1x128xf32>
    %get3A_155 = arith.constant 0 : index
    %get3A_156 = arith.constant 9 : index
    %get3A_157 = vector.load %arg7[%get3A_155, %get3A_156] : memref<2000x16xf32, #tpu.memory_space<vmem>>, vector<2000x1xf32>
    %gt3A_158 = arith.constant 5.000000e-01 : f32
    %gt3A_159 = vector.broadcast %gt3A_158 : f32 to vector<2000x1xf32>
    %gt3A_160 = arith.cmpf ogt, %get3A_157, %gt3A_159 : vector<2000x1xf32>
    %jit3A_161 = arith.constant 0xFF800000 : f32
    %broadcast_in_dim3A_162 = vector.shape_cast %gt3A_160 : vector<2000x1xi1> to vector<2000x1xi1>
    %broadcast_in_dim3A_163 = vector.broadcast %broadcast_in_dim3A_162 : vector<2000x1xi1> to vector<2000x128xi1>
    %broadcast_in_dim3A_164 = vector.broadcast %jit3A_161 : f32 to vector<2000x128xf32>
    %select_n3A_165 = arith.select %broadcast_in_dim3A_163, %add3A_33, %broadcast_in_dim3A_164 : vector<2000x128xi1>, vector<2000x128xf32>
    %reduce_max3A_166 = arith.constant dense<0xFF800000> : vector<128xf32>
    %reduce_max3A_167 = vector.multi_reduction <maximumf>, %select_n3A_165, %reduce_max3A_166 [0] : vector<2000x128xf32> to vector<128xf32>
    %broadcast_in_dim3A_168 = vector.shape_cast %reduce_max3A_167 : vector<128xf32> to vector<1x128xf32>
    %get3A_169 = arith.constant 0 : index
    %get3A_170 = arith.constant 10 : index
    %get3A_171 = vector.load %arg7[%get3A_169, %get3A_170] : memref<2000x16xf32, #tpu.memory_space<vmem>>, vector<2000x1xf32>
    %gt3A_172 = arith.constant 5.000000e-01 : f32
    %gt3A_173 = vector.broadcast %gt3A_172 : f32 to vector<2000x1xf32>
    %gt3A_174 = arith.cmpf ogt, %get3A_171, %gt3A_173 : vector<2000x1xf32>
    %jit3A_175 = arith.constant 0xFF800000 : f32
    %broadcast_in_dim3A_176 = vector.shape_cast %gt3A_174 : vector<2000x1xi1> to vector<2000x1xi1>
    %broadcast_in_dim3A_177 = vector.broadcast %broadcast_in_dim3A_176 : vector<2000x1xi1> to vector<2000x128xi1>
    %broadcast_in_dim3A_178 = vector.broadcast %jit3A_175 : f32 to vector<2000x128xf32>
    %select_n3A_179 = arith.select %broadcast_in_dim3A_177, %add3A_33, %broadcast_in_dim3A_178 : vector<2000x128xi1>, vector<2000x128xf32>
    %reduce_max3A_180 = arith.constant dense<0xFF800000> : vector<128xf32>
    %reduce_max3A_181 = vector.multi_reduction <maximumf>, %select_n3A_179, %reduce_max3A_180 [0] : vector<2000x128xf32> to vector<128xf32>
    %broadcast_in_dim3A_182 = vector.shape_cast %reduce_max3A_181 : vector<128xf32> to vector<1x128xf32>
    %get3A_183 = arith.constant 0 : index
    %get3A_184 = arith.constant 11 : index
    %get3A_185 = vector.load %arg7[%get3A_183, %get3A_184] : memref<2000x16xf32, #tpu.memory_space<vmem>>, vector<2000x1xf32>
    %gt3A_186 = arith.constant 5.000000e-01 : f32
    %gt3A_187 = vector.broadcast %gt3A_186 : f32 to vector<2000x1xf32>
    %gt3A_188 = arith.cmpf ogt, %get3A_185, %gt3A_187 : vector<2000x1xf32>
    %jit3A_189 = arith.constant 0xFF800000 : f32
    %broadcast_in_dim3A_190 = vector.shape_cast %gt3A_188 : vector<2000x1xi1> to vector<2000x1xi1>
    %broadcast_in_dim3A_191 = vector.broadcast %broadcast_in_dim3A_190 : vector<2000x1xi1> to vector<2000x128xi1>
    %broadcast_in_dim3A_192 = vector.broadcast %jit3A_189 : f32 to vector<2000x128xf32>
    %select_n3A_193 = arith.select %broadcast_in_dim3A_191, %add3A_33, %broadcast_in_dim3A_192 : vector<2000x128xi1>, vector<2000x128xf32>
    %reduce_max3A_194 = arith.constant dense<0xFF800000> : vector<128xf32>
    %reduce_max3A_195 = vector.multi_reduction <maximumf>, %select_n3A_193, %reduce_max3A_194 [0] : vector<2000x128xf32> to vector<128xf32>
    %broadcast_in_dim3A_196 = vector.shape_cast %reduce_max3A_195 : vector<128xf32> to vector<1x128xf32>
    %get3A_197 = arith.constant 0 : index
    %get3A_198 = arith.constant 12 : index
    %get3A_199 = vector.load %arg7[%get3A_197, %get3A_198] : memref<2000x16xf32, #tpu.memory_space<vmem>>, vector<2000x1xf32>
    %gt3A_200 = arith.constant 5.000000e-01 : f32
    %gt3A_201 = vector.broadcast %gt3A_200 : f32 to vector<2000x1xf32>
    %gt3A_202 = arith.cmpf ogt, %get3A_199, %gt3A_201 : vector<2000x1xf32>
    %jit3A_203 = arith.constant 0xFF800000 : f32
    %broadcast_in_dim3A_204 = vector.shape_cast %gt3A_202 : vector<2000x1xi1> to vector<2000x1xi1>
    %broadcast_in_dim3A_205 = vector.broadcast %broadcast_in_dim3A_204 : vector<2000x1xi1> to vector<2000x128xi1>
    %broadcast_in_dim3A_206 = vector.broadcast %jit3A_203 : f32 to vector<2000x128xf32>
    %select_n3A_207 = arith.select %broadcast_in_dim3A_205, %add3A_33, %broadcast_in_dim3A_206 : vector<2000x128xi1>, vector<2000x128xf32>
    %reduce_max3A_208 = arith.constant dense<0xFF800000> : vector<128xf32>
    %reduce_max3A_209 = vector.multi_reduction <maximumf>, %select_n3A_207, %reduce_max3A_208 [0] : vector<2000x128xf32> to vector<128xf32>
    %broadcast_in_dim3A_210 = vector.shape_cast %reduce_max3A_209 : vector<128xf32> to vector<1x128xf32>
    %get3A_211 = arith.constant 0 : index
    %get3A_212 = arith.constant 13 : index
    %get3A_213 = vector.load %arg7[%get3A_211, %get3A_212] : memref<2000x16xf32, #tpu.memory_space<vmem>>, vector<2000x1xf32>
    %gt3A_214 = arith.constant 5.000000e-01 : f32
    %gt3A_215 = vector.broadcast %gt3A_214 : f32 to vector<2000x1xf32>
    %gt3A_216 = arith.cmpf ogt, %get3A_213, %gt3A_215 : vector<2000x1xf32>
    %jit3A_217 = arith.constant 0xFF800000 : f32
    %broadcast_in_dim3A_218 = vector.shape_cast %gt3A_216 : vector<2000x1xi1> to vector<2000x1xi1>
    %broadcast_in_dim3A_219 = vector.broadcast %broadcast_in_dim3A_218 : vector<2000x1xi1> to vector<2000x128xi1>
    %broadcast_in_dim3A_220 = vector.broadcast %jit3A_217 : f32 to vector<2000x128xf32>
    %select_n3A_221 = arith.select %broadcast_in_dim3A_219, %add3A_33, %broadcast_in_dim3A_220 : vector<2000x128xi1>, vector<2000x128xf32>
    %reduce_max3A_222 = arith.constant dense<0xFF800000> : vector<128xf32>
    %reduce_max3A_223 = vector.multi_reduction <maximumf>, %select_n3A_221, %reduce_max3A_222 [0] : vector<2000x128xf32> to vector<128xf32>
    %broadcast_in_dim3A_224 = vector.shape_cast %reduce_max3A_223 : vector<128xf32> to vector<1x128xf32>
    %get3A_225 = arith.constant 0 : index
    %get3A_226 = arith.constant 14 : index
    %get3A_227 = vector.load %arg7[%get3A_225, %get3A_226] : memref<2000x16xf32, #tpu.memory_space<vmem>>, vector<2000x1xf32>
    %gt3A_228 = arith.constant 5.000000e-01 : f32
    %gt3A_229 = vector.broadcast %gt3A_228 : f32 to vector<2000x1xf32>
    %gt3A_230 = arith.cmpf ogt, %get3A_227, %gt3A_229 : vector<2000x1xf32>
    %jit3A_231 = arith.constant 0xFF800000 : f32
    %broadcast_in_dim3A_232 = vector.shape_cast %gt3A_230 : vector<2000x1xi1> to vector<2000x1xi1>
    %broadcast_in_dim3A_233 = vector.broadcast %broadcast_in_dim3A_232 : vector<2000x1xi1> to vector<2000x128xi1>
    %broadcast_in_dim3A_234 = vector.broadcast %jit3A_231 : f32 to vector<2000x128xf32>
    %select_n3A_235 = arith.select %broadcast_in_dim3A_233, %add3A_33, %broadcast_in_dim3A_234 : vector<2000x128xi1>, vector<2000x128xf32>
    %reduce_max3A_236 = arith.constant dense<0xFF800000> : vector<128xf32>
    %reduce_max3A_237 = vector.multi_reduction <maximumf>, %select_n3A_235, %reduce_max3A_236 [0] : vector<2000x128xf32> to vector<128xf32>
    %broadcast_in_dim3A_238 = vector.shape_cast %reduce_max3A_237 : vector<128xf32> to vector<1x128xf32>
    %get3A_239 = arith.constant 0 : index
    %get3A_240 = arith.constant 15 : index
    %get3A_241 = vector.load %arg7[%get3A_239, %get3A_240] : memref<2000x16xf32, #tpu.memory_space<vmem>>, vector<2000x1xf32>
    %gt3A_242 = arith.constant 5.000000e-01 : f32
    %gt3A_243 = vector.broadcast %gt3A_242 : f32 to vector<2000x1xf32>
    %gt3A_244 = arith.cmpf ogt, %get3A_241, %gt3A_243 : vector<2000x1xf32>
    %jit3A_245 = arith.constant 0xFF800000 : f32
    %broadcast_in_dim3A_246 = vector.shape_cast %gt3A_244 : vector<2000x1xi1> to vector<2000x1xi1>
    %broadcast_in_dim3A_247 = vector.broadcast %broadcast_in_dim3A_246 : vector<2000x1xi1> to vector<2000x128xi1>
    %broadcast_in_dim3A_248 = vector.broadcast %jit3A_245 : f32 to vector<2000x128xf32>
    %select_n3A_249 = arith.select %broadcast_in_dim3A_247, %add3A_33, %broadcast_in_dim3A_248 : vector<2000x128xi1>, vector<2000x128xf32>
    %reduce_max3A_250 = arith.constant dense<0xFF800000> : vector<128xf32>
    %reduce_max3A_251 = vector.multi_reduction <maximumf>, %select_n3A_249, %reduce_max3A_250 [0] : vector<2000x128xf32> to vector<128xf32>
    %broadcast_in_dim3A_252 = vector.shape_cast %reduce_max3A_251 : vector<128xf32> to vector<1x128xf32>
    %concatenate3A = tpu.concatenate %broadcast_in_dim3A_42, %broadcast_in_dim3A_56, %broadcast_in_dim3A_70, %broadcast_in_dim3A_84, %broadcast_in_dim3A_98, %broadcast_in_dim3A_112, %broadcast_in_dim3A_126, %broadcast_in_dim3A_140, %broadcast_in_dim3A_154, %broadcast_in_dim3A_168, %broadcast_in_dim3A_182, %broadcast_in_dim3A_196, %broadcast_in_dim3A_210, %broadcast_in_dim3A_224, %broadcast_in_dim3A_238, %broadcast_in_dim3A_252 in 0 : vector<1x128xf32>, vector<1x128xf32>, vector<1x128xf32>, vector<1x128xf32>, vector<1x128xf32>, vector<1x128xf32>, vector<1x128xf32>, vector<1x128xf32>, vector<1x128xf32>, vector<1x128xf32>, vector<1x128xf32>, vector<1x128xf32>, vector<1x128xf32>, vector<1x128xf32>, vector<1x128xf32>, vector<1x128xf32> -> vector<16x128xf32>
    %eq3A = arith.constant 0 : i32
    %eq3A_253 = arith.cmpi eq, %arg0, %eq3A : i32
    %convert_element_type3A = arith.extui %eq3A_253 : i1 to i32
    %cond3A = arith.constant 0 : i32
    %cond3A_254 = arith.cmpi ne, %convert_element_type3A, %cond3A : i32
    scf.if %cond3A_254 {
      %broadcast_in_dim3A_261 = arith.constant 0xFF800000 : f32
      %broadcast_in_dim3A_262 = vector.broadcast %broadcast_in_dim3A_261 : f32 to vector<16x128xf32>
      %swap3A_263 = arith.constant 0 : index
      %swap3A_264 = arith.constant 0 : index
      %swap3A_265 = vector.load %arg8[%swap3A_263, %swap3A_264] : memref<16x128xf32, #tpu.memory_space<vmem>>, vector<16x128xf32>
      tpu.vector_store %arg8[%swap3A_263, %swap3A_264], %broadcast_in_dim3A_262 {strides = array<i32>} : memref<16x128xf32, #tpu.memory_space<vmem>>, vector<16x128xf32>,
    } else {
    }
    %get3A_255 = arith.constant 0 : index
    %get3A_256 = arith.constant 0 : index
    %get3A_257 = vector.load %arg8[%get3A_255, %get3A_256] : memref<16x128xf32, #tpu.memory_space<vmem>>, vector<16x128xf32>
    %max3A_258 = arith.maximumf %get3A_257, %concatenate3A : vector<16x128xf32>
    %swap3A = arith.constant 0 : index
    %swap3A_259 = arith.constant 0 : index
    %swap3A_260 = vector.load %arg8[%swap3A, %swap3A_259] : memref<16x128xf32, #tpu.memory_space<vmem>>, vector<16x128xf32>
    tpu.vector_store %arg8[%swap3A, %swap3A_259], %max3A_258 {strides = array<i32>} : memref<16x128xf32, #tpu.memory_space<vmem>>, vector<16x128xf32>,
    return
  }
  func.func @transform_0(%arg0: i32) -> (i32, i32) {
    %c0_i32 = arith.constant 0 : i32
    %c0_i32_0 = arith.constant 0 : i32
    return %arg0, %c0_i32 : i32, i32
  }
  func.func @transform_1(%arg0: i32) -> (i32, i32, i32) {
    %c0_i32 = arith.constant 0 : i32
    %c0_i32_0 = arith.constant 0 : i32
    %c0_i32_1 = arith.constant 0 : i32
    return %c0_i32, %arg0, %c0_i32_0 : i32, i32, i32
  }
  func.func @transform_2(%arg0: i32) -> (i32, i32) {
    %c0_i32 = arith.constant 0 : i32
    %c0_i32_0 = arith.constant 0 : i32
    %c0_i32_1 = arith.constant 0 : i32
    return %c0_i32, %c0_i32_0 : i32, i32
  }
  func.func @transform_3(%arg0: i32) -> (i32, i32) {
    %c0_i32 = arith.constant 0 : i32
    %c0_i32_0 = arith.constant 0 : i32
    %c0_i32_1 = arith.constant 0 : i32
    return %c0_i32, %c0_i32_0 : i32, i32
  }
  func.func @transform_4(%arg0: i32) -> (i32, i32) {
    %c0_i32 = arith.constant 0 : i32
    %c0_i32_0 = arith.constant 0 : i32
    %c0_i32_1 = arith.constant 0 : i32
    return %c0_i32, %c0_i32_0 : i32, i32
  }
  func.func @transform_5(%arg0: i32) -> (i32, i32) {
    %c0_i32 = arith.constant 0 : i32
    %c0_i32_0 = arith.constant 0 : i32
    %c0_i32_1 = arith.constant 0 : i32
    return %c0_i32, %c0_i32_0 : i32, i32
  }
  func.func @transform_6(%arg0: i32) -> (i32, i32) {
    %c0_i32 = arith.constant 0 : i32
    %c0_i32_0 = arith.constant 0 : i32
    return %arg0, %c0_i32 : i32, i32
  }
  func.func @transform_7(%arg0: i32) -> (i32, i32) {
    %c0_i32 = arith.constant 0 : i32
    %c0_i32_0 = arith.constant 0 : i32
    %c0_i32_1 = arith.constant 0 : i32
    return %c0_i32, %c0_i32_0 : i32, i32
  }
}

</mosaic_0001>

<sc_bundles>
// kernel: kernel.11.cloned.1.call-start
scs
__scs_entry_jumppad:
0x0: {  	(pc) =	sbr.rel $0x88, $3  }
0x1: {  	(tag) =	ssettag $0x0;
	lr =	simm.s32 $0x1  }
0x2: {  	[smem:$0x3F92] =	sst lr;
	_ =	strace $0xD0000000  }
0x3: {  	_ = 	snop  }
0x4: {  	_ = 	snop  }
0x5: {  	_ = 	snop  }
0x6: {  	_ = 	snop  }
0x7: {  	_ = 	snop  }
__scs_overlays_trampoline_lowered:
0x8: {  	[smem:$0x3FA1] =	sst s0  }
0x9: {  	[smem:$0x3FA2] =	sst s1  }
0xa: {  	[smem:$0x3FA3] =	sst s2  }
0xb: {  	[smem:$0x3FA4] =	sst s3  }
0xc: {  	[smem:$0x3FA5] =	sst s4  }
0xd: {  	[smem:$0x3FA6] =	sst s5  }
0xe: {  	[smem:$0x3FA7] =	sst s6  }
0xf: {  	[smem:$0x3FA8] =	sst s7  }
0x10: {  	[smem:$0x3FA9] =	sst s8  }
0x11: {  	[smem:$0x3FAA] =	sst s9;
	s0 =	simm.s32 @!p0 $0x0  }
0x12: {  	s1 =	sld [smem:$0x3F90];
	s0 =	simm.s32 @p0 $0x1  }
0x13: {  	[smem:$0x3FAB] =	sst s0;
	s0 =	simm.s32 @!p1 $0x0  }
0x14: {  	s2 =	sld [smem:$0x3F8F];
	s0 =	simm.s32 @p1 $0x1  }
0x15: {  	[smem:$0x3FAC] =	sst s0;
	s0 =	simm.s32 @!p2 $0x0  }
0x16: {  	s3 =	sld [smem:$0x3FDB];
	s0 =	simm.s32 @p2 $0x1  }
0x17: {  	s4 =	simm.s32 $0x1BF5;
	[smem:$0x3FAE] =	sst s0  }
0x18: {  	s0 =	sld [smem:$0x3F91];
	_ =	swait.ge [sflag:s4], $0x0  }
0x19: {  	s7 =	sld [smem:$0x3F92]  }
0x1a: {  	s8 =	sadd.s32 $0xFFFFE003, lr  }
0x1b: {  	s9 =	sadd.s32 $0xFFFFFEF7, lr;
	s5 =	simm.s32 $0xFFFFFFFF;
	p2 =	slt.u32 s8, $0xFFFFF086  }
0x1c: {  	p1 =	slt.u32 s9, $0xF7A;
	s5 =	simm.s32 @!p2 $0x0  }
0x1d: {  	s5 =	simm.s32 @p1 $0x1;
	p0 =	seq.s32 s7, s2  }
0x1e: {  	s7 =	smul.u32 @!p0 $0xF7A, s2;
	p2 =	seq.s32 @!p0 s5, $0x0  }
0x1f: {  	s9 =	smul.u32 $0xF7A, s1;
	s8 =	simm.s32 @!p0 $0x1BF5;
	p2 =	por !p2, p0  }
0x20: {  	[sflag:s8] =	ssyncset.s32 @!p0 $0xFFFFF086;
	s6 =	sadd.s32 @!p0 s3, s7;
	s7 =	simm.s32 @!p0 $0x108  }
0x21: {  	s3 =	sadd.s32 s3, s9;
	s6 =	sadd.s32 @!p0 $0x88, s6;
	s7 =	simm.s32 @p2 $0x1082  }
0x22: {  	[simem:s7], [sflag:s8] =	dma.local @!p0 [hbm:s6], $0xF7A  }
0x23: {  	s9 =	sor.u32 $0xD0000000, s2;
	s6 =	simm.s32 $0x108;
	_ =	swait.ge @!p0 [sflag:s8], $0x0  }
0x24: {  	s3 =	sadd.s32 $0x88, s3;
	s6 =	simm.s32 @!p1 $0x1082;
	[sflag:s4] =	ssyncset.s32 $0xFFFFF086  }
0x25: {  	[simem:s6], [sflag:s4] =	dma.local [hbm:s3], $0xF7A  }
0x26: {  	[smem:$0x3F92] =	sst s1;
	(tag) =	ssettag s2;
	_ =	strace s9  }
0x27: {  	s1 =	sld [smem:$0x3FA2]  }
0x28: {  	s2 =	sld [smem:$0x3FA3]  }
0x29: {  	s4 =	sld [smem:$0x3FA5]  }
0x2a: {  	p0 =	seq.s32 s5, $0x0;
	s5 =	sld [smem:$0x3FA6]  }
0x2b: {  	s6 =	sld [smem:$0x3FA7]  }
0x2c: {  	s7 =	sld [smem:$0x3FA8]  }
0x2d: {  	s3 =	simm.s32 $0x108;
	s8 =	sld [smem:$0x3FA9]  }
0x2e: {  	s3 =	simm.s32 @!p0 $0x1082;
	s9 =	sld [smem:$0x3FAA]  }
0x2f: {  	lr =	sadd.s32 s0, s3;
	s0 =	sld [smem:$0x3FA1]  }
0x30: {  	s3 =	sld [smem:$0x3FA4]  }
0x31: {  	[smem:$0x3FAD] =	sst s10  }
0x32: {  	s10 =	sld [smem:$0x3FAB];
	_ =	sdelay $0x3  }
0x33: {  	p0 =	seq.s32 s10, $0x1;
	s10 =	sld [smem:$0x3FAD];
	_ =	sdelay $0x3  }
0x34: {  	[smem:$0x3FAD] =	sst s10  }
0x35: {  	s10 =	sld [smem:$0x3FAC];
	_ =	sdelay $0x3  }
0x36: {  	p1 =	seq.s32 s10, $0x1;
	s10 =	sld [smem:$0x3FAD];
	_ =	sdelay $0x3  }
0x37: {  	[smem:$0x3FAD] =	sst s10  }
0x38: {  	s10 =	sld [smem:$0x3FAE]  }
0x39: {  	_ = 	snop;
	(pc) =	sbr.ind lr, $3  }
0x3a: {  	_ = 	snop  }
0x3b: {  	_ = 	snop  }
0x3c: {  	p2 =	seq.s32 s10, $0x1;
	s10 =	sld [smem:$0x3FAD]  }
0x3d: {  	_ =	shalt  }
0x3e: {  	_ =	shalt  }
0x3f: {  	_ =	shalt  }
0x40: {  	_ =	shalt  }
0x41: {  	_ =	shalt  }
0x42: {  	_ =	shalt  }
0x43: {  	_ =	shalt  }
0x44: {  	_ =	shalt  }
0x45: {  	_ =	shalt  }
0x46: {  	_ =	shalt  }
0x47: {  	_ =	shalt  }
0x48: {  	_ =	shalt  }
0x49: {  	_ =	shalt  }
0x4a: {  	_ =	shalt  }
0x4b: {  	_ =	shalt  }
0x4c: {  	_ =	shalt  }
0x4d: {  	_ =	shalt  }
0x4e: {  	_ =	shalt  }
0x4f: {  	_ =	shalt  }
0x50: {  	_ =	shalt  }
0x51: {  	_ =	shalt  }
0x52: {  	_ =	shalt  }
0x53: {  	_ =	shalt  }
0x54: {  	_ =	shalt  }
0x55: {  	_ =	shalt  }
0x56: {  	_ =	shalt  }
0x57: {  	_ =	shalt  }
0x58: {  	_ =	shalt  }
0x59: {  	_ =	shalt  }
0x5a: {  	_ =	shalt  }
0x5b: {  	_ =	shalt  }
0x5c: {  	_ =	shalt  }
0x5d: {  	_ =	shalt  }
0x5e: {  	_ =	shalt  }
0x5f: {  	_ =	shalt  }
0x60: {  	_ =	shalt  }
0x61: {  	_ =	shalt  }
0x62: {  	_ =	shalt  }
0x63: {  	_ =	shalt  }
0x64: {  	_ =	shalt  }
0x65: {  	_ =	shalt  }
0x66: {  	_ =	shalt  }
0x67: {  	_ =	shalt  }
0x68: {  	_ =	shalt  }
0x69: {  	_ =	shalt  }
0x6a: {  	_ =	shalt  }
0x6b: {  	_ =	shalt  }
0x6c: {  	_ =	shalt  }
0x6d: {  	_ =	shalt  }
0x6e: {  	_ =	shalt  }
0x6f: {  	_ =	shalt  }
0x70: {  	_ =	shalt  }
0x71: {  	_ =	shalt  }
0x72: {  	_ =	shalt  }
0x73: {  	_ =	shalt  }
0x74: {  	_ =	shalt  }
0x75: {  	_ =	shalt  }
0x76: {  	_ =	shalt  }
0x77: {  	_ =	shalt  }
0x78: {  	_ =	shalt  }
0x79: {  	_ =	shalt  }
0x7a: {  	_ =	shalt  }
0x7b: {  	_ =	shalt  }
0x7c: {  	_ =	shalt  }
0x7d: {  	_ =	shalt  }
0x7e: {  	_ =	shalt  }
0x7f: {  	_ =	shalt  }
0x80: {  	_ =	shalt  }
0x81: {  	_ =	shalt  }
0x82: {  	_ =	shalt  }
0x83: {  	_ =	shalt  }
0x84: {  	_ =	shalt  }
0x85: {  	_ =	shalt  }
0x86: {  	_ =	shalt  }
0x87: {  	_ =	shalt  }
.Lfunc_end0:
.L_simem_size_0:
called_computation.1_lowered:
.L_overlay_start_0:
0x88: {  	s2 =	sld [smem:$0x3FD9]  }
0x89: {  	s3 =	sld [smem:$0x3FFE];
	_ =	sdelay $0x1  }
0x8a: {  	s1 =	srdreg.scid  }
0x8b: {  	s0 =	sand.u32 $0x1, s1  }
0x8c: {  	s16 =	sshll.u32 s0, $0xA;
	s2 =	sadd.s32 s3, s2  }
0x8d: {  	s2 =	sadd.s32 s2, s16  }
0x8e: {  	[smem:$0x3FB9] =	sst s2  }
0x8f: {  	_ = 	snop  }
0x90: {  	(tm) =	ssettm $0x1  }
0x91: {  	s17 =	sld [smem:$0x3FFB];
	_ =	sdelay $0x3  }
0x92: {  	_ =	strace s17  }
0x93: {  	s2 =	sld [smem:$0x3FFC];
	_ =	sdelay $0x3  }
0x94: {  	_ =	strace s2  }
0x95: {  	s2 =	sld [smem:$0x3FFD];
	_ =	sdelay $0x3  }
0x96: {  	_ =	strace s2  }
0x97: {  	_ =	strace $0x8FFFFFFF  }
0x98: {  	s18 =	sld [smem:$0x3FDB];
	_ =	sdelay $0x1  }
0x99: {  	s19 =	simm.s32 $_scs_section_size  }
0x9a: {  	s4 =	simm.s32 $_size__tile_overlayer_lowered;
	s5 =	simm.s32 $_tile_overlayer_lowered  }
0x9b: {  	s22 =	simm.s32 $0x1BFF;
	s21 =	sshll.u32 s5, $0x1;
	s2 =	sadd.s32 s19, s18  }
0x9c: {  	s6 =	simm.s32 $0x0;
	s20 =	sshll.u32 s4, $0x1;
	s4 =	sadd.s32 s21, s2  }
0x9d: {  	[timem:s6], [sflag:s22] =	dma.local [hbm:s4], s20  }
0x9e: {  	_ =	swait.ge [sflag:s22], s20  }
0x9f: {  	s3 =	ssub.s32 $0x0, s20;
	[sflag:s22] =	ssyncset.done $0x0  }
0xa0: {  	[sflag:s22] =	ssyncadd.s32 s3;
	_ =	sdelay $0x1  }
0xa1: {  	s23 =	simm.s32 $0x1B8B  }
0xa2: {  	_ =	swait.ge [sflag:s23], $0x1  }
0xa3: {  	[sflag:s23] =	ssyncset.done $0x0  }
0xa4: {  	s25 =	simm.s32 $0x1B8E;
	s24 =	sld [smem:$0x3FFE];
	[sflag:s23] =	ssyncadd.s32 $0xFFFFFFFF  }
0xa5: {  	s26 =	simm.s32 $execute0_lowered;
	[smem:$0x3FD2] =	sst s25  }
0xa6: {  	s4 =	sshll.u32 s26, $0x1;
	_ =	strace $0x80000049;
	[dreg:$0x1] =	wrdreg $0xFFFFFFFF  }
0xa7: {  	s28 =	simm.s32 $_size_execute0_lowered;
	s2 =	sadd.s32 s2, s4;
	[dreg:$0x0] =	wrdreg $0x0  }
0xa8: {  	s4 =	sshll.u32 s28, $0x1;
	[dreg:$0x2] =	wrdreg s2  }
0xa9: {  	[dreg:$0x3] =	wrdreg s4  }
0xaa: {  	[dreg:$0x4] =	wrdreg $0xC0  }
0xab: {  	_ =	task [dreg:s6], $0x5FFFF  }
0xac: {  	[dreg:$0x1] =	wrdreg $0xFFFFFFFF  }
0xad: {  	[dreg:$0x0] =	wrdreg $0x60  }
0xae: {  	[dreg:$0x2] =	wrdreg s24  }
0xaf: {  	[dreg:$0x3] =	wrdreg $0x90000  }
0xb0: {  	[dreg:$0x4] =	wrdreg $0x9  }
0xb1: {  	_ =	task.clear_ibuf [dreg:s6], $0x5FFFF;
	_ =	strace $0x90000049  }
0xb2: {  	s29 =	simm.s32 $0x9;
	_ =	strace $0x8000004B  }
0xb3: {  	_ =	swait.ge [sflag:s29], $0x1  }
0xb4: {  	[sflag:s29] =	ssyncadd.s32 $0xFFFFFFFF  }
0xb5: {  	_ =	strace $0x9000004B  }
0xb6: {  	_ =	sfence  }
0xb7: {  	s30 =	sld [smem:$0x0];
	_ =	sdelay $0x2  }
0xb8: {  	s31 =	sshll.u32 s1, $0xD;
	s1 =	sshrl.u32 s1, $0x2  }
0xb9: {  	s3 =	sand.u32 $0x4000, s31;
	s1 =	sadd.s32 s1, s30  }
0xba: {  	s0 =	sor.u32 s3, s0;
	s1 =	sshll.u32 s1, $0x11  }
0xbb: {  	s0 =	sor.u32 s1, s0  }
0xbc: {  	s0 =	sadd.s32 $0x8F2B, s0  }
0xbd: {  	[sflag:s0] =	ssyncadd.remote.s32 $0x1  }
0xbe: {  	_ =	sfence.sel $0xFFFF  }
0xbf: {  	[dreg:$0x0] =	wrdreg $0xFFFFFFFF;
	(pc) =	sbr.abs _section_cstart, $3  }
0xc0: {  	[dreg:$0x1] =	wrdreg $0xFFFFFFFF  }
0xc1: {  	_ =	task.clear_ibuf [dreg:s6], $0x2FFFF;
	_ =	strace $0x9FFFFFFF  }
0xc2: {  	(tm) =	ssettm $0x7FFFFFFF  }
0xc3: {  	_ =	shalt  }
tec
execute0_lowered:
.L_overlay_start_1:
0x0: {  	(tag) =	ssettag $0x1  }
0x1: {  	s0 =	rddreg [dreg:$0x0]  }
0x2: {  	s2 =	rddreg [dreg:$0x1]  }
0x3: {  	s1 =	srdreg.scid;
	s8 =	stileid.u32  }
0x4: {  	s14 =	simm.s32 $0x1000;
	s15 =	simm.s32 $0x5;
	s16 =	simm.s32 $0x800  }
0x5: {  	s17 =	simm.s32 $0x80;
	s18 =	simm.s32 $0x1;
	s11 =	simm.s32 $0xD00  }
0x6: {  	s12 =	simm.s32 $0x580;
	s13 =	simm.s32 $0xD80;
	s28 =	simm.s32 $0xF00  }
0x7: {  	s29 =	simm.s32 $0x780;
	s30 =	simm.s32 $0xF80;
	s4 =	smul.u32 $0x90, s8  }
0x8: {  	s1 =	sand.u32 $0x1, s1;
	s3 =	sshll.u32 s8, $0x4;
	s7 =	smul.u32 $0x14000, s8  }
0x9: {  	s8 =	smul.u32 $0x50000, s8;
	p0 =	seq.s32 s1, $0x0;
	s5 =	sor.u32 $0x900, s3  }
0xa: {  	s6 =	smul.u32 $0x140000, s1;
	s3 =	simm.s32 $0x0;
	s19 =	ssub.s32 $0x2, s1  }
0xb: {  	s5 =	smov.u32 @p0 s4;
	[smem:$0x7FF] =	sst s3;
	s4 =	sadd.s32 $0x17600, s0  }
0xc: {  	s8 =	sshrl.u32 s8, $0x2;
	s9 =	sshrl.u32 s19, $0x1;
	p0 =	sne.s32 s1, $0x0  }
0xd: {  	s1 =	simm.s32 $0x0;
	s5 =	sshll.u32 s5, $0x4;
	_ =	strace $0x8000004A  }
0xe: {  	s6 =	sadd.s32 s7, s6;
	s10 =	sadd.s32 s8, s2;
	s20 =	ssub.s32 s19, s9  }
0xf: {  	s19 =	simm.s32 $0x5000;
	s21 =	sadd.s32 $0x4000, s10;
	[dreg:$0x3] =	wrdreg s10  }
0x10: {  	s9 =	simm.s32 $0xC80;
	s22 =	sadd.s32 $0x8000, s10;
	[dreg:$0x4] =	wrdreg s21  }
0x11: {  	s5 =	sadd.s32 s5, s0;
	s23 =	sadd.s32 $0xC000, s10;
	[dreg:$0x5] =	wrdreg s22  }
0x12: {  	s6 =	sshrl.u32 s6, $0x3;
	s24 =	sadd.s32 $0x10000, s10;
	[dreg:$0x6] =	wrdreg s23  }
0x13: {  	s25 =	smax.u32 s20, $0x1;
	s20 =	simm.s32 $0x2;
	[dreg:$0x7] =	wrdreg s24  }
0x14: {  	s0 =	sadd.s32 s6, s0;
	[dreg:$0x9] =	wrdreg s25;
	s26 =	sadd.s32 $0x3600, s5  }
0x15: {  	s31 =	sadd.s32 $0xD600, s5;
	s22 =	simm.s32 $0x3;
	s25 =	simm.s32 $0x4  }
0x16: {  	s5 =	simm.s32 $0x600;
	s21 =	simm.s32 $0xE00;
	[dreg:$0xa] =	wrdreg s26  }
0x17: {  	s23 =	simm.s32 $0x680;
	s0 =	sadd.s32 $0x3E800, s0;
	[dreg:$0xb] =	wrdreg s31  }
0x18: {  	v0 =	vimm.f32 $0.0e+00;
	s24 =	simm.s32 $0xE80;
	s26 =	simm.s32 $0x700;
	[dreg:$0x8] =	wrdreg s0  }
.LBB2_1:
0x19: {  	[dreg:$0xc] =	wrdreg s1;
	s6 =	simm.s32 $0x0;
	s7 =	simm.s32 $0x200  }
.LBB2_2:
0x1a: {  	p1 =	sne.s32 s7, $0xFE00;
	[tilespmem:s6+$0x1070] =	vst v0  }
0x1b: {  	[tilespmem:s6+$0x1000] =	vst v0  }
0x1c: {  	[tilespmem:s6+$0x1010] =	vst v0  }
.Ltmp0:
0x1d: {  	[tilespmem:s6+$0x1020] =	vst v0;
	(pc) =	sbr.rel @p1 .LBB2_2-.Ltmp0, $4  }
0x1e: {  	[tilespmem:s6+$0x1030] =	vst v0  }
0x1f: {  	[tilespmem:s6+$0x1040] =	vst v0  }
0x20: {  	[tilespmem:s6+$0x1050] =	vst v0  }
0x21: {  	[tilespmem:s6+$0x1060] =	vst v0;
	s6 =	sshra.s32 s7, $0x2;
	s7 =	sadd.s32 $0x200, s7  }
0x22: {  	[tilespmem:s6+$0x1070] =	vst v0  }
0x23: {  	[tilespmem:s6+$0x1000] =	vst v0  }
0x24: {  	[tilespmem:s6+$0x1010] =	vst v0  }
0x25: {  	[tilespmem:s6+$0x1020] =	vst v0  }
0x26: {  	[tilespmem:s6+$0x1030] =	vst v0  }
0x27: {  	[tilespmem:s6+$0x1040] =	vst v0  }
0x28: {  	[tilespmem:s6+$0x1050] =	vst v0  }
0x29: {  	[tilespmem:s6+$0x1060] =	vst v0  }
0x2a: {  	[spmem:s10] =	stream.linear.scatter [tilespmem:s14], [sflag:$0x5], $0x4000, $0x38;
	[tilespmem:$0x1D000] =	vst v63  }
0x2b: {  	s7 =	rddreg [dreg:$0x4]  }
0x2c: {  	[spmem:s7] =	stream.linear.scatter [tilespmem:s14], [sflag:$0x5], $0x4000, $0x38;
	[tilespmem:$0x1D000] =	vst v63  }
0x2d: {  	s8 =	rddreg [dreg:$0x5]  }
0x2e: {  	[spmem:s8] =	stream.linear.scatter [tilespmem:s14], [sflag:$0x5], $0x4000, $0x38;
	[tilespmem:$0x1D000] =	vst v63  }
0x2f: {  	s10 =	rddreg [dreg:$0x6]  }
0x30: {  	[spmem:s10] =	stream.linear.scatter [tilespmem:s14], [sflag:$0x5], $0x4000, $0x38;
	[tilespmem:$0x1D000] =	vst v63  }
0x31: {  	s31 =	rddreg [dreg:$0x7]  }
0x32: {  	[spmem:s31] =	stream.linear.scatter [tilespmem:s14], [sflag:$0x5], $0x4000, $0x38;
	[tilespmem:$0x1D000] =	vst v63  }
0x33: {  	_ =	swait.ge [sflag:s15], $0x4000  }
0x34: {  	[sflag:s15] =	ssyncset.done $0x0  }
0x35: {  	[sflag:s15] =	ssyncadd.s32 $0xFFFFC000  }
0x36: {  	_ =	swait.ge [sflag:s15], $0x4000  }
0x37: {  	[sflag:s15] =	ssyncset.done $0x0  }
0x38: {  	[sflag:s15] =	ssyncadd.s32 $0xFFFFC000  }
0x39: {  	_ =	swait.ge [sflag:s15], $0x4000  }
0x3a: {  	[sflag:s15] =	ssyncset.done $0x0  }
0x3b: {  	[sflag:s15] =	ssyncadd.s32 $0xFFFFC000  }
0x3c: {  	_ =	swait.ge [sflag:s15], $0x4000  }
0x3d: {  	[sflag:s15] =	ssyncset.done $0x0  }
0x3e: {  	[sflag:s15] =	ssyncadd.s32 $0xFFFFC000  }
0x3f: {  	_ =	swait.ge [sflag:s15], $0x4000  }
0x40: {  	[sflag:s15] =	ssyncset.done $0x0  }
0x41: {  	[sflag:s15] =	ssyncadd.s32 $0xFFFFC000  }
0x42: {  	[bflag:$0x0] =	sbarrier.arrive $0xFFFF  }
0x43: {  	s0 =	simm.s32 $0xC00;
	s1 =	simm.s32 $0x480;
	s6 =	rddreg [dreg:$0xb]  }
0x44: {  	s8 =	simm.s32 $0x0;
	s10 =	simm.s32 $0x500;
	s7 =	rddreg [dreg:$0xa]  }
.LBB2_4:
0x45: {  	[tilespmem:s3], [sflag:$0x5] =	stream.linear.gather [hbm4b:s6+s3], $0x800, $0x38;
	[tilespmem:$0x1D000] =	vst v63  }
0x46: {  	_ = 	snop  }
0x47: {  	[tilespmem:s16], [sflag:$0x5] =	stream.linear.gather [hbm4b:s7+s3], $0x800, $0x38;
	[tilespmem:$0x1D000] =	vst v63  }
0x48: {  	_ =	swait.ge [sflag:s15], $0x800  }
0x49: {  	[sflag:s15] =	ssyncset.done $0x0  }
0x4a: {  	[sflag:s15] =	ssyncadd.s32 $0xFFFFF800  }
0x4b: {  	_ =	swait.ge [sflag:s15], $0x800  }
0x4c: {  	[sflag:s15] =	ssyncset.done $0x0  }
0x4d: {  	[sflag:s15] =	ssyncadd.s32 $0xFFFFF800  }
0x4e: {  	[tilespmem:s14], [sflag:$0x1] =	stream.indirect.gather [hbm4b:s4+s17], $0x80, s3, s17, $0xb8;
	[tilespmem:$0x1D000] =	vst v63  }
0x4f: {  	_ =	swait.ge [sflag:s18], $0x4000  }
0x50: {  	[sflag:s18] =	ssyncset.done $0x0  }
0x51: {  	[sflag:s18] =	ssyncadd.s32 $0xFFFFC000  }
0x52: {  	[spmem:s2] =	stream.indirect.scatter.add.f32 [tilespmem:s14], [sflag:$0x3], $0x80, s16, s17, $0xb8;
	[tilespmem:$0x1D000] =	vst v63  }
0x53: {  	_ = 	snop  }
0x54: {  	[tilespmem:s19], [sflag:$0x2] =	stream.indirect.gather [hbm4b:s4+s17], $0x80, s17, s17, $0xb8;
	[tilespmem:$0x1D000] =	vst v63  }
0x55: {  	_ =	swait.ge [sflag:s20], $0x4000  }
0x56: {  	[sflag:s20] =	ssyncset.done $0x0  }
0x57: {  	s31 =	simm.s32 $0x880;
	[sflag:s20] =	ssyncadd.s32 $0xFFFFC000  }
0x58: {  	[spmem:s2] =	stream.indirect.scatter.add.f32 [tilespmem:s19], [sflag:$0x4], $0x80, s31, s17, $0xb8;
	[tilespmem:$0x1D000] =	vst v63  }
0x59: {  	_ =	swait.ge [sflag:s22], $0x4000  }
0x5a: {  	[sflag:s22] =	ssyncset.done $0x0  }
0x5b: {  	s31 =	simm.s32 $0x100;
	[sflag:s22] =	ssyncadd.s32 $0xFFFFC000  }
0x5c: {  	[tilespmem:s14], [sflag:$0x1] =	stream.indirect.gather [hbm4b:s4+s17], $0x80, s31, s17, $0xb8;
	[tilespmem:$0x1D000] =	vst v63  }
0x5d: {  	_ =	swait.ge [sflag:s18], $0x4000  }
0x5e: {  	[sflag:s18] =	ssyncset.done $0x0  }
0x5f: {  	s31 =	simm.s32 $0x900;
	[sflag:s18] =	ssyncadd.s32 $0xFFFFC000  }
0x60: {  	[spmem:s2] =	stream.indirect.scatter.add.f32 [tilespmem:s14], [sflag:$0x3], $0x80, s31, s17, $0xb8;
	[tilespmem:$0x1D000] =	vst v63  }
0x61: {  	_ =	swait.ge [sflag:s25], $0x4000  }
0x62: {  	[sflag:s25] =	ssyncset.done $0x0  }
0x63: {  	s31 =	simm.s32 $0x180;
	[sflag:s25] =	ssyncadd.s32 $0xFFFFC000  }
0x64: {  	[tilespmem:s19], [sflag:$0x2] =	stream.indirect.gather [hbm4b:s4+s17], $0x80, s31, s17, $0xb8;
	[tilespmem:$0x1D000] =	vst v63  }
0x65: {  	_ =	swait.ge [sflag:s20], $0x4000  }
0x66: {  	[sflag:s20] =	ssyncset.done $0x0  }
0x67: {  	s31 =	simm.s32 $0x980;
	[sflag:s20] =	ssyncadd.s32 $0xFFFFC000  }
0x68: {  	[spmem:s2] =	stream.indirect.scatter.add.f32 [tilespmem:s19], [sflag:$0x4], $0x80, s31, s17, $0xb8;
	[tilespmem:$0x1D000] =	vst v63  }
0x69: {  	_ =	swait.ge [sflag:s22], $0x4000  }
0x6a: {  	[sflag:s22] =	ssyncset.done $0x0  }
0x6b: {  	s31 =	simm.s32 $0x200;
	[sflag:s22] =	ssyncadd.s32 $0xFFFFC000  }
0x6c: {  	[tilespmem:s14], [sflag:$0x1] =	stream.indirect.gather [hbm4b:s4+s17], $0x80, s31, s17, $0xb8;
	[tilespmem:$0x1D000] =	vst v63  }
0x6d: {  	_ =	swait.ge [sflag:s18], $0x4000  }
0x6e: {  	[sflag:s18] =	ssyncset.done $0x0  }
0x6f: {  	s31 =	simm.s32 $0xA00;
	[sflag:s18] =	ssyncadd.s32 $0xFFFFC000  }
0x70: {  	[spmem:s2] =	stream.indirect.scatter.add.f32 [tilespmem:s14], [sflag:$0x3], $0x80, s31, s17, $0xb8;
	[tilespmem:$0x1D000] =	vst v63  }
0x71: {  	_ =	swait.ge [sflag:s25], $0x4000  }
0x72: {  	[sflag:s25] =	ssyncset.done $0x0  }
0x73: {  	s31 =	simm.s32 $0x280;
	[sflag:s25] =	ssyncadd.s32 $0xFFFFC000  }
0x74: {  	[tilespmem:s19], [sflag:$0x2] =	stream.indirect.gather [hbm4b:s4+s17], $0x80, s31, s17, $0xb8;
	[tilespmem:$0x1D000] =	vst v63  }
0x75: {  	_ =	swait.ge [sflag:s20], $0x4000  }
0x76: {  	[sflag:s20] =	ssyncset.done $0x0  }
0x77: {  	s31 =	simm.s32 $0xA80;
	[sflag:s20] =	ssyncadd.s32 $0xFFFFC000  }
0x78: {  	[spmem:s2] =	stream.indirect.scatter.add.f32 [tilespmem:s19], [sflag:$0x4], $0x80, s31, s17, $0xb8;
	[tilespmem:$0x1D000] =	vst v63  }
0x79: {  	_ =	swait.ge [sflag:s22], $0x4000  }
0x7a: {  	[sflag:s22] =	ssyncset.done $0x0  }
0x7b: {  	s31 =	simm.s32 $0x300;
	[sflag:s22] =	ssyncadd.s32 $0xFFFFC000  }
0x7c: {  	[tilespmem:s14], [sflag:$0x1] =	stream.indirect.gather [hbm4b:s4+s17], $0x80, s31, s17, $0xb8;
	[tilespmem:$0x1D000] =	vst v63  }
0x7d: {  	_ =	swait.ge [sflag:s18], $0x4000  }
0x7e: {  	[sflag:s18] =	ssyncset.done $0x0  }
0x7f: {  	s31 =	simm.s32 $0xB00;
	[sflag:s18] =	ssyncadd.s32 $0xFFFFC000  }
0x80: {  	[spmem:s2] =	stream.indirect.scatter.add.f32 [tilespmem:s14], [sflag:$0x3], $0x80, s31, s17, $0xb8;
	[tilespmem:$0x1D000] =	vst v63  }
0x81: {  	_ =	swait.ge [sflag:s25], $0x4000  }
0x82: {  	[sflag:s25] =	ssyncset.done $0x0  }
0x83: {  	s31 =	simm.s32 $0x380;
	[sflag:s25] =	ssyncadd.s32 $0xFFFFC000  }
0x84: {  	[tilespmem:s19], [sflag:$0x2] =	stream.indirect.gather [hbm4b:s4+s17], $0x80, s31, s17, $0xb8;
	[tilespmem:$0x1D000] =	vst v63  }
0x85: {  	_ =	swait.ge [sflag:s20], $0x4000  }
0x86: {  	[sflag:s20] =	ssyncset.done $0x0  }
0x87: {  	s31 =	simm.s32 $0xB80;
	[sflag:s20] =	ssyncadd.s32 $0xFFFFC000  }
0x88: {  	[spmem:s2] =	stream.indirect.scatter.add.f32 [tilespmem:s19], [sflag:$0x4], $0x80, s31, s17, $0xb8;
	[tilespmem:$0x1D000] =	vst v63  }
0x89: {  	_ =	swait.ge [sflag:s22], $0x4000  }
0x8a: {  	[sflag:s22] =	ssyncset.done $0x0  }
0x8b: {  	s31 =	simm.s32 $0x400;
	[sflag:s22] =	ssyncadd.s32 $0xFFFFC000  }
0x8c: {  	[tilespmem:s14], [sflag:$0x1] =	stream.indirect.gather [hbm4b:s4+s17], $0x80, s31, s17, $0xb8;
	[tilespmem:$0x1D000] =	vst v63  }
0x8d: {  	_ =	swait.ge [sflag:s18], $0x4000  }
0x8e: {  	[sflag:s18] =	ssyncset.done $0x0  }
0x8f: {  	[sflag:s18] =	ssyncadd.s32 $0xFFFFC000  }
0x90: {  	[spmem:s2] =	stream.indirect.scatter.add.f32 [tilespmem:s14], [sflag:$0x3], $0x80, s0, s17, $0xb8;
	[tilespmem:$0x1D000] =	vst v63  }
0x91: {  	_ =	swait.ge [sflag:s25], $0x4000  }
0x92: {  	[sflag:s25] =	ssyncset.done $0x0  }
0x93: {  	[sflag:s25] =	ssyncadd.s32 $0xFFFFC000  }
0x94: {  	[tilespmem:s19], [sflag:$0x2] =	stream.indirect.gather [hbm4b:s4+s17], $0x80, s1, s17, $0xb8;
	[tilespmem:$0x1D000] =	vst v63  }
0x95: {  	_ =	swait.ge [sflag:s20], $0x4000  }
0x96: {  	[sflag:s20] =	ssyncset.done $0x0  }
0x97: {  	[sflag:s20] =	ssyncadd.s32 $0xFFFFC000  }
0x98: {  	[spmem:s2] =	stream.indirect.scatter.add.f32 [tilespmem:s19], [sflag:$0x4], $0x80, s9, s17, $0xb8;
	[tilespmem:$0x1D000] =	vst v63  }
0x99: {  	_ =	swait.ge [sflag:s22], $0x4000  }
0x9a: {  	[sflag:s22] =	ssyncset.done $0x0  }
0x9b: {  	[sflag:s22] =	ssyncadd.s32 $0xFFFFC000  }
0x9c: {  	[tilespmem:s14], [sflag:$0x1] =	stream.indirect.gather [hbm4b:s4+s17], $0x80, s10, s17, $0xb8;
	[tilespmem:$0x1D000] =	vst v63  }
0x9d: {  	_ =	swait.ge [sflag:s18], $0x4000  }
0x9e: {  	[sflag:s18] =	ssyncset.done $0x0  }
0x9f: {  	[sflag:s18] =	ssyncadd.s32 $0xFFFFC000  }
0xa0: {  	[spmem:s2] =	stream.indirect.scatter.add.f32 [tilespmem:s14], [sflag:$0x3], $0x80, s11, s17, $0xb8;
	[tilespmem:$0x1D000] =	vst v63  }
0xa1: {  	_ =	swait.ge [sflag:s25], $0x4000  }
0xa2: {  	[sflag:s25] =	ssyncset.done $0x0  }
0xa3: {  	[sflag:s25] =	ssyncadd.s32 $0xFFFFC000  }
0xa4: {  	[tilespmem:s19], [sflag:$0x2] =	stream.indirect.gather [hbm4b:s4+s17], $0x80, s12, s17, $0xb8;
	[tilespmem:$0x1D000] =	vst v63  }
0xa5: {  	_ =	swait.ge [sflag:s20], $0x4000  }
0xa6: {  	[sflag:s20] =	ssyncset.done $0x0  }
0xa7: {  	[sflag:s20] =	ssyncadd.s32 $0xFFFFC000  }
0xa8: {  	[spmem:s2] =	stream.indirect.scatter.add.f32 [tilespmem:s19], [sflag:$0x4], $0x80, s13, s17, $0xb8;
	[tilespmem:$0x1D000] =	vst v63  }
0xa9: {  	_ =	swait.ge [sflag:s22], $0x4000  }
0xaa: {  	[sflag:s22] =	ssyncset.done $0x0  }
0xab: {  	[sflag:s22] =	ssyncadd.s32 $0xFFFFC000  }
0xac: {  	[tilespmem:s14], [sflag:$0x1] =	stream.indirect.gather [hbm4b:s4+s17], $0x80, s5, s17, $0xb8;
	[tilespmem:$0x1D000] =	vst v63  }
0xad: {  	_ =	swait.ge [sflag:s18], $0x4000  }
0xae: {  	[sflag:s18] =	ssyncset.done $0x0  }
0xaf: {  	[sflag:s18] =	ssyncadd.s32 $0xFFFFC000  }
0xb0: {  	[spmem:s2] =	stream.indirect.scatter.add.f32 [tilespmem:s14], [sflag:$0x3], $0x80, s21, s17, $0xb8;
	[tilespmem:$0x1D000] =	vst v63  }
0xb1: {  	_ =	swait.ge [sflag:s25], $0x4000  }
0xb2: {  	[sflag:s25] =	ssyncset.done $0x0  }
0xb3: {  	[sflag:s25] =	ssyncadd.s32 $0xFFFFC000  }
0xb4: {  	[tilespmem:s19], [sflag:$0x2] =	stream.indirect.gather [hbm4b:s4+s17], $0x80, s23, s17, $0xb8;
	[tilespmem:$0x1D000] =	vst v63  }
0xb5: {  	_ =	swait.ge [sflag:s20], $0x4000  }
0xb6: {  	[sflag:s20] =	ssyncset.done $0x0  }
0xb7: {  	[sflag:s20] =	ssyncadd.s32 $0xFFFFC000  }
0xb8: {  	[spmem:s2] =	stream.indirect.scatter.add.f32 [tilespmem:s19], [sflag:$0x4], $0x80, s24, s17, $0xb8;
	[tilespmem:$0x1D000] =	vst v63  }
0xb9: {  	_ =	swait.ge [sflag:s22], $0x4000  }
0xba: {  	[sflag:s22] =	ssyncset.done $0x0  }
0xbb: {  	[sflag:s22] =	ssyncadd.s32 $0xFFFFC000  }
0xbc: {  	[tilespmem:s14], [sflag:$0x1] =	stream.indirect.gather [hbm4b:s4+s17], $0x80, s26, s17, $0xb8;
	[tilespmem:$0x1D000] =	vst v63  }
0xbd: {  	_ =	swait.ge [sflag:s18], $0x4000  }
0xbe: {  	[sflag:s18] =	ssyncset.done $0x0  }
0xbf: {  	[sflag:s18] =	ssyncadd.s32 $0xFFFFC000  }
0xc0: {  	[spmem:s2] =	stream.indirect.scatter.add.f32 [tilespmem:s14], [sflag:$0x3], $0x80, s28, s17, $0xb8;
	[tilespmem:$0x1D000] =	vst v63  }
0xc1: {  	_ =	swait.ge [sflag:s25], $0x4000  }
0xc2: {  	[sflag:s25] =	ssyncset.done $0x0  }
0xc3: {  	[sflag:s25] =	ssyncadd.s32 $0xFFFFC000  }
0xc4: {  	[tilespmem:s19], [sflag:$0x2] =	stream.indirect.gather [hbm4b:s4+s17], $0x80, s29, s17, $0xb8;
	[tilespmem:$0x1D000] =	vst v63  }
0xc5: {  	_ =	swait.ge [sflag:s20], $0x4000  }
0xc6: {  	[sflag:s20] =	ssyncset.done $0x0  }
0xc7: {  	p1 =	slt.u32 @!p0 s8, $0x8;
	[sflag:s20] =	ssyncadd.s32 $0xFFFFC000  }
0xc8: {  	[spmem:s2] =	stream.indirect.scatter.add.f32 [tilespmem:s19], [sflag:$0x4], $0x80, s30, s17, $0xb8;
	[tilespmem:$0x1D000] =	vst v63  }
0xc9: {  	p1 =	por p0, !p1;
	_ =	swait.ge [sflag:s22], $0x4000  }
.Ltmp1:
0xca: {  	[sflag:s22] =	ssyncset.done $0x0;
	(pc) =	sbr.rel @!p1 .LBB2_4-.Ltmp1, $4  }
0xcb: {  	[sflag:s22] =	ssyncadd.s32 $0xFFFFC000  }
0xcc: {  	_ =	swait.ge [sflag:s25], $0x4000  }
0xcd: {  	s8 =	sadd.s32 $0x1, s8;
	[sflag:s25] =	ssyncset.done $0x0  }
0xce: {  	s6 =	sadd.s32 $0x100, s6;
	s7 =	sadd.s32 $0x100, s7;
	[sflag:s25] =	ssyncadd.s32 $0xFFFFC000  }
0xcf: {  	s6 =	stileid.u32;
	[bflag:$0x0] =	sbarrier.arrive $0xFFFF  }
0xd0: {  	s0 =	simm.s32 $0x6;
	s6 =	sshll.u32 s6, $0x6;
	s10 =	rddreg [dreg:$0x3]  }
0xd1: {  	s8 =	rddreg [dreg:$0x8];
	s6 =	sor.u32 $0x1C06, s6;
	s7 =	sshrl.u32 s10, $0x3  }
0xd2: {  	[hbm:s8], [sflag:s6] =	dma.local [spmem:s7], $0x2800  }
0xd3: {  	_ =	swait.ge [sflag:s0], $0x2800  }
0xd4: {  	s1 =	rddreg [dreg:$0xc]  }
0xd5: {  	s31 =	rddreg [dreg:$0x9];
	s1 =	sadd.s32 $0x1, s1  }
0xd6: {  	p1 =	sne.s32 s1, s31  }
.Ltmp2:
0xd7: {  	_ = 	snop;
	(pc) =	sbr.rel @p1 .LBB2_1-.Ltmp2, $3  }
0xd8: {  	_ =	sdelay $0x1  }
0xd9: {  	[sflag:s0] =	ssyncset.done $0x0  }
0xda: {  	[sflag:s0] =	ssyncadd.s32 $0xFFFFD800  }
0xdb: {  	_ =	sfence.sel $0x180000  }
0xdc: {  	[bflag:$0x0] =	sbarrier.arrive $0xFFFF  }
0xdd: {  	_ =	strace $0x9000004A  }
0xde: {  	s0 =	stileid.u32;
	[bflag:$0x2] =	sbarrier.arrive $0xFFFF  }
0xdf: {  	p0 =	sne.s32 s0, $0x0;
	s0 =	rddreg [dreg:$0x2]  }
0xe0: {  	s0 =	sadd.s32 @!p0 $0x100000, s0  }
0xe1: {  	[sflag:s0] =	ssyncadd.tile.s32 @!p0 $0x1;
	_ =	shalt  }
.Lfunc_end2:
_tile_overlayer_lowered:
.L_overlay_start_2:
0xe2: {  	(tag) =	ssettag $0x2  }
0xe3: {  	s0 =	rddreg [dreg:$0x0];
	s2 =	stileid.u32  }
0xe4: {  	s1 =	rddreg [dreg:$0x1];
	p0 =	sne.s32 s2, $0x0  }
0xe5: {  	s3 =	rddreg [dreg:$0x2];
	[bflag:$0x3] =	sbarrier.arrive $0xFFFF;
	s2 =	simm.s32 @!p0 $0x1C06  }
0xe6: {  	[timem:s3], [sflag:s2] =	dma.local @!p0 [hbm:s0], s1  }
0xe7: {  	s0 =	simm.s32 @!p0 $0x6  }
0xe8: {  	_ =	swait.ge @!p0 [sflag:s0], s1  }
0xe9: {  	s1 =	ssub.s32 @!p0 $0x0, s1;
	[sflag:s0] =	ssyncset.done @!p0 $0x0  }
0xea: {  	[sflag:s0] =	ssyncadd.s32 @!p0 s1  }
0xeb: {  	[bflag:$0x3] =	sbarrier.arrive $0xFFFF  }
0xec: {  	_ =	shalt  }

// kernel: kernel.14.cloned.1.call-start
scs
__scs_entry_jumppad:
0x0: {  	(pc) =	sbr.rel $0x88, $3  }
0x1: {  	(tag) =	ssettag $0x0;
	lr =	simm.s32 $0x1  }
0x2: {  	[smem:$0x3F92] =	sst lr;
	_ =	strace $0xD0000000  }
0x3: {  	_ = 	snop  }
0x4: {  	_ = 	snop  }
0x5: {  	_ = 	snop  }
0x6: {  	_ = 	snop  }
0x7: {  	_ = 	snop  }
__scs_overlays_trampoline_lowered:
0x8: {  	[smem:$0x3FA1] =	sst s0  }
0x9: {  	[smem:$0x3FA2] =	sst s1  }
0xa: {  	[smem:$0x3FA3] =	sst s2  }
0xb: {  	[smem:$0x3FA4] =	sst s3  }
0xc: {  	[smem:$0x3FA5] =	sst s4  }
0xd: {  	[smem:$0x3FA6] =	sst s5  }
0xe: {  	[smem:$0x3FA7] =	sst s6  }
0xf: {  	[smem:$0x3FA8] =	sst s7  }
0x10: {  	[smem:$0x3FA9] =	sst s8  }
0x11: {  	[smem:$0x3FAA] =	sst s9;
	s0 =	simm.s32 @!p0 $0x0  }
0x12: {  	s1 =	sld [smem:$0x3F90];
	s0 =	simm.s32 @p0 $0x1  }
0x13: {  	[smem:$0x3FAB] =	sst s0;
	s0 =	simm.s32 @!p1 $0x0  }
0x14: {  	s2 =	sld [smem:$0x3F8F];
	s0 =	simm.s32 @p1 $0x1  }
0x15: {  	[smem:$0x3FAC] =	sst s0;
	s0 =	simm.s32 @!p2 $0x0  }
0x16: {  	s3 =	sld [smem:$0x3FDB];
	s0 =	simm.s32 @p2 $0x1  }
0x17: {  	s4 =	simm.s32 $0x1BF5;
	[smem:$0x3FAE] =	sst s0  }
0x18: {  	s0 =	sld [smem:$0x3F91];
	_ =	swait.ge [sflag:s4], $0x0  }
0x19: {  	s7 =	sld [smem:$0x3F92]  }
0x1a: {  	s8 =	sadd.s32 $0xFFFFE003, lr  }
0x1b: {  	s9 =	sadd.s32 $0xFFFFFEF7, lr;
	s5 =	simm.s32 $0xFFFFFFFF;
	p2 =	slt.u32 s8, $0xFFFFF086  }
0x1c: {  	p1 =	slt.u32 s9, $0xF7A;
	s5 =	simm.s32 @!p2 $0x0  }
0x1d: {  	s5 =	simm.s32 @p1 $0x1;
	p0 =	seq.s32 s7, s2  }
0x1e: {  	s7 =	smul.u32 @!p0 $0xF7A, s2;
	p2 =	seq.s32 @!p0 s5, $0x0  }
0x1f: {  	s9 =	smul.u32 $0xF7A, s1;
	s8 =	simm.s32 @!p0 $0x1BF5;
	p2 =	por !p2, p0  }
0x20: {  	[sflag:s8] =	ssyncset.s32 @!p0 $0xFFFFF086;
	s6 =	sadd.s32 @!p0 s3, s7;
	s7 =	simm.s32 @!p0 $0x108  }
0x21: {  	s3 =	sadd.s32 s3, s9;
	s6 =	sadd.s32 @!p0 $0x88, s6;
	s7 =	simm.s32 @p2 $0x1082  }
0x22: {  	[simem:s7], [sflag:s8] =	dma.local @!p0 [hbm:s6], $0xF7A  }
0x23: {  	s9 =	sor.u32 $0xD0000000, s2;
	s6 =	simm.s32 $0x108;
	_ =	swait.ge @!p0 [sflag:s8], $0x0  }
0x24: {  	s3 =	sadd.s32 $0x88, s3;
	s6 =	simm.s32 @!p1 $0x1082;
	[sflag:s4] =	ssyncset.s32 $0xFFFFF086  }
0x25: {  	[simem:s6], [sflag:s4] =	dma.local [hbm:s3], $0xF7A  }
0x26: {  	[smem:$0x3F92] =	sst s1;
	(tag) =	ssettag s2;
	_ =	strace s9  }
0x27: {  	s1 =	sld [smem:$0x3FA2]  }
0x28: {  	s2 =	sld [smem:$0x3FA3]  }
0x29: {  	s4 =	sld [smem:$0x3FA5]  }
0x2a: {  	p0 =	seq.s32 s5, $0x0;
	s5 =	sld [smem:$0x3FA6]  }
0x2b: {  	s6 =	sld [smem:$0x3FA7]  }
0x2c: {  	s7 =	sld [smem:$0x3FA8]  }
0x2d: {  	s3 =	simm.s32 $0x108;
	s8 =	sld [smem:$0x3FA9]  }
0x2e: {  	s3 =	simm.s32 @!p0 $0x1082;
	s9 =	sld [smem:$0x3FAA]  }
0x2f: {  	lr =	sadd.s32 s0, s3;
	s0 =	sld [smem:$0x3FA1]  }
0x30: {  	s3 =	sld [smem:$0x3FA4]  }
0x31: {  	[smem:$0x3FAD] =	sst s10  }
0x32: {  	s10 =	sld [smem:$0x3FAB];
	_ =	sdelay $0x3  }
0x33: {  	p0 =	seq.s32 s10, $0x1;
	s10 =	sld [smem:$0x3FAD];
	_ =	sdelay $0x3  }
0x34: {  	[smem:$0x3FAD] =	sst s10  }
0x35: {  	s10 =	sld [smem:$0x3FAC];
	_ =	sdelay $0x3  }
0x36: {  	p1 =	seq.s32 s10, $0x1;
	s10 =	sld [smem:$0x3FAD];
	_ =	sdelay $0x3  }
0x37: {  	[smem:$0x3FAD] =	sst s10  }
0x38: {  	s10 =	sld [smem:$0x3FAE]  }
0x39: {  	_ = 	snop;
	(pc) =	sbr.ind lr, $3  }
0x3a: {  	_ = 	snop  }
0x3b: {  	_ = 	snop  }
0x3c: {  	p2 =	seq.s32 s10, $0x1;
	s10 =	sld [smem:$0x3FAD]  }
0x3d: {  	_ =	shalt  }
0x3e: {  	_ =	shalt  }
0x3f: {  	_ =	shalt  }
0x40: {  	_ =	shalt  }
0x41: {  	_ =	shalt  }
0x42: {  	_ =	shalt  }
0x43: {  	_ =	shalt  }
0x44: {  	_ =	shalt  }
0x45: {  	_ =	shalt  }
0x46: {  	_ =	shalt  }
0x47: {  	_ =	shalt  }
0x48: {  	_ =	shalt  }
0x49: {  	_ =	shalt  }
0x4a: {  	_ =	shalt  }
0x4b: {  	_ =	shalt  }
0x4c: {  	_ =	shalt  }
0x4d: {  	_ =	shalt  }
0x4e: {  	_ =	shalt  }
0x4f: {  	_ =	shalt  }
0x50: {  	_ =	shalt  }
0x51: {  	_ =	shalt  }
0x52: {  	_ =	shalt  }
0x53: {  	_ =	shalt  }
0x54: {  	_ =	shalt  }
0x55: {  	_ =	shalt  }
0x56: {  	_ =	shalt  }
0x57: {  	_ =	shalt  }
0x58: {  	_ =	shalt  }
0x59: {  	_ =	shalt  }
0x5a: {  	_ =	shalt  }
0x5b: {  	_ =	shalt  }
0x5c: {  	_ =	shalt  }
0x5d: {  	_ =	shalt  }
0x5e: {  	_ =	shalt  }
0x5f: {  	_ =	shalt  }
0x60: {  	_ =	shalt  }
0x61: {  	_ =	shalt  }
0x62: {  	_ =	shalt  }
0x63: {  	_ =	shalt  }
0x64: {  	_ =	shalt  }
0x65: {  	_ =	shalt  }
0x66: {  	_ =	shalt  }
0x67: {  	_ =	shalt  }
0x68: {  	_ =	shalt  }
0x69: {  	_ =	shalt  }
0x6a: {  	_ =	shalt  }
0x6b: {  	_ =	shalt  }
0x6c: {  	_ =	shalt  }
0x6d: {  	_ =	shalt  }
0x6e: {  	_ =	shalt  }
0x6f: {  	_ =	shalt  }
0x70: {  	_ =	shalt  }
0x71: {  	_ =	shalt  }
0x72: {  	_ =	shalt  }
0x73: {  	_ =	shalt  }
0x74: {  	_ =	shalt  }
0x75: {  	_ =	shalt  }
0x76: {  	_ =	shalt  }
0x77: {  	_ =	shalt  }
0x78: {  	_ =	shalt  }
0x79: {  	_ =	shalt  }
0x7a: {  	_ =	shalt  }
0x7b: {  	_ =	shalt  }
0x7c: {  	_ =	shalt  }
0x7d: {  	_ =	shalt  }
0x7e: {  	_ =	shalt  }
0x7f: {  	_ =	shalt  }
0x80: {  	_ =	shalt  }
0x81: {  	_ =	shalt  }
0x82: {  	_ =	shalt  }
0x83: {  	_ =	shalt  }
0x84: {  	_ =	shalt  }
0x85: {  	_ =	shalt  }
0x86: {  	_ =	shalt  }
0x87: {  	_ =	shalt  }
.Lfunc_end0:
.L_simem_size_0:
called_computation.2_lowered:
.L_overlay_start_0:
0x88: {  	s2 =	sld [smem:$0x3FD9]  }
0x89: {  	s3 =	sld [smem:$0x3FFE];
	_ =	sdelay $0x1  }
0x8a: {  	s1 =	srdreg.scid  }
0x8b: {  	s0 =	sand.u32 $0x1, s1  }
0x8c: {  	s16 =	sshll.u32 s0, $0xA;
	s2 =	sadd.s32 s3, s2  }
0x8d: {  	s2 =	sadd.s32 s2, s16  }
0x8e: {  	[smem:$0x3FB9] =	sst s2  }
0x8f: {  	_ = 	snop  }
0x90: {  	(tm) =	ssettm $0x1  }
0x91: {  	s17 =	sld [smem:$0x3FFB];
	_ =	sdelay $0x3  }
0x92: {  	_ =	strace s17  }
0x93: {  	s2 =	sld [smem:$0x3FFC];
	_ =	sdelay $0x3  }
0x94: {  	_ =	strace s2  }
0x95: {  	s2 =	sld [smem:$0x3FFD];
	_ =	sdelay $0x3  }
0x96: {  	_ =	strace s2  }
0x97: {  	_ =	strace $0x8FFFFFFF  }
0x98: {  	s18 =	sld [smem:$0x3FDB];
	_ =	sdelay $0x1  }
0x99: {  	s19 =	simm.s32 $_scs_section_size  }
0x9a: {  	s4 =	simm.s32 $_size__tile_overlayer_lowered;
	s5 =	simm.s32 $_tile_overlayer_lowered  }
0x9b: {  	s22 =	simm.s32 $0x1BFF;
	s21 =	sshll.u32 s5, $0x1;
	s2 =	sadd.s32 s19, s18  }
0x9c: {  	s6 =	simm.s32 $0x0;
	s20 =	sshll.u32 s4, $0x1;
	s4 =	sadd.s32 s21, s2  }
0x9d: {  	[timem:s6], [sflag:s22] =	dma.local [hbm:s4], s20  }
0x9e: {  	_ =	swait.ge [sflag:s22], s20  }
0x9f: {  	s3 =	ssub.s32 $0x0, s20;
	[sflag:s22] =	ssyncset.done $0x0  }
0xa0: {  	[sflag:s22] =	ssyncadd.s32 s3;
	_ =	sdelay $0x1  }
0xa1: {  	s23 =	simm.s32 $0x1B8B  }
0xa2: {  	_ =	swait.ge [sflag:s23], $0x1  }
0xa3: {  	[sflag:s23] =	ssyncset.done $0x0  }
0xa4: {  	s25 =	simm.s32 $0x1B8E;
	s24 =	sld [smem:$0x3FFE];
	[sflag:s23] =	ssyncadd.s32 $0xFFFFFFFF  }
0xa5: {  	s26 =	simm.s32 $execute0_lowered;
	[smem:$0x3FD2] =	sst s25  }
0xa6: {  	s4 =	sshll.u32 s26, $0x1;
	_ =	strace $0x8000004C;
	[dreg:$0x1] =	wrdreg $0xFFFFFFFF  }
0xa7: {  	s28 =	simm.s32 $_size_execute0_lowered;
	s2 =	sadd.s32 s2, s4;
	[dreg:$0x0] =	wrdreg $0x0  }
0xa8: {  	s4 =	sshll.u32 s28, $0x1;
	[dreg:$0x2] =	wrdreg s2  }
0xa9: {  	[dreg:$0x3] =	wrdreg s4  }
0xaa: {  	[dreg:$0x4] =	wrdreg $0xC0  }
0xab: {  	_ =	task [dreg:s6], $0x5FFFF  }
0xac: {  	[dreg:$0x1] =	wrdreg $0xFFFFFFFF  }
0xad: {  	[dreg:$0x0] =	wrdreg $0x60  }
0xae: {  	[dreg:$0x2] =	wrdreg s24  }
0xaf: {  	[dreg:$0x3] =	wrdreg $0x90000  }
0xb0: {  	[dreg:$0x4] =	wrdreg $0x9  }
0xb1: {  	_ =	task.clear_ibuf [dreg:s6], $0x5FFFF;
	_ =	strace $0x9000004C  }
0xb2: {  	s29 =	simm.s32 $0x9;
	_ =	strace $0x8000004E  }
0xb3: {  	_ =	swait.ge [sflag:s29], $0x1  }
0xb4: {  	[sflag:s29] =	ssyncadd.s32 $0xFFFFFFFF  }
0xb5: {  	_ =	strace $0x9000004E  }
0xb6: {  	_ =	sfence  }
0xb7: {  	s30 =	sld [smem:$0x0];
	_ =	sdelay $0x2  }
0xb8: {  	s31 =	sshll.u32 s1, $0xD;
	s1 =	sshrl.u32 s1, $0x2  }
0xb9: {  	s3 =	sand.u32 $0x4000, s31;
	s1 =	sadd.s32 s1, s30  }
0xba: {  	s0 =	sor.u32 s3, s0;
	s1 =	sshll.u32 s1, $0x11  }
0xbb: {  	s0 =	sor.u32 s1, s0  }
0xbc: {  	s0 =	sadd.s32 $0x8F2B, s0  }
0xbd: {  	[sflag:s0] =	ssyncadd.remote.s32 $0x1  }
0xbe: {  	_ =	sfence.sel $0xFFFF  }
0xbf: {  	[dreg:$0x0] =	wrdreg $0xFFFFFFFF;
	(pc) =	sbr.abs _section_cstart, $3  }
0xc0: {  	[dreg:$0x1] =	wrdreg $0xFFFFFFFF  }
0xc1: {  	_ =	task.clear_ibuf [dreg:s6], $0x2FFFF;
	_ =	strace $0x9FFFFFFF  }
0xc2: {  	(tm) =	ssettm $0x7FFFFFFF  }
0xc3: {  	_ =	shalt  }
tec
execute0_lowered:
.L_overlay_start_1:
0x0: {  	(tag) =	ssettag $0x1  }
0x1: {  	s0 =	rddreg [dreg:$0x0]  }
0x2: {  	s2 =	rddreg [dreg:$0x1]  }
0x3: {  	s1 =	srdreg.scid;
	s8 =	stileid.u32  }
0x4: {  	s14 =	simm.s32 $0x1000;
	s15 =	simm.s32 $0x5;
	s16 =	simm.s32 $0x800  }
0x5: {  	s17 =	simm.s32 $0x80;
	s18 =	simm.s32 $0x1;
	s11 =	simm.s32 $0xD00  }
0x6: {  	s12 =	simm.s32 $0x580;
	s13 =	simm.s32 $0xD80;
	s28 =	simm.s32 $0xF00  }
0x7: {  	s29 =	simm.s32 $0x780;
	s30 =	simm.s32 $0xF80;
	s4 =	smul.u32 $0x90, s8  }
0x8: {  	s1 =	sand.u32 $0x1, s1;
	s3 =	sshll.u32 s8, $0x4;
	s7 =	smul.u32 $0x14000, s8  }
0x9: {  	s8 =	smul.u32 $0x50000, s8;
	p0 =	seq.s32 s1, $0x0;
	s5 =	sor.u32 $0x900, s3  }
0xa: {  	s6 =	smul.u32 $0x140000, s1;
	s3 =	simm.s32 $0x0;
	s19 =	ssub.s32 $0x2, s1  }
0xb: {  	s5 =	smov.u32 @p0 s4;
	[smem:$0x7FF] =	sst s3;
	s4 =	sadd.s32 $0x17600, s0  }
0xc: {  	s8 =	sshrl.u32 s8, $0x2;
	s9 =	sshrl.u32 s19, $0x1;
	p0 =	sne.s32 s1, $0x0  }
0xd: {  	s1 =	simm.s32 $0x0;
	s5 =	sshll.u32 s5, $0x4;
	_ =	strace $0x8000004D  }
0xe: {  	s6 =	sadd.s32 s7, s6;
	s10 =	sadd.s32 s8, s2;
	s20 =	ssub.s32 s19, s9  }
0xf: {  	s19 =	simm.s32 $0x5000;
	s21 =	sadd.s32 $0x4000, s10;
	[dreg:$0x3] =	wrdreg s10  }
0x10: {  	s9 =	simm.s32 $0xC80;
	s22 =	sadd.s32 $0x8000, s10;
	[dreg:$0x4] =	wrdreg s21  }
0x11: {  	s5 =	sadd.s32 s5, s0;
	s23 =	sadd.s32 $0xC000, s10;
	[dreg:$0x5] =	wrdreg s22  }
0x12: {  	s6 =	sshrl.u32 s6, $0x3;
	s24 =	sadd.s32 $0x10000, s10;
	[dreg:$0x6] =	wrdreg s23  }
0x13: {  	s25 =	smax.u32 s20, $0x1;
	s20 =	simm.s32 $0x2;
	[dreg:$0x7] =	wrdreg s24  }
0x14: {  	s0 =	sadd.s32 s6, s0;
	[dreg:$0x9] =	wrdreg s25;
	s26 =	sadd.s32 $0x3600, s5  }
0x15: {  	s31 =	sadd.s32 $0xD600, s5;
	s22 =	simm.s32 $0x3;
	s25 =	simm.s32 $0x4  }
0x16: {  	s5 =	simm.s32 $0x600;
	s21 =	simm.s32 $0xE00;
	[dreg:$0xa] =	wrdreg s26  }
0x17: {  	s23 =	simm.s32 $0x680;
	s0 =	sadd.s32 $0x3E800, s0;
	[dreg:$0xb] =	wrdreg s31  }
0x18: {  	v0 =	vimm.f32 $0.0e+00;
	s24 =	simm.s32 $0xE80;
	s26 =	simm.s32 $0x700;
	[dreg:$0x8] =	wrdreg s0  }
.LBB2_1:
0x19: {  	[dreg:$0xc] =	wrdreg s1;
	s6 =	simm.s32 $0x0;
	s7 =	simm.s32 $0x200  }
.LBB2_2:
0x1a: {  	p1 =	sne.s32 s7, $0xFE00;
	[tilespmem:s6+$0x1070] =	vst v0  }
0x1b: {  	[tilespmem:s6+$0x1000] =	vst v0  }
0x1c: {  	[tilespmem:s6+$0x1010] =	vst v0  }
.Ltmp0:
0x1d: {  	[tilespmem:s6+$0x1020] =	vst v0;
	(pc) =	sbr.rel @p1 .LBB2_2-.Ltmp0, $4  }
0x1e: {  	[tilespmem:s6+$0x1030] =	vst v0  }
0x1f: {  	[tilespmem:s6+$0x1040] =	vst v0  }
0x20: {  	[tilespmem:s6+$0x1050] =	vst v0  }
0x21: {  	[tilespmem:s6+$0x1060] =	vst v0;
	s6 =	sshra.s32 s7, $0x2;
	s7 =	sadd.s32 $0x200, s7  }
0x22: {  	[tilespmem:s6+$0x1070] =	vst v0  }
0x23: {  	[tilespmem:s6+$0x1000] =	vst v0  }
0x24: {  	[tilespmem:s6+$0x1010] =	vst v0  }
0x25: {  	[tilespmem:s6+$0x1020] =	vst v0  }
0x26: {  	[tilespmem:s6+$0x1030] =	vst v0  }
0x27: {  	[tilespmem:s6+$0x1040] =	vst v0  }
0x28: {  	[tilespmem:s6+$0x1050] =	vst v0  }
0x29: {  	[tilespmem:s6+$0x1060] =	vst v0  }
0x2a: {  	[spmem:s10] =	stream.linear.scatter [tilespmem:s14], [sflag:$0x5], $0x4000, $0x38;
	[tilespmem:$0x1D000] =	vst v63  }
0x2b: {  	s7 =	rddreg [dreg:$0x4]  }
0x2c: {  	[spmem:s7] =	stream.linear.scatter [tilespmem:s14], [sflag:$0x5], $0x4000, $0x38;
	[tilespmem:$0x1D000] =	vst v63  }
0x2d: {  	s8 =	rddreg [dreg:$0x5]  }
0x2e: {  	[spmem:s8] =	stream.linear.scatter [tilespmem:s14], [sflag:$0x5], $0x4000, $0x38;
	[tilespmem:$0x1D000] =	vst v63  }
0x2f: {  	s10 =	rddreg [dreg:$0x6]  }
0x30: {  	[spmem:s10] =	stream.linear.scatter [tilespmem:s14], [sflag:$0x5], $0x4000, $0x38;
	[tilespmem:$0x1D000] =	vst v63  }
0x31: {  	s31 =	rddreg [dreg:$0x7]  }
0x32: {  	[spmem:s31] =	stream.linear.scatter [tilespmem:s14], [sflag:$0x5], $0x4000, $0x38;
	[tilespmem:$0x1D000] =	vst v63  }
0x33: {  	_ =	swait.ge [sflag:s15], $0x4000  }
0x34: {  	[sflag:s15] =	ssyncset.done $0x0  }
0x35: {  	[sflag:s15] =	ssyncadd.s32 $0xFFFFC000  }
0x36: {  	_ =	swait.ge [sflag:s15], $0x4000  }
0x37: {  	[sflag:s15] =	ssyncset.done $0x0  }
0x38: {  	[sflag:s15] =	ssyncadd.s32 $0xFFFFC000  }
0x39: {  	_ =	swait.ge [sflag:s15], $0x4000  }
0x3a: {  	[sflag:s15] =	ssyncset.done $0x0  }
0x3b: {  	[sflag:s15] =	ssyncadd.s32 $0xFFFFC000  }
0x3c: {  	_ =	swait.ge [sflag:s15], $0x4000  }
0x3d: {  	[sflag:s15] =	ssyncset.done $0x0  }
0x3e: {  	[sflag:s15] =	ssyncadd.s32 $0xFFFFC000  }
0x3f: {  	_ =	swait.ge [sflag:s15], $0x4000  }
0x40: {  	[sflag:s15] =	ssyncset.done $0x0  }
0x41: {  	[sflag:s15] =	ssyncadd.s32 $0xFFFFC000  }
0x42: {  	[bflag:$0x0] =	sbarrier.arrive $0xFFFF  }
0x43: {  	s0 =	simm.s32 $0xC00;
	s1 =	simm.s32 $0x480;
	s6 =	rddreg [dreg:$0xb]  }
0x44: {  	s8 =	simm.s32 $0x0;
	s10 =	simm.s32 $0x500;
	s7 =	rddreg [dreg:$0xa]  }
.LBB2_4:
0x45: {  	[tilespmem:s3], [sflag:$0x5] =	stream.linear.gather [hbm4b:s6+s3], $0x800, $0x38;
	[tilespmem:$0x1D000] =	vst v63  }
0x46: {  	_ = 	snop  }
0x47: {  	[tilespmem:s16], [sflag:$0x5] =	stream.linear.gather [hbm4b:s7+s3], $0x800, $0x38;
	[tilespmem:$0x1D000] =	vst v63  }
0x48: {  	_ =	swait.ge [sflag:s15], $0x800  }
0x49: {  	[sflag:s15] =	ssyncset.done $0x0  }
0x4a: {  	[sflag:s15] =	ssyncadd.s32 $0xFFFFF800  }
0x4b: {  	_ =	swait.ge [sflag:s15], $0x800  }
0x4c: {  	[sflag:s15] =	ssyncset.done $0x0  }
0x4d: {  	[sflag:s15] =	ssyncadd.s32 $0xFFFFF800  }
0x4e: {  	[tilespmem:s14], [sflag:$0x1] =	stream.indirect.gather [hbm4b:s4+s17], $0x80, s3, s17, $0xb8;
	[tilespmem:$0x1D000] =	vst v63  }
0x4f: {  	_ =	swait.ge [sflag:s18], $0x4000  }
0x50: {  	[sflag:s18] =	ssyncset.done $0x0  }
0x51: {  	[sflag:s18] =	ssyncadd.s32 $0xFFFFC000  }
0x52: {  	[spmem:s2] =	stream.indirect.scatter.add.f32 [tilespmem:s14], [sflag:$0x3], $0x80, s16, s17, $0xb8;
	[tilespmem:$0x1D000] =	vst v63  }
0x53: {  	_ = 	snop  }
0x54: {  	[tilespmem:s19], [sflag:$0x2] =	stream.indirect.gather [hbm4b:s4+s17], $0x80, s17, s17, $0xb8;
	[tilespmem:$0x1D000] =	vst v63  }
0x55: {  	_ =	swait.ge [sflag:s20], $0x4000  }
0x56: {  	[sflag:s20] =	ssyncset.done $0x0  }
0x57: {  	s31 =	simm.s32 $0x880;
	[sflag:s20] =	ssyncadd.s32 $0xFFFFC000  }
0x58: {  	[spmem:s2] =	stream.indirect.scatter.add.f32 [tilespmem:s19], [sflag:$0x4], $0x80, s31, s17, $0xb8;
	[tilespmem:$0x1D000] =	vst v63  }
0x59: {  	_ =	swait.ge [sflag:s22], $0x4000  }
0x5a: {  	[sflag:s22] =	ssyncset.done $0x0  }
0x5b: {  	s31 =	simm.s32 $0x100;
	[sflag:s22] =	ssyncadd.s32 $0xFFFFC000  }
0x5c: {  	[tilespmem:s14], [sflag:$0x1] =	stream.indirect.gather [hbm4b:s4+s17], $0x80, s31, s17, $0xb8;
	[tilespmem:$0x1D000] =	vst v63  }
0x5d: {  	_ =	swait.ge [sflag:s18], $0x4000  }
0x5e: {  	[sflag:s18] =	ssyncset.done $0x0  }
0x5f: {  	s31 =	simm.s32 $0x900;
	[sflag:s18] =	ssyncadd.s32 $0xFFFFC000  }
0x60: {  	[spmem:s2] =	stream.indirect.scatter.add.f32 [tilespmem:s14], [sflag:$0x3], $0x80, s31, s17, $0xb8;
	[tilespmem:$0x1D000] =	vst v63  }
0x61: {  	_ =	swait.ge [sflag:s25], $0x4000  }
0x62: {  	[sflag:s25] =	ssyncset.done $0x0  }
0x63: {  	s31 =	simm.s32 $0x180;
	[sflag:s25] =	ssyncadd.s32 $0xFFFFC000  }
0x64: {  	[tilespmem:s19], [sflag:$0x2] =	stream.indirect.gather [hbm4b:s4+s17], $0x80, s31, s17, $0xb8;
	[tilespmem:$0x1D000] =	vst v63  }
0x65: {  	_ =	swait.ge [sflag:s20], $0x4000  }
0x66: {  	[sflag:s20] =	ssyncset.done $0x0  }
0x67: {  	s31 =	simm.s32 $0x980;
	[sflag:s20] =	ssyncadd.s32 $0xFFFFC000  }
0x68: {  	[spmem:s2] =	stream.indirect.scatter.add.f32 [tilespmem:s19], [sflag:$0x4], $0x80, s31, s17, $0xb8;
	[tilespmem:$0x1D000] =	vst v63  }
0x69: {  	_ =	swait.ge [sflag:s22], $0x4000  }
0x6a: {  	[sflag:s22] =	ssyncset.done $0x0  }
0x6b: {  	s31 =	simm.s32 $0x200;
	[sflag:s22] =	ssyncadd.s32 $0xFFFFC000  }
0x6c: {  	[tilespmem:s14], [sflag:$0x1] =	stream.indirect.gather [hbm4b:s4+s17], $0x80, s31, s17, $0xb8;
	[tilespmem:$0x1D000] =	vst v63  }
0x6d: {  	_ =	swait.ge [sflag:s18], $0x4000  }
0x6e: {  	[sflag:s18] =	ssyncset.done $0x0  }
0x6f: {  	s31 =	simm.s32 $0xA00;
	[sflag:s18] =	ssyncadd.s32 $0xFFFFC000  }
0x70: {  	[spmem:s2] =	stream.indirect.scatter.add.f32 [tilespmem:s14], [sflag:$0x3], $0x80, s31, s17, $0xb8;
	[tilespmem:$0x1D000] =	vst v63  }
0x71: {  	_ =	swait.ge [sflag:s25], $0x4000  }
0x72: {  	[sflag:s25] =	ssyncset.done $0x0  }
0x73: {  	s31 =	simm.s32 $0x280;
	[sflag:s25] =	ssyncadd.s32 $0xFFFFC000  }
0x74: {  	[tilespmem:s19], [sflag:$0x2] =	stream.indirect.gather [hbm4b:s4+s17], $0x80, s31, s17, $0xb8;
	[tilespmem:$0x1D000] =	vst v63  }
0x75: {  	_ =	swait.ge [sflag:s20], $0x4000  }
0x76: {  	[sflag:s20] =	ssyncset.done $0x0  }
0x77: {  	s31 =	simm.s32 $0xA80;
	[sflag:s20] =	ssyncadd.s32 $0xFFFFC000  }
0x78: {  	[spmem:s2] =	stream.indirect.scatter.add.f32 [tilespmem:s19], [sflag:$0x4], $0x80, s31, s17, $0xb8;
	[tilespmem:$0x1D000] =	vst v63  }
0x79: {  	_ =	swait.ge [sflag:s22], $0x4000  }
0x7a: {  	[sflag:s22] =	ssyncset.done $0x0  }
0x7b: {  	s31 =	simm.s32 $0x300;
	[sflag:s22] =	ssyncadd.s32 $0xFFFFC000  }
0x7c: {  	[tilespmem:s14], [sflag:$0x1] =	stream.indirect.gather [hbm4b:s4+s17], $0x80, s31, s17, $0xb8;
	[tilespmem:$0x1D000] =	vst v63  }
0x7d: {  	_ =	swait.ge [sflag:s18], $0x4000  }
0x7e: {  	[sflag:s18] =	ssyncset.done $0x0  }
0x7f: {  	s31 =	simm.s32 $0xB00;
	[sflag:s18] =	ssyncadd.s32 $0xFFFFC000  }
0x80: {  	[spmem:s2] =	stream.indirect.scatter.add.f32 [tilespmem:s14], [sflag:$0x3], $0x80, s31, s17, $0xb8;
	[tilespmem:$0x1D000] =	vst v63  }
0x81: {  	_ =	swait.ge [sflag:s25], $0x4000  }
0x82: {  	[sflag:s25] =	ssyncset.done $0x0  }
0x83: {  	s31 =	simm.s32 $0x380;
	[sflag:s25] =	ssyncadd.s32 $0xFFFFC000  }
0x84: {  	[tilespmem:s19], [sflag:$0x2] =	stream.indirect.gather [hbm4b:s4+s17], $0x80, s31, s17, $0xb8;
	[tilespmem:$0x1D000] =	vst v63  }
0x85: {  	_ =	swait.ge [sflag:s20], $0x4000  }
0x86: {  	[sflag:s20] =	ssyncset.done $0x0  }
0x87: {  	s31 =	simm.s32 $0xB80;
	[sflag:s20] =	ssyncadd.s32 $0xFFFFC000  }
0x88: {  	[spmem:s2] =	stream.indirect.scatter.add.f32 [tilespmem:s19], [sflag:$0x4], $0x80, s31, s17, $0xb8;
	[tilespmem:$0x1D000] =	vst v63  }
0x89: {  	_ =	swait.ge [sflag:s22], $0x4000  }
0x8a: {  	[sflag:s22] =	ssyncset.done $0x0  }
0x8b: {  	s31 =	simm.s32 $0x400;
	[sflag:s22] =	ssyncadd.s32 $0xFFFFC000  }
0x8c: {  	[tilespmem:s14], [sflag:$0x1] =	stream.indirect.gather [hbm4b:s4+s17], $0x80, s31, s17, $0xb8;
	[tilespmem:$0x1D000] =	vst v63  }
0x8d: {  	_ =	swait.ge [sflag:s18], $0x4000  }
0x8e: {  	[sflag:s18] =	ssyncset.done $0x0  }
0x8f: {  	[sflag:s18] =	ssyncadd.s32 $0xFFFFC000  }
0x90: {  	[spmem:s2] =	stream.indirect.scatter.add.f32 [tilespmem:s14], [sflag:$0x3], $0x80, s0, s17, $0xb8;
	[tilespmem:$0x1D000] =	vst v63  }
0x91: {  	_ =	swait.ge [sflag:s25], $0x4000  }
0x92: {  	[sflag:s25] =	ssyncset.done $0x0  }
0x93: {  	[sflag:s25] =	ssyncadd.s32 $0xFFFFC000  }
0x94: {  	[tilespmem:s19], [sflag:$0x2] =	stream.indirect.gather [hbm4b:s4+s17], $0x80, s1, s17, $0xb8;
	[tilespmem:$0x1D000] =	vst v63  }
0x95: {  	_ =	swait.ge [sflag:s20], $0x4000  }
0x96: {  	[sflag:s20] =	ssyncset.done $0x0  }
0x97: {  	[sflag:s20] =	ssyncadd.s32 $0xFFFFC000  }
0x98: {  	[spmem:s2] =	stream.indirect.scatter.add.f32 [tilespmem:s19], [sflag:$0x4], $0x80, s9, s17, $0xb8;
	[tilespmem:$0x1D000] =	vst v63  }
0x99: {  	_ =	swait.ge [sflag:s22], $0x4000  }
0x9a: {  	[sflag:s22] =	ssyncset.done $0x0  }
0x9b: {  	[sflag:s22] =	ssyncadd.s32 $0xFFFFC000  }
0x9c: {  	[tilespmem:s14], [sflag:$0x1] =	stream.indirect.gather [hbm4b:s4+s17], $0x80, s10, s17, $0xb8;
	[tilespmem:$0x1D000] =	vst v63  }
0x9d: {  	_ =	swait.ge [sflag:s18], $0x4000  }
0x9e: {  	[sflag:s18] =	ssyncset.done $0x0  }
0x9f: {  	[sflag:s18] =	ssyncadd.s32 $0xFFFFC000  }
0xa0: {  	[spmem:s2] =	stream.indirect.scatter.add.f32 [tilespmem:s14], [sflag:$0x3], $0x80, s11, s17, $0xb8;
	[tilespmem:$0x1D000] =	vst v63  }
0xa1: {  	_ =	swait.ge [sflag:s25], $0x4000  }
0xa2: {  	[sflag:s25] =	ssyncset.done $0x0  }
0xa3: {  	[sflag:s25] =	ssyncadd.s32 $0xFFFFC000  }
0xa4: {  	[tilespmem:s19], [sflag:$0x2] =	stream.indirect.gather [hbm4b:s4+s17], $0x80, s12, s17, $0xb8;
	[tilespmem:$0x1D000] =	vst v63  }
0xa5: {  	_ =	swait.ge [sflag:s20], $0x4000  }
0xa6: {  	[sflag:s20] =	ssyncset.done $0x0  }
0xa7: {  	[sflag:s20] =	ssyncadd.s32 $0xFFFFC000  }
0xa8: {  	[spmem:s2] =	stream.indirect.scatter.add.f32 [tilespmem:s19], [sflag:$0x4], $0x80, s13, s17, $0xb8;
	[tilespmem:$0x1D000] =	vst v63  }
0xa9: {  	_ =	swait.ge [sflag:s22], $0x4000  }
0xaa: {  	[sflag:s22] =	ssyncset.done $0x0  }
0xab: {  	[sflag:s22] =	ssyncadd.s32 $0xFFFFC000  }
0xac: {  	[tilespmem:s14], [sflag:$0x1] =	stream.indirect.gather [hbm4b:s4+s17], $0x80, s5, s17, $0xb8;
	[tilespmem:$0x1D000] =	vst v63  }
0xad: {  	_ =	swait.ge [sflag:s18], $0x4000  }
0xae: {  	[sflag:s18] =	ssyncset.done $0x0  }
0xaf: {  	[sflag:s18] =	ssyncadd.s32 $0xFFFFC000  }
0xb0: {  	[spmem:s2] =	stream.indirect.scatter.add.f32 [tilespmem:s14], [sflag:$0x3], $0x80, s21, s17, $0xb8;
	[tilespmem:$0x1D000] =	vst v63  }
0xb1: {  	_ =	swait.ge [sflag:s25], $0x4000  }
0xb2: {  	[sflag:s25] =	ssyncset.done $0x0  }
0xb3: {  	[sflag:s25] =	ssyncadd.s32 $0xFFFFC000  }
0xb4: {  	[tilespmem:s19], [sflag:$0x2] =	stream.indirect.gather [hbm4b:s4+s17], $0x80, s23, s17, $0xb8;
	[tilespmem:$0x1D000] =	vst v63  }
0xb5: {  	_ =	swait.ge [sflag:s20], $0x4000  }
0xb6: {  	[sflag:s20] =	ssyncset.done $0x0  }
0xb7: {  	[sflag:s20] =	ssyncadd.s32 $0xFFFFC000  }
0xb8: {  	[spmem:s2] =	stream.indirect.scatter.add.f32 [tilespmem:s19], [sflag:$0x4], $0x80, s24, s17, $0xb8;
	[tilespmem:$0x1D000] =	vst v63  }
0xb9: {  	_ =	swait.ge [sflag:s22], $0x4000  }
0xba: {  	[sflag:s22] =	ssyncset.done $0x0  }
0xbb: {  	[sflag:s22] =	ssyncadd.s32 $0xFFFFC000  }
0xbc: {  	[tilespmem:s14], [sflag:$0x1] =	stream.indirect.gather [hbm4b:s4+s17], $0x80, s26, s17, $0xb8;
	[tilespmem:$0x1D000] =	vst v63  }
0xbd: {  	_ =	swait.ge [sflag:s18], $0x4000  }
0xbe: {  	[sflag:s18] =	ssyncset.done $0x0  }
0xbf: {  	[sflag:s18] =	ssyncadd.s32 $0xFFFFC000  }
0xc0: {  	[spmem:s2] =	stream.indirect.scatter.add.f32 [tilespmem:s14], [sflag:$0x3], $0x80, s28, s17, $0xb8;
	[tilespmem:$0x1D000] =	vst v63  }
0xc1: {  	_ =	swait.ge [sflag:s25], $0x4000  }
0xc2: {  	[sflag:s25] =	ssyncset.done $0x0  }
0xc3: {  	[sflag:s25] =	ssyncadd.s32 $0xFFFFC000  }
0xc4: {  	[tilespmem:s19], [sflag:$0x2] =	stream.indirect.gather [hbm4b:s4+s17], $0x80, s29, s17, $0xb8;
	[tilespmem:$0x1D000] =	vst v63  }
0xc5: {  	_ =	swait.ge [sflag:s20], $0x4000  }
0xc6: {  	[sflag:s20] =	ssyncset.done $0x0  }
0xc7: {  	p1 =	slt.u32 @!p0 s8, $0x8;
	[sflag:s20] =	ssyncadd.s32 $0xFFFFC000  }
0xc8: {  	[spmem:s2] =	stream.indirect.scatter.add.f32 [tilespmem:s19], [sflag:$0x4], $0x80, s30, s17, $0xb8;
	[tilespmem:$0x1D000] =	vst v63  }
0xc9: {  	p1 =	por p0, !p1;
	_ =	swait.ge [sflag:s22], $0x4000  }
.Ltmp1:
0xca: {  	[sflag:s22] =	ssyncset.done $0x0;
	(pc) =	sbr.rel @!p1 .LBB2_4-.Ltmp1, $4  }
0xcb: {  	[sflag:s22] =	ssyncadd.s32 $0xFFFFC000  }
0xcc: {  	_ =	swait.ge [sflag:s25], $0x4000  }
0xcd: {  	s8 =	sadd.s32 $0x1, s8;
	[sflag:s25] =	ssyncset.done $0x0  }
0xce: {  	s6 =	sadd.s32 $0x100, s6;
	s7 =	sadd.s32 $0x100, s7;
	[sflag:s25] =	ssyncadd.s32 $0xFFFFC000  }
0xcf: {  	s6 =	stileid.u32;
	[bflag:$0x0] =	sbarrier.arrive $0xFFFF  }
0xd0: {  	s0 =	simm.s32 $0x6;
	s6 =	sshll.u32 s6, $0x6;
	s10 =	rddreg [dreg:$0x3]  }
0xd1: {  	s8 =	rddreg [dreg:$0x8];
	s6 =	sor.u32 $0x1C06, s6;
	s7 =	sshrl.u32 s10, $0x3  }
0xd2: {  	[hbm:s8], [sflag:s6] =	dma.local [spmem:s7], $0x2800  }
0xd3: {  	_ =	swait.ge [sflag:s0], $0x2800  }
0xd4: {  	s1 =	rddreg [dreg:$0xc]  }
0xd5: {  	s31 =	rddreg [dreg:$0x9];
	s1 =	sadd.s32 $0x1, s1  }
0xd6: {  	p1 =	sne.s32 s1, s31  }
.Ltmp2:
0xd7: {  	_ = 	snop;
	(pc) =	sbr.rel @p1 .LBB2_1-.Ltmp2, $3  }
0xd8: {  	_ =	sdelay $0x1  }
0xd9: {  	[sflag:s0] =	ssyncset.done $0x0  }
0xda: {  	[sflag:s0] =	ssyncadd.s32 $0xFFFFD800  }
0xdb: {  	_ =	sfence.sel $0x180000  }
0xdc: {  	[bflag:$0x0] =	sbarrier.arrive $0xFFFF  }
0xdd: {  	_ =	strace $0x9000004D  }
0xde: {  	s0 =	stileid.u32;
	[bflag:$0x2] =	sbarrier.arrive $0xFFFF  }
0xdf: {  	p0 =	sne.s32 s0, $0x0;
	s0 =	rddreg [dreg:$0x2]  }
0xe0: {  	s0 =	sadd.s32 @!p0 $0x100000, s0  }
0xe1: {  	[sflag:s0] =	ssyncadd.tile.s32 @!p0 $0x1;
	_ =	shalt  }
.Lfunc_end2:
_tile_overlayer_lowered:
.L_overlay_start_2:
0xe2: {  	(tag) =	ssettag $0x2  }
0xe3: {  	s0 =	rddreg [dreg:$0x0];
	s2 =	stileid.u32  }
0xe4: {  	s1 =	rddreg [dreg:$0x1];
	p0 =	sne.s32 s2, $0x0  }
0xe5: {  	s3 =	rddreg [dreg:$0x2];
	[bflag:$0x3] =	sbarrier.arrive $0xFFFF;
	s2 =	simm.s32 @!p0 $0x1C06  }
0xe6: {  	[timem:s3], [sflag:s2] =	dma.local @!p0 [hbm:s0], s1  }
0xe7: {  	s0 =	simm.s32 @!p0 $0x6  }
0xe8: {  	_ =	swait.ge @!p0 [sflag:s0], s1  }
0xe9: {  	s1 =	ssub.s32 @!p0 $0x0, s1;
	[sflag:s0] =	ssyncset.done @!p0 $0x0  }
0xea: {  	[sflag:s0] =	ssyncadd.s32 @!p0 s1  }
0xeb: {  	[bflag:$0x3] =	sbarrier.arrive $0xFFFF  }
0xec: {  	_ =	shalt  }

// kernel: kernel.8.cloned.1.call-start
scs
__scs_entry_jumppad:
0x0: {  	(pc) =	sbr.rel $0x88, $3  }
0x1: {  	(tag) =	ssettag $0x0;
	lr =	simm.s32 $0x1  }
0x2: {  	[smem:$0x3F92] =	sst lr;
	_ =	strace $0xD0000000  }
0x3: {  	_ = 	snop  }
0x4: {  	_ = 	snop  }
0x5: {  	_ = 	snop  }
0x6: {  	_ = 	snop  }
0x7: {  	_ = 	snop  }
__scs_overlays_trampoline_lowered:
0x8: {  	[smem:$0x3FA1] =	sst s0  }
0x9: {  	[smem:$0x3FA2] =	sst s1  }
0xa: {  	[smem:$0x3FA3] =	sst s2  }
0xb: {  	[smem:$0x3FA4] =	sst s3  }
0xc: {  	[smem:$0x3FA5] =	sst s4  }
0xd: {  	[smem:$0x3FA6] =	sst s5  }
0xe: {  	[smem:$0x3FA7] =	sst s6  }
0xf: {  	[smem:$0x3FA8] =	sst s7  }
0x10: {  	[smem:$0x3FA9] =	sst s8  }
0x11: {  	[smem:$0x3FAA] =	sst s9;
	s0 =	simm.s32 @!p0 $0x0  }
0x12: {  	s1 =	sld [smem:$0x3F90];
	s0 =	simm.s32 @p0 $0x1  }
0x13: {  	[smem:$0x3FAB] =	sst s0;
	s0 =	simm.s32 @!p1 $0x0  }
0x14: {  	s2 =	sld [smem:$0x3F8F];
	s0 =	simm.s32 @p1 $0x1  }
0x15: {  	[smem:$0x3FAC] =	sst s0;
	s0 =	simm.s32 @!p2 $0x0  }
0x16: {  	s3 =	sld [smem:$0x3FDB];
	s0 =	simm.s32 @p2 $0x1  }
0x17: {  	s4 =	simm.s32 $0x1BF5;
	[smem:$0x3FAE] =	sst s0  }
0x18: {  	s0 =	sld [smem:$0x3F91];
	_ =	swait.ge [sflag:s4], $0x0  }
0x19: {  	s7 =	sld [smem:$0x3F92]  }
0x1a: {  	s8 =	sadd.s32 $0xFFFFE003, lr  }
0x1b: {  	s9 =	sadd.s32 $0xFFFFFEF7, lr;
	s5 =	simm.s32 $0xFFFFFFFF;
	p2 =	slt.u32 s8, $0xFFFFF086  }
0x1c: {  	p1 =	slt.u32 s9, $0xF7A;
	s5 =	simm.s32 @!p2 $0x0  }
0x1d: {  	s5 =	simm.s32 @p1 $0x1;
	p0 =	seq.s32 s7, s2  }
0x1e: {  	s7 =	smul.u32 @!p0 $0xF7A, s2;
	p2 =	seq.s32 @!p0 s5, $0x0  }
0x1f: {  	s9 =	smul.u32 $0xF7A, s1;
	s8 =	simm.s32 @!p0 $0x1BF5;
	p2 =	por !p2, p0  }
0x20: {  	[sflag:s8] =	ssyncset.s32 @!p0 $0xFFFFF086;
	s6 =	sadd.s32 @!p0 s3, s7;
	s7 =	simm.s32 @!p0 $0x108  }
0x21: {  	s3 =	sadd.s32 s3, s9;
	s6 =	sadd.s32 @!p0 $0x88, s6;
	s7 =	simm.s32 @p2 $0x1082  }
0x22: {  	[simem:s7], [sflag:s8] =	dma.local @!p0 [hbm:s6], $0xF7A  }
0x23: {  	s9 =	sor.u32 $0xD0000000, s2;
	s6 =	simm.s32 $0x108;
	_ =	swait.ge @!p0 [sflag:s8], $0x0  }
0x24: {  	s3 =	sadd.s32 $0x88, s3;
	s6 =	simm.s32 @!p1 $0x1082;
	[sflag:s4] =	ssyncset.s32 $0xFFFFF086  }
0x25: {  	[simem:s6], [sflag:s4] =	dma.local [hbm:s3], $0xF7A  }
0x26: {  	[smem:$0x3F92] =	sst s1;
	(tag) =	ssettag s2;
	_ =	strace s9  }
0x27: {  	s1 =	sld [smem:$0x3FA2]  }
0x28: {  	s2 =	sld [smem:$0x3FA3]  }
0x29: {  	s4 =	sld [smem:$0x3FA5]  }
0x2a: {  	p0 =	seq.s32 s5, $0x0;
	s5 =	sld [smem:$0x3FA6]  }
0x2b: {  	s6 =	sld [smem:$0x3FA7]  }
0x2c: {  	s7 =	sld [smem:$0x3FA8]  }
0x2d: {  	s3 =	simm.s32 $0x108;
	s8 =	sld [smem:$0x3FA9]  }
0x2e: {  	s3 =	simm.s32 @!p0 $0x1082;
	s9 =	sld [smem:$0x3FAA]  }
0x2f: {  	lr =	sadd.s32 s0, s3;
	s0 =	sld [smem:$0x3FA1]  }
0x30: {  	s3 =	sld [smem:$0x3FA4]  }
0x31: {  	[smem:$0x3FAD] =	sst s10  }
0x32: {  	s10 =	sld [smem:$0x3FAB];
	_ =	sdelay $0x3  }
0x33: {  	p0 =	seq.s32 s10, $0x1;
	s10 =	sld [smem:$0x3FAD];
	_ =	sdelay $0x3  }
0x34: {  	[smem:$0x3FAD] =	sst s10  }
0x35: {  	s10 =	sld [smem:$0x3FAC];
	_ =	sdelay $0x3  }
0x36: {  	p1 =	seq.s32 s10, $0x1;
	s10 =	sld [smem:$0x3FAD];
	_ =	sdelay $0x3  }
0x37: {  	[smem:$0x3FAD] =	sst s10  }
0x38: {  	s10 =	sld [smem:$0x3FAE]  }
0x39: {  	_ = 	snop;
	(pc) =	sbr.ind lr, $3  }
0x3a: {  	_ = 	snop  }
0x3b: {  	_ = 	snop  }
0x3c: {  	p2 =	seq.s32 s10, $0x1;
	s10 =	sld [smem:$0x3FAD]  }
0x3d: {  	_ =	shalt  }
0x3e: {  	_ =	shalt  }
0x3f: {  	_ =	shalt  }
0x40: {  	_ =	shalt  }
0x41: {  	_ =	shalt  }
0x42: {  	_ =	shalt  }
0x43: {  	_ =	shalt  }
0x44: {  	_ =	shalt  }
0x45: {  	_ =	shalt  }
0x46: {  	_ =	shalt  }
0x47: {  	_ =	shalt  }
0x48: {  	_ =	shalt  }
0x49: {  	_ =	shalt  }
0x4a: {  	_ =	shalt  }
0x4b: {  	_ =	shalt  }
0x4c: {  	_ =	shalt  }
0x4d: {  	_ =	shalt  }
0x4e: {  	_ =	shalt  }
0x4f: {  	_ =	shalt  }
0x50: {  	_ =	shalt  }
0x51: {  	_ =	shalt  }
0x52: {  	_ =	shalt  }
0x53: {  	_ =	shalt  }
0x54: {  	_ =	shalt  }
0x55: {  	_ =	shalt  }
0x56: {  	_ =	shalt  }
0x57: {  	_ =	shalt  }
0x58: {  	_ =	shalt  }
0x59: {  	_ =	shalt  }
0x5a: {  	_ =	shalt  }
0x5b: {  	_ =	shalt  }
0x5c: {  	_ =	shalt  }
0x5d: {  	_ =	shalt  }
0x5e: {  	_ =	shalt  }
0x5f: {  	_ =	shalt  }
0x60: {  	_ =	shalt  }
0x61: {  	_ =	shalt  }
0x62: {  	_ =	shalt  }
0x63: {  	_ =	shalt  }
0x64: {  	_ =	shalt  }
0x65: {  	_ =	shalt  }
0x66: {  	_ =	shalt  }
0x67: {  	_ =	shalt  }
0x68: {  	_ =	shalt  }
0x69: {  	_ =	shalt  }
0x6a: {  	_ =	shalt  }
0x6b: {  	_ =	shalt  }
0x6c: {  	_ =	shalt  }
0x6d: {  	_ =	shalt  }
0x6e: {  	_ =	shalt  }
0x6f: {  	_ =	shalt  }
0x70: {  	_ =	shalt  }
0x71: {  	_ =	shalt  }
0x72: {  	_ =	shalt  }
0x73: {  	_ =	shalt  }
0x74: {  	_ =	shalt  }
0x75: {  	_ =	shalt  }
0x76: {  	_ =	shalt  }
0x77: {  	_ =	shalt  }
0x78: {  	_ =	shalt  }
0x79: {  	_ =	shalt  }
0x7a: {  	_ =	shalt  }
0x7b: {  	_ =	shalt  }
0x7c: {  	_ =	shalt  }
0x7d: {  	_ =	shalt  }
0x7e: {  	_ =	shalt  }
0x7f: {  	_ =	shalt  }
0x80: {  	_ =	shalt  }
0x81: {  	_ =	shalt  }
0x82: {  	_ =	shalt  }
0x83: {  	_ =	shalt  }
0x84: {  	_ =	shalt  }
0x85: {  	_ =	shalt  }
0x86: {  	_ =	shalt  }
0x87: {  	_ =	shalt  }
.Lfunc_end0:
.L_simem_size_0:
called_computation_lowered:
.L_overlay_start_0:
0x88: {  	s2 =	sld [smem:$0x3FD9]  }
0x89: {  	s3 =	sld [smem:$0x3FFE];
	_ =	sdelay $0x1  }
0x8a: {  	s1 =	srdreg.scid  }
0x8b: {  	s0 =	sand.u32 $0x1, s1  }
0x8c: {  	s17 =	sshll.u32 s0, $0xA;
	s2 =	sadd.s32 s3, s2  }
0x8d: {  	s2 =	sadd.s32 s2, s17  }
0x8e: {  	[smem:$0x3FB9] =	sst s2  }
0x8f: {  	_ = 	snop  }
0x90: {  	s2 =	sld [smem:$0x3FC9];
	(tm) =	ssettm $0x1  }
0x91: {  	s18 =	sld [smem:$0x3FFB];
	_ =	sdelay $0x3  }
0x92: {  	_ =	strace s18  }
0x93: {  	s3 =	sld [smem:$0x3FFC];
	_ =	sdelay $0x3  }
0x94: {  	_ =	strace s3  }
0x95: {  	s3 =	sld [smem:$0x3FFD];
	_ =	sdelay $0x3  }
0x96: {  	_ =	strace s3  }
0x97: {  	_ =	strace $0x8FFFFFFF  }
0x98: {  	s19 =	sld [smem:$0x3FDB];
	_ =	sdelay $0x1  }
0x99: {  	s4 =	simm.s32 $_scs_section_size  }
0x9a: {  	s5 =	simm.s32 $_size__tile_overlayer_lowered;
	s6 =	simm.s32 $_tile_overlayer_lowered  }
0x9b: {  	s22 =	simm.s32 $0x1BFF;
	s21 =	sshll.u32 s6, $0x1;
	s3 =	sadd.s32 s4, s19  }
0x9c: {  	s7 =	simm.s32 $0x0;
	s20 =	sshll.u32 s5, $0x1;
	s5 =	sadd.s32 s21, s3  }
0x9d: {  	[timem:s7], [sflag:s22] =	dma.local [hbm:s5], s20  }
0x9e: {  	_ =	swait.ge [sflag:s22], s20  }
0x9f: {  	s4 =	ssub.s32 $0x0, s20;
	[sflag:s22] =	ssyncset.done $0x0  }
0xa0: {  	[sflag:s22] =	ssyncadd.s32 s4;
	_ =	sdelay $0x1  }
0xa1: {  	s23 =	simm.s32 $0x1B8B  }
0xa2: {  	_ =	swait.ge [sflag:s23], $0x1  }
0xa3: {  	[sflag:s23] =	ssyncset.done $0x0  }
0xa4: {  	s25 =	simm.s32 $0x1B8E;
	s24 =	sld [smem:$0x3FFE];
	[sflag:s23] =	ssyncadd.s32 $0xFFFFFFFF  }
0xa5: {  	s26 =	simm.s32 $execute0_lowered;
	[smem:$0x3FD2] =	sst s25  }
0xa6: {  	s5 =	sshll.u32 s26, $0x1;
	_ =	strace $0x80000046;
	[dreg:$0x1] =	wrdreg $0xFFFFFFFF  }
0xa7: {  	s28 =	simm.s32 $_size_execute0_lowered;
	s3 =	sadd.s32 s3, s5;
	[dreg:$0x0] =	wrdreg $0x0  }
0xa8: {  	s5 =	sshll.u32 s28, $0x1;
	[dreg:$0x2] =	wrdreg s3  }
0xa9: {  	[dreg:$0x3] =	wrdreg s5  }
0xaa: {  	[dreg:$0x4] =	wrdreg $0xC0  }
0xab: {  	_ =	task [dreg:s7], $0x5FFFF  }
0xac: {  	[dreg:$0x1] =	wrdreg $0xFFFFFFFF  }
0xad: {  	[dreg:$0x0] =	wrdreg $0x60  }
0xae: {  	[dreg:$0x2] =	wrdreg s2  }
0xaf: {  	[dreg:$0x3] =	wrdreg s24  }
0xb0: {  	[dreg:$0x4] =	wrdreg $0x90000  }
0xb1: {  	[dreg:$0x5] =	wrdreg $0x9  }
0xb2: {  	_ =	task.clear_ibuf [dreg:s7], $0x6FFFF;
	_ =	strace $0x90000046  }
0xb3: {  	s29 =	simm.s32 $0x9;
	_ =	strace $0x80000048  }
0xb4: {  	_ =	swait.ge [sflag:s29], $0x1  }
0xb5: {  	[sflag:s29] =	ssyncadd.s32 $0xFFFFFFFF  }
0xb6: {  	_ =	strace $0x90000048  }
0xb7: {  	_ =	sfence  }
0xb8: {  	s30 =	sld [smem:$0x0];
	_ =	sdelay $0x2  }
0xb9: {  	s31 =	sshll.u32 s1, $0xD;
	s1 =	sshrl.u32 s1, $0x2  }
0xba: {  	s3 =	sand.u32 $0x4000, s31;
	s1 =	sadd.s32 s1, s30  }
0xbb: {  	s0 =	sor.u32 s3, s0;
	s1 =	sshll.u32 s1, $0x11  }
0xbc: {  	s0 =	sor.u32 s1, s0  }
0xbd: {  	s0 =	sadd.s32 $0x8F2B, s0  }
0xbe: {  	[sflag:s0] =	ssyncadd.remote.s32 $0x1  }
0xbf: {  	_ =	sfence.sel $0xFFFF  }
0xc0: {  	[dreg:$0x0] =	wrdreg $0xFFFFFFFF;
	(pc) =	sbr.abs _section_cstart, $3  }
0xc1: {  	[dreg:$0x1] =	wrdreg $0xFFFFFFFF  }
0xc2: {  	_ =	task.clear_ibuf [dreg:s7], $0x2FFFF;
	_ =	strace $0x9FFFFFFF  }
0xc3: {  	(tm) =	ssettm $0x7FFFFFFF  }
tec
execute0_lowered:
.L_overlay_start_1:
0x0: {  	(tag) =	ssettag $0x1  }
0x1: {  	s1 =	rddreg [dreg:$0x0]  }
0x2: {  	s0 =	rddreg [dreg:$0x1]  }
0x3: {  	s3 =	rddreg [dreg:$0x2];
	s2 =	srdreg.scid  }
0x4: {  	s8 =	stileid.u32;
	s14 =	simm.s32 $0x1000;
	s15 =	simm.s32 $0x5  }
0x5: {  	s16 =	simm.s32 $0x800;
	s17 =	simm.s32 $0x80;
	s11 =	simm.s32 $0xD00  }
0x6: {  	s12 =	simm.s32 $0x580;
	s13 =	simm.s32 $0xD80;
	s28 =	simm.s32 $0xF00  }
0x7: {  	s29 =	simm.s32 $0x780;
	s30 =	simm.s32 $0xF80;
	s5 =	smul.u32 $0x90, s8  }
0x8: {  	s2 =	sand.u32 $0x1, s2;
	s4 =	sshll.u32 s8, $0x4;
	s18 =	smul.u32 $0x14000, s8  }
0x9: {  	s8 =	smul.u32 $0x50000, s8;
	p0 =	seq.s32 s2, $0x0;
	s6 =	sor.u32 $0x900, s4  }
0xa: {  	s7 =	smul.u32 $0x140000, s2;
	s4 =	simm.s32 $0x0;
	s19 =	ssub.s32 $0x2, s2  }
0xb: {  	s6 =	smov.u32 @p0 s5;
	[smem:$0x7FF] =	sst s4;
	s8 =	sshrl.u32 s8, $0x2  }
0xc: {  	s9 =	sshrl.u32 s19, $0x1;
	p0 =	sne.s32 s2, $0x0;
	s2 =	simm.s32 $0x0  }
0xd: {  	s6 =	sshll.u32 s6, $0x4;
	_ =	strace $0x80000047;
	s5 =	sadd.s32 s18, s7  }
0xe: {  	s10 =	sadd.s32 s8, s3;
	s20 =	ssub.s32 s19, s9;
	s18 =	simm.s32 $0x1  }
0xf: {  	s19 =	simm.s32 $0x5000;
	s21 =	sadd.s32 $0x4000, s10;
	[dreg:$0x4] =	wrdreg s10  }
0x10: {  	s9 =	simm.s32 $0xC80;
	s22 =	sadd.s32 $0x8000, s10;
	[dreg:$0x5] =	wrdreg s21  }
0x11: {  	s6 =	sadd.s32 s6, s0;
	s23 =	sadd.s32 $0xC000, s10;
	[dreg:$0x6] =	wrdreg s22  }
0x12: {  	s5 =	sshrl.u32 s5, $0x3;
	s24 =	sadd.s32 $0x10000, s10;
	[dreg:$0x7] =	wrdreg s23  }
0x13: {  	s25 =	smax.u32 s20, $0x1;
	s20 =	simm.s32 $0x2;
	[dreg:$0x8] =	wrdreg s24  }
0x14: {  	s0 =	sadd.s32 s5, s0;
	[dreg:$0xa] =	wrdreg s25;
	s26 =	sadd.s32 $0x3600, s6  }
0x15: {  	s31 =	sadd.s32 $0xD600, s6;
	s22 =	simm.s32 $0x3;
	s25 =	simm.s32 $0x4  }
0x16: {  	s5 =	simm.s32 $0x600;
	s21 =	simm.s32 $0xE00;
	[dreg:$0xb] =	wrdreg s26  }
0x17: {  	s23 =	simm.s32 $0x680;
	s0 =	sadd.s32 $0x17600, s0;
	[dreg:$0xc] =	wrdreg s31  }
0x18: {  	v0 =	vimm.f32 $0.0e+00;
	s24 =	simm.s32 $0xE80;
	s26 =	simm.s32 $0x700;
	[dreg:$0x9] =	wrdreg s0  }
.LBB2_1:
0x19: {  	[dreg:$0xd] =	wrdreg s2;
	s6 =	simm.s32 $0x0;
	s7 =	simm.s32 $0x200  }
.LBB2_2:
0x1a: {  	p1 =	sne.s32 s7, $0xFE00;
	[tilespmem:s6+$0x1070] =	vst v0  }
0x1b: {  	[tilespmem:s6+$0x1000] =	vst v0  }
0x1c: {  	[tilespmem:s6+$0x1010] =	vst v0  }
.Ltmp0:
0x1d: {  	[tilespmem:s6+$0x1020] =	vst v0;
	(pc) =	sbr.rel @p1 .LBB2_2-.Ltmp0, $4  }
0x1e: {  	[tilespmem:s6+$0x1030] =	vst v0  }
0x1f: {  	[tilespmem:s6+$0x1040] =	vst v0  }
0x20: {  	[tilespmem:s6+$0x1050] =	vst v0  }
0x21: {  	[tilespmem:s6+$0x1060] =	vst v0;
	s6 =	sshra.s32 s7, $0x2;
	s7 =	sadd.s32 $0x200, s7  }
0x22: {  	[tilespmem:s6+$0x1070] =	vst v0  }
0x23: {  	[tilespmem:s6+$0x1000] =	vst v0  }
0x24: {  	[tilespmem:s6+$0x1010] =	vst v0  }
0x25: {  	[tilespmem:s6+$0x1020] =	vst v0  }
0x26: {  	[tilespmem:s6+$0x1030] =	vst v0  }
0x27: {  	[tilespmem:s6+$0x1040] =	vst v0  }
0x28: {  	[tilespmem:s6+$0x1050] =	vst v0  }
0x29: {  	[tilespmem:s6+$0x1060] =	vst v0  }
0x2a: {  	[spmem:s10] =	stream.linear.scatter [tilespmem:s14], [sflag:$0x5], $0x4000, $0x38;
	[tilespmem:$0x1D000] =	vst v63  }
0x2b: {  	s7 =	rddreg [dreg:$0x5]  }
0x2c: {  	[spmem:s7] =	stream.linear.scatter [tilespmem:s14], [sflag:$0x5], $0x4000, $0x38;
	[tilespmem:$0x1D000] =	vst v63  }
0x2d: {  	s8 =	rddreg [dreg:$0x6]  }
0x2e: {  	[spmem:s8] =	stream.linear.scatter [tilespmem:s14], [sflag:$0x5], $0x4000, $0x38;
	[tilespmem:$0x1D000] =	vst v63  }
0x2f: {  	s10 =	rddreg [dreg:$0x7]  }
0x30: {  	[spmem:s10] =	stream.linear.scatter [tilespmem:s14], [sflag:$0x5], $0x4000, $0x38;
	[tilespmem:$0x1D000] =	vst v63  }
0x31: {  	s31 =	rddreg [dreg:$0x8]  }
0x32: {  	[spmem:s31] =	stream.linear.scatter [tilespmem:s14], [sflag:$0x5], $0x4000, $0x38;
	[tilespmem:$0x1D000] =	vst v63  }
0x33: {  	_ =	swait.ge [sflag:s15], $0x4000  }
0x34: {  	[sflag:s15] =	ssyncset.done $0x0  }
0x35: {  	[sflag:s15] =	ssyncadd.s32 $0xFFFFC000  }
0x36: {  	_ =	swait.ge [sflag:s15], $0x4000  }
0x37: {  	[sflag:s15] =	ssyncset.done $0x0  }
0x38: {  	[sflag:s15] =	ssyncadd.s32 $0xFFFFC000  }
0x39: {  	_ =	swait.ge [sflag:s15], $0x4000  }
0x3a: {  	[sflag:s15] =	ssyncset.done $0x0  }
0x3b: {  	[sflag:s15] =	ssyncadd.s32 $0xFFFFC000  }
0x3c: {  	_ =	swait.ge [sflag:s15], $0x4000  }
0x3d: {  	[sflag:s15] =	ssyncset.done $0x0  }
0x3e: {  	[sflag:s15] =	ssyncadd.s32 $0xFFFFC000  }
0x3f: {  	_ =	swait.ge [sflag:s15], $0x4000  }
0x40: {  	[sflag:s15] =	ssyncset.done $0x0  }
0x41: {  	[sflag:s15] =	ssyncadd.s32 $0xFFFFC000  }
0x42: {  	[bflag:$0x0] =	sbarrier.arrive $0xFFFF  }
0x43: {  	s0 =	simm.s32 $0xC00;
	s2 =	simm.s32 $0x480;
	s6 =	rddreg [dreg:$0xc]  }
0x44: {  	s8 =	simm.s32 $0x0;
	s10 =	simm.s32 $0x500;
	s7 =	rddreg [dreg:$0xb]  }
.LBB2_4:
0x45: {  	[tilespmem:s4], [sflag:$0x5] =	stream.linear.gather [hbm4b:s6+s4], $0x800, $0x38;
	[tilespmem:$0x1D000] =	vst v63  }
0x46: {  	_ = 	snop  }
0x47: {  	[tilespmem:s16], [sflag:$0x5] =	stream.linear.gather [hbm4b:s7+s4], $0x800, $0x38;
	[tilespmem:$0x1D000] =	vst v63  }
0x48: {  	_ =	swait.ge [sflag:s15], $0x800  }
0x49: {  	[sflag:s15] =	ssyncset.done $0x0  }
0x4a: {  	[sflag:s15] =	ssyncadd.s32 $0xFFFFF800  }
0x4b: {  	_ =	swait.ge [sflag:s15], $0x800  }
0x4c: {  	[sflag:s15] =	ssyncset.done $0x0  }
0x4d: {  	[sflag:s15] =	ssyncadd.s32 $0xFFFFF800  }
0x4e: {  	[tilespmem:s14], [sflag:$0x1] =	stream.indirect.gather [hbm4b:s1+s17], $0x80, s4, s17, $0xb8;
	[tilespmem:$0x1D000] =	vst v63  }
0x4f: {  	_ =	swait.ge [sflag:s18], $0x4000  }
0x50: {  	[sflag:s18] =	ssyncset.done $0x0  }
0x51: {  	[sflag:s18] =	ssyncadd.s32 $0xFFFFC000  }
0x52: {  	[spmem:s3] =	stream.indirect.scatter.add.f32 [tilespmem:s14], [sflag:$0x3], $0x80, s16, s17, $0xb8;
	[tilespmem:$0x1D000] =	vst v63  }
0x53: {  	_ = 	snop  }
0x54: {  	[tilespmem:s19], [sflag:$0x2] =	stream.indirect.gather [hbm4b:s1+s17], $0x80, s17, s17, $0xb8;
	[tilespmem:$0x1D000] =	vst v63  }
0x55: {  	_ =	swait.ge [sflag:s20], $0x4000  }
0x56: {  	[sflag:s20] =	ssyncset.done $0x0  }
0x57: {  	s31 =	simm.s32 $0x880;
	[sflag:s20] =	ssyncadd.s32 $0xFFFFC000  }
0x58: {  	[spmem:s3] =	stream.indirect.scatter.add.f32 [tilespmem:s19], [sflag:$0x4], $0x80, s31, s17, $0xb8;
	[tilespmem:$0x1D000] =	vst v63  }
0x59: {  	_ =	swait.ge [sflag:s22], $0x4000  }
0x5a: {  	[sflag:s22] =	ssyncset.done $0x0  }
0x5b: {  	s31 =	simm.s32 $0x100;
	[sflag:s22] =	ssyncadd.s32 $0xFFFFC000  }
0x5c: {  	[tilespmem:s14], [sflag:$0x1] =	stream.indirect.gather [hbm4b:s1+s17], $0x80, s31, s17, $0xb8;
	[tilespmem:$0x1D000] =	vst v63  }
0x5d: {  	_ =	swait.ge [sflag:s18], $0x4000  }
0x5e: {  	[sflag:s18] =	ssyncset.done $0x0  }
0x5f: {  	s31 =	simm.s32 $0x900;
	[sflag:s18] =	ssyncadd.s32 $0xFFFFC000  }
0x60: {  	[spmem:s3] =	stream.indirect.scatter.add.f32 [tilespmem:s14], [sflag:$0x3], $0x80, s31, s17, $0xb8;
	[tilespmem:$0x1D000] =	vst v63  }
0x61: {  	_ =	swait.ge [sflag:s25], $0x4000  }
0x62: {  	[sflag:s25] =	ssyncset.done $0x0  }
0x63: {  	s31 =	simm.s32 $0x180;
	[sflag:s25] =	ssyncadd.s32 $0xFFFFC000  }
0x64: {  	[tilespmem:s19], [sflag:$0x2] =	stream.indirect.gather [hbm4b:s1+s17], $0x80, s31, s17, $0xb8;
	[tilespmem:$0x1D000] =	vst v63  }
0x65: {  	_ =	swait.ge [sflag:s20], $0x4000  }
0x66: {  	[sflag:s20] =	ssyncset.done $0x0  }
0x67: {  	s31 =	simm.s32 $0x980;
	[sflag:s20] =	ssyncadd.s32 $0xFFFFC000  }
0x68: {  	[spmem:s3] =	stream.indirect.scatter.add.f32 [tilespmem:s19], [sflag:$0x4], $0x80, s31, s17, $0xb8;
	[tilespmem:$0x1D000] =	vst v63  }
0x69: {  	_ =	swait.ge [sflag:s22], $0x4000  }
0x6a: {  	[sflag:s22] =	ssyncset.done $0x0  }
0x6b: {  	s31 =	simm.s32 $0x200;
	[sflag:s22] =	ssyncadd.s32 $0xFFFFC000  }
0x6c: {  	[tilespmem:s14], [sflag:$0x1] =	stream.indirect.gather [hbm4b:s1+s17], $0x80, s31, s17, $0xb8;
	[tilespmem:$0x1D000] =	vst v63  }
0x6d: {  	_ =	swait.ge [sflag:s18], $0x4000  }
0x6e: {  	[sflag:s18] =	ssyncset.done $0x0  }
0x6f: {  	s31 =	simm.s32 $0xA00;
	[sflag:s18] =	ssyncadd.s32 $0xFFFFC000  }
0x70: {  	[spmem:s3] =	stream.indirect.scatter.add.f32 [tilespmem:s14], [sflag:$0x3], $0x80, s31, s17, $0xb8;
	[tilespmem:$0x1D000] =	vst v63  }
0x71: {  	_ =	swait.ge [sflag:s25], $0x4000  }
0x72: {  	[sflag:s25] =	ssyncset.done $0x0  }
0x73: {  	s31 =	simm.s32 $0x280;
	[sflag:s25] =	ssyncadd.s32 $0xFFFFC000  }
0x74: {  	[tilespmem:s19], [sflag:$0x2] =	stream.indirect.gather [hbm4b:s1+s17], $0x80, s31, s17, $0xb8;
	[tilespmem:$0x1D000] =	vst v63  }
0x75: {  	_ =	swait.ge [sflag:s20], $0x4000  }
0x76: {  	[sflag:s20] =	ssyncset.done $0x0  }
0x77: {  	s31 =	simm.s32 $0xA80;
	[sflag:s20] =	ssyncadd.s32 $0xFFFFC000  }
0x78: {  	[spmem:s3] =	stream.indirect.scatter.add.f32 [tilespmem:s19], [sflag:$0x4], $0x80, s31, s17, $0xb8;
	[tilespmem:$0x1D000] =	vst v63  }
0x79: {  	_ =	swait.ge [sflag:s22], $0x4000  }
0x7a: {  	[sflag:s22] =	ssyncset.done $0x0  }
0x7b: {  	s31 =	simm.s32 $0x300;
	[sflag:s22] =	ssyncadd.s32 $0xFFFFC000  }
0x7c: {  	[tilespmem:s14], [sflag:$0x1] =	stream.indirect.gather [hbm4b:s1+s17], $0x80, s31, s17, $0xb8;
	[tilespmem:$0x1D000] =	vst v63  }
0x7d: {  	_ =	swait.ge [sflag:s18], $0x4000  }
0x7e: {  	[sflag:s18] =	ssyncset.done $0x0  }
0x7f: {  	s31 =	simm.s32 $0xB00;
	[sflag:s18] =	ssyncadd.s32 $0xFFFFC000  }
0x80: {  	[spmem:s3] =	stream.indirect.scatter.add.f32 [tilespmem:s14], [sflag:$0x3], $0x80, s31, s17, $0xb8;
	[tilespmem:$0x1D000] =	vst v63  }
0x81: {  	_ =	swait.ge [sflag:s25], $0x4000  }
0x82: {  	[sflag:s25] =	ssyncset.done $0x0  }
0x83: {  	s31 =	simm.s32 $0x380;
	[sflag:s25] =	ssyncadd.s32 $0xFFFFC000  }
0x84: {  	[tilespmem:s19], [sflag:$0x2] =	stream.indirect.gather [hbm4b:s1+s17], $0x80, s31, s17, $0xb8;
	[tilespmem:$0x1D000] =	vst v63  }
0x85: {  	_ =	swait.ge [sflag:s20], $0x4000  }
0x86: {  	[sflag:s20] =	ssyncset.done $0x0  }
0x87: {  	s31 =	simm.s32 $0xB80;
	[sflag:s20] =	ssyncadd.s32 $0xFFFFC000  }
0x88: {  	[spmem:s3] =	stream.indirect.scatter.add.f32 [tilespmem:s19], [sflag:$0x4], $0x80, s31, s17, $0xb8;
	[tilespmem:$0x1D000] =	vst v63  }
0x89: {  	_ =	swait.ge [sflag:s22], $0x4000  }
0x8a: {  	[sflag:s22] =	ssyncset.done $0x0  }
0x8b: {  	s31 =	simm.s32 $0x400;
	[sflag:s22] =	ssyncadd.s32 $0xFFFFC000  }
0x8c: {  	[tilespmem:s14], [sflag:$0x1] =	stream.indirect.gather [hbm4b:s1+s17], $0x80, s31, s17, $0xb8;
	[tilespmem:$0x1D000] =	vst v63  }
0x8d: {  	_ =	swait.ge [sflag:s18], $0x4000  }
0x8e: {  	[sflag:s18] =	ssyncset.done $0x0  }
0x8f: {  	[sflag:s18] =	ssyncadd.s32 $0xFFFFC000  }
0x90: {  	[spmem:s3] =	stream.indirect.scatter.add.f32 [tilespmem:s14], [sflag:$0x3], $0x80, s0, s17, $0xb8;
	[tilespmem:$0x1D000] =	vst v63  }
0x91: {  	_ =	swait.ge [sflag:s25], $0x4000  }
0x92: {  	[sflag:s25] =	ssyncset.done $0x0  }
0x93: {  	[sflag:s25] =	ssyncadd.s32 $0xFFFFC000  }
0x94: {  	[tilespmem:s19], [sflag:$0x2] =	stream.indirect.gather [hbm4b:s1+s17], $0x80, s2, s17, $0xb8;
	[tilespmem:$0x1D000] =	vst v63  }
0x95: {  	_ =	swait.ge [sflag:s20], $0x4000  }
0x96: {  	[sflag:s20] =	ssyncset.done $0x0  }
0x97: {  	[sflag:s20] =	ssyncadd.s32 $0xFFFFC000  }
0x98: {  	[spmem:s3] =	stream.indirect.scatter.add.f32 [tilespmem:s19], [sflag:$0x4], $0x80, s9, s17, $0xb8;
	[tilespmem:$0x1D000] =	vst v63  }
0x99: {  	_ =	swait.ge [sflag:s22], $0x4000  }
0x9a: {  	[sflag:s22] =	ssyncset.done $0x0  }
0x9b: {  	[sflag:s22] =	ssyncadd.s32 $0xFFFFC000  }
0x9c: {  	[tilespmem:s14], [sflag:$0x1] =	stream.indirect.gather [hbm4b:s1+s17], $0x80, s10, s17, $0xb8;
	[tilespmem:$0x1D000] =	vst v63  }
0x9d: {  	_ =	swait.ge [sflag:s18], $0x4000  }
0x9e: {  	[sflag:s18] =	ssyncset.done $0x0  }
0x9f: {  	[sflag:s18] =	ssyncadd.s32 $0xFFFFC000  }
0xa0: {  	[spmem:s3] =	stream.indirect.scatter.add.f32 [tilespmem:s14], [sflag:$0x3], $0x80, s11, s17, $0xb8;
	[tilespmem:$0x1D000] =	vst v63  }
0xa1: {  	_ =	swait.ge [sflag:s25], $0x4000  }
0xa2: {  	[sflag:s25] =	ssyncset.done $0x0  }
0xa3: {  	[sflag:s25] =	ssyncadd.s32 $0xFFFFC000  }
0xa4: {  	[tilespmem:s19], [sflag:$0x2] =	stream.indirect.gather [hbm4b:s1+s17], $0x80, s12, s17, $0xb8;
	[tilespmem:$0x1D000] =	vst v63  }
0xa5: {  	_ =	swait.ge [sflag:s20], $0x4000  }
0xa6: {  	[sflag:s20] =	ssyncset.done $0x0  }
0xa7: {  	[sflag:s20] =	ssyncadd.s32 $0xFFFFC000  }
0xa8: {  	[spmem:s3] =	stream.indirect.scatter.add.f32 [tilespmem:s19], [sflag:$0x4], $0x80, s13, s17, $0xb8;
	[tilespmem:$0x1D000] =	vst v63  }
0xa9: {  	_ =	swait.ge [sflag:s22], $0x4000  }
0xaa: {  	[sflag:s22] =	ssyncset.done $0x0  }
0xab: {  	[sflag:s22] =	ssyncadd.s32 $0xFFFFC000  }
0xac: {  	[tilespmem:s14], [sflag:$0x1] =	stream.indirect.gather [hbm4b:s1+s17], $0x80, s5, s17, $0xb8;
	[tilespmem:$0x1D000] =	vst v63  }
0xad: {  	_ =	swait.ge [sflag:s18], $0x4000  }
0xae: {  	[sflag:s18] =	ssyncset.done $0x0  }
0xaf: {  	[sflag:s18] =	ssyncadd.s32 $0xFFFFC000  }
0xb0: {  	[spmem:s3] =	stream.indirect.scatter.add.f32 [tilespmem:s14], [sflag:$0x3], $0x80, s21, s17, $0xb8;
	[tilespmem:$0x1D000] =	vst v63  }
0xb1: {  	_ =	swait.ge [sflag:s25], $0x4000  }
0xb2: {  	[sflag:s25] =	ssyncset.done $0x0  }
0xb3: {  	[sflag:s25] =	ssyncadd.s32 $0xFFFFC000  }
0xb4: {  	[tilespmem:s19], [sflag:$0x2] =	stream.indirect.gather [hbm4b:s1+s17], $0x80, s23, s17, $0xb8;
	[tilespmem:$0x1D000] =	vst v63  }
0xb5: {  	_ =	swait.ge [sflag:s20], $0x4000  }
0xb6: {  	[sflag:s20] =	ssyncset.done $0x0  }
0xb7: {  	[sflag:s20] =	ssyncadd.s32 $0xFFFFC000  }
0xb8: {  	[spmem:s3] =	stream.indirect.scatter.add.f32 [tilespmem:s19], [sflag:$0x4], $0x80, s24, s17, $0xb8;
	[tilespmem:$0x1D000] =	vst v63  }
0xb9: {  	_ =	swait.ge [sflag:s22], $0x4000  }
0xba: {  	[sflag:s22] =	ssyncset.done $0x0  }
0xbb: {  	[sflag:s22] =	ssyncadd.s32 $0xFFFFC000  }
0xbc: {  	[tilespmem:s14], [sflag:$0x1] =	stream.indirect.gather [hbm4b:s1+s17], $0x80, s26, s17, $0xb8;
	[tilespmem:$0x1D000] =	vst v63  }
0xbd: {  	_ =	swait.ge [sflag:s18], $0x4000  }
0xbe: {  	[sflag:s18] =	ssyncset.done $0x0  }
0xbf: {  	[sflag:s18] =	ssyncadd.s32 $0xFFFFC000  }
0xc0: {  	[spmem:s3] =	stream.indirect.scatter.add.f32 [tilespmem:s14], [sflag:$0x3], $0x80, s28, s17, $0xb8;
	[tilespmem:$0x1D000] =	vst v63  }
0xc1: {  	_ =	swait.ge [sflag:s25], $0x4000  }
0xc2: {  	[sflag:s25] =	ssyncset.done $0x0  }
0xc3: {  	[sflag:s25] =	ssyncadd.s32 $0xFFFFC000  }
0xc4: {  	[tilespmem:s19], [sflag:$0x2] =	stream.indirect.gather [hbm4b:s1+s17], $0x80, s29, s17, $0xb8;
	[tilespmem:$0x1D000] =	vst v63  }
0xc5: {  	_ =	swait.ge [sflag:s20], $0x4000  }
0xc6: {  	[sflag:s20] =	ssyncset.done $0x0  }
0xc7: {  	p1 =	slt.u32 @!p0 s8, $0x8;
	[sflag:s20] =	ssyncadd.s32 $0xFFFFC000  }
0xc8: {  	[spmem:s3] =	stream.indirect.scatter.add.f32 [tilespmem:s19], [sflag:$0x4], $0x80, s30, s17, $0xb8;
	[tilespmem:$0x1D000] =	vst v63  }
0xc9: {  	p1 =	por p0, !p1;
	_ =	swait.ge [sflag:s22], $0x4000  }
.Ltmp1:
0xca: {  	[sflag:s22] =	ssyncset.done $0x0;
	(pc) =	sbr.rel @!p1 .LBB2_4-.Ltmp1, $4  }
0xcb: {  	[sflag:s22] =	ssyncadd.s32 $0xFFFFC000  }
0xcc: {  	_ =	swait.ge [sflag:s25], $0x4000  }
0xcd: {  	s8 =	sadd.s32 $0x1, s8;
	[sflag:s25] =	ssyncset.done $0x0  }
0xce: {  	s6 =	sadd.s32 $0x100, s6;
	s7 =	sadd.s32 $0x100, s7;
	[sflag:s25] =	ssyncadd.s32 $0xFFFFC000  }
0xcf: {  	s6 =	stileid.u32;
	[bflag:$0x0] =	sbarrier.arrive $0xFFFF  }
0xd0: {  	s0 =	simm.s32 $0x6;
	s6 =	sshll.u32 s6, $0x6;
	s10 =	rddreg [dreg:$0x4]  }
0xd1: {  	s8 =	rddreg [dreg:$0x9];
	s6 =	sor.u32 $0x1C06, s6;
	s7 =	sshrl.u32 s10, $0x3  }
0xd2: {  	[hbm:s8], [sflag:s6] =	dma.local [spmem:s7], $0x2800  }
0xd3: {  	_ =	swait.ge [sflag:s0], $0x2800  }
0xd4: {  	s2 =	rddreg [dreg:$0xd]  }
0xd5: {  	s31 =	rddreg [dreg:$0xa];
	s2 =	sadd.s32 $0x1, s2  }
0xd6: {  	p1 =	sne.s32 s2, s31  }
.Ltmp2:
0xd7: {  	_ = 	snop;
	(pc) =	sbr.rel @p1 .LBB2_1-.Ltmp2, $3  }
0xd8: {  	_ =	sdelay $0x1  }
0xd9: {  	[sflag:s0] =	ssyncset.done $0x0  }
0xda: {  	[sflag:s0] =	ssyncadd.s32 $0xFFFFD800  }
0xdb: {  	_ =	sfence.sel $0x180000  }
0xdc: {  	[bflag:$0x0] =	sbarrier.arrive $0xFFFF  }
0xdd: {  	_ =	strace $0x90000047  }
0xde: {  	s0 =	stileid.u32;
	[bflag:$0x2] =	sbarrier.arrive $0xFFFF  }
0xdf: {  	p0 =	sne.s32 s0, $0x0;
	s0 =	rddreg [dreg:$0x3]  }
0xe0: {  	s0 =	sadd.s32 @!p0 $0x100000, s0  }
0xe1: {  	[sflag:s0] =	ssyncadd.tile.s32 @!p0 $0x1;
	_ =	shalt  }
.Lfunc_end2:
_tile_overlayer_lowered:
.L_overlay_start_2:
0xe2: {  	(tag) =	ssettag $0x2  }
0xe3: {  	s0 =	rddreg [dreg:$0x0];
	s2 =	stileid.u32  }
0xe4: {  	s1 =	rddreg [dreg:$0x1];
	p0 =	sne.s32 s2, $0x0  }
0xe5: {  	s3 =	rddreg [dreg:$0x2];
	[bflag:$0x3] =	sbarrier.arrive $0xFFFF;
	s2 =	simm.s32 @!p0 $0x1C06  }
0xe6: {  	[timem:s3], [sflag:s2] =	dma.local @!p0 [hbm:s0], s1  }
0xe7: {  	s0 =	simm.s32 @!p0 $0x6  }
0xe8: {  	_ =	swait.ge @!p0 [sflag:s0], s1  }
0xe9: {  	s1 =	ssub.s32 @!p0 $0x0, s1;
	[sflag:s0] =	ssyncset.done @!p0 $0x0  }
0xea: {  	[sflag:s0] =	ssyncadd.s32 @!p0 s1  }
0xeb: {  	[bflag:$0x3] =	sbarrier.arrive $0xFFFF  }
0xec: {  	_ =	shalt  }

</sc_bundles>
